<compile_context>
chip_gen: v7x
topology: tpu7x:2x2x1
jax: 0.10.2.dev20260603
libtpu: 0.0.44.dev20260713+nightly
codegen_flags: <defaults>
</compile_context>

<pallas_src>
import functools
import math

import jax
import jax.numpy as jnp
from jax.experimental import pallas as pl
from jax.experimental.pallas import tpu as pltpu
from jax.experimental.pallas import tpu_sc as plsc

_NEG_CODE = 100.0
_IGN_CODE = 125.0
_LN2 = math.log(2.0)


def _assign_body(nvalid, naboxes, sbox_ref, axs_ref, regt_ref, code_ref,
                 venc_ref, stats_ref):
    ax1 = axs_ref[0]
    ay1 = axs_ref[1]
    ax2 = axs_ref[2]
    ay2 = axs_ref[3]
    aw = ax2 - ax1
    ah = ay2 - ay1
    aarea = aw * ah

    def sc(b, r):
        return sbox_ref[0, 0, b * 6 + r]

    def inter_union(b):
        bx1, by1, bx2, by2 = sc(b, 0), sc(b, 1), sc(b, 2), sc(b, 3)
        iw = jnp.maximum(jnp.minimum(ax2, bx2) - jnp.maximum(ax1, bx1), 0.0)
        ih = jnp.maximum(jnp.minimum(ay2, by2) - jnp.maximum(ay1, by1), 0.0)
        inter = iw * ih
        ua = jnp.maximum(aarea + (sc(b, 5) - inter), 1e-8)
        return inter, ua

    best_i, best_u = inter_union(0)
    shp = best_i.shape
    sel_x1 = jnp.full(shp, sc(0, 0), jnp.float32)
    sel_y1 = jnp.full(shp, sc(0, 1), jnp.float32)
    sel_x2 = jnp.full(shp, sc(0, 2), jnp.float32)
    sel_y2 = jnp.full(shp, sc(0, 3), jnp.float32)
    sel_cl = jnp.full(shp, sc(0, 4), jnp.float32)
    for b in range(1, naboxes):
        inter, ua = inter_union(b)
        gt = inter * best_u > best_i * ua
        best_i = jnp.where(gt, inter, best_i)
        best_u = jnp.where(gt, ua, best_u)
        sel_x1 = jnp.where(gt, sc(b, 0), sel_x1)
        sel_y1 = jnp.where(gt, sc(b, 1), sel_y1)
        sel_x2 = jnp.where(gt, sc(b, 2), sel_x2)
        sel_y2 = jnp.where(gt, sc(b, 3), sel_y2)
        sel_cl = jnp.where(gt, sc(b, 4), sel_cl)

    iou_max = best_i / best_u
    rows = jax.lax.broadcasted_iota(jnp.int32, shp, 0)
    lanes = jax.lax.broadcasted_iota(jnp.int32, shp, 1)
    aid = rows * 128 + lanes
    inb = aid < nvalid
    pos = (iou_max >= 0.5) & inb
    neg = (iou_max < 0.4) & inb

    code = jnp.where(pos, sel_cl, jnp.where(neg, _NEG_CODE, _IGN_CODE))
    code_ref[0] = code
    kint = sel_cl.astype(jnp.int32)
    venc_ref[0] = jnp.where(pos, aid * 128 + kint, -1)

    gw = sel_x2 - sel_x1
    gh = sel_y2 - sel_y1
    gcx = sel_x1 + 0.5 * gw
    gcy = sel_y1 + 0.5 * gh
    inv_aw = 1.0 / aw
    inv_ah = 1.0 / ah
    acx = ax1 + 0.5 * aw
    acy = ay1 + 0.5 * ah
    t0 = (gcx - acx) * inv_aw * 10.0
    t1 = (gcy - acy) * inv_ah * 10.0
    t2 = jnp.log(jnp.maximum(gw, 1.0) * inv_aw) * 5.0
    t3 = jnp.log(jnp.maximum(gh, 1.0) * inv_ah) * 5.0
    rloss = jnp.zeros(shp, jnp.float32)
    for k, t in enumerate((t0, t1, t2, t3)):
        d = jnp.abs(t - regt_ref[0, k])
        rloss = rloss + jnp.where(d <= 1.0 / 9.0, 4.5 * d * d, d - 0.5 / 9.0)
    posf = pos.astype(jnp.float32)
    rloss = jnp.where(pos, rloss, 0.0)
    stats_ref[0, 0:1, :] = jnp.sum(posf, axis=0, keepdims=True)
    stats_ref[0, 1:2, :] = jnp.sum(rloss, axis=0, keepdims=True)


def _gather_posvals(cls_flat, venc2, n_rows, n_cls):
    B, npad = venc2.shape
    info = plsc.get_sparse_core_info()
    ncores, nsub, L = info.num_cores, info.num_subcores, info.num_lanes
    nw = ncores * nsub
    chunk = npad // nw
    nvec = chunk // L
    mesh = plsc.VectorSubcoreMesh(core_axis_name="c", subcore_axis_name="s")

    @functools.partial(
        pl.kernel,
        mesh=mesh,
        out_type=jax.ShapeDtypeStruct((B, npad), jnp.float32),
        scratch_types=[
            pltpu.VMEM((chunk,), jnp.int32),
            pltpu.VMEM((chunk,), jnp.float32),
        ],
    )
    def sck(cls_hbm, venc_hbm, g_hbm, vbuf, gbuf):
        cid = jax.lax.axis_index("c")
        sid = jax.lax.axis_index("s")
        wid = sid * ncores + cid
        base = wid * chunk
        for j in range(B):
            pltpu.sync_copy(venc_hbm.at[j, pl.ds(base, chunk)], vbuf)

            @pl.loop(0, nvec)
            def _(t):
                v = vbuf[pl.ds(t * L, L)]
                m = v >= 0
                zz = jnp.zeros((L,), jnp.int32)
                row = jnp.where(m, jax.lax.shift_right_logical(v, 7), zz)
                kv = jnp.where(m, v & 127, zz)
                iv = (j * n_rows + row) * n_cls + kv
                pltpu.sync_copy(cls_hbm.at[iv], gbuf.at[pl.ds(t * L, L)])

            pltpu.sync_copy(gbuf, g_hbm.at[j, pl.ds(base, chunk)])

    return sck(cls_flat, venc2)


def _focal_body(nvalid, nb, cls_ref, kc_ref, out_ref):
    i = pl.program_id(1)
    nblocks = pl.num_programs(1)
    nsl = nb // 128
    kc = kc_ref[0]
    wv = jnp.where(kc < 110.0, 1.0, 0.0)

    def tsum(masked):
        x = cls_ref[0]
        c = jnp.clip(x, 1e-4, 1.0 - 1e-4)
        t = c * c * jnp.log2(1.0 - c)
        if masked:
            rg = jax.lax.broadcasted_iota(jnp.int32, x.shape, 0) + i * nb
            t = jnp.where(rg < nvalid, t, 0.0)
        acc = jnp.zeros((1, x.shape[1]), jnp.float32)
        for s in range(nsl):
            acc = acc + jax.lax.dot_general(
                wv[s:s + 1, :],
                t[s * 128:(s + 1) * 128, :],
                (((1,), (0,)), ((), ())),
                preferred_element_type=jnp.float32,
            )
        return acc[None]

    last_garbage = nvalid % nb != 0

    @pl.when(i == 0)
    def _():
        out_ref[...] = tsum(masked=(last_garbage and nblocks == 1))

    @pl.when(jnp.logical_and(i != 0, i != nblocks - 1))
    def _():
        out_ref[...] += tsum(masked=False)

    if nblocks > 1:
        @pl.when(i == nblocks - 1)
        def _():
            out_ref[...] += tsum(masked=last_garbage)


def _corr_body(g_ref, code_ref, out_ref):
    g = jnp.clip(g_ref[0], 1e-4, 1.0 - 1e-4)
    pos = code_ref[0] < 100.0
    lg = jnp.log2(g)
    lmg = jnp.log2(1.0 - g)
    f1 = (-0.75 * _LN2) * (1.0 - g) * (1.0 - g) * lg
    f0 = (-0.25 * _LN2) * g * g * lmg
    corr = jnp.where(pos, f1 - f0, 0.0)
    out_ref[0] = jnp.sum(corr, axis=0, keepdims=True)


@jax.jit
def kernel(classifications, regressions, anchors, annotations):
    B, N, C = classifications.shape
    A = annotations.shape[1]
    npad = ((N + 1023) // 1024) * 1024
    R = npad // 128

    anc = jnp.pad(anchors[0], ((0, npad - N), (0, 0)))
    axs = anc.T.reshape(4, R, 128)

    ann = annotations
    fx1, fy1, fx2, fy2 = ann[:, :, 4], ann[:, :, 5], ann[:, :, 6], ann[:, :, 7]
    barea = (fx2 - fx1) * (fy2 - fy1)
    sbox = jnp.stack([fx1, fy1, fx2, fy2, ann[:, :, 8], barea], axis=2)
    sbox = sbox.reshape(B, 1, A * 6)

    regt = regressions[:, :, 0:4].transpose(0, 2, 1)
    regt = jnp.pad(regt, ((0, 0), (0, 0), (0, npad - N))).reshape(B, 4, R, 128)

    code, venc, stats = pl.pallas_call(
        functools.partial(_assign_body, N, A),
        grid=(B,),
        in_specs=[
            pl.BlockSpec((1, 1, A * 6), lambda j: (j, 0, 0), memory_space=pltpu.SMEM),
            pl.BlockSpec((4, R, 128), lambda j: (0, 0, 0)),
            pl.BlockSpec((1, 4, R, 128), lambda j: (j, 0, 0, 0)),
        ],
        out_specs=[
            pl.BlockSpec((1, R, 128), lambda j: (j, 0, 0)),
            pl.BlockSpec((1, R, 128), lambda j: (j, 0, 0)),
            pl.BlockSpec((1, 2, 128), lambda j: (j, 0, 0)),
        ],
        out_shape=[
            jax.ShapeDtypeStruct((B, R, 128), jnp.float32),
            jax.ShapeDtypeStruct((B, R, 128), jnp.int32),
            jax.ShapeDtypeStruct((B, 2, 128), jnp.float32),
        ],
    )(sbox, axs, regt)

    venc2 = venc.reshape(B, npad)
    cls_flat = classifications.reshape(B * N * C)
    g = _gather_posvals(cls_flat, venc2, N, C)
    g3 = g.reshape(B, R, 128)

    nb = min(8192, npad)
    nblocks = (N + nb - 1) // nb
    csum = pl.pallas_call(
        functools.partial(_focal_body, N, nb),
        grid=(B, nblocks),
        in_specs=[
            pl.BlockSpec((1, nb, C), lambda j, i: (j, i, 0)),
            pl.BlockSpec((1, nb // 128, 128), lambda j, i: (j, i, 0)),
        ],
        out_specs=pl.BlockSpec((1, 1, C), lambda j, i: (j, 0, 0)),
        out_shape=jax.ShapeDtypeStruct((B, 1, C), jnp.float32),
        compiler_params=pltpu.CompilerParams(
            dimension_semantics=("parallel", "arbitrary"),
        ),
    )(classifications, code)

    corrs = pl.pallas_call(
        _corr_body,
        grid=(B,),
        in_specs=[
            pl.BlockSpec((1, R, 128), lambda j: (j, 0, 0)),
            pl.BlockSpec((1, R, 128), lambda j: (j, 0, 0)),
        ],
        out_specs=pl.BlockSpec((1, 1, 128), lambda j: (j, 0, 0)),
        out_shape=jax.ShapeDtypeStruct((B, 1, 128), jnp.float32),
    )(g3, code)

    cls_sum = (-0.25 * _LN2) * jnp.sum(csum, axis=(1, 2)) + jnp.sum(
        corrs, axis=(1, 2))
    npos = jnp.sum(stats[:, 0, :], axis=-1)
    regsum = jnp.sum(stats[:, 1, :], axis=-1)
    cls_loss = cls_sum / jnp.clip(npos, 1.0, None)
    reg_loss = jnp.where(npos > 0, regsum / jnp.maximum(npos * 4.0, 1.0), 0.0)
    return (cls_loss.mean(keepdims=True), reg_loss.mean(keepdims=True))

# --- scband reference (transcript-rebuilt; emitter-appended) ---
"""Pipeline reference for scband-focal-loss-62749472195356 (READ-ONLY COPY).

The authoritative reference and input builder live on the scoring server;
editing this copy changes nothing except your own understanding.
"""

import jax, jax.numpy as jnp
import numpy as np

ALPHA = 0.75
GAMMA = 2.0
SCALE = jnp.array([[0.1, 0.1, 0.2, 0.2, 0.1, 0.1, 0.2, 0.2]], dtype=jnp.float32)


def calc_iou(a, b):
    area = (b[:, 2] - b[:, 0]) * (b[:, 3] - b[:, 1])
    iw = jnp.minimum(a[:, 2][:, None], b[:, 2]) - jnp.maximum(a[:, 0][:, None], b[:, 0])
    ih = jnp.minimum(a[:, 3][:, None], b[:, 3]) - jnp.maximum(a[:, 1][:, None], b[:, 1])
    iw = jnp.clip(iw, 0.0, None)
    ih = jnp.clip(ih, 0.0, None)
    ua = ((a[:, 2] - a[:, 0]) * (a[:, 3] - a[:, 1]))[:, None] + area - iw * ih
    ua = jnp.clip(ua, 1e-08, None)
    return iw * ih / ua


def setup_inputs(seed: int = 0):
    key = jax.random.key(seed)
    ks = jax.random.split(key, 10)
    B, N, C, A = 8, 49104, 80, 32
    classifications = jax.random.uniform(ks[0], (B, N, C), dtype=jnp.float32)
    regressions = jax.random.normal(ks[1], (B, N, 8), dtype=jnp.float32)
    cx = jax.random.uniform(ks[2], (N,)) * 512.0
    cy = jax.random.uniform(ks[3], (N,)) * 512.0
    wh = jax.random.uniform(ks[4], (N, 2)) * 112.0 + 16.0
    anchors = jnp.stack([cx - wh[:, 0] / 2, cy - wh[:, 1] / 2, cx + wh[:, 0] / 2, cy + wh[:, 1] / 2], axis=1)[None].astype(jnp.float32)
    fx1 = jax.random.uniform(ks[5], (B, A)) * 380.0
    fy1 = jax.random.uniform(ks[6], (B, A)) * 380.0
    fwh = jax.random.uniform(ks[7], (B, A, 2)) * 100.0 + 20.0
    full_box = jnp.stack([fx1, fy1, fx1 + fwh[..., 0], fy1 + fwh[..., 1]], axis=-1)
    head_box = jnp.stack([fx1 + 2.0, fy1 + 2.0, fx1 + fwh[..., 0] * 0.6 + 4.0, fy1 + fwh[..., 1] * 0.4 + 4.0], axis=-1)
    cls = jax.random.randint(ks[8], (B, A, 1), 0, C).astype(jnp.float32)
    ign = jnp.zeros((B, A, 1), jnp.float32)
    annotations = jnp.concatenate([head_box, full_box, cls, ign], axis=-1).astype(jnp.float32)
    return {"classifications": classifications, "regressions": regressions, "anchors": anchors, "annotations": annotations}


def reference(classifications, regressions, anchors, annotations):
    # ignores column stripped; all annotations are valid (class != -1) by construction,
    # so the torch -1 filtering is a no-op here.
    ann = annotations[:, :, 0:-1]
    B = classifications.shape[0]
    anchor = anchors[0]
    aw = anchor[:, 2] - anchor[:, 0]
    ah = anchor[:, 3] - anchor[:, 1]
    acx = anchor[:, 0] + 0.5 * aw
    acy = anchor[:, 1] + 0.5 * ah
    cls_losses = []
    reg_losses = []
    for j in range(B):
        classification = jnp.clip(classifications[j], 0.0001, 1.0 - 0.0001)
        regression = regressions[j]
        bbox = ann[j]
        IoU = calc_iou(anchor, bbox[:, 4:8])
        IoU_max = jnp.max(IoU, axis=1)
        IoU_argmax = jnp.argmax(IoU, axis=1)
        C = classification.shape[1]
        targets = -jnp.ones_like(classification)
        targets = jnp.where((IoU_max < 0.4)[:, None], 0.0, targets)
        pos = IoU_max >= 0.5
        num_pos = jnp.sum(pos)
        assigned = bbox[IoU_argmax]
        targets = jnp.where(pos[:, None], 0.0, targets)
        one_hot = jax.nn.one_hot(assigned[:, -1].astype(jnp.int32), C)
        targets = jnp.where(pos[:, None] & (one_hot > 0.5), 1.0, targets)
        alpha_factor = jnp.where(targets == 1.0, ALPHA, 1.0 - ALPHA)
        focal_weight = jnp.where(targets == 1.0, 1.0 - classification, classification)
        focal_weight = alpha_factor * focal_weight ** GAMMA
        bce = -(targets * jnp.log(classification) + (1.0 - targets) * jnp.log(1.0 - classification))
        cls_loss = focal_weight * bce
        cls_loss = jnp.where(targets != -1.0, cls_loss, 0.0)
        cls_losses.append(cls_loss.sum() / jnp.clip(num_pos.astype(jnp.float32), 1.0, None))
        gw_h = assigned[:, 2] - assigned[:, 0]
        gh_h = assigned[:, 3] - assigned[:, 1]
        gcx_h = assigned[:, 0] + 0.5 * gw_h
        gcy_h = assigned[:, 1] + 0.5 * gh_h
        gw_f = assigned[:, 6] - assigned[:, 4]
        gh_f = assigned[:, 7] - assigned[:, 5]
        gcx_f = assigned[:, 4] + 0.5 * gw_f
        gcy_f = assigned[:, 5] + 0.5 * gh_f
        gw_h = jnp.clip(gw_h, 1.0, None)
        gh_h = jnp.clip(gh_h, 1.0, None)
        gw_f = jnp.clip(gw_f, 1.0, None)
        gh_f = jnp.clip(gh_f, 1.0, None)
        tdx_f = (gcx_f - acx) / aw
        tdy_f = (gcy_f - acy) / ah
        tdw_f = jnp.log(gw_f / aw)
        tdh_f = jnp.log(gh_f / ah)
        tdx_h = (gcx_h - acx) / aw * 4.0
        tdy_h = (gcy_h - acy) / ah * 4.0
        tdw_h = jnp.log(gw_h / aw * 4.0)
        tdh_h = jnp.log(gh_h / ah * 4.0)
        reg_t = jnp.stack((tdx_f, tdy_f, tdw_f, tdh_f, tdx_h, tdy_h, tdw_h, tdh_h)).T
        reg_t = reg_t / SCALE
        diff = jnp.abs(reg_t - regression)
        weights = jnp.concatenate([jnp.ones((diff.shape[0], 4), jnp.float32), jnp.zeros((diff.shape[0], 4), jnp.float32)], axis=1)
        diff = diff * weights
        reg_loss = jnp.where(diff <= 1.0 / 9.0, 0.5 * 9.0 * diff ** 2, diff - 0.5 / 9.0)
        posf = pos.astype(jnp.float32)
        reg_sum = jnp.sum(reg_loss[:, 0:4] * posf[:, None])
        reg_mean = reg_sum / jnp.maximum(num_pos.astype(jnp.float32) * 4.0, 1.0)
        reg_losses.append(jnp.where(num_pos > 0, reg_mean, 0.0))
    return (jnp.stack(cls_losses).mean(axis=0, keepdims=True), jnp.stack(reg_losses).mean(axis=0, keepdims=True))

if __name__ == "__main__":
    import jax
    _d = setup_inputs()
    print(jax.jit(kernel)(*tuple(_d.values())))

</pallas_src>

<mosaic_0001>
#map = affine_map<(d0, d1) -> (0)>
#map1 = affine_map<(d0, d1) -> (0, 0)>
module attributes {stable_mosaic.version = 14 : i64} {
  func.func @sck(%arg0: i32, %arg1: i32, %arg2: memref<31426560xf32, #tpu.memory_space<hbm>>, %arg3: memref<8x49152xi32, #tpu.memory_space<hbm>>, %arg4: memref<8x49152xf32, #tpu.memory_space<hbm>>, %arg5: memref<1536xi32, #tpu.memory_space<vmem>>, %arg6: memref<1536xf32, #tpu.memory_space<vmem>>) attributes {dimension_semantics = [#tpu.dimension_semantics<core_parallel>, #tpu.dimension_semantics<subcore_parallel>], iteration_bounds = array<i64: 2, 16>, scalar_prefetch = 0 : i64, scratch_operands = 2 : i64, tpu.core_type = #tpu.core_type<sc_vector_subcore>, window_params = [{transform_indices = #map}, {transform_indices = #map1}, {transform_indices = #map1}]} {
    %mul3A = arith.constant 2 : i32
    %mul3A_0 = arith.muli %arg1, %mul3A : i32
    %add3A = arith.addi %mul3A_0, %arg0 : i32
    %mul3A_1 = arith.constant 1536 : i32
    %mul3A_2 = arith.muli %add3A, %mul3A_1 : i32
    %run_scoped3A = arith.constant 0 : i32
    "tpu.region"() ({
      %run_scoped3A_57 = tpu.sem_alloc : memref<!tpu.dma_semaphore, #tpu.memory_space<semaphore_mem>>
      %dma_start3A = tpu.memref_slice %arg3[%run_scoped3A, %mul3A_2] : memref<8x49152xi32, #tpu.memory_space<hbm>> -> memref<1x1536xi32, #tpu.memory_space<hbm>>
      %dma_start3A_58 = tpu.memref_squeeze %dma_start3A : memref<1x1536xi32, #tpu.memory_space<hbm>> -> memref<1536xi32, #tpu.memory_space<hbm>>
      %dma_start3A_59 = tpu.memref_slice %arg3[%run_scoped3A, %mul3A_2] : memref<8x49152xi32, #tpu.memory_space<hbm>> -> memref<1x1536xi32, #tpu.memory_space<hbm>>
      %dma_start3A_60 = tpu.memref_squeeze %dma_start3A_59 : memref<1x1536xi32, #tpu.memory_space<hbm>> -> memref<1536xi32, #tpu.memory_space<hbm>>
      tpu.enqueue_dma source(%dma_start3A_60 : memref<1536xi32, #tpu.memory_space<hbm>>) target(%arg5 : memref<1536xi32, #tpu.memory_space<vmem>>) target_semaphore(%run_scoped3A_57 : memref<!tpu.dma_semaphore, #tpu.memory_space<semaphore_mem>>)
      %dma_wait3A = tpu.memref_slice %arg3[%run_scoped3A, %mul3A_2] : memref<8x49152xi32, #tpu.memory_space<hbm>> -> memref<1x1536xi32, #tpu.memory_space<hbm>>
      %dma_wait3A_61 = tpu.memref_squeeze %dma_wait3A : memref<1x1536xi32, #tpu.memory_space<hbm>> -> memref<1536xi32, #tpu.memory_space<hbm>>
      %dma_wait3A_62 = tpu.memref_slice %arg3[%run_scoped3A, %mul3A_2] : memref<8x49152xi32, #tpu.memory_space<hbm>> -> memref<1x1536xi32, #tpu.memory_space<hbm>>
      %dma_wait3A_63 = tpu.memref_squeeze %dma_wait3A_62 : memref<1x1536xi32, #tpu.memory_space<hbm>> -> memref<1536xi32, #tpu.memory_space<hbm>>
      tpu.wait_dma2 semaphore(%run_scoped3A_57 : memref<!tpu.dma_semaphore, #tpu.memory_space<semaphore_mem>>) src(%dma_wait3A_63 : memref<1536xi32, #tpu.memory_space<hbm>>) dst(%arg5 : memref<1536xi32, #tpu.memory_space<vmem>>)
      tpu.yield
    }) : () -> ()
    %scan3A = arith.constant 0 : i32
    %scan3A_3 = arith.constant 96 : i32
    %scan3A_4 = arith.addi %scan3A, %scan3A_3 : i32
    %scan3A_5 = arith.constant 1 : i32
    scf.for %scan3A_57 = %scan3A to %scan3A_4 step %scan3A_5  : i32 {
      %mul3A_58 = arith.constant 1 : i32
      %mul3A_59 = arith.muli %scan3A_57, %mul3A_58 : i32
      %add3A_60 = arith.constant 0 : i32
      %add3A_61 = arith.addi %add3A_60, %mul3A_59 : i32
      %mul3A_62 = arith.constant 16 : i32
      %mul3A_63 = arith.muli %add3A_61, %mul3A_62 : i32
      %get3A = arith.index_cast %mul3A_63 : i32 to index
      %get3A_64 = tpu.vector_load %arg5[%get3A] {strides = array<i32>} : memref<1536xi32, #tpu.memory_space<vmem>>, vector<16xi32>,
      %get3A_65 = vector.shape_cast %get3A_64 : vector<16xi32> to vector<16xi32>
      %ge3A = arith.constant 0 : i32
      %ge3A_66 = vector.broadcast %ge3A : i32 to vector<16xi32>
      %ge3A_67 = arith.cmpi sge, %get3A_65, %ge3A_66 : vector<16xi32>
      %broadcast_in_dim3A = arith.constant 0 : i32
      %broadcast_in_dim3A_68 = vector.broadcast %broadcast_in_dim3A : i32 to vector<16xi32>
      %shift_right_logical3A = arith.constant 7 : i32
      %shift_right_logical3A_69 = vector.broadcast %shift_right_logical3A : i32 to vector<16xi32>
      %shift_right_logical3A_70 = arith.shrui %get3A_65, %shift_right_logical3A_69 : vector<16xi32>
      %select_n3A = arith.select %ge3A_67, %shift_right_logical3A_70, %broadcast_in_dim3A_68 : vector<16xi1>, vector<16xi32>
      %and3A = arith.constant 127 : i32
      %and3A_71 = vector.broadcast %and3A : i32 to vector<16xi32>
      %and3A_72 = arith.andi %get3A_65, %and3A_71 : vector<16xi32>
      %select_n3A_73 = arith.select %ge3A_67, %and3A_72, %broadcast_in_dim3A_68 : vector<16xi1>, vector<16xi32>
      %add3A_74 = arith.constant 0 : i32
      %add3A_75 = vector.broadcast %add3A_74 : i32 to vector<16xi32>
      %add3A_76 = arith.addi %add3A_75, %select_n3A : vector<16xi32>
      %mul3A_77 = arith.constant 80 : i32
      %mul3A_78 = vector.broadcast %mul3A_77 : i32 to vector<16xi32>
      %mul3A_79 = arith.muli %add3A_76, %mul3A_78 : vector<16xi32>
      %add3A_80 = arith.addi %mul3A_79, %select_n3A_73 : vector<16xi32>
      %mul3A_81 = arith.constant 16 : i32
      %mul3A_82 = arith.muli %add3A_61, %mul3A_81 : i32
      "tpu.region"() ({
        %run_scoped3A_83 = tpu.sem_alloc : memref<!tpu.dma_semaphore, #tpu.memory_space<semaphore_mem>>
        %dma_start3A = tpu.memref_slice %arg6[%mul3A_82] : memref<1536xf32, #tpu.memory_space<vmem>> -> memref<16xf32, #tpu.memory_space<vmem>>
        %dma_start3A_84 = arith.constant 0 : i32
        %dma_start3A_85 = tpu.memref_slice %arg2[%dma_start3A_84] : memref<31426560xf32, #tpu.memory_space<hbm>> -> memref<31426560xf32, #tpu.memory_space<hbm>>
        tpu.enqueue_indirect_dma source(%dma_start3A_85 : memref<31426560xf32, #tpu.memory_space<hbm>>) target(%dma_start3A : memref<16xf32, #tpu.memory_space<vmem>>) offsets(%add3A_80 : vector<16xi32>) semaphore(%run_scoped3A_83 : memref<!tpu.dma_semaphore, #tpu.memory_space<semaphore_mem>>)
        %dma_wait3A = tpu.memref_slice %arg6[%mul3A_82] : memref<1536xf32, #tpu.memory_space<vmem>> -> memref<16xf32, #tpu.memory_space<vmem>>
        %dma_wait3A_86 = arith.constant 0 : i32
        %dma_wait3A_87 = tpu.memref_slice %arg2[%dma_wait3A_86] : memref<31426560xf32, #tpu.memory_space<hbm>> -> memref<31426560xf32, #tpu.memory_space<hbm>>
        tpu.wait_indirect_dma semaphore(%run_scoped3A_83 : memref<!tpu.dma_semaphore, #tpu.memory_space<semaphore_mem>>) src(%dma_wait3A_87 : memref<31426560xf32, #tpu.memory_space<hbm>>) dst(%dma_wait3A : memref<16xf32, #tpu.memory_space<vmem>>)
        tpu.yield
      }) : () -> ()
    }
    %scan3A_6 = arith.constant 96 : i32
    %run_scoped3A_7 = arith.constant 0 : i32
    "tpu.region"() ({
      %run_scoped3A_57 = tpu.sem_alloc : memref<!tpu.dma_semaphore, #tpu.memory_space<semaphore_mem>>
      %dma_start3A = tpu.memref_slice %arg4[%run_scoped3A_7, %mul3A_2] : memref<8x49152xf32, #tpu.memory_space<hbm>> -> memref<1x1536xf32, #tpu.memory_space<hbm>>
      %dma_start3A_58 = tpu.memref_squeeze %dma_start3A : memref<1x1536xf32, #tpu.memory_space<hbm>> -> memref<1536xf32, #tpu.memory_space<hbm>>
      %dma_start3A_59 = tpu.memref_slice %arg4[%run_scoped3A_7, %mul3A_2] : memref<8x49152xf32, #tpu.memory_space<hbm>> -> memref<1x1536xf32, #tpu.memory_space<hbm>>
      %dma_start3A_60 = tpu.memref_squeeze %dma_start3A_59 : memref<1x1536xf32, #tpu.memory_space<hbm>> -> memref<1536xf32, #tpu.memory_space<hbm>>
      tpu.enqueue_dma source(%arg6 : memref<1536xf32, #tpu.memory_space<vmem>>) target(%dma_start3A_60 : memref<1536xf32, #tpu.memory_space<hbm>>) target_semaphore(%run_scoped3A_57 : memref<!tpu.dma_semaphore, #tpu.memory_space<semaphore_mem>>)
      %dma_wait3A = tpu.memref_slice %arg4[%run_scoped3A_7, %mul3A_2] : memref<8x49152xf32, #tpu.memory_space<hbm>> -> memref<1x1536xf32, #tpu.memory_space<hbm>>
      %dma_wait3A_61 = tpu.memref_squeeze %dma_wait3A : memref<1x1536xf32, #tpu.memory_space<hbm>> -> memref<1536xf32, #tpu.memory_space<hbm>>
      %dma_wait3A_62 = tpu.memref_slice %arg4[%run_scoped3A_7, %mul3A_2] : memref<8x49152xf32, #tpu.memory_space<hbm>> -> memref<1x1536xf32, #tpu.memory_space<hbm>>
      %dma_wait3A_63 = tpu.memref_squeeze %dma_wait3A_62 : memref<1x1536xf32, #tpu.memory_space<hbm>> -> memref<1536xf32, #tpu.memory_space<hbm>>
      tpu.wait_dma2 semaphore(%run_scoped3A_57 : memref<!tpu.dma_semaphore, #tpu.memory_space<semaphore_mem>>) src(%arg6 : memref<1536xf32, #tpu.memory_space<vmem>>) dst(%dma_wait3A_63 : memref<1536xf32, #tpu.memory_space<hbm>>)
      tpu.yield
    }) : () -> ()
    %run_scoped3A_8 = arith.constant 1 : i32
    "tpu.region"() ({
      %run_scoped3A_57 = tpu.sem_alloc : memref<!tpu.dma_semaphore, #tpu.memory_space<semaphore_mem>>
      %dma_start3A = tpu.memref_slice %arg3[%run_scoped3A_8, %mul3A_2] : memref<8x49152xi32, #tpu.memory_space<hbm>> -> memref<1x1536xi32, #tpu.memory_space<hbm>>
      %dma_start3A_58 = tpu.memref_squeeze %dma_start3A : memref<1x1536xi32, #tpu.memory_space<hbm>> -> memref<1536xi32, #tpu.memory_space<hbm>>
      %dma_start3A_59 = tpu.memref_slice %arg3[%run_scoped3A_8, %mul3A_2] : memref<8x49152xi32, #tpu.memory_space<hbm>> -> memref<1x1536xi32, #tpu.memory_space<hbm>>
      %dma_start3A_60 = tpu.memref_squeeze %dma_start3A_59 : memref<1x1536xi32, #tpu.memory_space<hbm>> -> memref<1536xi32, #tpu.memory_space<hbm>>
      tpu.enqueue_dma source(%dma_start3A_60 : memref<1536xi32, #tpu.memory_space<hbm>>) target(%arg5 : memref<1536xi32, #tpu.memory_space<vmem>>) target_semaphore(%run_scoped3A_57 : memref<!tpu.dma_semaphore, #tpu.memory_space<semaphore_mem>>)
      %dma_wait3A = tpu.memref_slice %arg3[%run_scoped3A_8, %mul3A_2] : memref<8x49152xi32, #tpu.memory_space<hbm>> -> memref<1x1536xi32, #tpu.memory_space<hbm>>
      %dma_wait3A_61 = tpu.memref_squeeze %dma_wait3A : memref<1x1536xi32, #tpu.memory_space<hbm>> -> memref<1536xi32, #tpu.memory_space<hbm>>
      %dma_wait3A_62 = tpu.memref_slice %arg3[%run_scoped3A_8, %mul3A_2] : memref<8x49152xi32, #tpu.memory_space<hbm>> -> memref<1x1536xi32, #tpu.memory_space<hbm>>
      %dma_wait3A_63 = tpu.memref_squeeze %dma_wait3A_62 : memref<1x1536xi32, #tpu.memory_space<hbm>> -> memref<1536xi32, #tpu.memory_space<hbm>>
      tpu.wait_dma2 semaphore(%run_scoped3A_57 : memref<!tpu.dma_semaphore, #tpu.memory_space<semaphore_mem>>) src(%dma_wait3A_63 : memref<1536xi32, #tpu.memory_space<hbm>>) dst(%arg5 : memref<1536xi32, #tpu.memory_space<vmem>>)
      tpu.yield
    }) : () -> ()
    %scan3A_9 = arith.constant 0 : i32
    %scan3A_10 = arith.constant 96 : i32
    %scan3A_11 = arith.addi %scan3A_9, %scan3A_10 : i32
    %scan3A_12 = arith.constant 1 : i32
    scf.for %scan3A_57 = %scan3A_9 to %scan3A_11 step %scan3A_12  : i32 {
      %mul3A_58 = arith.constant 1 : i32
      %mul3A_59 = arith.muli %scan3A_57, %mul3A_58 : i32
      %add3A_60 = arith.constant 0 : i32
      %add3A_61 = arith.addi %add3A_60, %mul3A_59 : i32
      %mul3A_62 = arith.constant 16 : i32
      %mul3A_63 = arith.muli %add3A_61, %mul3A_62 : i32
      %get3A = arith.index_cast %mul3A_63 : i32 to index
      %get3A_64 = tpu.vector_load %arg5[%get3A] {strides = array<i32>} : memref<1536xi32, #tpu.memory_space<vmem>>, vector<16xi32>,
      %get3A_65 = vector.shape_cast %get3A_64 : vector<16xi32> to vector<16xi32>
      %ge3A = arith.constant 0 : i32
      %ge3A_66 = vector.broadcast %ge3A : i32 to vector<16xi32>
      %ge3A_67 = arith.cmpi sge, %get3A_65, %ge3A_66 : vector<16xi32>
      %broadcast_in_dim3A = arith.constant 0 : i32
      %broadcast_in_dim3A_68 = vector.broadcast %broadcast_in_dim3A : i32 to vector<16xi32>
      %shift_right_logical3A = arith.constant 7 : i32
      %shift_right_logical3A_69 = vector.broadcast %shift_right_logical3A : i32 to vector<16xi32>
      %shift_right_logical3A_70 = arith.shrui %get3A_65, %shift_right_logical3A_69 : vector<16xi32>
      %select_n3A = arith.select %ge3A_67, %shift_right_logical3A_70, %broadcast_in_dim3A_68 : vector<16xi1>, vector<16xi32>
      %and3A = arith.constant 127 : i32
      %and3A_71 = vector.broadcast %and3A : i32 to vector<16xi32>
      %and3A_72 = arith.andi %get3A_65, %and3A_71 : vector<16xi32>
      %select_n3A_73 = arith.select %ge3A_67, %and3A_72, %broadcast_in_dim3A_68 : vector<16xi1>, vector<16xi32>
      %add3A_74 = arith.constant 49104 : i32
      %add3A_75 = vector.broadcast %add3A_74 : i32 to vector<16xi32>
      %add3A_76 = arith.addi %add3A_75, %select_n3A : vector<16xi32>
      %mul3A_77 = arith.constant 80 : i32
      %mul3A_78 = vector.broadcast %mul3A_77 : i32 to vector<16xi32>
      %mul3A_79 = arith.muli %add3A_76, %mul3A_78 : vector<16xi32>
      %add3A_80 = arith.addi %mul3A_79, %select_n3A_73 : vector<16xi32>
      %mul3A_81 = arith.constant 16 : i32
      %mul3A_82 = arith.muli %add3A_61, %mul3A_81 : i32
      "tpu.region"() ({
        %run_scoped3A_83 = tpu.sem_alloc : memref<!tpu.dma_semaphore, #tpu.memory_space<semaphore_mem>>
        %dma_start3A = tpu.memref_slice %arg6[%mul3A_82] : memref<1536xf32, #tpu.memory_space<vmem>> -> memref<16xf32, #tpu.memory_space<vmem>>
        %dma_start3A_84 = arith.constant 0 : i32
        %dma_start3A_85 = tpu.memref_slice %arg2[%dma_start3A_84] : memref<31426560xf32, #tpu.memory_space<hbm>> -> memref<31426560xf32, #tpu.memory_space<hbm>>
        tpu.enqueue_indirect_dma source(%dma_start3A_85 : memref<31426560xf32, #tpu.memory_space<hbm>>) target(%dma_start3A : memref<16xf32, #tpu.memory_space<vmem>>) offsets(%add3A_80 : vector<16xi32>) semaphore(%run_scoped3A_83 : memref<!tpu.dma_semaphore, #tpu.memory_space<semaphore_mem>>)
        %dma_wait3A = tpu.memref_slice %arg6[%mul3A_82] : memref<1536xf32, #tpu.memory_space<vmem>> -> memref<16xf32, #tpu.memory_space<vmem>>
        %dma_wait3A_86 = arith.constant 0 : i32
        %dma_wait3A_87 = tpu.memref_slice %arg2[%dma_wait3A_86] : memref<31426560xf32, #tpu.memory_space<hbm>> -> memref<31426560xf32, #tpu.memory_space<hbm>>
        tpu.wait_indirect_dma semaphore(%run_scoped3A_83 : memref<!tpu.dma_semaphore, #tpu.memory_space<semaphore_mem>>) src(%dma_wait3A_87 : memref<31426560xf32, #tpu.memory_space<hbm>>) dst(%dma_wait3A : memref<16xf32, #tpu.memory_space<vmem>>)
        tpu.yield
      }) : () -> ()
    }
    %scan3A_13 = arith.constant 96 : i32
    %run_scoped3A_14 = arith.constant 1 : i32
    "tpu.region"() ({
      %run_scoped3A_57 = tpu.sem_alloc : memref<!tpu.dma_semaphore, #tpu.memory_space<semaphore_mem>>
      %dma_start3A = tpu.memref_slice %arg4[%run_scoped3A_14, %mul3A_2] : memref<8x49152xf32, #tpu.memory_space<hbm>> -> memref<1x1536xf32, #tpu.memory_space<hbm>>
      %dma_start3A_58 = tpu.memref_squeeze %dma_start3A : memref<1x1536xf32, #tpu.memory_space<hbm>> -> memref<1536xf32, #tpu.memory_space<hbm>>
      %dma_start3A_59 = tpu.memref_slice %arg4[%run_scoped3A_14, %mul3A_2] : memref<8x49152xf32, #tpu.memory_space<hbm>> -> memref<1x1536xf32, #tpu.memory_space<hbm>>
      %dma_start3A_60 = tpu.memref_squeeze %dma_start3A_59 : memref<1x1536xf32, #tpu.memory_space<hbm>> -> memref<1536xf32, #tpu.memory_space<hbm>>
      tpu.enqueue_dma source(%arg6 : memref<1536xf32, #tpu.memory_space<vmem>>) target(%dma_start3A_60 : memref<1536xf32, #tpu.memory_space<hbm>>) target_semaphore(%run_scoped3A_57 : memref<!tpu.dma_semaphore, #tpu.memory_space<semaphore_mem>>)
      %dma_wait3A = tpu.memref_slice %arg4[%run_scoped3A_14, %mul3A_2] : memref<8x49152xf32, #tpu.memory_space<hbm>> -> memref<1x1536xf32, #tpu.memory_space<hbm>>
      %dma_wait3A_61 = tpu.memref_squeeze %dma_wait3A : memref<1x1536xf32, #tpu.memory_space<hbm>> -> memref<1536xf32, #tpu.memory_space<hbm>>
      %dma_wait3A_62 = tpu.memref_slice %arg4[%run_scoped3A_14, %mul3A_2] : memref<8x49152xf32, #tpu.memory_space<hbm>> -> memref<1x1536xf32, #tpu.memory_space<hbm>>
      %dma_wait3A_63 = tpu.memref_squeeze %dma_wait3A_62 : memref<1x1536xf32, #tpu.memory_space<hbm>> -> memref<1536xf32, #tpu.memory_space<hbm>>
      tpu.wait_dma2 semaphore(%run_scoped3A_57 : memref<!tpu.dma_semaphore, #tpu.memory_space<semaphore_mem>>) src(%arg6 : memref<1536xf32, #tpu.memory_space<vmem>>) dst(%dma_wait3A_63 : memref<1536xf32, #tpu.memory_space<hbm>>)
      tpu.yield
    }) : () -> ()
    %run_scoped3A_15 = arith.constant 2 : i32
    "tpu.region"() ({
      %run_scoped3A_57 = tpu.sem_alloc : memref<!tpu.dma_semaphore, #tpu.memory_space<semaphore_mem>>
      %dma_start3A = tpu.memref_slice %arg3[%run_scoped3A_15, %mul3A_2] : memref<8x49152xi32, #tpu.memory_space<hbm>> -> memref<1x1536xi32, #tpu.memory_space<hbm>>
      %dma_start3A_58 = tpu.memref_squeeze %dma_start3A : memref<1x1536xi32, #tpu.memory_space<hbm>> -> memref<1536xi32, #tpu.memory_space<hbm>>
      %dma_start3A_59 = tpu.memref_slice %arg3[%run_scoped3A_15, %mul3A_2] : memref<8x49152xi32, #tpu.memory_space<hbm>> -> memref<1x1536xi32, #tpu.memory_space<hbm>>
      %dma_start3A_60 = tpu.memref_squeeze %dma_start3A_59 : memref<1x1536xi32, #tpu.memory_space<hbm>> -> memref<1536xi32, #tpu.memory_space<hbm>>
      tpu.enqueue_dma source(%dma_start3A_60 : memref<1536xi32, #tpu.memory_space<hbm>>) target(%arg5 : memref<1536xi32, #tpu.memory_space<vmem>>) target_semaphore(%run_scoped3A_57 : memref<!tpu.dma_semaphore, #tpu.memory_space<semaphore_mem>>)
      %dma_wait3A = tpu.memref_slice %arg3[%run_scoped3A_15, %mul3A_2] : memref<8x49152xi32, #tpu.memory_space<hbm>> -> memref<1x1536xi32, #tpu.memory_space<hbm>>
      %dma_wait3A_61 = tpu.memref_squeeze %dma_wait3A : memref<1x1536xi32, #tpu.memory_space<hbm>> -> memref<1536xi32, #tpu.memory_space<hbm>>
      %dma_wait3A_62 = tpu.memref_slice %arg3[%run_scoped3A_15, %mul3A_2] : memref<8x49152xi32, #tpu.memory_space<hbm>> -> memref<1x1536xi32, #tpu.memory_space<hbm>>
      %dma_wait3A_63 = tpu.memref_squeeze %dma_wait3A_62 : memref<1x1536xi32, #tpu.memory_space<hbm>> -> memref<1536xi32, #tpu.memory_space<hbm>>
      tpu.wait_dma2 semaphore(%run_scoped3A_57 : memref<!tpu.dma_semaphore, #tpu.memory_space<semaphore_mem>>) src(%dma_wait3A_63 : memref<1536xi32, #tpu.memory_space<hbm>>) dst(%arg5 : memref<1536xi32, #tpu.memory_space<vmem>>)
      tpu.yield
    }) : () -> ()
    %scan3A_16 = arith.constant 0 : i32
    %scan3A_17 = arith.constant 96 : i32
    %scan3A_18 = arith.addi %scan3A_16, %scan3A_17 : i32
    %scan3A_19 = arith.constant 1 : i32
    scf.for %scan3A_57 = %scan3A_16 to %scan3A_18 step %scan3A_19  : i32 {
      %mul3A_58 = arith.constant 1 : i32
      %mul3A_59 = arith.muli %scan3A_57, %mul3A_58 : i32
      %add3A_60 = arith.constant 0 : i32
      %add3A_61 = arith.addi %add3A_60, %mul3A_59 : i32
      %mul3A_62 = arith.constant 16 : i32
      %mul3A_63 = arith.muli %add3A_61, %mul3A_62 : i32
      %get3A = arith.index_cast %mul3A_63 : i32 to index
      %get3A_64 = tpu.vector_load %arg5[%get3A] {strides = array<i32>} : memref<1536xi32, #tpu.memory_space<vmem>>, vector<16xi32>,
      %get3A_65 = vector.shape_cast %get3A_64 : vector<16xi32> to vector<16xi32>
      %ge3A = arith.constant 0 : i32
      %ge3A_66 = vector.broadcast %ge3A : i32 to vector<16xi32>
      %ge3A_67 = arith.cmpi sge, %get3A_65, %ge3A_66 : vector<16xi32>
      %broadcast_in_dim3A = arith.constant 0 : i32
      %broadcast_in_dim3A_68 = vector.broadcast %broadcast_in_dim3A : i32 to vector<16xi32>
      %shift_right_logical3A = arith.constant 7 : i32
      %shift_right_logical3A_69 = vector.broadcast %shift_right_logical3A : i32 to vector<16xi32>
      %shift_right_logical3A_70 = arith.shrui %get3A_65, %shift_right_logical3A_69 : vector<16xi32>
      %select_n3A = arith.select %ge3A_67, %shift_right_logical3A_70, %broadcast_in_dim3A_68 : vector<16xi1>, vector<16xi32>
      %and3A = arith.constant 127 : i32
      %and3A_71 = vector.broadcast %and3A : i32 to vector<16xi32>
      %and3A_72 = arith.andi %get3A_65, %and3A_71 : vector<16xi32>
      %select_n3A_73 = arith.select %ge3A_67, %and3A_72, %broadcast_in_dim3A_68 : vector<16xi1>, vector<16xi32>
      %add3A_74 = arith.constant 98208 : i32
      %add3A_75 = vector.broadcast %add3A_74 : i32 to vector<16xi32>
      %add3A_76 = arith.addi %add3A_75, %select_n3A : vector<16xi32>
      %mul3A_77 = arith.constant 80 : i32
      %mul3A_78 = vector.broadcast %mul3A_77 : i32 to vector<16xi32>
      %mul3A_79 = arith.muli %add3A_76, %mul3A_78 : vector<16xi32>
      %add3A_80 = arith.addi %mul3A_79, %select_n3A_73 : vector<16xi32>
      %mul3A_81 = arith.constant 16 : i32
      %mul3A_82 = arith.muli %add3A_61, %mul3A_81 : i32
      "tpu.region"() ({
        %run_scoped3A_83 = tpu.sem_alloc : memref<!tpu.dma_semaphore, #tpu.memory_space<semaphore_mem>>
        %dma_start3A = tpu.memref_slice %arg6[%mul3A_82] : memref<1536xf32, #tpu.memory_space<vmem>> -> memref<16xf32, #tpu.memory_space<vmem>>
        %dma_start3A_84 = arith.constant 0 : i32
        %dma_start3A_85 = tpu.memref_slice %arg2[%dma_start3A_84] : memref<31426560xf32, #tpu.memory_space<hbm>> -> memref<31426560xf32, #tpu.memory_space<hbm>>
        tpu.enqueue_indirect_dma source(%dma_start3A_85 : memref<31426560xf32, #tpu.memory_space<hbm>>) target(%dma_start3A : memref<16xf32, #tpu.memory_space<vmem>>) offsets(%add3A_80 : vector<16xi32>) semaphore(%run_scoped3A_83 : memref<!tpu.dma_semaphore, #tpu.memory_space<semaphore_mem>>)
        %dma_wait3A = tpu.memref_slice %arg6[%mul3A_82] : memref<1536xf32, #tpu.memory_space<vmem>> -> memref<16xf32, #tpu.memory_space<vmem>>
        %dma_wait3A_86 = arith.constant 0 : i32
        %dma_wait3A_87 = tpu.memref_slice %arg2[%dma_wait3A_86] : memref<31426560xf32, #tpu.memory_space<hbm>> -> memref<31426560xf32, #tpu.memory_space<hbm>>
        tpu.wait_indirect_dma semaphore(%run_scoped3A_83 : memref<!tpu.dma_semaphore, #tpu.memory_space<semaphore_mem>>) src(%dma_wait3A_87 : memref<31426560xf32, #tpu.memory_space<hbm>>) dst(%dma_wait3A : memref<16xf32, #tpu.memory_space<vmem>>)
        tpu.yield
      }) : () -> ()
    }
    %scan3A_20 = arith.constant 96 : i32
    %run_scoped3A_21 = arith.constant 2 : i32
    "tpu.region"() ({
      %run_scoped3A_57 = tpu.sem_alloc : memref<!tpu.dma_semaphore, #tpu.memory_space<semaphore_mem>>
      %dma_start3A = tpu.memref_slice %arg4[%run_scoped3A_21, %mul3A_2] : memref<8x49152xf32, #tpu.memory_space<hbm>> -> memref<1x1536xf32, #tpu.memory_space<hbm>>
      %dma_start3A_58 = tpu.memref_squeeze %dma_start3A : memref<1x1536xf32, #tpu.memory_space<hbm>> -> memref<1536xf32, #tpu.memory_space<hbm>>
      %dma_start3A_59 = tpu.memref_slice %arg4[%run_scoped3A_21, %mul3A_2] : memref<8x49152xf32, #tpu.memory_space<hbm>> -> memref<1x1536xf32, #tpu.memory_space<hbm>>
      %dma_start3A_60 = tpu.memref_squeeze %dma_start3A_59 : memref<1x1536xf32, #tpu.memory_space<hbm>> -> memref<1536xf32, #tpu.memory_space<hbm>>
      tpu.enqueue_dma source(%arg6 : memref<1536xf32, #tpu.memory_space<vmem>>) target(%dma_start3A_60 : memref<1536xf32, #tpu.memory_space<hbm>>) target_semaphore(%run_scoped3A_57 : memref<!tpu.dma_semaphore, #tpu.memory_space<semaphore_mem>>)
      %dma_wait3A = tpu.memref_slice %arg4[%run_scoped3A_21, %mul3A_2] : memref<8x49152xf32, #tpu.memory_space<hbm>> -> memref<1x1536xf32, #tpu.memory_space<hbm>>
      %dma_wait3A_61 = tpu.memref_squeeze %dma_wait3A : memref<1x1536xf32, #tpu.memory_space<hbm>> -> memref<1536xf32, #tpu.memory_space<hbm>>
      %dma_wait3A_62 = tpu.memref_slice %arg4[%run_scoped3A_21, %mul3A_2] : memref<8x49152xf32, #tpu.memory_space<hbm>> -> memref<1x1536xf32, #tpu.memory_space<hbm>>
      %dma_wait3A_63 = tpu.memref_squeeze %dma_wait3A_62 : memref<1x1536xf32, #tpu.memory_space<hbm>> -> memref<1536xf32, #tpu.memory_space<hbm>>
      tpu.wait_dma2 semaphore(%run_scoped3A_57 : memref<!tpu.dma_semaphore, #tpu.memory_space<semaphore_mem>>) src(%arg6 : memref<1536xf32, #tpu.memory_space<vmem>>) dst(%dma_wait3A_63 : memref<1536xf32, #tpu.memory_space<hbm>>)
      tpu.yield
    }) : () -> ()
    %run_scoped3A_22 = arith.constant 3 : i32
    "tpu.region"() ({
      %run_scoped3A_57 = tpu.sem_alloc : memref<!tpu.dma_semaphore, #tpu.memory_space<semaphore_mem>>
      %dma_start3A = tpu.memref_slice %arg3[%run_scoped3A_22, %mul3A_2] : memref<8x49152xi32, #tpu.memory_space<hbm>> -> memref<1x1536xi32, #tpu.memory_space<hbm>>
      %dma_start3A_58 = tpu.memref_squeeze %dma_start3A : memref<1x1536xi32, #tpu.memory_space<hbm>> -> memref<1536xi32, #tpu.memory_space<hbm>>
      %dma_start3A_59 = tpu.memref_slice %arg3[%run_scoped3A_22, %mul3A_2] : memref<8x49152xi32, #tpu.memory_space<hbm>> -> memref<1x1536xi32, #tpu.memory_space<hbm>>
      %dma_start3A_60 = tpu.memref_squeeze %dma_start3A_59 : memref<1x1536xi32, #tpu.memory_space<hbm>> -> memref<1536xi32, #tpu.memory_space<hbm>>
      tpu.enqueue_dma source(%dma_start3A_60 : memref<1536xi32, #tpu.memory_space<hbm>>) target(%arg5 : memref<1536xi32, #tpu.memory_space<vmem>>) target_semaphore(%run_scoped3A_57 : memref<!tpu.dma_semaphore, #tpu.memory_space<semaphore_mem>>)
      %dma_wait3A = tpu.memref_slice %arg3[%run_scoped3A_22, %mul3A_2] : memref<8x49152xi32, #tpu.memory_space<hbm>> -> memref<1x1536xi32, #tpu.memory_space<hbm>>
      %dma_wait3A_61 = tpu.memref_squeeze %dma_wait3A : memref<1x1536xi32, #tpu.memory_space<hbm>> -> memref<1536xi32, #tpu.memory_space<hbm>>
      %dma_wait3A_62 = tpu.memref_slice %arg3[%run_scoped3A_22, %mul3A_2] : memref<8x49152xi32, #tpu.memory_space<hbm>> -> memref<1x1536xi32, #tpu.memory_space<hbm>>
      %dma_wait3A_63 = tpu.memref_squeeze %dma_wait3A_62 : memref<1x1536xi32, #tpu.memory_space<hbm>> -> memref<1536xi32, #tpu.memory_space<hbm>>
      tpu.wait_dma2 semaphore(%run_scoped3A_57 : memref<!tpu.dma_semaphore, #tpu.memory_space<semaphore_mem>>) src(%dma_wait3A_63 : memref<1536xi32, #tpu.memory_space<hbm>>) dst(%arg5 : memref<1536xi32, #tpu.memory_space<vmem>>)
      tpu.yield
    }) : () -> ()
    %scan3A_23 = arith.constant 0 : i32
    %scan3A_24 = arith.constant 96 : i32
    %scan3A_25 = arith.addi %scan3A_23, %scan3A_24 : i32
    %scan3A_26 = arith.constant 1 : i32
    scf.for %scan3A_57 = %scan3A_23 to %scan3A_25 step %scan3A_26  : i32 {
      %mul3A_58 = arith.constant 1 : i32
      %mul3A_59 = arith.muli %scan3A_57, %mul3A_58 : i32
      %add3A_60 = arith.constant 0 : i32
      %add3A_61 = arith.addi %add3A_60, %mul3A_59 : i32
      %mul3A_62 = arith.constant 16 : i32
      %mul3A_63 = arith.muli %add3A_61, %mul3A_62 : i32
      %get3A = arith.index_cast %mul3A_63 : i32 to index
      %get3A_64 = tpu.vector_load %arg5[%get3A] {strides = array<i32>} : memref<1536xi32, #tpu.memory_space<vmem>>, vector<16xi32>,
      %get3A_65 = vector.shape_cast %get3A_64 : vector<16xi32> to vector<16xi32>
      %ge3A = arith.constant 0 : i32
      %ge3A_66 = vector.broadcast %ge3A : i32 to vector<16xi32>
      %ge3A_67 = arith.cmpi sge, %get3A_65, %ge3A_66 : vector<16xi32>
      %broadcast_in_dim3A = arith.constant 0 : i32
      %broadcast_in_dim3A_68 = vector.broadcast %broadcast_in_dim3A : i32 to vector<16xi32>
      %shift_right_logical3A = arith.constant 7 : i32
      %shift_right_logical3A_69 = vector.broadcast %shift_right_logical3A : i32 to vector<16xi32>
      %shift_right_logical3A_70 = arith.shrui %get3A_65, %shift_right_logical3A_69 : vector<16xi32>
      %select_n3A = arith.select %ge3A_67, %shift_right_logical3A_70, %broadcast_in_dim3A_68 : vector<16xi1>, vector<16xi32>
      %and3A = arith.constant 127 : i32
      %and3A_71 = vector.broadcast %and3A : i32 to vector<16xi32>
      %and3A_72 = arith.andi %get3A_65, %and3A_71 : vector<16xi32>
      %select_n3A_73 = arith.select %ge3A_67, %and3A_72, %broadcast_in_dim3A_68 : vector<16xi1>, vector<16xi32>
      %add3A_74 = arith.constant 147312 : i32
      %add3A_75 = vector.broadcast %add3A_74 : i32 to vector<16xi32>
      %add3A_76 = arith.addi %add3A_75, %select_n3A : vector<16xi32>
      %mul3A_77 = arith.constant 80 : i32
      %mul3A_78 = vector.broadcast %mul3A_77 : i32 to vector<16xi32>
      %mul3A_79 = arith.muli %add3A_76, %mul3A_78 : vector<16xi32>
      %add3A_80 = arith.addi %mul3A_79, %select_n3A_73 : vector<16xi32>
      %mul3A_81 = arith.constant 16 : i32
      %mul3A_82 = arith.muli %add3A_61, %mul3A_81 : i32
      "tpu.region"() ({
        %run_scoped3A_83 = tpu.sem_alloc : memref<!tpu.dma_semaphore, #tpu.memory_space<semaphore_mem>>
        %dma_start3A = tpu.memref_slice %arg6[%mul3A_82] : memref<1536xf32, #tpu.memory_space<vmem>> -> memref<16xf32, #tpu.memory_space<vmem>>
        %dma_start3A_84 = arith.constant 0 : i32
        %dma_start3A_85 = tpu.memref_slice %arg2[%dma_start3A_84] : memref<31426560xf32, #tpu.memory_space<hbm>> -> memref<31426560xf32, #tpu.memory_space<hbm>>
        tpu.enqueue_indirect_dma source(%dma_start3A_85 : memref<31426560xf32, #tpu.memory_space<hbm>>) target(%dma_start3A : memref<16xf32, #tpu.memory_space<vmem>>) offsets(%add3A_80 : vector<16xi32>) semaphore(%run_scoped3A_83 : memref<!tpu.dma_semaphore, #tpu.memory_space<semaphore_mem>>)
        %dma_wait3A = tpu.memref_slice %arg6[%mul3A_82] : memref<1536xf32, #tpu.memory_space<vmem>> -> memref<16xf32, #tpu.memory_space<vmem>>
        %dma_wait3A_86 = arith.constant 0 : i32
        %dma_wait3A_87 = tpu.memref_slice %arg2[%dma_wait3A_86] : memref<31426560xf32, #tpu.memory_space<hbm>> -> memref<31426560xf32, #tpu.memory_space<hbm>>
        tpu.wait_indirect_dma semaphore(%run_scoped3A_83 : memref<!tpu.dma_semaphore, #tpu.memory_space<semaphore_mem>>) src(%dma_wait3A_87 : memref<31426560xf32, #tpu.memory_space<hbm>>) dst(%dma_wait3A : memref<16xf32, #tpu.memory_space<vmem>>)
        tpu.yield
      }) : () -> ()
    }
    %scan3A_27 = arith.constant 96 : i32
    %run_scoped3A_28 = arith.constant 3 : i32
    "tpu.region"() ({
      %run_scoped3A_57 = tpu.sem_alloc : memref<!tpu.dma_semaphore, #tpu.memory_space<semaphore_mem>>
      %dma_start3A = tpu.memref_slice %arg4[%run_scoped3A_28, %mul3A_2] : memref<8x49152xf32, #tpu.memory_space<hbm>> -> memref<1x1536xf32, #tpu.memory_space<hbm>>
      %dma_start3A_58 = tpu.memref_squeeze %dma_start3A : memref<1x1536xf32, #tpu.memory_space<hbm>> -> memref<1536xf32, #tpu.memory_space<hbm>>
      %dma_start3A_59 = tpu.memref_slice %arg4[%run_scoped3A_28, %mul3A_2] : memref<8x49152xf32, #tpu.memory_space<hbm>> -> memref<1x1536xf32, #tpu.memory_space<hbm>>
      %dma_start3A_60 = tpu.memref_squeeze %dma_start3A_59 : memref<1x1536xf32, #tpu.memory_space<hbm>> -> memref<1536xf32, #tpu.memory_space<hbm>>
      tpu.enqueue_dma source(%arg6 : memref<1536xf32, #tpu.memory_space<vmem>>) target(%dma_start3A_60 : memref<1536xf32, #tpu.memory_space<hbm>>) target_semaphore(%run_scoped3A_57 : memref<!tpu.dma_semaphore, #tpu.memory_space<semaphore_mem>>)
      %dma_wait3A = tpu.memref_slice %arg4[%run_scoped3A_28, %mul3A_2] : memref<8x49152xf32, #tpu.memory_space<hbm>> -> memref<1x1536xf32, #tpu.memory_space<hbm>>
      %dma_wait3A_61 = tpu.memref_squeeze %dma_wait3A : memref<1x1536xf32, #tpu.memory_space<hbm>> -> memref<1536xf32, #tpu.memory_space<hbm>>
      %dma_wait3A_62 = tpu.memref_slice %arg4[%run_scoped3A_28, %mul3A_2] : memref<8x49152xf32, #tpu.memory_space<hbm>> -> memref<1x1536xf32, #tpu.memory_space<hbm>>
      %dma_wait3A_63 = tpu.memref_squeeze %dma_wait3A_62 : memref<1x1536xf32, #tpu.memory_space<hbm>> -> memref<1536xf32, #tpu.memory_space<hbm>>
      tpu.wait_dma2 semaphore(%run_scoped3A_57 : memref<!tpu.dma_semaphore, #tpu.memory_space<semaphore_mem>>) src(%arg6 : memref<1536xf32, #tpu.memory_space<vmem>>) dst(%dma_wait3A_63 : memref<1536xf32, #tpu.memory_space<hbm>>)
      tpu.yield
    }) : () -> ()
    %run_scoped3A_29 = arith.constant 4 : i32
    "tpu.region"() ({
      %run_scoped3A_57 = tpu.sem_alloc : memref<!tpu.dma_semaphore, #tpu.memory_space<semaphore_mem>>
      %dma_start3A = tpu.memref_slice %arg3[%run_scoped3A_29, %mul3A_2] : memref<8x49152xi32, #tpu.memory_space<hbm>> -> memref<1x1536xi32, #tpu.memory_space<hbm>>
      %dma_start3A_58 = tpu.memref_squeeze %dma_start3A : memref<1x1536xi32, #tpu.memory_space<hbm>> -> memref<1536xi32, #tpu.memory_space<hbm>>
      %dma_start3A_59 = tpu.memref_slice %arg3[%run_scoped3A_29, %mul3A_2] : memref<8x49152xi32, #tpu.memory_space<hbm>> -> memref<1x1536xi32, #tpu.memory_space<hbm>>
      %dma_start3A_60 = tpu.memref_squeeze %dma_start3A_59 : memref<1x1536xi32, #tpu.memory_space<hbm>> -> memref<1536xi32, #tpu.memory_space<hbm>>
      tpu.enqueue_dma source(%dma_start3A_60 : memref<1536xi32, #tpu.memory_space<hbm>>) target(%arg5 : memref<1536xi32, #tpu.memory_space<vmem>>) target_semaphore(%run_scoped3A_57 : memref<!tpu.dma_semaphore, #tpu.memory_space<semaphore_mem>>)
      %dma_wait3A = tpu.memref_slice %arg3[%run_scoped3A_29, %mul3A_2] : memref<8x49152xi32, #tpu.memory_space<hbm>> -> memref<1x1536xi32, #tpu.memory_space<hbm>>
      %dma_wait3A_61 = tpu.memref_squeeze %dma_wait3A : memref<1x1536xi32, #tpu.memory_space<hbm>> -> memref<1536xi32, #tpu.memory_space<hbm>>
      %dma_wait3A_62 = tpu.memref_slice %arg3[%run_scoped3A_29, %mul3A_2] : memref<8x49152xi32, #tpu.memory_space<hbm>> -> memref<1x1536xi32, #tpu.memory_space<hbm>>
      %dma_wait3A_63 = tpu.memref_squeeze %dma_wait3A_62 : memref<1x1536xi32, #tpu.memory_space<hbm>> -> memref<1536xi32, #tpu.memory_space<hbm>>
      tpu.wait_dma2 semaphore(%run_scoped3A_57 : memref<!tpu.dma_semaphore, #tpu.memory_space<semaphore_mem>>) src(%dma_wait3A_63 : memref<1536xi32, #tpu.memory_space<hbm>>) dst(%arg5 : memref<1536xi32, #tpu.memory_space<vmem>>)
      tpu.yield
    }) : () -> ()
    %scan3A_30 = arith.constant 0 : i32
    %scan3A_31 = arith.constant 96 : i32
    %scan3A_32 = arith.addi %scan3A_30, %scan3A_31 : i32
    %scan3A_33 = arith.constant 1 : i32
    scf.for %scan3A_57 = %scan3A_30 to %scan3A_32 step %scan3A_33  : i32 {
      %mul3A_58 = arith.constant 1 : i32
      %mul3A_59 = arith.muli %scan3A_57, %mul3A_58 : i32
      %add3A_60 = arith.constant 0 : i32
      %add3A_61 = arith.addi %add3A_60, %mul3A_59 : i32
      %mul3A_62 = arith.constant 16 : i32
      %mul3A_63 = arith.muli %add3A_61, %mul3A_62 : i32
      %get3A = arith.index_cast %mul3A_63 : i32 to index
      %get3A_64 = tpu.vector_load %arg5[%get3A] {strides = array<i32>} : memref<1536xi32, #tpu.memory_space<vmem>>, vector<16xi32>,
      %get3A_65 = vector.shape_cast %get3A_64 : vector<16xi32> to vector<16xi32>
      %ge3A = arith.constant 0 : i32
      %ge3A_66 = vector.broadcast %ge3A : i32 to vector<16xi32>
      %ge3A_67 = arith.cmpi sge, %get3A_65, %ge3A_66 : vector<16xi32>
      %broadcast_in_dim3A = arith.constant 0 : i32
      %broadcast_in_dim3A_68 = vector.broadcast %broadcast_in_dim3A : i32 to vector<16xi32>
      %shift_right_logical3A = arith.constant 7 : i32
      %shift_right_logical3A_69 = vector.broadcast %shift_right_logical3A : i32 to vector<16xi32>
      %shift_right_logical3A_70 = arith.shrui %get3A_65, %shift_right_logical3A_69 : vector<16xi32>
      %select_n3A = arith.select %ge3A_67, %shift_right_logical3A_70, %broadcast_in_dim3A_68 : vector<16xi1>, vector<16xi32>
      %and3A = arith.constant 127 : i32
      %and3A_71 = vector.broadcast %and3A : i32 to vector<16xi32>
      %and3A_72 = arith.andi %get3A_65, %and3A_71 : vector<16xi32>
      %select_n3A_73 = arith.select %ge3A_67, %and3A_72, %broadcast_in_dim3A_68 : vector<16xi1>, vector<16xi32>
      %add3A_74 = arith.constant 196416 : i32
      %add3A_75 = vector.broadcast %add3A_74 : i32 to vector<16xi32>
      %add3A_76 = arith.addi %add3A_75, %select_n3A : vector<16xi32>
      %mul3A_77 = arith.constant 80 : i32
      %mul3A_78 = vector.broadcast %mul3A_77 : i32 to vector<16xi32>
      %mul3A_79 = arith.muli %add3A_76, %mul3A_78 : vector<16xi32>
      %add3A_80 = arith.addi %mul3A_79, %select_n3A_73 : vector<16xi32>
      %mul3A_81 = arith.constant 16 : i32
      %mul3A_82 = arith.muli %add3A_61, %mul3A_81 : i32
      "tpu.region"() ({
        %run_scoped3A_83 = tpu.sem_alloc : memref<!tpu.dma_semaphore, #tpu.memory_space<semaphore_mem>>
        %dma_start3A = tpu.memref_slice %arg6[%mul3A_82] : memref<1536xf32, #tpu.memory_space<vmem>> -> memref<16xf32, #tpu.memory_space<vmem>>
        %dma_start3A_84 = arith.constant 0 : i32
        %dma_start3A_85 = tpu.memref_slice %arg2[%dma_start3A_84] : memref<31426560xf32, #tpu.memory_space<hbm>> -> memref<31426560xf32, #tpu.memory_space<hbm>>
        tpu.enqueue_indirect_dma source(%dma_start3A_85 : memref<31426560xf32, #tpu.memory_space<hbm>>) target(%dma_start3A : memref<16xf32, #tpu.memory_space<vmem>>) offsets(%add3A_80 : vector<16xi32>) semaphore(%run_scoped3A_83 : memref<!tpu.dma_semaphore, #tpu.memory_space<semaphore_mem>>)
        %dma_wait3A = tpu.memref_slice %arg6[%mul3A_82] : memref<1536xf32, #tpu.memory_space<vmem>> -> memref<16xf32, #tpu.memory_space<vmem>>
        %dma_wait3A_86 = arith.constant 0 : i32
        %dma_wait3A_87 = tpu.memref_slice %arg2[%dma_wait3A_86] : memref<31426560xf32, #tpu.memory_space<hbm>> -> memref<31426560xf32, #tpu.memory_space<hbm>>
        tpu.wait_indirect_dma semaphore(%run_scoped3A_83 : memref<!tpu.dma_semaphore, #tpu.memory_space<semaphore_mem>>) src(%dma_wait3A_87 : memref<31426560xf32, #tpu.memory_space<hbm>>) dst(%dma_wait3A : memref<16xf32, #tpu.memory_space<vmem>>)
        tpu.yield
      }) : () -> ()
    }
    %scan3A_34 = arith.constant 96 : i32
    %run_scoped3A_35 = arith.constant 4 : i32
    "tpu.region"() ({
      %run_scoped3A_57 = tpu.sem_alloc : memref<!tpu.dma_semaphore, #tpu.memory_space<semaphore_mem>>
      %dma_start3A = tpu.memref_slice %arg4[%run_scoped3A_35, %mul3A_2] : memref<8x49152xf32, #tpu.memory_space<hbm>> -> memref<1x1536xf32, #tpu.memory_space<hbm>>
      %dma_start3A_58 = tpu.memref_squeeze %dma_start3A : memref<1x1536xf32, #tpu.memory_space<hbm>> -> memref<1536xf32, #tpu.memory_space<hbm>>
      %dma_start3A_59 = tpu.memref_slice %arg4[%run_scoped3A_35, %mul3A_2] : memref<8x49152xf32, #tpu.memory_space<hbm>> -> memref<1x1536xf32, #tpu.memory_space<hbm>>
      %dma_start3A_60 = tpu.memref_squeeze %dma_start3A_59 : memref<1x1536xf32, #tpu.memory_space<hbm>> -> memref<1536xf32, #tpu.memory_space<hbm>>
      tpu.enqueue_dma source(%arg6 : memref<1536xf32, #tpu.memory_space<vmem>>) target(%dma_start3A_60 : memref<1536xf32, #tpu.memory_space<hbm>>) target_semaphore(%run_scoped3A_57 : memref<!tpu.dma_semaphore, #tpu.memory_space<semaphore_mem>>)
      %dma_wait3A = tpu.memref_slice %arg4[%run_scoped3A_35, %mul3A_2] : memref<8x49152xf32, #tpu.memory_space<hbm>> -> memref<1x1536xf32, #tpu.memory_space<hbm>>
      %dma_wait3A_61 = tpu.memref_squeeze %dma_wait3A : memref<1x1536xf32, #tpu.memory_space<hbm>> -> memref<1536xf32, #tpu.memory_space<hbm>>
      %dma_wait3A_62 = tpu.memref_slice %arg4[%run_scoped3A_35, %mul3A_2] : memref<8x49152xf32, #tpu.memory_space<hbm>> -> memref<1x1536xf32, #tpu.memory_space<hbm>>
      %dma_wait3A_63 = tpu.memref_squeeze %dma_wait3A_62 : memref<1x1536xf32, #tpu.memory_space<hbm>> -> memref<1536xf32, #tpu.memory_space<hbm>>
      tpu.wait_dma2 semaphore(%run_scoped3A_57 : memref<!tpu.dma_semaphore, #tpu.memory_space<semaphore_mem>>) src(%arg6 : memref<1536xf32, #tpu.memory_space<vmem>>) dst(%dma_wait3A_63 : memref<1536xf32, #tpu.memory_space<hbm>>)
      tpu.yield
    }) : () -> ()
    %run_scoped3A_36 = arith.constant 5 : i32
    "tpu.region"() ({
      %run_scoped3A_57 = tpu.sem_alloc : memref<!tpu.dma_semaphore, #tpu.memory_space<semaphore_mem>>
      %dma_start3A = tpu.memref_slice %arg3[%run_scoped3A_36, %mul3A_2] : memref<8x49152xi32, #tpu.memory_space<hbm>> -> memref<1x1536xi32, #tpu.memory_space<hbm>>
      %dma_start3A_58 = tpu.memref_squeeze %dma_start3A : memref<1x1536xi32, #tpu.memory_space<hbm>> -> memref<1536xi32, #tpu.memory_space<hbm>>
      %dma_start3A_59 = tpu.memref_slice %arg3[%run_scoped3A_36, %mul3A_2] : memref<8x49152xi32, #tpu.memory_space<hbm>> -> memref<1x1536xi32, #tpu.memory_space<hbm>>
      %dma_start3A_60 = tpu.memref_squeeze %dma_start3A_59 : memref<1x1536xi32, #tpu.memory_space<hbm>> -> memref<1536xi32, #tpu.memory_space<hbm>>
      tpu.enqueue_dma source(%dma_start3A_60 : memref<1536xi32, #tpu.memory_space<hbm>>) target(%arg5 : memref<1536xi32, #tpu.memory_space<vmem>>) target_semaphore(%run_scoped3A_57 : memref<!tpu.dma_semaphore, #tpu.memory_space<semaphore_mem>>)
      %dma_wait3A = tpu.memref_slice %arg3[%run_scoped3A_36, %mul3A_2] : memref<8x49152xi32, #tpu.memory_space<hbm>> -> memref<1x1536xi32, #tpu.memory_space<hbm>>
      %dma_wait3A_61 = tpu.memref_squeeze %dma_wait3A : memref<1x1536xi32, #tpu.memory_space<hbm>> -> memref<1536xi32, #tpu.memory_space<hbm>>
      %dma_wait3A_62 = tpu.memref_slice %arg3[%run_scoped3A_36, %mul3A_2] : memref<8x49152xi32, #tpu.memory_space<hbm>> -> memref<1x1536xi32, #tpu.memory_space<hbm>>
      %dma_wait3A_63 = tpu.memref_squeeze %dma_wait3A_62 : memref<1x1536xi32, #tpu.memory_space<hbm>> -> memref<1536xi32, #tpu.memory_space<hbm>>
      tpu.wait_dma2 semaphore(%run_scoped3A_57 : memref<!tpu.dma_semaphore, #tpu.memory_space<semaphore_mem>>) src(%dma_wait3A_63 : memref<1536xi32, #tpu.memory_space<hbm>>) dst(%arg5 : memref<1536xi32, #tpu.memory_space<vmem>>)
      tpu.yield
    }) : () -> ()
    %scan3A_37 = arith.constant 0 : i32
    %scan3A_38 = arith.constant 96 : i32
    %scan3A_39 = arith.addi %scan3A_37, %scan3A_38 : i32
    %scan3A_40 = arith.constant 1 : i32
    scf.for %scan3A_57 = %scan3A_37 to %scan3A_39 step %scan3A_40  : i32 {
      %mul3A_58 = arith.constant 1 : i32
      %mul3A_59 = arith.muli %scan3A_57, %mul3A_58 : i32
      %add3A_60 = arith.constant 0 : i32
      %add3A_61 = arith.addi %add3A_60, %mul3A_59 : i32
      %mul3A_62 = arith.constant 16 : i32
      %mul3A_63 = arith.muli %add3A_61, %mul3A_62 : i32
      %get3A = arith.index_cast %mul3A_63 : i32 to index
      %get3A_64 = tpu.vector_load %arg5[%get3A] {strides = array<i32>} : memref<1536xi32, #tpu.memory_space<vmem>>, vector<16xi32>,
      %get3A_65 = vector.shape_cast %get3A_64 : vector<16xi32> to vector<16xi32>
      %ge3A = arith.constant 0 : i32
      %ge3A_66 = vector.broadcast %ge3A : i32 to vector<16xi32>
      %ge3A_67 = arith.cmpi sge, %get3A_65, %ge3A_66 : vector<16xi32>
      %broadcast_in_dim3A = arith.constant 0 : i32
      %broadcast_in_dim3A_68 = vector.broadcast %broadcast_in_dim3A : i32 to vector<16xi32>
      %shift_right_logical3A = arith.constant 7 : i32
      %shift_right_logical3A_69 = vector.broadcast %shift_right_logical3A : i32 to vector<16xi32>
      %shift_right_logical3A_70 = arith.shrui %get3A_65, %shift_right_logical3A_69 : vector<16xi32>
      %select_n3A = arith.select %ge3A_67, %shift_right_logical3A_70, %broadcast_in_dim3A_68 : vector<16xi1>, vector<16xi32>
      %and3A = arith.constant 127 : i32
      %and3A_71 = vector.broadcast %and3A : i32 to vector<16xi32>
      %and3A_72 = arith.andi %get3A_65, %and3A_71 : vector<16xi32>
      %select_n3A_73 = arith.select %ge3A_67, %and3A_72, %broadcast_in_dim3A_68 : vector<16xi1>, vector<16xi32>
      %add3A_74 = arith.constant 245520 : i32
      %add3A_75 = vector.broadcast %add3A_74 : i32 to vector<16xi32>
      %add3A_76 = arith.addi %add3A_75, %select_n3A : vector<16xi32>
      %mul3A_77 = arith.constant 80 : i32
      %mul3A_78 = vector.broadcast %mul3A_77 : i32 to vector<16xi32>
      %mul3A_79 = arith.muli %add3A_76, %mul3A_78 : vector<16xi32>
      %add3A_80 = arith.addi %mul3A_79, %select_n3A_73 : vector<16xi32>
      %mul3A_81 = arith.constant 16 : i32
      %mul3A_82 = arith.muli %add3A_61, %mul3A_81 : i32
      "tpu.region"() ({
        %run_scoped3A_83 = tpu.sem_alloc : memref<!tpu.dma_semaphore, #tpu.memory_space<semaphore_mem>>
        %dma_start3A = tpu.memref_slice %arg6[%mul3A_82] : memref<1536xf32, #tpu.memory_space<vmem>> -> memref<16xf32, #tpu.memory_space<vmem>>
        %dma_start3A_84 = arith.constant 0 : i32
        %dma_start3A_85 = tpu.memref_slice %arg2[%dma_start3A_84] : memref<31426560xf32, #tpu.memory_space<hbm>> -> memref<31426560xf32, #tpu.memory_space<hbm>>
        tpu.enqueue_indirect_dma source(%dma_start3A_85 : memref<31426560xf32, #tpu.memory_space<hbm>>) target(%dma_start3A : memref<16xf32, #tpu.memory_space<vmem>>) offsets(%add3A_80 : vector<16xi32>) semaphore(%run_scoped3A_83 : memref<!tpu.dma_semaphore, #tpu.memory_space<semaphore_mem>>)
        %dma_wait3A = tpu.memref_slice %arg6[%mul3A_82] : memref<1536xf32, #tpu.memory_space<vmem>> -> memref<16xf32, #tpu.memory_space<vmem>>
        %dma_wait3A_86 = arith.constant 0 : i32
        %dma_wait3A_87 = tpu.memref_slice %arg2[%dma_wait3A_86] : memref<31426560xf32, #tpu.memory_space<hbm>> -> memref<31426560xf32, #tpu.memory_space<hbm>>
        tpu.wait_indirect_dma semaphore(%run_scoped3A_83 : memref<!tpu.dma_semaphore, #tpu.memory_space<semaphore_mem>>) src(%dma_wait3A_87 : memref<31426560xf32, #tpu.memory_space<hbm>>) dst(%dma_wait3A : memref<16xf32, #tpu.memory_space<vmem>>)
        tpu.yield
      }) : () -> ()
    }
    %scan3A_41 = arith.constant 96 : i32
    %run_scoped3A_42 = arith.constant 5 : i32
    "tpu.region"() ({
      %run_scoped3A_57 = tpu.sem_alloc : memref<!tpu.dma_semaphore, #tpu.memory_space<semaphore_mem>>
      %dma_start3A = tpu.memref_slice %arg4[%run_scoped3A_42, %mul3A_2] : memref<8x49152xf32, #tpu.memory_space<hbm>> -> memref<1x1536xf32, #tpu.memory_space<hbm>>
      %dma_start3A_58 = tpu.memref_squeeze %dma_start3A : memref<1x1536xf32, #tpu.memory_space<hbm>> -> memref<1536xf32, #tpu.memory_space<hbm>>
      %dma_start3A_59 = tpu.memref_slice %arg4[%run_scoped3A_42, %mul3A_2] : memref<8x49152xf32, #tpu.memory_space<hbm>> -> memref<1x1536xf32, #tpu.memory_space<hbm>>
      %dma_start3A_60 = tpu.memref_squeeze %dma_start3A_59 : memref<1x1536xf32, #tpu.memory_space<hbm>> -> memref<1536xf32, #tpu.memory_space<hbm>>
      tpu.enqueue_dma source(%arg6 : memref<1536xf32, #tpu.memory_space<vmem>>) target(%dma_start3A_60 : memref<1536xf32, #tpu.memory_space<hbm>>) target_semaphore(%run_scoped3A_57 : memref<!tpu.dma_semaphore, #tpu.memory_space<semaphore_mem>>)
      %dma_wait3A = tpu.memref_slice %arg4[%run_scoped3A_42, %mul3A_2] : memref<8x49152xf32, #tpu.memory_space<hbm>> -> memref<1x1536xf32, #tpu.memory_space<hbm>>
      %dma_wait3A_61 = tpu.memref_squeeze %dma_wait3A : memref<1x1536xf32, #tpu.memory_space<hbm>> -> memref<1536xf32, #tpu.memory_space<hbm>>
      %dma_wait3A_62 = tpu.memref_slice %arg4[%run_scoped3A_42, %mul3A_2] : memref<8x49152xf32, #tpu.memory_space<hbm>> -> memref<1x1536xf32, #tpu.memory_space<hbm>>
      %dma_wait3A_63 = tpu.memref_squeeze %dma_wait3A_62 : memref<1x1536xf32, #tpu.memory_space<hbm>> -> memref<1536xf32, #tpu.memory_space<hbm>>
      tpu.wait_dma2 semaphore(%run_scoped3A_57 : memref<!tpu.dma_semaphore, #tpu.memory_space<semaphore_mem>>) src(%arg6 : memref<1536xf32, #tpu.memory_space<vmem>>) dst(%dma_wait3A_63 : memref<1536xf32, #tpu.memory_space<hbm>>)
      tpu.yield
    }) : () -> ()
    %run_scoped3A_43 = arith.constant 6 : i32
    "tpu.region"() ({
      %run_scoped3A_57 = tpu.sem_alloc : memref<!tpu.dma_semaphore, #tpu.memory_space<semaphore_mem>>
      %dma_start3A = tpu.memref_slice %arg3[%run_scoped3A_43, %mul3A_2] : memref<8x49152xi32, #tpu.memory_space<hbm>> -> memref<1x1536xi32, #tpu.memory_space<hbm>>
      %dma_start3A_58 = tpu.memref_squeeze %dma_start3A : memref<1x1536xi32, #tpu.memory_space<hbm>> -> memref<1536xi32, #tpu.memory_space<hbm>>
      %dma_start3A_59 = tpu.memref_slice %arg3[%run_scoped3A_43, %mul3A_2] : memref<8x49152xi32, #tpu.memory_space<hbm>> -> memref<1x1536xi32, #tpu.memory_space<hbm>>
      %dma_start3A_60 = tpu.memref_squeeze %dma_start3A_59 : memref<1x1536xi32, #tpu.memory_space<hbm>> -> memref<1536xi32, #tpu.memory_space<hbm>>
      tpu.enqueue_dma source(%dma_start3A_60 : memref<1536xi32, #tpu.memory_space<hbm>>) target(%arg5 : memref<1536xi32, #tpu.memory_space<vmem>>) target_semaphore(%run_scoped3A_57 : memref<!tpu.dma_semaphore, #tpu.memory_space<semaphore_mem>>)
      %dma_wait3A = tpu.memref_slice %arg3[%run_scoped3A_43, %mul3A_2] : memref<8x49152xi32, #tpu.memory_space<hbm>> -> memref<1x1536xi32, #tpu.memory_space<hbm>>
      %dma_wait3A_61 = tpu.memref_squeeze %dma_wait3A : memref<1x1536xi32, #tpu.memory_space<hbm>> -> memref<1536xi32, #tpu.memory_space<hbm>>
      %dma_wait3A_62 = tpu.memref_slice %arg3[%run_scoped3A_43, %mul3A_2] : memref<8x49152xi32, #tpu.memory_space<hbm>> -> memref<1x1536xi32, #tpu.memory_space<hbm>>
      %dma_wait3A_63 = tpu.memref_squeeze %dma_wait3A_62 : memref<1x1536xi32, #tpu.memory_space<hbm>> -> memref<1536xi32, #tpu.memory_space<hbm>>
      tpu.wait_dma2 semaphore(%run_scoped3A_57 : memref<!tpu.dma_semaphore, #tpu.memory_space<semaphore_mem>>) src(%dma_wait3A_63 : memref<1536xi32, #tpu.memory_space<hbm>>) dst(%arg5 : memref<1536xi32, #tpu.memory_space<vmem>>)
      tpu.yield
    }) : () -> ()
    %scan3A_44 = arith.constant 0 : i32
    %scan3A_45 = arith.constant 96 : i32
    %scan3A_46 = arith.addi %scan3A_44, %scan3A_45 : i32
    %scan3A_47 = arith.constant 1 : i32
    scf.for %scan3A_57 = %scan3A_44 to %scan3A_46 step %scan3A_47  : i32 {
      %mul3A_58 = arith.constant 1 : i32
      %mul3A_59 = arith.muli %scan3A_57, %mul3A_58 : i32
      %add3A_60 = arith.constant 0 : i32
      %add3A_61 = arith.addi %add3A_60, %mul3A_59 : i32
      %mul3A_62 = arith.constant 16 : i32
      %mul3A_63 = arith.muli %add3A_61, %mul3A_62 : i32
      %get3A = arith.index_cast %mul3A_63 : i32 to index
      %get3A_64 = tpu.vector_load %arg5[%get3A] {strides = array<i32>} : memref<1536xi32, #tpu.memory_space<vmem>>, vector<16xi32>,
      %get3A_65 = vector.shape_cast %get3A_64 : vector<16xi32> to vector<16xi32>
      %ge3A = arith.constant 0 : i32
      %ge3A_66 = vector.broadcast %ge3A : i32 to vector<16xi32>
      %ge3A_67 = arith.cmpi sge, %get3A_65, %ge3A_66 : vector<16xi32>
      %broadcast_in_dim3A = arith.constant 0 : i32
      %broadcast_in_dim3A_68 = vector.broadcast %broadcast_in_dim3A : i32 to vector<16xi32>
      %shift_right_logical3A = arith.constant 7 : i32
      %shift_right_logical3A_69 = vector.broadcast %shift_right_logical3A : i32 to vector<16xi32>
      %shift_right_logical3A_70 = arith.shrui %get3A_65, %shift_right_logical3A_69 : vector<16xi32>
      %select_n3A = arith.select %ge3A_67, %shift_right_logical3A_70, %broadcast_in_dim3A_68 : vector<16xi1>, vector<16xi32>
      %and3A = arith.constant 127 : i32
      %and3A_71 = vector.broadcast %and3A : i32 to vector<16xi32>
      %and3A_72 = arith.andi %get3A_65, %and3A_71 : vector<16xi32>
      %select_n3A_73 = arith.select %ge3A_67, %and3A_72, %broadcast_in_dim3A_68 : vector<16xi1>, vector<16xi32>
      %add3A_74 = arith.constant 294624 : i32
      %add3A_75 = vector.broadcast %add3A_74 : i32 to vector<16xi32>
      %add3A_76 = arith.addi %add3A_75, %select_n3A : vector<16xi32>
      %mul3A_77 = arith.constant 80 : i32
      %mul3A_78 = vector.broadcast %mul3A_77 : i32 to vector<16xi32>
      %mul3A_79 = arith.muli %add3A_76, %mul3A_78 : vector<16xi32>
      %add3A_80 = arith.addi %mul3A_79, %select_n3A_73 : vector<16xi32>
      %mul3A_81 = arith.constant 16 : i32
      %mul3A_82 = arith.muli %add3A_61, %mul3A_81 : i32
      "tpu.region"() ({
        %run_scoped3A_83 = tpu.sem_alloc : memref<!tpu.dma_semaphore, #tpu.memory_space<semaphore_mem>>
        %dma_start3A = tpu.memref_slice %arg6[%mul3A_82] : memref<1536xf32, #tpu.memory_space<vmem>> -> memref<16xf32, #tpu.memory_space<vmem>>
        %dma_start3A_84 = arith.constant 0 : i32
        %dma_start3A_85 = tpu.memref_slice %arg2[%dma_start3A_84] : memref<31426560xf32, #tpu.memory_space<hbm>> -> memref<31426560xf32, #tpu.memory_space<hbm>>
        tpu.enqueue_indirect_dma source(%dma_start3A_85 : memref<31426560xf32, #tpu.memory_space<hbm>>) target(%dma_start3A : memref<16xf32, #tpu.memory_space<vmem>>) offsets(%add3A_80 : vector<16xi32>) semaphore(%run_scoped3A_83 : memref<!tpu.dma_semaphore, #tpu.memory_space<semaphore_mem>>)
        %dma_wait3A = tpu.memref_slice %arg6[%mul3A_82] : memref<1536xf32, #tpu.memory_space<vmem>> -> memref<16xf32, #tpu.memory_space<vmem>>
        %dma_wait3A_86 = arith.constant 0 : i32
        %dma_wait3A_87 = tpu.memref_slice %arg2[%dma_wait3A_86] : memref<31426560xf32, #tpu.memory_space<hbm>> -> memref<31426560xf32, #tpu.memory_space<hbm>>
        tpu.wait_indirect_dma semaphore(%run_scoped3A_83 : memref<!tpu.dma_semaphore, #tpu.memory_space<semaphore_mem>>) src(%dma_wait3A_87 : memref<31426560xf32, #tpu.memory_space<hbm>>) dst(%dma_wait3A : memref<16xf32, #tpu.memory_space<vmem>>)
        tpu.yield
      }) : () -> ()
    }
    %scan3A_48 = arith.constant 96 : i32
    %run_scoped3A_49 = arith.constant 6 : i32
    "tpu.region"() ({
      %run_scoped3A_57 = tpu.sem_alloc : memref<!tpu.dma_semaphore, #tpu.memory_space<semaphore_mem>>
      %dma_start3A = tpu.memref_slice %arg4[%run_scoped3A_49, %mul3A_2] : memref<8x49152xf32, #tpu.memory_space<hbm>> -> memref<1x1536xf32, #tpu.memory_space<hbm>>
      %dma_start3A_58 = tpu.memref_squeeze %dma_start3A : memref<1x1536xf32, #tpu.memory_space<hbm>> -> memref<1536xf32, #tpu.memory_space<hbm>>
      %dma_start3A_59 = tpu.memref_slice %arg4[%run_scoped3A_49, %mul3A_2] : memref<8x49152xf32, #tpu.memory_space<hbm>> -> memref<1x1536xf32, #tpu.memory_space<hbm>>
      %dma_start3A_60 = tpu.memref_squeeze %dma_start3A_59 : memref<1x1536xf32, #tpu.memory_space<hbm>> -> memref<1536xf32, #tpu.memory_space<hbm>>
      tpu.enqueue_dma source(%arg6 : memref<1536xf32, #tpu.memory_space<vmem>>) target(%dma_start3A_60 : memref<1536xf32, #tpu.memory_space<hbm>>) target_semaphore(%run_scoped3A_57 : memref<!tpu.dma_semaphore, #tpu.memory_space<semaphore_mem>>)
      %dma_wait3A = tpu.memref_slice %arg4[%run_scoped3A_49, %mul3A_2] : memref<8x49152xf32, #tpu.memory_space<hbm>> -> memref<1x1536xf32, #tpu.memory_space<hbm>>
      %dma_wait3A_61 = tpu.memref_squeeze %dma_wait3A : memref<1x1536xf32, #tpu.memory_space<hbm>> -> memref<1536xf32, #tpu.memory_space<hbm>>
      %dma_wait3A_62 = tpu.memref_slice %arg4[%run_scoped3A_49, %mul3A_2] : memref<8x49152xf32, #tpu.memory_space<hbm>> -> memref<1x1536xf32, #tpu.memory_space<hbm>>
      %dma_wait3A_63 = tpu.memref_squeeze %dma_wait3A_62 : memref<1x1536xf32, #tpu.memory_space<hbm>> -> memref<1536xf32, #tpu.memory_space<hbm>>
      tpu.wait_dma2 semaphore(%run_scoped3A_57 : memref<!tpu.dma_semaphore, #tpu.memory_space<semaphore_mem>>) src(%arg6 : memref<1536xf32, #tpu.memory_space<vmem>>) dst(%dma_wait3A_63 : memref<1536xf32, #tpu.memory_space<hbm>>)
      tpu.yield
    }) : () -> ()
    %run_scoped3A_50 = arith.constant 7 : i32
    "tpu.region"() ({
      %run_scoped3A_57 = tpu.sem_alloc : memref<!tpu.dma_semaphore, #tpu.memory_space<semaphore_mem>>
      %dma_start3A = tpu.memref_slice %arg3[%run_scoped3A_50, %mul3A_2] : memref<8x49152xi32, #tpu.memory_space<hbm>> -> memref<1x1536xi32, #tpu.memory_space<hbm>>
      %dma_start3A_58 = tpu.memref_squeeze %dma_start3A : memref<1x1536xi32, #tpu.memory_space<hbm>> -> memref<1536xi32, #tpu.memory_space<hbm>>
      %dma_start3A_59 = tpu.memref_slice %arg3[%run_scoped3A_50, %mul3A_2] : memref<8x49152xi32, #tpu.memory_space<hbm>> -> memref<1x1536xi32, #tpu.memory_space<hbm>>
      %dma_start3A_60 = tpu.memref_squeeze %dma_start3A_59 : memref<1x1536xi32, #tpu.memory_space<hbm>> -> memref<1536xi32, #tpu.memory_space<hbm>>
      tpu.enqueue_dma source(%dma_start3A_60 : memref<1536xi32, #tpu.memory_space<hbm>>) target(%arg5 : memref<1536xi32, #tpu.memory_space<vmem>>) target_semaphore(%run_scoped3A_57 : memref<!tpu.dma_semaphore, #tpu.memory_space<semaphore_mem>>)
      %dma_wait3A = tpu.memref_slice %arg3[%run_scoped3A_50, %mul3A_2] : memref<8x49152xi32, #tpu.memory_space<hbm>> -> memref<1x1536xi32, #tpu.memory_space<hbm>>
      %dma_wait3A_61 = tpu.memref_squeeze %dma_wait3A : memref<1x1536xi32, #tpu.memory_space<hbm>> -> memref<1536xi32, #tpu.memory_space<hbm>>
      %dma_wait3A_62 = tpu.memref_slice %arg3[%run_scoped3A_50, %mul3A_2] : memref<8x49152xi32, #tpu.memory_space<hbm>> -> memref<1x1536xi32, #tpu.memory_space<hbm>>
      %dma_wait3A_63 = tpu.memref_squeeze %dma_wait3A_62 : memref<1x1536xi32, #tpu.memory_space<hbm>> -> memref<1536xi32, #tpu.memory_space<hbm>>
      tpu.wait_dma2 semaphore(%run_scoped3A_57 : memref<!tpu.dma_semaphore, #tpu.memory_space<semaphore_mem>>) src(%dma_wait3A_63 : memref<1536xi32, #tpu.memory_space<hbm>>) dst(%arg5 : memref<1536xi32, #tpu.memory_space<vmem>>)
      tpu.yield
    }) : () -> ()
    %scan3A_51 = arith.constant 0 : i32
    %scan3A_52 = arith.constant 96 : i32
    %scan3A_53 = arith.addi %scan3A_51, %scan3A_52 : i32
    %scan3A_54 = arith.constant 1 : i32
    scf.for %scan3A_57 = %scan3A_51 to %scan3A_53 step %scan3A_54  : i32 {
      %mul3A_58 = arith.constant 1 : i32
      %mul3A_59 = arith.muli %scan3A_57, %mul3A_58 : i32
      %add3A_60 = arith.constant 0 : i32
      %add3A_61 = arith.addi %add3A_60, %mul3A_59 : i32
      %mul3A_62 = arith.constant 16 : i32
      %mul3A_63 = arith.muli %add3A_61, %mul3A_62 : i32
      %get3A = arith.index_cast %mul3A_63 : i32 to index
      %get3A_64 = tpu.vector_load %arg5[%get3A] {strides = array<i32>} : memref<1536xi32, #tpu.memory_space<vmem>>, vector<16xi32>,
      %get3A_65 = vector.shape_cast %get3A_64 : vector<16xi32> to vector<16xi32>
      %ge3A = arith.constant 0 : i32
      %ge3A_66 = vector.broadcast %ge3A : i32 to vector<16xi32>
      %ge3A_67 = arith.cmpi sge, %get3A_65, %ge3A_66 : vector<16xi32>
      %broadcast_in_dim3A = arith.constant 0 : i32
      %broadcast_in_dim3A_68 = vector.broadcast %broadcast_in_dim3A : i32 to vector<16xi32>
      %shift_right_logical3A = arith.constant 7 : i32
      %shift_right_logical3A_69 = vector.broadcast %shift_right_logical3A : i32 to vector<16xi32>
      %shift_right_logical3A_70 = arith.shrui %get3A_65, %shift_right_logical3A_69 : vector<16xi32>
      %select_n3A = arith.select %ge3A_67, %shift_right_logical3A_70, %broadcast_in_dim3A_68 : vector<16xi1>, vector<16xi32>
      %and3A = arith.constant 127 : i32
      %and3A_71 = vector.broadcast %and3A : i32 to vector<16xi32>
      %and3A_72 = arith.andi %get3A_65, %and3A_71 : vector<16xi32>
      %select_n3A_73 = arith.select %ge3A_67, %and3A_72, %broadcast_in_dim3A_68 : vector<16xi1>, vector<16xi32>
      %add3A_74 = arith.constant 343728 : i32
      %add3A_75 = vector.broadcast %add3A_74 : i32 to vector<16xi32>
      %add3A_76 = arith.addi %add3A_75, %select_n3A : vector<16xi32>
      %mul3A_77 = arith.constant 80 : i32
      %mul3A_78 = vector.broadcast %mul3A_77 : i32 to vector<16xi32>
      %mul3A_79 = arith.muli %add3A_76, %mul3A_78 : vector<16xi32>
      %add3A_80 = arith.addi %mul3A_79, %select_n3A_73 : vector<16xi32>
      %mul3A_81 = arith.constant 16 : i32
      %mul3A_82 = arith.muli %add3A_61, %mul3A_81 : i32
      "tpu.region"() ({
        %run_scoped3A_83 = tpu.sem_alloc : memref<!tpu.dma_semaphore, #tpu.memory_space<semaphore_mem>>
        %dma_start3A = tpu.memref_slice %arg6[%mul3A_82] : memref<1536xf32, #tpu.memory_space<vmem>> -> memref<16xf32, #tpu.memory_space<vmem>>
        %dma_start3A_84 = arith.constant 0 : i32
        %dma_start3A_85 = tpu.memref_slice %arg2[%dma_start3A_84] : memref<31426560xf32, #tpu.memory_space<hbm>> -> memref<31426560xf32, #tpu.memory_space<hbm>>
        tpu.enqueue_indirect_dma source(%dma_start3A_85 : memref<31426560xf32, #tpu.memory_space<hbm>>) target(%dma_start3A : memref<16xf32, #tpu.memory_space<vmem>>) offsets(%add3A_80 : vector<16xi32>) semaphore(%run_scoped3A_83 : memref<!tpu.dma_semaphore, #tpu.memory_space<semaphore_mem>>)
        %dma_wait3A = tpu.memref_slice %arg6[%mul3A_82] : memref<1536xf32, #tpu.memory_space<vmem>> -> memref<16xf32, #tpu.memory_space<vmem>>
        %dma_wait3A_86 = arith.constant 0 : i32
        %dma_wait3A_87 = tpu.memref_slice %arg2[%dma_wait3A_86] : memref<31426560xf32, #tpu.memory_space<hbm>> -> memref<31426560xf32, #tpu.memory_space<hbm>>
        tpu.wait_indirect_dma semaphore(%run_scoped3A_83 : memref<!tpu.dma_semaphore, #tpu.memory_space<semaphore_mem>>) src(%dma_wait3A_87 : memref<31426560xf32, #tpu.memory_space<hbm>>) dst(%dma_wait3A : memref<16xf32, #tpu.memory_space<vmem>>)
        tpu.yield
      }) : () -> ()
    }
    %scan3A_55 = arith.constant 96 : i32
    %run_scoped3A_56 = arith.constant 7 : i32
    "tpu.region"() ({
      %run_scoped3A_57 = tpu.sem_alloc : memref<!tpu.dma_semaphore, #tpu.memory_space<semaphore_mem>>
      %dma_start3A = tpu.memref_slice %arg4[%run_scoped3A_56, %mul3A_2] : memref<8x49152xf32, #tpu.memory_space<hbm>> -> memref<1x1536xf32, #tpu.memory_space<hbm>>
      %dma_start3A_58 = tpu.memref_squeeze %dma_start3A : memref<1x1536xf32, #tpu.memory_space<hbm>> -> memref<1536xf32, #tpu.memory_space<hbm>>
      %dma_start3A_59 = tpu.memref_slice %arg4[%run_scoped3A_56, %mul3A_2] : memref<8x49152xf32, #tpu.memory_space<hbm>> -> memref<1x1536xf32, #tpu.memory_space<hbm>>
      %dma_start3A_60 = tpu.memref_squeeze %dma_start3A_59 : memref<1x1536xf32, #tpu.memory_space<hbm>> -> memref<1536xf32, #tpu.memory_space<hbm>>
      tpu.enqueue_dma source(%arg6 : memref<1536xf32, #tpu.memory_space<vmem>>) target(%dma_start3A_60 : memref<1536xf32, #tpu.memory_space<hbm>>) target_semaphore(%run_scoped3A_57 : memref<!tpu.dma_semaphore, #tpu.memory_space<semaphore_mem>>)
      %dma_wait3A = tpu.memref_slice %arg4[%run_scoped3A_56, %mul3A_2] : memref<8x49152xf32, #tpu.memory_space<hbm>> -> memref<1x1536xf32, #tpu.memory_space<hbm>>
      %dma_wait3A_61 = tpu.memref_squeeze %dma_wait3A : memref<1x1536xf32, #tpu.memory_space<hbm>> -> memref<1536xf32, #tpu.memory_space<hbm>>
      %dma_wait3A_62 = tpu.memref_slice %arg4[%run_scoped3A_56, %mul3A_2] : memref<8x49152xf32, #tpu.memory_space<hbm>> -> memref<1x1536xf32, #tpu.memory_space<hbm>>
      %dma_wait3A_63 = tpu.memref_squeeze %dma_wait3A_62 : memref<1x1536xf32, #tpu.memory_space<hbm>> -> memref<1536xf32, #tpu.memory_space<hbm>>
      tpu.wait_dma2 semaphore(%run_scoped3A_57 : memref<!tpu.dma_semaphore, #tpu.memory_space<semaphore_mem>>) src(%arg6 : memref<1536xf32, #tpu.memory_space<vmem>>) dst(%dma_wait3A_63 : memref<1536xf32, #tpu.memory_space<hbm>>)
      tpu.yield
    }) : () -> ()
    return
  }
}

module attributes {stable_mosaic.version = 14 : i64} {
  func.func @_assign_body(%arg0: i32, %arg1: memref<1x1x192xf32, #tpu.memory_space<smem>>, %arg2: memref<4x384x128xf32, #tpu.memory_space<vmem>>, %arg3: memref<1x4x384x128xf32, #tpu.memory_space<vmem>>, %arg4: memref<1x384x128xf32, #tpu.memory_space<vmem>>, %arg5: memref<1x384x128xi32, #tpu.memory_space<vmem>>, %arg6: memref<1x2x128xf32, #tpu.memory_space<vmem>>) attributes {dimension_semantics = [#tpu.dimension_semantics<arbitrary>], iteration_bounds = array<i64: 8>, scalar_prefetch = 0 : i64, scratch_operands = 0 : i64, tpu.core_type = #tpu.core_type<tc>, window_params = [{transform_indices = @transform_0, window_bounds = array<i64: 1, 1, 192>}, {pipeline_mode = #tpu.pipeline_mode<synchronous>, transform_indices = @transform_1, window_bounds = array<i64: 4, 384, 128>}, {transform_indices = @transform_2, window_bounds = array<i64: 1, 4, 384, 128>}, {transform_indices = @transform_3, window_bounds = array<i64: 1, 384, 128>}, {transform_indices = @transform_4, window_bounds = array<i64: 1, 384, 128>}, {transform_indices = @transform_5, window_bounds = array<i64: 1, 2, 128>}]} {
    %get3A = arith.constant 0 : index
    %get3A_0 = arith.constant 0 : index
    %get3A_1 = arith.constant 0 : index
    %get3A_2 = vector.load %arg2[%get3A, %get3A_0, %get3A_1] : memref<4x384x128xf32, #tpu.memory_space<vmem>>, vector<1x384x128xf32>
    %get3A_3 = vector.shape_cast %get3A_2 : vector<1x384x128xf32> to vector<384x128xf32>
    %get3A_4 = arith.constant 1 : index
    %get3A_5 = arith.constant 0 : index
    %get3A_6 = arith.constant 0 : index
    %get3A_7 = vector.load %arg2[%get3A_4, %get3A_5, %get3A_6] : memref<4x384x128xf32, #tpu.memory_space<vmem>>, vector<1x384x128xf32>
    %get3A_8 = vector.shape_cast %get3A_7 : vector<1x384x128xf32> to vector<384x128xf32>
    %get3A_9 = arith.constant 2 : index
    %get3A_10 = arith.constant 0 : index
    %get3A_11 = arith.constant 0 : index
    %get3A_12 = vector.load %arg2[%get3A_9, %get3A_10, %get3A_11] : memref<4x384x128xf32, #tpu.memory_space<vmem>>, vector<1x384x128xf32>
    %get3A_13 = vector.shape_cast %get3A_12 : vector<1x384x128xf32> to vector<384x128xf32>
    %get3A_14 = arith.constant 3 : index
    %get3A_15 = arith.constant 0 : index
    %get3A_16 = arith.constant 0 : index
    %get3A_17 = vector.load %arg2[%get3A_14, %get3A_15, %get3A_16] : memref<4x384x128xf32, #tpu.memory_space<vmem>>, vector<1x384x128xf32>
    %get3A_18 = vector.shape_cast %get3A_17 : vector<1x384x128xf32> to vector<384x128xf32>
    %sub3A = arith.subf %get3A_13, %get3A_3 : vector<384x128xf32>
    %sub3A_19 = arith.subf %get3A_18, %get3A_8 : vector<384x128xf32>
    %mul3A = arith.mulf %sub3A, %sub3A_19 : vector<384x128xf32>
    %get3A_20 = arith.constant 0 : index
    %get3A_21 = arith.constant 0 : index
    %get3A_22 = arith.constant 0 : index
    %get3A_23 = memref.load %arg1[%get3A_20, %get3A_21, %get3A_22] : memref<1x1x192xf32, #tpu.memory_space<smem>>
    %get3A_24 = arith.constant 0 : index
    %get3A_25 = arith.constant 0 : index
    %get3A_26 = arith.constant 1 : index
    %get3A_27 = memref.load %arg1[%get3A_24, %get3A_25, %get3A_26] : memref<1x1x192xf32, #tpu.memory_space<smem>>
    %get3A_28 = arith.constant 0 : index
    %get3A_29 = arith.constant 0 : index
    %get3A_30 = arith.constant 2 : index
    %get3A_31 = memref.load %arg1[%get3A_28, %get3A_29, %get3A_30] : memref<1x1x192xf32, #tpu.memory_space<smem>>
    %get3A_32 = arith.constant 0 : index
    %get3A_33 = arith.constant 0 : index
    %get3A_34 = arith.constant 3 : index
    %get3A_35 = memref.load %arg1[%get3A_32, %get3A_33, %get3A_34] : memref<1x1x192xf32, #tpu.memory_space<smem>>
    %min3A = vector.broadcast %get3A_31 : f32 to vector<384x128xf32>
    %min3A_36 = arith.minimumf %get3A_13, %min3A : vector<384x128xf32>
    %max3A = vector.broadcast %get3A_23 : f32 to vector<384x128xf32>
    %max3A_37 = arith.maximumf %get3A_3, %max3A : vector<384x128xf32>
    %sub3A_38 = arith.subf %min3A_36, %max3A_37 : vector<384x128xf32>
    %max3A_39 = arith.constant 0.000000e+00 : f32
    %max3A_40 = vector.broadcast %max3A_39 : f32 to vector<384x128xf32>
    %max3A_41 = arith.maximumf %sub3A_38, %max3A_40 : vector<384x128xf32>
    %min3A_42 = vector.broadcast %get3A_35 : f32 to vector<384x128xf32>
    %min3A_43 = arith.minimumf %get3A_18, %min3A_42 : vector<384x128xf32>
    %max3A_44 = vector.broadcast %get3A_27 : f32 to vector<384x128xf32>
    %max3A_45 = arith.maximumf %get3A_8, %max3A_44 : vector<384x128xf32>
    %sub3A_46 = arith.subf %min3A_43, %max3A_45 : vector<384x128xf32>
    %max3A_47 = arith.constant 0.000000e+00 : f32
    %max3A_48 = vector.broadcast %max3A_47 : f32 to vector<384x128xf32>
    %max3A_49 = arith.maximumf %sub3A_46, %max3A_48 : vector<384x128xf32>
    %mul3A_50 = arith.mulf %max3A_41, %max3A_49 : vector<384x128xf32>
    %get3A_51 = arith.constant 0 : index
    %get3A_52 = arith.constant 0 : index
    %get3A_53 = arith.constant 5 : index
    %get3A_54 = memref.load %arg1[%get3A_51, %get3A_52, %get3A_53] : memref<1x1x192xf32, #tpu.memory_space<smem>>
    %sub3A_55 = vector.broadcast %get3A_54 : f32 to vector<384x128xf32>
    %sub3A_56 = arith.subf %sub3A_55, %mul3A_50 : vector<384x128xf32>
    %add3A = arith.addf %mul3A, %sub3A_56 : vector<384x128xf32>
    %max3A_57 = arith.constant 9.99999993E-9 : f32
    %max3A_58 = vector.broadcast %max3A_57 : f32 to vector<384x128xf32>
    %max3A_59 = arith.maximumf %add3A, %max3A_58 : vector<384x128xf32>
    %get3A_60 = arith.constant 0 : index
    %get3A_61 = arith.constant 0 : index
    %get3A_62 = arith.constant 0 : index
    %get3A_63 = memref.load %arg1[%get3A_60, %get3A_61, %get3A_62] : memref<1x1x192xf32, #tpu.memory_space<smem>>
    %broadcast_in_dim3A = vector.broadcast %get3A_63 : f32 to vector<384x128xf32>
    %get3A_64 = arith.constant 0 : index
    %get3A_65 = arith.constant 0 : index
    %get3A_66 = arith.constant 1 : index
    %get3A_67 = memref.load %arg1[%get3A_64, %get3A_65, %get3A_66] : memref<1x1x192xf32, #tpu.memory_space<smem>>
    %broadcast_in_dim3A_68 = vector.broadcast %get3A_67 : f32 to vector<384x128xf32>
    %get3A_69 = arith.constant 0 : index
    %get3A_70 = arith.constant 0 : index
    %get3A_71 = arith.constant 2 : index
    %get3A_72 = memref.load %arg1[%get3A_69, %get3A_70, %get3A_71] : memref<1x1x192xf32, #tpu.memory_space<smem>>
    %broadcast_in_dim3A_73 = vector.broadcast %get3A_72 : f32 to vector<384x128xf32>
    %get3A_74 = arith.constant 0 : index
    %get3A_75 = arith.constant 0 : index
    %get3A_76 = arith.constant 3 : index
    %get3A_77 = memref.load %arg1[%get3A_74, %get3A_75, %get3A_76] : memref<1x1x192xf32, #tpu.memory_space<smem>>
    %broadcast_in_dim3A_78 = vector.broadcast %get3A_77 : f32 to vector<384x128xf32>
    %get3A_79 = arith.constant 0 : index
    %get3A_80 = arith.constant 0 : index
    %get3A_81 = arith.constant 4 : index
    %get3A_82 = memref.load %arg1[%get3A_79, %get3A_80, %get3A_81] : memref<1x1x192xf32, #tpu.memory_space<smem>>
    %broadcast_in_dim3A_83 = vector.broadcast %get3A_82 : f32 to vector<384x128xf32>
    %get3A_84 = arith.constant 0 : index
    %get3A_85 = arith.constant 0 : index
    %get3A_86 = arith.constant 6 : index
    %get3A_87 = memref.load %arg1[%get3A_84, %get3A_85, %get3A_86] : memref<1x1x192xf32, #tpu.memory_space<smem>>
    %get3A_88 = arith.constant 0 : index
    %get3A_89 = arith.constant 0 : index
    %get3A_90 = arith.constant 7 : index
    %get3A_91 = memref.load %arg1[%get3A_88, %get3A_89, %get3A_90] : memref<1x1x192xf32, #tpu.memory_space<smem>>
    %get3A_92 = arith.constant 0 : index
    %get3A_93 = arith.constant 0 : index
    %get3A_94 = arith.constant 8 : index
    %get3A_95 = memref.load %arg1[%get3A_92, %get3A_93, %get3A_94] : memref<1x1x192xf32, #tpu.memory_space<smem>>
    %get3A_96 = arith.constant 0 : index
    %get3A_97 = arith.constant 0 : index
    %get3A_98 = arith.constant 9 : index
    %get3A_99 = memref.load %arg1[%get3A_96, %get3A_97, %get3A_98] : memref<1x1x192xf32, #tpu.memory_space<smem>>
    %min3A_100 = vector.broadcast %get3A_95 : f32 to vector<384x128xf32>
    %min3A_101 = arith.minimumf %get3A_13, %min3A_100 : vector<384x128xf32>
    %max3A_102 = vector.broadcast %get3A_87 : f32 to vector<384x128xf32>
    %max3A_103 = arith.maximumf %get3A_3, %max3A_102 : vector<384x128xf32>
    %sub3A_104 = arith.subf %min3A_101, %max3A_103 : vector<384x128xf32>
    %max3A_105 = arith.constant 0.000000e+00 : f32
    %max3A_106 = vector.broadcast %max3A_105 : f32 to vector<384x128xf32>
    %max3A_107 = arith.maximumf %sub3A_104, %max3A_106 : vector<384x128xf32>
    %min3A_108 = vector.broadcast %get3A_99 : f32 to vector<384x128xf32>
    %min3A_109 = arith.minimumf %get3A_18, %min3A_108 : vector<384x128xf32>
    %max3A_110 = vector.broadcast %get3A_91 : f32 to vector<384x128xf32>
    %max3A_111 = arith.maximumf %get3A_8, %max3A_110 : vector<384x128xf32>
    %sub3A_112 = arith.subf %min3A_109, %max3A_111 : vector<384x128xf32>
    %max3A_113 = arith.constant 0.000000e+00 : f32
    %max3A_114 = vector.broadcast %max3A_113 : f32 to vector<384x128xf32>
    %max3A_115 = arith.maximumf %sub3A_112, %max3A_114 : vector<384x128xf32>
    %mul3A_116 = arith.mulf %max3A_107, %max3A_115 : vector<384x128xf32>
    %get3A_117 = arith.constant 0 : index
    %get3A_118 = arith.constant 0 : index
    %get3A_119 = arith.constant 11 : index
    %get3A_120 = memref.load %arg1[%get3A_117, %get3A_118, %get3A_119] : memref<1x1x192xf32, #tpu.memory_space<smem>>
    %sub3A_121 = vector.broadcast %get3A_120 : f32 to vector<384x128xf32>
    %sub3A_122 = arith.subf %sub3A_121, %mul3A_116 : vector<384x128xf32>
    %add3A_123 = arith.addf %mul3A, %sub3A_122 : vector<384x128xf32>
    %max3A_124 = arith.constant 9.99999993E-9 : f32
    %max3A_125 = vector.broadcast %max3A_124 : f32 to vector<384x128xf32>
    %max3A_126 = arith.maximumf %add3A_123, %max3A_125 : vector<384x128xf32>
    %mul3A_127 = arith.mulf %mul3A_116, %max3A_59 : vector<384x128xf32>
    %mul3A_128 = arith.mulf %mul3A_50, %max3A_126 : vector<384x128xf32>
    %gt3A = arith.cmpf ogt, %mul3A_127, %mul3A_128 : vector<384x128xf32>
    %select_n3A = arith.select %gt3A, %mul3A_116, %mul3A_50 : vector<384x128xi1>, vector<384x128xf32>
    %select_n3A_129 = arith.select %gt3A, %max3A_126, %max3A_59 : vector<384x128xi1>, vector<384x128xf32>
    %get3A_130 = arith.constant 0 : index
    %get3A_131 = arith.constant 0 : index
    %get3A_132 = arith.constant 6 : index
    %get3A_133 = memref.load %arg1[%get3A_130, %get3A_131, %get3A_132] : memref<1x1x192xf32, #tpu.memory_space<smem>>
    %broadcast_in_dim3A_134 = vector.broadcast %get3A_133 : f32 to vector<384x128xf32>
    %select_n3A_135 = arith.select %gt3A, %broadcast_in_dim3A_134, %broadcast_in_dim3A : vector<384x128xi1>, vector<384x128xf32>
    %get3A_136 = arith.constant 0 : index
    %get3A_137 = arith.constant 0 : index
    %get3A_138 = arith.constant 7 : index
    %get3A_139 = memref.load %arg1[%get3A_136, %get3A_137, %get3A_138] : memref<1x1x192xf32, #tpu.memory_space<smem>>
    %broadcast_in_dim3A_140 = vector.broadcast %get3A_139 : f32 to vector<384x128xf32>
    %select_n3A_141 = arith.select %gt3A, %broadcast_in_dim3A_140, %broadcast_in_dim3A_68 : vector<384x128xi1>, vector<384x128xf32>
    %get3A_142 = arith.constant 0 : index
    %get3A_143 = arith.constant 0 : index
    %get3A_144 = arith.constant 8 : index
    %get3A_145 = memref.load %arg1[%get3A_142, %get3A_143, %get3A_144] : memref<1x1x192xf32, #tpu.memory_space<smem>>
    %broadcast_in_dim3A_146 = vector.broadcast %get3A_145 : f32 to vector<384x128xf32>
    %select_n3A_147 = arith.select %gt3A, %broadcast_in_dim3A_146, %broadcast_in_dim3A_73 : vector<384x128xi1>, vector<384x128xf32>
    %get3A_148 = arith.constant 0 : index
    %get3A_149 = arith.constant 0 : index
    %get3A_150 = arith.constant 9 : index
    %get3A_151 = memref.load %arg1[%get3A_148, %get3A_149, %get3A_150] : memref<1x1x192xf32, #tpu.memory_space<smem>>
    %broadcast_in_dim3A_152 = vector.broadcast %get3A_151 : f32 to vector<384x128xf32>
    %select_n3A_153 = arith.select %gt3A, %broadcast_in_dim3A_152, %broadcast_in_dim3A_78 : vector<384x128xi1>, vector<384x128xf32>
    %get3A_154 = arith.constant 0 : index
    %get3A_155 = arith.constant 0 : index
    %get3A_156 = arith.constant 10 : index
    %get3A_157 = memref.load %arg1[%get3A_154, %get3A_155, %get3A_156] : memref<1x1x192xf32, #tpu.memory_space<smem>>
    %broadcast_in_dim3A_158 = vector.broadcast %get3A_157 : f32 to vector<384x128xf32>
    %select_n3A_159 = arith.select %gt3A, %broadcast_in_dim3A_158, %broadcast_in_dim3A_83 : vector<384x128xi1>, vector<384x128xf32>
    %get3A_160 = arith.constant 0 : index
    %get3A_161 = arith.constant 0 : index
    %get3A_162 = arith.constant 12 : index
    %get3A_163 = memref.load %arg1[%get3A_160, %get3A_161, %get3A_162] : memref<1x1x192xf32, #tpu.memory_space<smem>>
    %get3A_164 = arith.constant 0 : index
    %get3A_165 = arith.constant 0 : index
    %get3A_166 = arith.constant 13 : index
    %get3A_167 = memref.load %arg1[%get3A_164, %get3A_165, %get3A_166] : memref<1x1x192xf32, #tpu.memory_space<smem>>
    %get3A_168 = arith.constant 0 : index
    %get3A_169 = arith.constant 0 : index
    %get3A_170 = arith.constant 14 : index
    %get3A_171 = memref.load %arg1[%get3A_168, %get3A_169, %get3A_170] : memref<1x1x192xf32, #tpu.memory_space<smem>>
    %get3A_172 = arith.constant 0 : index
    %get3A_173 = arith.constant 0 : index
    %get3A_174 = arith.constant 15 : index
    %get3A_175 = memref.load %arg1[%get3A_172, %get3A_173, %get3A_174] : memref<1x1x192xf32, #tpu.memory_space<smem>>
    %min3A_176 = vector.broadcast %get3A_171 : f32 to vector<384x128xf32>
    %min3A_177 = arith.minimumf %get3A_13, %min3A_176 : vector<384x128xf32>
    %max3A_178 = vector.broadcast %get3A_163 : f32 to vector<384x128xf32>
    %max3A_179 = arith.maximumf %get3A_3, %max3A_178 : vector<384x128xf32>
    %sub3A_180 = arith.subf %min3A_177, %max3A_179 : vector<384x128xf32>
    %max3A_181 = arith.constant 0.000000e+00 : f32
    %max3A_182 = vector.broadcast %max3A_181 : f32 to vector<384x128xf32>
    %max3A_183 = arith.maximumf %sub3A_180, %max3A_182 : vector<384x128xf32>
    %min3A_184 = vector.broadcast %get3A_175 : f32 to vector<384x128xf32>
    %min3A_185 = arith.minimumf %get3A_18, %min3A_184 : vector<384x128xf32>
    %max3A_186 = vector.broadcast %get3A_167 : f32 to vector<384x128xf32>
    %max3A_187 = arith.maximumf %get3A_8, %max3A_186 : vector<384x128xf32>
    %sub3A_188 = arith.subf %min3A_185, %max3A_187 : vector<384x128xf32>
    %max3A_189 = arith.constant 0.000000e+00 : f32
    %max3A_190 = vector.broadcast %max3A_189 : f32 to vector<384x128xf32>
    %max3A_191 = arith.maximumf %sub3A_188, %max3A_190 : vector<384x128xf32>
    %mul3A_192 = arith.mulf %max3A_183, %max3A_191 : vector<384x128xf32>
    %get3A_193 = arith.constant 0 : index
    %get3A_194 = arith.constant 0 : index
    %get3A_195 = arith.constant 17 : index
    %get3A_196 = memref.load %arg1[%get3A_193, %get3A_194, %get3A_195] : memref<1x1x192xf32, #tpu.memory_space<smem>>
    %sub3A_197 = vector.broadcast %get3A_196 : f32 to vector<384x128xf32>
    %sub3A_198 = arith.subf %sub3A_197, %mul3A_192 : vector<384x128xf32>
    %add3A_199 = arith.addf %mul3A, %sub3A_198 : vector<384x128xf32>
    %max3A_200 = arith.constant 9.99999993E-9 : f32
    %max3A_201 = vector.broadcast %max3A_200 : f32 to vector<384x128xf32>
    %max3A_202 = arith.maximumf %add3A_199, %max3A_201 : vector<384x128xf32>
    %mul3A_203 = arith.mulf %mul3A_192, %select_n3A_129 : vector<384x128xf32>
    %mul3A_204 = arith.mulf %select_n3A, %max3A_202 : vector<384x128xf32>
    %gt3A_205 = arith.cmpf ogt, %mul3A_203, %mul3A_204 : vector<384x128xf32>
    %select_n3A_206 = arith.select %gt3A_205, %mul3A_192, %select_n3A : vector<384x128xi1>, vector<384x128xf32>
    %select_n3A_207 = arith.select %gt3A_205, %max3A_202, %select_n3A_129 : vector<384x128xi1>, vector<384x128xf32>
    %get3A_208 = arith.constant 0 : index
    %get3A_209 = arith.constant 0 : index
    %get3A_210 = arith.constant 12 : index
    %get3A_211 = memref.load %arg1[%get3A_208, %get3A_209, %get3A_210] : memref<1x1x192xf32, #tpu.memory_space<smem>>
    %broadcast_in_dim3A_212 = vector.broadcast %get3A_211 : f32 to vector<384x128xf32>
    %select_n3A_213 = arith.select %gt3A_205, %broadcast_in_dim3A_212, %select_n3A_135 : vector<384x128xi1>, vector<384x128xf32>
    %get3A_214 = arith.constant 0 : index
    %get3A_215 = arith.constant 0 : index
    %get3A_216 = arith.constant 13 : index
    %get3A_217 = memref.load %arg1[%get3A_214, %get3A_215, %get3A_216] : memref<1x1x192xf32, #tpu.memory_space<smem>>
    %broadcast_in_dim3A_218 = vector.broadcast %get3A_217 : f32 to vector<384x128xf32>
    %select_n3A_219 = arith.select %gt3A_205, %broadcast_in_dim3A_218, %select_n3A_141 : vector<384x128xi1>, vector<384x128xf32>
    %get3A_220 = arith.constant 0 : index
    %get3A_221 = arith.constant 0 : index
    %get3A_222 = arith.constant 14 : index
    %get3A_223 = memref.load %arg1[%get3A_220, %get3A_221, %get3A_222] : memref<1x1x192xf32, #tpu.memory_space<smem>>
    %broadcast_in_dim3A_224 = vector.broadcast %get3A_223 : f32 to vector<384x128xf32>
    %select_n3A_225 = arith.select %gt3A_205, %broadcast_in_dim3A_224, %select_n3A_147 : vector<384x128xi1>, vector<384x128xf32>
    %get3A_226 = arith.constant 0 : index
    %get3A_227 = arith.constant 0 : index
    %get3A_228 = arith.constant 15 : index
    %get3A_229 = memref.load %arg1[%get3A_226, %get3A_227, %get3A_228] : memref<1x1x192xf32, #tpu.memory_space<smem>>
    %broadcast_in_dim3A_230 = vector.broadcast %get3A_229 : f32 to vector<384x128xf32>
    %select_n3A_231 = arith.select %gt3A_205, %broadcast_in_dim3A_230, %select_n3A_153 : vector<384x128xi1>, vector<384x128xf32>
    %get3A_232 = arith.constant 0 : index
    %get3A_233 = arith.constant 0 : index
    %get3A_234 = arith.constant 16 : index
    %get3A_235 = memref.load %arg1[%get3A_232, %get3A_233, %get3A_234] : memref<1x1x192xf32, #tpu.memory_space<smem>>
    %broadcast_in_dim3A_236 = vector.broadcast %get3A_235 : f32 to vector<384x128xf32>
    %select_n3A_237 = arith.select %gt3A_205, %broadcast_in_dim3A_236, %select_n3A_159 : vector<384x128xi1>, vector<384x128xf32>
    %get3A_238 = arith.constant 0 : index
    %get3A_239 = arith.constant 0 : index
    %get3A_240 = arith.constant 18 : index
    %get3A_241 = memref.load %arg1[%get3A_238, %get3A_239, %get3A_240] : memref<1x1x192xf32, #tpu.memory_space<smem>>
    %get3A_242 = arith.constant 0 : index
    %get3A_243 = arith.constant 0 : index
    %get3A_244 = arith.constant 19 : index
    %get3A_245 = memref.load %arg1[%get3A_242, %get3A_243, %get3A_244] : memref<1x1x192xf32, #tpu.memory_space<smem>>
    %get3A_246 = arith.constant 0 : index
    %get3A_247 = arith.constant 0 : index
    %get3A_248 = arith.constant 20 : index
    %get3A_249 = memref.load %arg1[%get3A_246, %get3A_247, %get3A_248] : memref<1x1x192xf32, #tpu.memory_space<smem>>
    %get3A_250 = arith.constant 0 : index
    %get3A_251 = arith.constant 0 : index
    %get3A_252 = arith.constant 21 : index
    %get3A_253 = memref.load %arg1[%get3A_250, %get3A_251, %get3A_252] : memref<1x1x192xf32, #tpu.memory_space<smem>>
    %min3A_254 = vector.broadcast %get3A_249 : f32 to vector<384x128xf32>
    %min3A_255 = arith.minimumf %get3A_13, %min3A_254 : vector<384x128xf32>
    %max3A_256 = vector.broadcast %get3A_241 : f32 to vector<384x128xf32>
    %max3A_257 = arith.maximumf %get3A_3, %max3A_256 : vector<384x128xf32>
    %sub3A_258 = arith.subf %min3A_255, %max3A_257 : vector<384x128xf32>
    %max3A_259 = arith.constant 0.000000e+00 : f32
    %max3A_260 = vector.broadcast %max3A_259 : f32 to vector<384x128xf32>
    %max3A_261 = arith.maximumf %sub3A_258, %max3A_260 : vector<384x128xf32>
    %min3A_262 = vector.broadcast %get3A_253 : f32 to vector<384x128xf32>
    %min3A_263 = arith.minimumf %get3A_18, %min3A_262 : vector<384x128xf32>
    %max3A_264 = vector.broadcast %get3A_245 : f32 to vector<384x128xf32>
    %max3A_265 = arith.maximumf %get3A_8, %max3A_264 : vector<384x128xf32>
    %sub3A_266 = arith.subf %min3A_263, %max3A_265 : vector<384x128xf32>
    %max3A_267 = arith.constant 0.000000e+00 : f32
    %max3A_268 = vector.broadcast %max3A_267 : f32 to vector<384x128xf32>
    %max3A_269 = arith.maximumf %sub3A_266, %max3A_268 : vector<384x128xf32>
    %mul3A_270 = arith.mulf %max3A_261, %max3A_269 : vector<384x128xf32>
    %get3A_271 = arith.constant 0 : index
    %get3A_272 = arith.constant 0 : index
    %get3A_273 = arith.constant 23 : index
    %get3A_274 = memref.load %arg1[%get3A_271, %get3A_272, %get3A_273] : memref<1x1x192xf32, #tpu.memory_space<smem>>
    %sub3A_275 = vector.broadcast %get3A_274 : f32 to vector<384x128xf32>
    %sub3A_276 = arith.subf %sub3A_275, %mul3A_270 : vector<384x128xf32>
    %add3A_277 = arith.addf %mul3A, %sub3A_276 : vector<384x128xf32>
    %max3A_278 = arith.constant 9.99999993E-9 : f32
    %max3A_279 = vector.broadcast %max3A_278 : f32 to vector<384x128xf32>
    %max3A_280 = arith.maximumf %add3A_277, %max3A_279 : vector<384x128xf32>
    %mul3A_281 = arith.mulf %mul3A_270, %select_n3A_207 : vector<384x128xf32>
    %mul3A_282 = arith.mulf %select_n3A_206, %max3A_280 : vector<384x128xf32>
    %gt3A_283 = arith.cmpf ogt, %mul3A_281, %mul3A_282 : vector<384x128xf32>
    %select_n3A_284 = arith.select %gt3A_283, %mul3A_270, %select_n3A_206 : vector<384x128xi1>, vector<384x128xf32>
    %select_n3A_285 = arith.select %gt3A_283, %max3A_280, %select_n3A_207 : vector<384x128xi1>, vector<384x128xf32>
    %get3A_286 = arith.constant 0 : index
    %get3A_287 = arith.constant 0 : index
    %get3A_288 = arith.constant 18 : index
    %get3A_289 = memref.load %arg1[%get3A_286, %get3A_287, %get3A_288] : memref<1x1x192xf32, #tpu.memory_space<smem>>
    %broadcast_in_dim3A_290 = vector.broadcast %get3A_289 : f32 to vector<384x128xf32>
    %select_n3A_291 = arith.select %gt3A_283, %broadcast_in_dim3A_290, %select_n3A_213 : vector<384x128xi1>, vector<384x128xf32>
    %get3A_292 = arith.constant 0 : index
    %get3A_293 = arith.constant 0 : index
    %get3A_294 = arith.constant 19 : index
    %get3A_295 = memref.load %arg1[%get3A_292, %get3A_293, %get3A_294] : memref<1x1x192xf32, #tpu.memory_space<smem>>
    %broadcast_in_dim3A_296 = vector.broadcast %get3A_295 : f32 to vector<384x128xf32>
    %select_n3A_297 = arith.select %gt3A_283, %broadcast_in_dim3A_296, %select_n3A_219 : vector<384x128xi1>, vector<384x128xf32>
    %get3A_298 = arith.constant 0 : index
    %get3A_299 = arith.constant 0 : index
    %get3A_300 = arith.constant 20 : index
    %get3A_301 = memref.load %arg1[%get3A_298, %get3A_299, %get3A_300] : memref<1x1x192xf32, #tpu.memory_space<smem>>
    %broadcast_in_dim3A_302 = vector.broadcast %get3A_301 : f32 to vector<384x128xf32>
    %select_n3A_303 = arith.select %gt3A_283, %broadcast_in_dim3A_302, %select_n3A_225 : vector<384x128xi1>, vector<384x128xf32>
    %get3A_304 = arith.constant 0 : index
    %get3A_305 = arith.constant 0 : index
    %get3A_306 = arith.constant 21 : index
    %get3A_307 = memref.load %arg1[%get3A_304, %get3A_305, %get3A_306] : memref<1x1x192xf32, #tpu.memory_space<smem>>
    %broadcast_in_dim3A_308 = vector.broadcast %get3A_307 : f32 to vector<384x128xf32>
    %select_n3A_309 = arith.select %gt3A_283, %broadcast_in_dim3A_308, %select_n3A_231 : vector<384x128xi1>, vector<384x128xf32>
    %get3A_310 = arith.constant 0 : index
    %get3A_311 = arith.constant 0 : index
    %get3A_312 = arith.constant 22 : index
    %get3A_313 = memref.load %arg1[%get3A_310, %get3A_311, %get3A_312] : memref<1x1x192xf32, #tpu.memory_space<smem>>
    %broadcast_in_dim3A_314 = vector.broadcast %get3A_313 : f32 to vector<384x128xf32>
    %select_n3A_315 = arith.select %gt3A_283, %broadcast_in_dim3A_314, %select_n3A_237 : vector<384x128xi1>, vector<384x128xf32>
    %get3A_316 = arith.constant 0 : index
    %get3A_317 = arith.constant 0 : index
    %get3A_318 = arith.constant 24 : index
    %get3A_319 = memref.load %arg1[%get3A_316, %get3A_317, %get3A_318] : memref<1x1x192xf32, #tpu.memory_space<smem>>
    %get3A_320 = arith.constant 0 : index
    %get3A_321 = arith.constant 0 : index
    %get3A_322 = arith.constant 25 : index
    %get3A_323 = memref.load %arg1[%get3A_320, %get3A_321, %get3A_322] : memref<1x1x192xf32, #tpu.memory_space<smem>>
    %get3A_324 = arith.constant 0 : index
    %get3A_325 = arith.constant 0 : index
    %get3A_326 = arith.constant 26 : index
    %get3A_327 = memref.load %arg1[%get3A_324, %get3A_325, %get3A_326] : memref<1x1x192xf32, #tpu.memory_space<smem>>
    %get3A_328 = arith.constant 0 : index
    %get3A_329 = arith.constant 0 : index
    %get3A_330 = arith.constant 27 : index
    %get3A_331 = memref.load %arg1[%get3A_328, %get3A_329, %get3A_330] : memref<1x1x192xf32, #tpu.memory_space<smem>>
    %min3A_332 = vector.broadcast %get3A_327 : f32 to vector<384x128xf32>
    %min3A_333 = arith.minimumf %get3A_13, %min3A_332 : vector<384x128xf32>
    %max3A_334 = vector.broadcast %get3A_319 : f32 to vector<384x128xf32>
    %max3A_335 = arith.maximumf %get3A_3, %max3A_334 : vector<384x128xf32>
    %sub3A_336 = arith.subf %min3A_333, %max3A_335 : vector<384x128xf32>
    %max3A_337 = arith.constant 0.000000e+00 : f32
    %max3A_338 = vector.broadcast %max3A_337 : f32 to vector<384x128xf32>
    %max3A_339 = arith.maximumf %sub3A_336, %max3A_338 : vector<384x128xf32>
    %min3A_340 = vector.broadcast %get3A_331 : f32 to vector<384x128xf32>
    %min3A_341 = arith.minimumf %get3A_18, %min3A_340 : vector<384x128xf32>
    %max3A_342 = vector.broadcast %get3A_323 : f32 to vector<384x128xf32>
    %max3A_343 = arith.maximumf %get3A_8, %max3A_342 : vector<384x128xf32>
    %sub3A_344 = arith.subf %min3A_341, %max3A_343 : vector<384x128xf32>
    %max3A_345 = arith.constant 0.000000e+00 : f32
    %max3A_346 = vector.broadcast %max3A_345 : f32 to vector<384x128xf32>
    %max3A_347 = arith.maximumf %sub3A_344, %max3A_346 : vector<384x128xf32>
    %mul3A_348 = arith.mulf %max3A_339, %max3A_347 : vector<384x128xf32>
    %get3A_349 = arith.constant 0 : index
    %get3A_350 = arith.constant 0 : index
    %get3A_351 = arith.constant 29 : index
    %get3A_352 = memref.load %arg1[%get3A_349, %get3A_350, %get3A_351] : memref<1x1x192xf32, #tpu.memory_space<smem>>
    %sub3A_353 = vector.broadcast %get3A_352 : f32 to vector<384x128xf32>
    %sub3A_354 = arith.subf %sub3A_353, %mul3A_348 : vector<384x128xf32>
    %add3A_355 = arith.addf %mul3A, %sub3A_354 : vector<384x128xf32>
    %max3A_356 = arith.constant 9.99999993E-9 : f32
    %max3A_357 = vector.broadcast %max3A_356 : f32 to vector<384x128xf32>
    %max3A_358 = arith.maximumf %add3A_355, %max3A_357 : vector<384x128xf32>
    %mul3A_359 = arith.mulf %mul3A_348, %select_n3A_285 : vector<384x128xf32>
    %mul3A_360 = arith.mulf %select_n3A_284, %max3A_358 : vector<384x128xf32>
    %gt3A_361 = arith.cmpf ogt, %mul3A_359, %mul3A_360 : vector<384x128xf32>
    %select_n3A_362 = arith.select %gt3A_361, %mul3A_348, %select_n3A_284 : vector<384x128xi1>, vector<384x128xf32>
    %select_n3A_363 = arith.select %gt3A_361, %max3A_358, %select_n3A_285 : vector<384x128xi1>, vector<384x128xf32>
    %get3A_364 = arith.constant 0 : index
    %get3A_365 = arith.constant 0 : index
    %get3A_366 = arith.constant 24 : index
    %get3A_367 = memref.load %arg1[%get3A_364, %get3A_365, %get3A_366] : memref<1x1x192xf32, #tpu.memory_space<smem>>
    %broadcast_in_dim3A_368 = vector.broadcast %get3A_367 : f32 to vector<384x128xf32>
    %select_n3A_369 = arith.select %gt3A_361, %broadcast_in_dim3A_368, %select_n3A_291 : vector<384x128xi1>, vector<384x128xf32>
    %get3A_370 = arith.constant 0 : index
    %get3A_371 = arith.constant 0 : index
    %get3A_372 = arith.constant 25 : index
    %get3A_373 = memref.load %arg1[%get3A_370, %get3A_371, %get3A_372] : memref<1x1x192xf32, #tpu.memory_space<smem>>
    %broadcast_in_dim3A_374 = vector.broadcast %get3A_373 : f32 to vector<384x128xf32>
    %select_n3A_375 = arith.select %gt3A_361, %broadcast_in_dim3A_374, %select_n3A_297 : vector<384x128xi1>, vector<384x128xf32>
    %get3A_376 = arith.constant 0 : index
    %get3A_377 = arith.constant 0 : index
    %get3A_378 = arith.constant 26 : index
    %get3A_379 = memref.load %arg1[%get3A_376, %get3A_377, %get3A_378] : memref<1x1x192xf32, #tpu.memory_space<smem>>
    %broadcast_in_dim3A_380 = vector.broadcast %get3A_379 : f32 to vector<384x128xf32>
    %select_n3A_381 = arith.select %gt3A_361, %broadcast_in_dim3A_380, %select_n3A_303 : vector<384x128xi1>, vector<384x128xf32>
    %get3A_382 = arith.constant 0 : index
    %get3A_383 = arith.constant 0 : index
    %get3A_384 = arith.constant 27 : index
    %get3A_385 = memref.load %arg1[%get3A_382, %get3A_383, %get3A_384] : memref<1x1x192xf32, #tpu.memory_space<smem>>
    %broadcast_in_dim3A_386 = vector.broadcast %get3A_385 : f32 to vector<384x128xf32>
    %select_n3A_387 = arith.select %gt3A_361, %broadcast_in_dim3A_386, %select_n3A_309 : vector<384x128xi1>, vector<384x128xf32>
    %get3A_388 = arith.constant 0 : index
    %get3A_389 = arith.constant 0 : index
    %get3A_390 = arith.constant 28 : index
    %get3A_391 = memref.load %arg1[%get3A_388, %get3A_389, %get3A_390] : memref<1x1x192xf32, #tpu.memory_space<smem>>
    %broadcast_in_dim3A_392 = vector.broadcast %get3A_391 : f32 to vector<384x128xf32>
    %select_n3A_393 = arith.select %gt3A_361, %broadcast_in_dim3A_392, %select_n3A_315 : vector<384x128xi1>, vector<384x128xf32>
    %get3A_394 = arith.constant 0 : index
    %get3A_395 = arith.constant 0 : index
    %get3A_396 = arith.constant 30 : index
    %get3A_397 = memref.load %arg1[%get3A_394, %get3A_395, %get3A_396] : memref<1x1x192xf32, #tpu.memory_space<smem>>
    %get3A_398 = arith.constant 0 : index
    %get3A_399 = arith.constant 0 : index
    %get3A_400 = arith.constant 31 : index
    %get3A_401 = memref.load %arg1[%get3A_398, %get3A_399, %get3A_400] : memref<1x1x192xf32, #tpu.memory_space<smem>>
    %get3A_402 = arith.constant 0 : index
    %get3A_403 = arith.constant 0 : index
    %get3A_404 = arith.constant 32 : index
    %get3A_405 = memref.load %arg1[%get3A_402, %get3A_403, %get3A_404] : memref<1x1x192xf32, #tpu.memory_space<smem>>
    %get3A_406 = arith.constant 0 : index
    %get3A_407 = arith.constant 0 : index
    %get3A_408 = arith.constant 33 : index
    %get3A_409 = memref.load %arg1[%get3A_406, %get3A_407, %get3A_408] : memref<1x1x192xf32, #tpu.memory_space<smem>>
    %min3A_410 = vector.broadcast %get3A_405 : f32 to vector<384x128xf32>
    %min3A_411 = arith.minimumf %get3A_13, %min3A_410 : vector<384x128xf32>
    %max3A_412 = vector.broadcast %get3A_397 : f32 to vector<384x128xf32>
    %max3A_413 = arith.maximumf %get3A_3, %max3A_412 : vector<384x128xf32>
    %sub3A_414 = arith.subf %min3A_411, %max3A_413 : vector<384x128xf32>
    %max3A_415 = arith.constant 0.000000e+00 : f32
    %max3A_416 = vector.broadcast %max3A_415 : f32 to vector<384x128xf32>
    %max3A_417 = arith.maximumf %sub3A_414, %max3A_416 : vector<384x128xf32>
    %min3A_418 = vector.broadcast %get3A_409 : f32 to vector<384x128xf32>
    %min3A_419 = arith.minimumf %get3A_18, %min3A_418 : vector<384x128xf32>
    %max3A_420 = vector.broadcast %get3A_401 : f32 to vector<384x128xf32>
    %max3A_421 = arith.maximumf %get3A_8, %max3A_420 : vector<384x128xf32>
    %sub3A_422 = arith.subf %min3A_419, %max3A_421 : vector<384x128xf32>
    %max3A_423 = arith.constant 0.000000e+00 : f32
    %max3A_424 = vector.broadcast %max3A_423 : f32 to vector<384x128xf32>
    %max3A_425 = arith.maximumf %sub3A_422, %max3A_424 : vector<384x128xf32>
    %mul3A_426 = arith.mulf %max3A_417, %max3A_425 : vector<384x128xf32>
    %get3A_427 = arith.constant 0 : index
    %get3A_428 = arith.constant 0 : index
    %get3A_429 = arith.constant 35 : index
    %get3A_430 = memref.load %arg1[%get3A_427, %get3A_428, %get3A_429] : memref<1x1x192xf32, #tpu.memory_space<smem>>
    %sub3A_431 = vector.broadcast %get3A_430 : f32 to vector<384x128xf32>
    %sub3A_432 = arith.subf %sub3A_431, %mul3A_426 : vector<384x128xf32>
    %add3A_433 = arith.addf %mul3A, %sub3A_432 : vector<384x128xf32>
    %max3A_434 = arith.constant 9.99999993E-9 : f32
    %max3A_435 = vector.broadcast %max3A_434 : f32 to vector<384x128xf32>
    %max3A_436 = arith.maximumf %add3A_433, %max3A_435 : vector<384x128xf32>
    %mul3A_437 = arith.mulf %mul3A_426, %select_n3A_363 : vector<384x128xf32>
    %mul3A_438 = arith.mulf %select_n3A_362, %max3A_436 : vector<384x128xf32>
    %gt3A_439 = arith.cmpf ogt, %mul3A_437, %mul3A_438 : vector<384x128xf32>
    %select_n3A_440 = arith.select %gt3A_439, %mul3A_426, %select_n3A_362 : vector<384x128xi1>, vector<384x128xf32>
    %select_n3A_441 = arith.select %gt3A_439, %max3A_436, %select_n3A_363 : vector<384x128xi1>, vector<384x128xf32>
    %get3A_442 = arith.constant 0 : index
    %get3A_443 = arith.constant 0 : index
    %get3A_444 = arith.constant 30 : index
    %get3A_445 = memref.load %arg1[%get3A_442, %get3A_443, %get3A_444] : memref<1x1x192xf32, #tpu.memory_space<smem>>
    %broadcast_in_dim3A_446 = vector.broadcast %get3A_445 : f32 to vector<384x128xf32>
    %select_n3A_447 = arith.select %gt3A_439, %broadcast_in_dim3A_446, %select_n3A_369 : vector<384x128xi1>, vector<384x128xf32>
    %get3A_448 = arith.constant 0 : index
    %get3A_449 = arith.constant 0 : index
    %get3A_450 = arith.constant 31 : index
    %get3A_451 = memref.load %arg1[%get3A_448, %get3A_449, %get3A_450] : memref<1x1x192xf32, #tpu.memory_space<smem>>
    %broadcast_in_dim3A_452 = vector.broadcast %get3A_451 : f32 to vector<384x128xf32>
    %select_n3A_453 = arith.select %gt3A_439, %broadcast_in_dim3A_452, %select_n3A_375 : vector<384x128xi1>, vector<384x128xf32>
    %get3A_454 = arith.constant 0 : index
    %get3A_455 = arith.constant 0 : index
    %get3A_456 = arith.constant 32 : index
    %get3A_457 = memref.load %arg1[%get3A_454, %get3A_455, %get3A_456] : memref<1x1x192xf32, #tpu.memory_space<smem>>
    %broadcast_in_dim3A_458 = vector.broadcast %get3A_457 : f32 to vector<384x128xf32>
    %select_n3A_459 = arith.select %gt3A_439, %broadcast_in_dim3A_458, %select_n3A_381 : vector<384x128xi1>, vector<384x128xf32>
    %get3A_460 = arith.constant 0 : index
    %get3A_461 = arith.constant 0 : index
    %get3A_462 = arith.constant 33 : index
    %get3A_463 = memref.load %arg1[%get3A_460, %get3A_461, %get3A_462] : memref<1x1x192xf32, #tpu.memory_space<smem>>
    %broadcast_in_dim3A_464 = vector.broadcast %get3A_463 : f32 to vector<384x128xf32>
    %select_n3A_465 = arith.select %gt3A_439, %broadcast_in_dim3A_464, %select_n3A_387 : vector<384x128xi1>, vector<384x128xf32>
    %get3A_466 = arith.constant 0 : index
    %get3A_467 = arith.constant 0 : index
    %get3A_468 = arith.constant 34 : index
    %get3A_469 = memref.load %arg1[%get3A_466, %get3A_467, %get3A_468] : memref<1x1x192xf32, #tpu.memory_space<smem>>
    %broadcast_in_dim3A_470 = vector.broadcast %get3A_469 : f32 to vector<384x128xf32>
    %select_n3A_471 = arith.select %gt3A_439, %broadcast_in_dim3A_470, %select_n3A_393 : vector<384x128xi1>, vector<384x128xf32>
    %get3A_472 = arith.constant 0 : index
    %get3A_473 = arith.constant 0 : index
    %get3A_474 = arith.constant 36 : index
    %get3A_475 = memref.load %arg1[%get3A_472, %get3A_473, %get3A_474] : memref<1x1x192xf32, #tpu.memory_space<smem>>
    %get3A_476 = arith.constant 0 : index
    %get3A_477 = arith.constant 0 : index
    %get3A_478 = arith.constant 37 : index
    %get3A_479 = memref.load %arg1[%get3A_476, %get3A_477, %get3A_478] : memref<1x1x192xf32, #tpu.memory_space<smem>>
    %get3A_480 = arith.constant 0 : index
    %get3A_481 = arith.constant 0 : index
    %get3A_482 = arith.constant 38 : index
    %get3A_483 = memref.load %arg1[%get3A_480, %get3A_481, %get3A_482] : memref<1x1x192xf32, #tpu.memory_space<smem>>
    %get3A_484 = arith.constant 0 : index
    %get3A_485 = arith.constant 0 : index
    %get3A_486 = arith.constant 39 : index
    %get3A_487 = memref.load %arg1[%get3A_484, %get3A_485, %get3A_486] : memref<1x1x192xf32, #tpu.memory_space<smem>>
    %min3A_488 = vector.broadcast %get3A_483 : f32 to vector<384x128xf32>
    %min3A_489 = arith.minimumf %get3A_13, %min3A_488 : vector<384x128xf32>
    %max3A_490 = vector.broadcast %get3A_475 : f32 to vector<384x128xf32>
    %max3A_491 = arith.maximumf %get3A_3, %max3A_490 : vector<384x128xf32>
    %sub3A_492 = arith.subf %min3A_489, %max3A_491 : vector<384x128xf32>
    %max3A_493 = arith.constant 0.000000e+00 : f32
    %max3A_494 = vector.broadcast %max3A_493 : f32 to vector<384x128xf32>
    %max3A_495 = arith.maximumf %sub3A_492, %max3A_494 : vector<384x128xf32>
    %min3A_496 = vector.broadcast %get3A_487 : f32 to vector<384x128xf32>
    %min3A_497 = arith.minimumf %get3A_18, %min3A_496 : vector<384x128xf32>
    %max3A_498 = vector.broadcast %get3A_479 : f32 to vector<384x128xf32>
    %max3A_499 = arith.maximumf %get3A_8, %max3A_498 : vector<384x128xf32>
    %sub3A_500 = arith.subf %min3A_497, %max3A_499 : vector<384x128xf32>
    %max3A_501 = arith.constant 0.000000e+00 : f32
    %max3A_502 = vector.broadcast %max3A_501 : f32 to vector<384x128xf32>
    %max3A_503 = arith.maximumf %sub3A_500, %max3A_502 : vector<384x128xf32>
    %mul3A_504 = arith.mulf %max3A_495, %max3A_503 : vector<384x128xf32>
    %get3A_505 = arith.constant 0 : index
    %get3A_506 = arith.constant 0 : index
    %get3A_507 = arith.constant 41 : index
    %get3A_508 = memref.load %arg1[%get3A_505, %get3A_506, %get3A_507] : memref<1x1x192xf32, #tpu.memory_space<smem>>
    %sub3A_509 = vector.broadcast %get3A_508 : f32 to vector<384x128xf32>
    %sub3A_510 = arith.subf %sub3A_509, %mul3A_504 : vector<384x128xf32>
    %add3A_511 = arith.addf %mul3A, %sub3A_510 : vector<384x128xf32>
    %max3A_512 = arith.constant 9.99999993E-9 : f32
    %max3A_513 = vector.broadcast %max3A_512 : f32 to vector<384x128xf32>
    %max3A_514 = arith.maximumf %add3A_511, %max3A_513 : vector<384x128xf32>
    %mul3A_515 = arith.mulf %mul3A_504, %select_n3A_441 : vector<384x128xf32>
    %mul3A_516 = arith.mulf %select_n3A_440, %max3A_514 : vector<384x128xf32>
    %gt3A_517 = arith.cmpf ogt, %mul3A_515, %mul3A_516 : vector<384x128xf32>
    %select_n3A_518 = arith.select %gt3A_517, %mul3A_504, %select_n3A_440 : vector<384x128xi1>, vector<384x128xf32>
    %select_n3A_519 = arith.select %gt3A_517, %max3A_514, %select_n3A_441 : vector<384x128xi1>, vector<384x128xf32>
    %get3A_520 = arith.constant 0 : index
    %get3A_521 = arith.constant 0 : index
    %get3A_522 = arith.constant 36 : index
    %get3A_523 = memref.load %arg1[%get3A_520, %get3A_521, %get3A_522] : memref<1x1x192xf32, #tpu.memory_space<smem>>
    %broadcast_in_dim3A_524 = vector.broadcast %get3A_523 : f32 to vector<384x128xf32>
    %select_n3A_525 = arith.select %gt3A_517, %broadcast_in_dim3A_524, %select_n3A_447 : vector<384x128xi1>, vector<384x128xf32>
    %get3A_526 = arith.constant 0 : index
    %get3A_527 = arith.constant 0 : index
    %get3A_528 = arith.constant 37 : index
    %get3A_529 = memref.load %arg1[%get3A_526, %get3A_527, %get3A_528] : memref<1x1x192xf32, #tpu.memory_space<smem>>
    %broadcast_in_dim3A_530 = vector.broadcast %get3A_529 : f32 to vector<384x128xf32>
    %select_n3A_531 = arith.select %gt3A_517, %broadcast_in_dim3A_530, %select_n3A_453 : vector<384x128xi1>, vector<384x128xf32>
    %get3A_532 = arith.constant 0 : index
    %get3A_533 = arith.constant 0 : index
    %get3A_534 = arith.constant 38 : index
    %get3A_535 = memref.load %arg1[%get3A_532, %get3A_533, %get3A_534] : memref<1x1x192xf32, #tpu.memory_space<smem>>
    %broadcast_in_dim3A_536 = vector.broadcast %get3A_535 : f32 to vector<384x128xf32>
    %select_n3A_537 = arith.select %gt3A_517, %broadcast_in_dim3A_536, %select_n3A_459 : vector<384x128xi1>, vector<384x128xf32>
    %get3A_538 = arith.constant 0 : index
    %get3A_539 = arith.constant 0 : index
    %get3A_540 = arith.constant 39 : index
    %get3A_541 = memref.load %arg1[%get3A_538, %get3A_539, %get3A_540] : memref<1x1x192xf32, #tpu.memory_space<smem>>
    %broadcast_in_dim3A_542 = vector.broadcast %get3A_541 : f32 to vector<384x128xf32>
    %select_n3A_543 = arith.select %gt3A_517, %broadcast_in_dim3A_542, %select_n3A_465 : vector<384x128xi1>, vector<384x128xf32>
    %get3A_544 = arith.constant 0 : index
    %get3A_545 = arith.constant 0 : index
    %get3A_546 = arith.constant 40 : index
    %get3A_547 = memref.load %arg1[%get3A_544, %get3A_545, %get3A_546] : memref<1x1x192xf32, #tpu.memory_space<smem>>
    %broadcast_in_dim3A_548 = vector.broadcast %get3A_547 : f32 to vector<384x128xf32>
    %select_n3A_549 = arith.select %gt3A_517, %broadcast_in_dim3A_548, %select_n3A_471 : vector<384x128xi1>, vector<384x128xf32>
    %get3A_550 = arith.constant 0 : index
    %get3A_551 = arith.constant 0 : index
    %get3A_552 = arith.constant 42 : index
    %get3A_553 = memref.load %arg1[%get3A_550, %get3A_551, %get3A_552] : memref<1x1x192xf32, #tpu.memory_space<smem>>
    %get3A_554 = arith.constant 0 : index
    %get3A_555 = arith.constant 0 : index
    %get3A_556 = arith.constant 43 : index
    %get3A_557 = memref.load %arg1[%get3A_554, %get3A_555, %get3A_556] : memref<1x1x192xf32, #tpu.memory_space<smem>>
    %get3A_558 = arith.constant 0 : index
    %get3A_559 = arith.constant 0 : index
    %get3A_560 = arith.constant 44 : index
    %get3A_561 = memref.load %arg1[%get3A_558, %get3A_559, %get3A_560] : memref<1x1x192xf32, #tpu.memory_space<smem>>
    %get3A_562 = arith.constant 0 : index
    %get3A_563 = arith.constant 0 : index
    %get3A_564 = arith.constant 45 : index
    %get3A_565 = memref.load %arg1[%get3A_562, %get3A_563, %get3A_564] : memref<1x1x192xf32, #tpu.memory_space<smem>>
    %min3A_566 = vector.broadcast %get3A_561 : f32 to vector<384x128xf32>
    %min3A_567 = arith.minimumf %get3A_13, %min3A_566 : vector<384x128xf32>
    %max3A_568 = vector.broadcast %get3A_553 : f32 to vector<384x128xf32>
    %max3A_569 = arith.maximumf %get3A_3, %max3A_568 : vector<384x128xf32>
    %sub3A_570 = arith.subf %min3A_567, %max3A_569 : vector<384x128xf32>
    %max3A_571 = arith.constant 0.000000e+00 : f32
    %max3A_572 = vector.broadcast %max3A_571 : f32 to vector<384x128xf32>
    %max3A_573 = arith.maximumf %sub3A_570, %max3A_572 : vector<384x128xf32>
    %min3A_574 = vector.broadcast %get3A_565 : f32 to vector<384x128xf32>
    %min3A_575 = arith.minimumf %get3A_18, %min3A_574 : vector<384x128xf32>
    %max3A_576 = vector.broadcast %get3A_557 : f32 to vector<384x128xf32>
    %max3A_577 = arith.maximumf %get3A_8, %max3A_576 : vector<384x128xf32>
    %sub3A_578 = arith.subf %min3A_575, %max3A_577 : vector<384x128xf32>
    %max3A_579 = arith.constant 0.000000e+00 : f32
    %max3A_580 = vector.broadcast %max3A_579 : f32 to vector<384x128xf32>
    %max3A_581 = arith.maximumf %sub3A_578, %max3A_580 : vector<384x128xf32>
    %mul3A_582 = arith.mulf %max3A_573, %max3A_581 : vector<384x128xf32>
    %get3A_583 = arith.constant 0 : index
    %get3A_584 = arith.constant 0 : index
    %get3A_585 = arith.constant 47 : index
    %get3A_586 = memref.load %arg1[%get3A_583, %get3A_584, %get3A_585] : memref<1x1x192xf32, #tpu.memory_space<smem>>
    %sub3A_587 = vector.broadcast %get3A_586 : f32 to vector<384x128xf32>
    %sub3A_588 = arith.subf %sub3A_587, %mul3A_582 : vector<384x128xf32>
    %add3A_589 = arith.addf %mul3A, %sub3A_588 : vector<384x128xf32>
    %max3A_590 = arith.constant 9.99999993E-9 : f32
    %max3A_591 = vector.broadcast %max3A_590 : f32 to vector<384x128xf32>
    %max3A_592 = arith.maximumf %add3A_589, %max3A_591 : vector<384x128xf32>
    %mul3A_593 = arith.mulf %mul3A_582, %select_n3A_519 : vector<384x128xf32>
    %mul3A_594 = arith.mulf %select_n3A_518, %max3A_592 : vector<384x128xf32>
    %gt3A_595 = arith.cmpf ogt, %mul3A_593, %mul3A_594 : vector<384x128xf32>
    %select_n3A_596 = arith.select %gt3A_595, %mul3A_582, %select_n3A_518 : vector<384x128xi1>, vector<384x128xf32>
    %select_n3A_597 = arith.select %gt3A_595, %max3A_592, %select_n3A_519 : vector<384x128xi1>, vector<384x128xf32>
    %get3A_598 = arith.constant 0 : index
    %get3A_599 = arith.constant 0 : index
    %get3A_600 = arith.constant 42 : index
    %get3A_601 = memref.load %arg1[%get3A_598, %get3A_599, %get3A_600] : memref<1x1x192xf32, #tpu.memory_space<smem>>
    %broadcast_in_dim3A_602 = vector.broadcast %get3A_601 : f32 to vector<384x128xf32>
    %select_n3A_603 = arith.select %gt3A_595, %broadcast_in_dim3A_602, %select_n3A_525 : vector<384x128xi1>, vector<384x128xf32>
    %get3A_604 = arith.constant 0 : index
    %get3A_605 = arith.constant 0 : index
    %get3A_606 = arith.constant 43 : index
    %get3A_607 = memref.load %arg1[%get3A_604, %get3A_605, %get3A_606] : memref<1x1x192xf32, #tpu.memory_space<smem>>
    %broadcast_in_dim3A_608 = vector.broadcast %get3A_607 : f32 to vector<384x128xf32>
    %select_n3A_609 = arith.select %gt3A_595, %broadcast_in_dim3A_608, %select_n3A_531 : vector<384x128xi1>, vector<384x128xf32>
    %get3A_610 = arith.constant 0 : index
    %get3A_611 = arith.constant 0 : index
    %get3A_612 = arith.constant 44 : index
    %get3A_613 = memref.load %arg1[%get3A_610, %get3A_611, %get3A_612] : memref<1x1x192xf32, #tpu.memory_space<smem>>
    %broadcast_in_dim3A_614 = vector.broadcast %get3A_613 : f32 to vector<384x128xf32>
    %select_n3A_615 = arith.select %gt3A_595, %broadcast_in_dim3A_614, %select_n3A_537 : vector<384x128xi1>, vector<384x128xf32>
    %get3A_616 = arith.constant 0 : index
    %get3A_617 = arith.constant 0 : index
    %get3A_618 = arith.constant 45 : index
    %get3A_619 = memref.load %arg1[%get3A_616, %get3A_617, %get3A_618] : memref<1x1x192xf32, #tpu.memory_space<smem>>
    %broadcast_in_dim3A_620 = vector.broadcast %get3A_619 : f32 to vector<384x128xf32>
    %select_n3A_621 = arith.select %gt3A_595, %broadcast_in_dim3A_620, %select_n3A_543 : vector<384x128xi1>, vector<384x128xf32>
    %get3A_622 = arith.constant 0 : index
    %get3A_623 = arith.constant 0 : index
    %get3A_624 = arith.constant 46 : index
    %get3A_625 = memref.load %arg1[%get3A_622, %get3A_623, %get3A_624] : memref<1x1x192xf32, #tpu.memory_space<smem>>
    %broadcast_in_dim3A_626 = vector.broadcast %get3A_625 : f32 to vector<384x128xf32>
    %select_n3A_627 = arith.select %gt3A_595, %broadcast_in_dim3A_626, %select_n3A_549 : vector<384x128xi1>, vector<384x128xf32>
    %get3A_628 = arith.constant 0 : index
    %get3A_629 = arith.constant 0 : index
    %get3A_630 = arith.constant 48 : index
    %get3A_631 = memref.load %arg1[%get3A_628, %get3A_629, %get3A_630] : memref<1x1x192xf32, #tpu.memory_space<smem>>
    %get3A_632 = arith.constant 0 : index
    %get3A_633 = arith.constant 0 : index
    %get3A_634 = arith.constant 49 : index
    %get3A_635 = memref.load %arg1[%get3A_632, %get3A_633, %get3A_634] : memref<1x1x192xf32, #tpu.memory_space<smem>>
    %get3A_636 = arith.constant 0 : index
    %get3A_637 = arith.constant 0 : index
    %get3A_638 = arith.constant 50 : index
    %get3A_639 = memref.load %arg1[%get3A_636, %get3A_637, %get3A_638] : memref<1x1x192xf32, #tpu.memory_space<smem>>
    %get3A_640 = arith.constant 0 : index
    %get3A_641 = arith.constant 0 : index
    %get3A_642 = arith.constant 51 : index
    %get3A_643 = memref.load %arg1[%get3A_640, %get3A_641, %get3A_642] : memref<1x1x192xf32, #tpu.memory_space<smem>>
    %min3A_644 = vector.broadcast %get3A_639 : f32 to vector<384x128xf32>
    %min3A_645 = arith.minimumf %get3A_13, %min3A_644 : vector<384x128xf32>
    %max3A_646 = vector.broadcast %get3A_631 : f32 to vector<384x128xf32>
    %max3A_647 = arith.maximumf %get3A_3, %max3A_646 : vector<384x128xf32>
    %sub3A_648 = arith.subf %min3A_645, %max3A_647 : vector<384x128xf32>
    %max3A_649 = arith.constant 0.000000e+00 : f32
    %max3A_650 = vector.broadcast %max3A_649 : f32 to vector<384x128xf32>
    %max3A_651 = arith.maximumf %sub3A_648, %max3A_650 : vector<384x128xf32>
    %min3A_652 = vector.broadcast %get3A_643 : f32 to vector<384x128xf32>
    %min3A_653 = arith.minimumf %get3A_18, %min3A_652 : vector<384x128xf32>
    %max3A_654 = vector.broadcast %get3A_635 : f32 to vector<384x128xf32>
    %max3A_655 = arith.maximumf %get3A_8, %max3A_654 : vector<384x128xf32>
    %sub3A_656 = arith.subf %min3A_653, %max3A_655 : vector<384x128xf32>
    %max3A_657 = arith.constant 0.000000e+00 : f32
    %max3A_658 = vector.broadcast %max3A_657 : f32 to vector<384x128xf32>
    %max3A_659 = arith.maximumf %sub3A_656, %max3A_658 : vector<384x128xf32>
    %mul3A_660 = arith.mulf %max3A_651, %max3A_659 : vector<384x128xf32>
    %get3A_661 = arith.constant 0 : index
    %get3A_662 = arith.constant 0 : index
    %get3A_663 = arith.constant 53 : index
    %get3A_664 = memref.load %arg1[%get3A_661, %get3A_662, %get3A_663] : memref<1x1x192xf32, #tpu.memory_space<smem>>
    %sub3A_665 = vector.broadcast %get3A_664 : f32 to vector<384x128xf32>
    %sub3A_666 = arith.subf %sub3A_665, %mul3A_660 : vector<384x128xf32>
    %add3A_667 = arith.addf %mul3A, %sub3A_666 : vector<384x128xf32>
    %max3A_668 = arith.constant 9.99999993E-9 : f32
    %max3A_669 = vector.broadcast %max3A_668 : f32 to vector<384x128xf32>
    %max3A_670 = arith.maximumf %add3A_667, %max3A_669 : vector<384x128xf32>
    %mul3A_671 = arith.mulf %mul3A_660, %select_n3A_597 : vector<384x128xf32>
    %mul3A_672 = arith.mulf %select_n3A_596, %max3A_670 : vector<384x128xf32>
    %gt3A_673 = arith.cmpf ogt, %mul3A_671, %mul3A_672 : vector<384x128xf32>
    %select_n3A_674 = arith.select %gt3A_673, %mul3A_660, %select_n3A_596 : vector<384x128xi1>, vector<384x128xf32>
    %select_n3A_675 = arith.select %gt3A_673, %max3A_670, %select_n3A_597 : vector<384x128xi1>, vector<384x128xf32>
    %get3A_676 = arith.constant 0 : index
    %get3A_677 = arith.constant 0 : index
    %get3A_678 = arith.constant 48 : index
    %get3A_679 = memref.load %arg1[%get3A_676, %get3A_677, %get3A_678] : memref<1x1x192xf32, #tpu.memory_space<smem>>
    %broadcast_in_dim3A_680 = vector.broadcast %get3A_679 : f32 to vector<384x128xf32>
    %select_n3A_681 = arith.select %gt3A_673, %broadcast_in_dim3A_680, %select_n3A_603 : vector<384x128xi1>, vector<384x128xf32>
    %get3A_682 = arith.constant 0 : index
    %get3A_683 = arith.constant 0 : index
    %get3A_684 = arith.constant 49 : index
    %get3A_685 = memref.load %arg1[%get3A_682, %get3A_683, %get3A_684] : memref<1x1x192xf32, #tpu.memory_space<smem>>
    %broadcast_in_dim3A_686 = vector.broadcast %get3A_685 : f32 to vector<384x128xf32>
    %select_n3A_687 = arith.select %gt3A_673, %broadcast_in_dim3A_686, %select_n3A_609 : vector<384x128xi1>, vector<384x128xf32>
    %get3A_688 = arith.constant 0 : index
    %get3A_689 = arith.constant 0 : index
    %get3A_690 = arith.constant 50 : index
    %get3A_691 = memref.load %arg1[%get3A_688, %get3A_689, %get3A_690] : memref<1x1x192xf32, #tpu.memory_space<smem>>
    %broadcast_in_dim3A_692 = vector.broadcast %get3A_691 : f32 to vector<384x128xf32>
    %select_n3A_693 = arith.select %gt3A_673, %broadcast_in_dim3A_692, %select_n3A_615 : vector<384x128xi1>, vector<384x128xf32>
    %get3A_694 = arith.constant 0 : index
    %get3A_695 = arith.constant 0 : index
    %get3A_696 = arith.constant 51 : index
    %get3A_697 = memref.load %arg1[%get3A_694, %get3A_695, %get3A_696] : memref<1x1x192xf32, #tpu.memory_space<smem>>
    %broadcast_in_dim3A_698 = vector.broadcast %get3A_697 : f32 to vector<384x128xf32>
    %select_n3A_699 = arith.select %gt3A_673, %broadcast_in_dim3A_698, %select_n3A_621 : vector<384x128xi1>, vector<384x128xf32>
    %get3A_700 = arith.constant 0 : index
    %get3A_701 = arith.constant 0 : index
    %get3A_702 = arith.constant 52 : index
    %get3A_703 = memref.load %arg1[%get3A_700, %get3A_701, %get3A_702] : memref<1x1x192xf32, #tpu.memory_space<smem>>
    %broadcast_in_dim3A_704 = vector.broadcast %get3A_703 : f32 to vector<384x128xf32>
    %select_n3A_705 = arith.select %gt3A_673, %broadcast_in_dim3A_704, %select_n3A_627 : vector<384x128xi1>, vector<384x128xf32>
    %get3A_706 = arith.constant 0 : index
    %get3A_707 = arith.constant 0 : index
    %get3A_708 = arith.constant 54 : index
    %get3A_709 = memref.load %arg1[%get3A_706, %get3A_707, %get3A_708] : memref<1x1x192xf32, #tpu.memory_space<smem>>
    %get3A_710 = arith.constant 0 : index
    %get3A_711 = arith.constant 0 : index
    %get3A_712 = arith.constant 55 : index
    %get3A_713 = memref.load %arg1[%get3A_710, %get3A_711, %get3A_712] : memref<1x1x192xf32, #tpu.memory_space<smem>>
    %get3A_714 = arith.constant 0 : index
    %get3A_715 = arith.constant 0 : index
    %get3A_716 = arith.constant 56 : index
    %get3A_717 = memref.load %arg1[%get3A_714, %get3A_715, %get3A_716] : memref<1x1x192xf32, #tpu.memory_space<smem>>
    %get3A_718 = arith.constant 0 : index
    %get3A_719 = arith.constant 0 : index
    %get3A_720 = arith.constant 57 : index
    %get3A_721 = memref.load %arg1[%get3A_718, %get3A_719, %get3A_720] : memref<1x1x192xf32, #tpu.memory_space<smem>>
    %min3A_722 = vector.broadcast %get3A_717 : f32 to vector<384x128xf32>
    %min3A_723 = arith.minimumf %get3A_13, %min3A_722 : vector<384x128xf32>
    %max3A_724 = vector.broadcast %get3A_709 : f32 to vector<384x128xf32>
    %max3A_725 = arith.maximumf %get3A_3, %max3A_724 : vector<384x128xf32>
    %sub3A_726 = arith.subf %min3A_723, %max3A_725 : vector<384x128xf32>
    %max3A_727 = arith.constant 0.000000e+00 : f32
    %max3A_728 = vector.broadcast %max3A_727 : f32 to vector<384x128xf32>
    %max3A_729 = arith.maximumf %sub3A_726, %max3A_728 : vector<384x128xf32>
    %min3A_730 = vector.broadcast %get3A_721 : f32 to vector<384x128xf32>
    %min3A_731 = arith.minimumf %get3A_18, %min3A_730 : vector<384x128xf32>
    %max3A_732 = vector.broadcast %get3A_713 : f32 to vector<384x128xf32>
    %max3A_733 = arith.maximumf %get3A_8, %max3A_732 : vector<384x128xf32>
    %sub3A_734 = arith.subf %min3A_731, %max3A_733 : vector<384x128xf32>
    %max3A_735 = arith.constant 0.000000e+00 : f32
    %max3A_736 = vector.broadcast %max3A_735 : f32 to vector<384x128xf32>
    %max3A_737 = arith.maximumf %sub3A_734, %max3A_736 : vector<384x128xf32>
    %mul3A_738 = arith.mulf %max3A_729, %max3A_737 : vector<384x128xf32>
    %get3A_739 = arith.constant 0 : index
    %get3A_740 = arith.constant 0 : index
    %get3A_741 = arith.constant 59 : index
    %get3A_742 = memref.load %arg1[%get3A_739, %get3A_740, %get3A_741] : memref<1x1x192xf32, #tpu.memory_space<smem>>
    %sub3A_743 = vector.broadcast %get3A_742 : f32 to vector<384x128xf32>
    %sub3A_744 = arith.subf %sub3A_743, %mul3A_738 : vector<384x128xf32>
    %add3A_745 = arith.addf %mul3A, %sub3A_744 : vector<384x128xf32>
    %max3A_746 = arith.constant 9.99999993E-9 : f32
    %max3A_747 = vector.broadcast %max3A_746 : f32 to vector<384x128xf32>
    %max3A_748 = arith.maximumf %add3A_745, %max3A_747 : vector<384x128xf32>
    %mul3A_749 = arith.mulf %mul3A_738, %select_n3A_675 : vector<384x128xf32>
    %mul3A_750 = arith.mulf %select_n3A_674, %max3A_748 : vector<384x128xf32>
    %gt3A_751 = arith.cmpf ogt, %mul3A_749, %mul3A_750 : vector<384x128xf32>
    %select_n3A_752 = arith.select %gt3A_751, %mul3A_738, %select_n3A_674 : vector<384x128xi1>, vector<384x128xf32>
    %select_n3A_753 = arith.select %gt3A_751, %max3A_748, %select_n3A_675 : vector<384x128xi1>, vector<384x128xf32>
    %get3A_754 = arith.constant 0 : index
    %get3A_755 = arith.constant 0 : index
    %get3A_756 = arith.constant 54 : index
    %get3A_757 = memref.load %arg1[%get3A_754, %get3A_755, %get3A_756] : memref<1x1x192xf32, #tpu.memory_space<smem>>
    %broadcast_in_dim3A_758 = vector.broadcast %get3A_757 : f32 to vector<384x128xf32>
    %select_n3A_759 = arith.select %gt3A_751, %broadcast_in_dim3A_758, %select_n3A_681 : vector<384x128xi1>, vector<384x128xf32>
    %get3A_760 = arith.constant 0 : index
    %get3A_761 = arith.constant 0 : index
    %get3A_762 = arith.constant 55 : index
    %get3A_763 = memref.load %arg1[%get3A_760, %get3A_761, %get3A_762] : memref<1x1x192xf32, #tpu.memory_space<smem>>
    %broadcast_in_dim3A_764 = vector.broadcast %get3A_763 : f32 to vector<384x128xf32>
    %select_n3A_765 = arith.select %gt3A_751, %broadcast_in_dim3A_764, %select_n3A_687 : vector<384x128xi1>, vector<384x128xf32>
    %get3A_766 = arith.constant 0 : index
    %get3A_767 = arith.constant 0 : index
    %get3A_768 = arith.constant 56 : index
    %get3A_769 = memref.load %arg1[%get3A_766, %get3A_767, %get3A_768] : memref<1x1x192xf32, #tpu.memory_space<smem>>
    %broadcast_in_dim3A_770 = vector.broadcast %get3A_769 : f32 to vector<384x128xf32>
    %select_n3A_771 = arith.select %gt3A_751, %broadcast_in_dim3A_770, %select_n3A_693 : vector<384x128xi1>, vector<384x128xf32>
    %get3A_772 = arith.constant 0 : index
    %get3A_773 = arith.constant 0 : index
    %get3A_774 = arith.constant 57 : index
    %get3A_775 = memref.load %arg1[%get3A_772, %get3A_773, %get3A_774] : memref<1x1x192xf32, #tpu.memory_space<smem>>
    %broadcast_in_dim3A_776 = vector.broadcast %get3A_775 : f32 to vector<384x128xf32>
    %select_n3A_777 = arith.select %gt3A_751, %broadcast_in_dim3A_776, %select_n3A_699 : vector<384x128xi1>, vector<384x128xf32>
    %get3A_778 = arith.constant 0 : index
    %get3A_779 = arith.constant 0 : index
    %get3A_780 = arith.constant 58 : index
    %get3A_781 = memref.load %arg1[%get3A_778, %get3A_779, %get3A_780] : memref<1x1x192xf32, #tpu.memory_space<smem>>
    %broadcast_in_dim3A_782 = vector.broadcast %get3A_781 : f32 to vector<384x128xf32>
    %select_n3A_783 = arith.select %gt3A_751, %broadcast_in_dim3A_782, %select_n3A_705 : vector<384x128xi1>, vector<384x128xf32>
    %get3A_784 = arith.constant 0 : index
    %get3A_785 = arith.constant 0 : index
    %get3A_786 = arith.constant 60 : index
    %get3A_787 = memref.load %arg1[%get3A_784, %get3A_785, %get3A_786] : memref<1x1x192xf32, #tpu.memory_space<smem>>
    %get3A_788 = arith.constant 0 : index
    %get3A_789 = arith.constant 0 : index
    %get3A_790 = arith.constant 61 : index
    %get3A_791 = memref.load %arg1[%get3A_788, %get3A_789, %get3A_790] : memref<1x1x192xf32, #tpu.memory_space<smem>>
    %get3A_792 = arith.constant 0 : index
    %get3A_793 = arith.constant 0 : index
    %get3A_794 = arith.constant 62 : index
    %get3A_795 = memref.load %arg1[%get3A_792, %get3A_793, %get3A_794] : memref<1x1x192xf32, #tpu.memory_space<smem>>
    %get3A_796 = arith.constant 0 : index
    %get3A_797 = arith.constant 0 : index
    %get3A_798 = arith.constant 63 : index
    %get3A_799 = memref.load %arg1[%get3A_796, %get3A_797, %get3A_798] : memref<1x1x192xf32, #tpu.memory_space<smem>>
    %min3A_800 = vector.broadcast %get3A_795 : f32 to vector<384x128xf32>
    %min3A_801 = arith.minimumf %get3A_13, %min3A_800 : vector<384x128xf32>
    %max3A_802 = vector.broadcast %get3A_787 : f32 to vector<384x128xf32>
    %max3A_803 = arith.maximumf %get3A_3, %max3A_802 : vector<384x128xf32>
    %sub3A_804 = arith.subf %min3A_801, %max3A_803 : vector<384x128xf32>
    %max3A_805 = arith.constant 0.000000e+00 : f32
    %max3A_806 = vector.broadcast %max3A_805 : f32 to vector<384x128xf32>
    %max3A_807 = arith.maximumf %sub3A_804, %max3A_806 : vector<384x128xf32>
    %min3A_808 = vector.broadcast %get3A_799 : f32 to vector<384x128xf32>
    %min3A_809 = arith.minimumf %get3A_18, %min3A_808 : vector<384x128xf32>
    %max3A_810 = vector.broadcast %get3A_791 : f32 to vector<384x128xf32>
    %max3A_811 = arith.maximumf %get3A_8, %max3A_810 : vector<384x128xf32>
    %sub3A_812 = arith.subf %min3A_809, %max3A_811 : vector<384x128xf32>
    %max3A_813 = arith.constant 0.000000e+00 : f32
    %max3A_814 = vector.broadcast %max3A_813 : f32 to vector<384x128xf32>
    %max3A_815 = arith.maximumf %sub3A_812, %max3A_814 : vector<384x128xf32>
    %mul3A_816 = arith.mulf %max3A_807, %max3A_815 : vector<384x128xf32>
    %get3A_817 = arith.constant 0 : index
    %get3A_818 = arith.constant 0 : index
    %get3A_819 = arith.constant 65 : index
    %get3A_820 = memref.load %arg1[%get3A_817, %get3A_818, %get3A_819] : memref<1x1x192xf32, #tpu.memory_space<smem>>
    %sub3A_821 = vector.broadcast %get3A_820 : f32 to vector<384x128xf32>
    %sub3A_822 = arith.subf %sub3A_821, %mul3A_816 : vector<384x128xf32>
    %add3A_823 = arith.addf %mul3A, %sub3A_822 : vector<384x128xf32>
    %max3A_824 = arith.constant 9.99999993E-9 : f32
    %max3A_825 = vector.broadcast %max3A_824 : f32 to vector<384x128xf32>
    %max3A_826 = arith.maximumf %add3A_823, %max3A_825 : vector<384x128xf32>
    %mul3A_827 = arith.mulf %mul3A_816, %select_n3A_753 : vector<384x128xf32>
    %mul3A_828 = arith.mulf %select_n3A_752, %max3A_826 : vector<384x128xf32>
    %gt3A_829 = arith.cmpf ogt, %mul3A_827, %mul3A_828 : vector<384x128xf32>
    %select_n3A_830 = arith.select %gt3A_829, %mul3A_816, %select_n3A_752 : vector<384x128xi1>, vector<384x128xf32>
    %select_n3A_831 = arith.select %gt3A_829, %max3A_826, %select_n3A_753 : vector<384x128xi1>, vector<384x128xf32>
    %get3A_832 = arith.constant 0 : index
    %get3A_833 = arith.constant 0 : index
    %get3A_834 = arith.constant 60 : index
    %get3A_835 = memref.load %arg1[%get3A_832, %get3A_833, %get3A_834] : memref<1x1x192xf32, #tpu.memory_space<smem>>
    %broadcast_in_dim3A_836 = vector.broadcast %get3A_835 : f32 to vector<384x128xf32>
    %select_n3A_837 = arith.select %gt3A_829, %broadcast_in_dim3A_836, %select_n3A_759 : vector<384x128xi1>, vector<384x128xf32>
    %get3A_838 = arith.constant 0 : index
    %get3A_839 = arith.constant 0 : index
    %get3A_840 = arith.constant 61 : index
    %get3A_841 = memref.load %arg1[%get3A_838, %get3A_839, %get3A_840] : memref<1x1x192xf32, #tpu.memory_space<smem>>
    %broadcast_in_dim3A_842 = vector.broadcast %get3A_841 : f32 to vector<384x128xf32>
    %select_n3A_843 = arith.select %gt3A_829, %broadcast_in_dim3A_842, %select_n3A_765 : vector<384x128xi1>, vector<384x128xf32>
    %get3A_844 = arith.constant 0 : index
    %get3A_845 = arith.constant 0 : index
    %get3A_846 = arith.constant 62 : index
    %get3A_847 = memref.load %arg1[%get3A_844, %get3A_845, %get3A_846] : memref<1x1x192xf32, #tpu.memory_space<smem>>
    %broadcast_in_dim3A_848 = vector.broadcast %get3A_847 : f32 to vector<384x128xf32>
    %select_n3A_849 = arith.select %gt3A_829, %broadcast_in_dim3A_848, %select_n3A_771 : vector<384x128xi1>, vector<384x128xf32>
    %get3A_850 = arith.constant 0 : index
    %get3A_851 = arith.constant 0 : index
    %get3A_852 = arith.constant 63 : index
    %get3A_853 = memref.load %arg1[%get3A_850, %get3A_851, %get3A_852] : memref<1x1x192xf32, #tpu.memory_space<smem>>
    %broadcast_in_dim3A_854 = vector.broadcast %get3A_853 : f32 to vector<384x128xf32>
    %select_n3A_855 = arith.select %gt3A_829, %broadcast_in_dim3A_854, %select_n3A_777 : vector<384x128xi1>, vector<384x128xf32>
    %get3A_856 = arith.constant 0 : index
    %get3A_857 = arith.constant 0 : index
    %get3A_858 = arith.constant 64 : index
    %get3A_859 = memref.load %arg1[%get3A_856, %get3A_857, %get3A_858] : memref<1x1x192xf32, #tpu.memory_space<smem>>
    %broadcast_in_dim3A_860 = vector.broadcast %get3A_859 : f32 to vector<384x128xf32>
    %select_n3A_861 = arith.select %gt3A_829, %broadcast_in_dim3A_860, %select_n3A_783 : vector<384x128xi1>, vector<384x128xf32>
    %get3A_862 = arith.constant 0 : index
    %get3A_863 = arith.constant 0 : index
    %get3A_864 = arith.constant 66 : index
    %get3A_865 = memref.load %arg1[%get3A_862, %get3A_863, %get3A_864] : memref<1x1x192xf32, #tpu.memory_space<smem>>
    %get3A_866 = arith.constant 0 : index
    %get3A_867 = arith.constant 0 : index
    %get3A_868 = arith.constant 67 : index
    %get3A_869 = memref.load %arg1[%get3A_866, %get3A_867, %get3A_868] : memref<1x1x192xf32, #tpu.memory_space<smem>>
    %get3A_870 = arith.constant 0 : index
    %get3A_871 = arith.constant 0 : index
    %get3A_872 = arith.constant 68 : index
    %get3A_873 = memref.load %arg1[%get3A_870, %get3A_871, %get3A_872] : memref<1x1x192xf32, #tpu.memory_space<smem>>
    %get3A_874 = arith.constant 0 : index
    %get3A_875 = arith.constant 0 : index
    %get3A_876 = arith.constant 69 : index
    %get3A_877 = memref.load %arg1[%get3A_874, %get3A_875, %get3A_876] : memref<1x1x192xf32, #tpu.memory_space<smem>>
    %min3A_878 = vector.broadcast %get3A_873 : f32 to vector<384x128xf32>
    %min3A_879 = arith.minimumf %get3A_13, %min3A_878 : vector<384x128xf32>
    %max3A_880 = vector.broadcast %get3A_865 : f32 to vector<384x128xf32>
    %max3A_881 = arith.maximumf %get3A_3, %max3A_880 : vector<384x128xf32>
    %sub3A_882 = arith.subf %min3A_879, %max3A_881 : vector<384x128xf32>
    %max3A_883 = arith.constant 0.000000e+00 : f32
    %max3A_884 = vector.broadcast %max3A_883 : f32 to vector<384x128xf32>
    %max3A_885 = arith.maximumf %sub3A_882, %max3A_884 : vector<384x128xf32>
    %min3A_886 = vector.broadcast %get3A_877 : f32 to vector<384x128xf32>
    %min3A_887 = arith.minimumf %get3A_18, %min3A_886 : vector<384x128xf32>
    %max3A_888 = vector.broadcast %get3A_869 : f32 to vector<384x128xf32>
    %max3A_889 = arith.maximumf %get3A_8, %max3A_888 : vector<384x128xf32>
    %sub3A_890 = arith.subf %min3A_887, %max3A_889 : vector<384x128xf32>
    %max3A_891 = arith.constant 0.000000e+00 : f32
    %max3A_892 = vector.broadcast %max3A_891 : f32 to vector<384x128xf32>
    %max3A_893 = arith.maximumf %sub3A_890, %max3A_892 : vector<384x128xf32>
    %mul3A_894 = arith.mulf %max3A_885, %max3A_893 : vector<384x128xf32>
    %get3A_895 = arith.constant 0 : index
    %get3A_896 = arith.constant 0 : index
    %get3A_897 = arith.constant 71 : index
    %get3A_898 = memref.load %arg1[%get3A_895, %get3A_896, %get3A_897] : memref<1x1x192xf32, #tpu.memory_space<smem>>
    %sub3A_899 = vector.broadcast %get3A_898 : f32 to vector<384x128xf32>
    %sub3A_900 = arith.subf %sub3A_899, %mul3A_894 : vector<384x128xf32>
    %add3A_901 = arith.addf %mul3A, %sub3A_900 : vector<384x128xf32>
    %max3A_902 = arith.constant 9.99999993E-9 : f32
    %max3A_903 = vector.broadcast %max3A_902 : f32 to vector<384x128xf32>
    %max3A_904 = arith.maximumf %add3A_901, %max3A_903 : vector<384x128xf32>
    %mul3A_905 = arith.mulf %mul3A_894, %select_n3A_831 : vector<384x128xf32>
    %mul3A_906 = arith.mulf %select_n3A_830, %max3A_904 : vector<384x128xf32>
    %gt3A_907 = arith.cmpf ogt, %mul3A_905, %mul3A_906 : vector<384x128xf32>
    %select_n3A_908 = arith.select %gt3A_907, %mul3A_894, %select_n3A_830 : vector<384x128xi1>, vector<384x128xf32>
    %select_n3A_909 = arith.select %gt3A_907, %max3A_904, %select_n3A_831 : vector<384x128xi1>, vector<384x128xf32>
    %get3A_910 = arith.constant 0 : index
    %get3A_911 = arith.constant 0 : index
    %get3A_912 = arith.constant 66 : index
    %get3A_913 = memref.load %arg1[%get3A_910, %get3A_911, %get3A_912] : memref<1x1x192xf32, #tpu.memory_space<smem>>
    %broadcast_in_dim3A_914 = vector.broadcast %get3A_913 : f32 to vector<384x128xf32>
    %select_n3A_915 = arith.select %gt3A_907, %broadcast_in_dim3A_914, %select_n3A_837 : vector<384x128xi1>, vector<384x128xf32>
    %get3A_916 = arith.constant 0 : index
    %get3A_917 = arith.constant 0 : index
    %get3A_918 = arith.constant 67 : index
    %get3A_919 = memref.load %arg1[%get3A_916, %get3A_917, %get3A_918] : memref<1x1x192xf32, #tpu.memory_space<smem>>
    %broadcast_in_dim3A_920 = vector.broadcast %get3A_919 : f32 to vector<384x128xf32>
    %select_n3A_921 = arith.select %gt3A_907, %broadcast_in_dim3A_920, %select_n3A_843 : vector<384x128xi1>, vector<384x128xf32>
    %get3A_922 = arith.constant 0 : index
    %get3A_923 = arith.constant 0 : index
    %get3A_924 = arith.constant 68 : index
    %get3A_925 = memref.load %arg1[%get3A_922, %get3A_923, %get3A_924] : memref<1x1x192xf32, #tpu.memory_space<smem>>
    %broadcast_in_dim3A_926 = vector.broadcast %get3A_925 : f32 to vector<384x128xf32>
    %select_n3A_927 = arith.select %gt3A_907, %broadcast_in_dim3A_926, %select_n3A_849 : vector<384x128xi1>, vector<384x128xf32>
    %get3A_928 = arith.constant 0 : index
    %get3A_929 = arith.constant 0 : index
    %get3A_930 = arith.constant 69 : index
    %get3A_931 = memref.load %arg1[%get3A_928, %get3A_929, %get3A_930] : memref<1x1x192xf32, #tpu.memory_space<smem>>
    %broadcast_in_dim3A_932 = vector.broadcast %get3A_931 : f32 to vector<384x128xf32>
    %select_n3A_933 = arith.select %gt3A_907, %broadcast_in_dim3A_932, %select_n3A_855 : vector<384x128xi1>, vector<384x128xf32>
    %get3A_934 = arith.constant 0 : index
    %get3A_935 = arith.constant 0 : index
    %get3A_936 = arith.constant 70 : index
    %get3A_937 = memref.load %arg1[%get3A_934, %get3A_935, %get3A_936] : memref<1x1x192xf32, #tpu.memory_space<smem>>
    %broadcast_in_dim3A_938 = vector.broadcast %get3A_937 : f32 to vector<384x128xf32>
    %select_n3A_939 = arith.select %gt3A_907, %broadcast_in_dim3A_938, %select_n3A_861 : vector<384x128xi1>, vector<384x128xf32>
    %get3A_940 = arith.constant 0 : index
    %get3A_941 = arith.constant 0 : index
    %get3A_942 = arith.constant 72 : index
    %get3A_943 = memref.load %arg1[%get3A_940, %get3A_941, %get3A_942] : memref<1x1x192xf32, #tpu.memory_space<smem>>
    %get3A_944 = arith.constant 0 : index
    %get3A_945 = arith.constant 0 : index
    %get3A_946 = arith.constant 73 : index
    %get3A_947 = memref.load %arg1[%get3A_944, %get3A_945, %get3A_946] : memref<1x1x192xf32, #tpu.memory_space<smem>>
    %get3A_948 = arith.constant 0 : index
    %get3A_949 = arith.constant 0 : index
    %get3A_950 = arith.constant 74 : index
    %get3A_951 = memref.load %arg1[%get3A_948, %get3A_949, %get3A_950] : memref<1x1x192xf32, #tpu.memory_space<smem>>
    %get3A_952 = arith.constant 0 : index
    %get3A_953 = arith.constant 0 : index
    %get3A_954 = arith.constant 75 : index
    %get3A_955 = memref.load %arg1[%get3A_952, %get3A_953, %get3A_954] : memref<1x1x192xf32, #tpu.memory_space<smem>>
    %min3A_956 = vector.broadcast %get3A_951 : f32 to vector<384x128xf32>
    %min3A_957 = arith.minimumf %get3A_13, %min3A_956 : vector<384x128xf32>
    %max3A_958 = vector.broadcast %get3A_943 : f32 to vector<384x128xf32>
    %max3A_959 = arith.maximumf %get3A_3, %max3A_958 : vector<384x128xf32>
    %sub3A_960 = arith.subf %min3A_957, %max3A_959 : vector<384x128xf32>
    %max3A_961 = arith.constant 0.000000e+00 : f32
    %max3A_962 = vector.broadcast %max3A_961 : f32 to vector<384x128xf32>
    %max3A_963 = arith.maximumf %sub3A_960, %max3A_962 : vector<384x128xf32>
    %min3A_964 = vector.broadcast %get3A_955 : f32 to vector<384x128xf32>
    %min3A_965 = arith.minimumf %get3A_18, %min3A_964 : vector<384x128xf32>
    %max3A_966 = vector.broadcast %get3A_947 : f32 to vector<384x128xf32>
    %max3A_967 = arith.maximumf %get3A_8, %max3A_966 : vector<384x128xf32>
    %sub3A_968 = arith.subf %min3A_965, %max3A_967 : vector<384x128xf32>
    %max3A_969 = arith.constant 0.000000e+00 : f32
    %max3A_970 = vector.broadcast %max3A_969 : f32 to vector<384x128xf32>
    %max3A_971 = arith.maximumf %sub3A_968, %max3A_970 : vector<384x128xf32>
    %mul3A_972 = arith.mulf %max3A_963, %max3A_971 : vector<384x128xf32>
    %get3A_973 = arith.constant 0 : index
    %get3A_974 = arith.constant 0 : index
    %get3A_975 = arith.constant 77 : index
    %get3A_976 = memref.load %arg1[%get3A_973, %get3A_974, %get3A_975] : memref<1x1x192xf32, #tpu.memory_space<smem>>
    %sub3A_977 = vector.broadcast %get3A_976 : f32 to vector<384x128xf32>
    %sub3A_978 = arith.subf %sub3A_977, %mul3A_972 : vector<384x128xf32>
    %add3A_979 = arith.addf %mul3A, %sub3A_978 : vector<384x128xf32>
    %max3A_980 = arith.constant 9.99999993E-9 : f32
    %max3A_981 = vector.broadcast %max3A_980 : f32 to vector<384x128xf32>
    %max3A_982 = arith.maximumf %add3A_979, %max3A_981 : vector<384x128xf32>
    %mul3A_983 = arith.mulf %mul3A_972, %select_n3A_909 : vector<384x128xf32>
    %mul3A_984 = arith.mulf %select_n3A_908, %max3A_982 : vector<384x128xf32>
    %gt3A_985 = arith.cmpf ogt, %mul3A_983, %mul3A_984 : vector<384x128xf32>
    %select_n3A_986 = arith.select %gt3A_985, %mul3A_972, %select_n3A_908 : vector<384x128xi1>, vector<384x128xf32>
    %select_n3A_987 = arith.select %gt3A_985, %max3A_982, %select_n3A_909 : vector<384x128xi1>, vector<384x128xf32>
    %get3A_988 = arith.constant 0 : index
    %get3A_989 = arith.constant 0 : index
    %get3A_990 = arith.constant 72 : index
    %get3A_991 = memref.load %arg1[%get3A_988, %get3A_989, %get3A_990] : memref<1x1x192xf32, #tpu.memory_space<smem>>
    %broadcast_in_dim3A_992 = vector.broadcast %get3A_991 : f32 to vector<384x128xf32>
    %select_n3A_993 = arith.select %gt3A_985, %broadcast_in_dim3A_992, %select_n3A_915 : vector<384x128xi1>, vector<384x128xf32>
    %get3A_994 = arith.constant 0 : index
    %get3A_995 = arith.constant 0 : index
    %get3A_996 = arith.constant 73 : index
    %get3A_997 = memref.load %arg1[%get3A_994, %get3A_995, %get3A_996] : memref<1x1x192xf32, #tpu.memory_space<smem>>
    %broadcast_in_dim3A_998 = vector.broadcast %get3A_997 : f32 to vector<384x128xf32>
    %select_n3A_999 = arith.select %gt3A_985, %broadcast_in_dim3A_998, %select_n3A_921 : vector<384x128xi1>, vector<384x128xf32>
    %get3A_1000 = arith.constant 0 : index
    %get3A_1001 = arith.constant 0 : index
    %get3A_1002 = arith.constant 74 : index
    %get3A_1003 = memref.load %arg1[%get3A_1000, %get3A_1001, %get3A_1002] : memref<1x1x192xf32, #tpu.memory_space<smem>>
    %broadcast_in_dim3A_1004 = vector.broadcast %get3A_1003 : f32 to vector<384x128xf32>
    %select_n3A_1005 = arith.select %gt3A_985, %broadcast_in_dim3A_1004, %select_n3A_927 : vector<384x128xi1>, vector<384x128xf32>
    %get3A_1006 = arith.constant 0 : index
    %get3A_1007 = arith.constant 0 : index
    %get3A_1008 = arith.constant 75 : index
    %get3A_1009 = memref.load %arg1[%get3A_1006, %get3A_1007, %get3A_1008] : memref<1x1x192xf32, #tpu.memory_space<smem>>
    %broadcast_in_dim3A_1010 = vector.broadcast %get3A_1009 : f32 to vector<384x128xf32>
    %select_n3A_1011 = arith.select %gt3A_985, %broadcast_in_dim3A_1010, %select_n3A_933 : vector<384x128xi1>, vector<384x128xf32>
    %get3A_1012 = arith.constant 0 : index
    %get3A_1013 = arith.constant 0 : index
    %get3A_1014 = arith.constant 76 : index
    %get3A_1015 = memref.load %arg1[%get3A_1012, %get3A_1013, %get3A_1014] : memref<1x1x192xf32, #tpu.memory_space<smem>>
    %broadcast_in_dim3A_1016 = vector.broadcast %get3A_1015 : f32 to vector<384x128xf32>
    %select_n3A_1017 = arith.select %gt3A_985, %broadcast_in_dim3A_1016, %select_n3A_939 : vector<384x128xi1>, vector<384x128xf32>
    %get3A_1018 = arith.constant 0 : index
    %get3A_1019 = arith.constant 0 : index
    %get3A_1020 = arith.constant 78 : index
    %get3A_1021 = memref.load %arg1[%get3A_1018, %get3A_1019, %get3A_1020] : memref<1x1x192xf32, #tpu.memory_space<smem>>
    %get3A_1022 = arith.constant 0 : index
    %get3A_1023 = arith.constant 0 : index
    %get3A_1024 = arith.constant 79 : index
    %get3A_1025 = memref.load %arg1[%get3A_1022, %get3A_1023, %get3A_1024] : memref<1x1x192xf32, #tpu.memory_space<smem>>
    %get3A_1026 = arith.constant 0 : index
    %get3A_1027 = arith.constant 0 : index
    %get3A_1028 = arith.constant 80 : index
    %get3A_1029 = memref.load %arg1[%get3A_1026, %get3A_1027, %get3A_1028] : memref<1x1x192xf32, #tpu.memory_space<smem>>
    %get3A_1030 = arith.constant 0 : index
    %get3A_1031 = arith.constant 0 : index
    %get3A_1032 = arith.constant 81 : index
    %get3A_1033 = memref.load %arg1[%get3A_1030, %get3A_1031, %get3A_1032] : memref<1x1x192xf32, #tpu.memory_space<smem>>
    %min3A_1034 = vector.broadcast %get3A_1029 : f32 to vector<384x128xf32>
    %min3A_1035 = arith.minimumf %get3A_13, %min3A_1034 : vector<384x128xf32>
    %max3A_1036 = vector.broadcast %get3A_1021 : f32 to vector<384x128xf32>
    %max3A_1037 = arith.maximumf %get3A_3, %max3A_1036 : vector<384x128xf32>
    %sub3A_1038 = arith.subf %min3A_1035, %max3A_1037 : vector<384x128xf32>
    %max3A_1039 = arith.constant 0.000000e+00 : f32
    %max3A_1040 = vector.broadcast %max3A_1039 : f32 to vector<384x128xf32>
    %max3A_1041 = arith.maximumf %sub3A_1038, %max3A_1040 : vector<384x128xf32>
    %min3A_1042 = vector.broadcast %get3A_1033 : f32 to vector<384x128xf32>
    %min3A_1043 = arith.minimumf %get3A_18, %min3A_1042 : vector<384x128xf32>
    %max3A_1044 = vector.broadcast %get3A_1025 : f32 to vector<384x128xf32>
    %max3A_1045 = arith.maximumf %get3A_8, %max3A_1044 : vector<384x128xf32>
    %sub3A_1046 = arith.subf %min3A_1043, %max3A_1045 : vector<384x128xf32>
    %max3A_1047 = arith.constant 0.000000e+00 : f32
    %max3A_1048 = vector.broadcast %max3A_1047 : f32 to vector<384x128xf32>
    %max3A_1049 = arith.maximumf %sub3A_1046, %max3A_1048 : vector<384x128xf32>
    %mul3A_1050 = arith.mulf %max3A_1041, %max3A_1049 : vector<384x128xf32>
    %get3A_1051 = arith.constant 0 : index
    %get3A_1052 = arith.constant 0 : index
    %get3A_1053 = arith.constant 83 : index
    %get3A_1054 = memref.load %arg1[%get3A_1051, %get3A_1052, %get3A_1053] : memref<1x1x192xf32, #tpu.memory_space<smem>>
    %sub3A_1055 = vector.broadcast %get3A_1054 : f32 to vector<384x128xf32>
    %sub3A_1056 = arith.subf %sub3A_1055, %mul3A_1050 : vector<384x128xf32>
    %add3A_1057 = arith.addf %mul3A, %sub3A_1056 : vector<384x128xf32>
    %max3A_1058 = arith.constant 9.99999993E-9 : f32
    %max3A_1059 = vector.broadcast %max3A_1058 : f32 to vector<384x128xf32>
    %max3A_1060 = arith.maximumf %add3A_1057, %max3A_1059 : vector<384x128xf32>
    %mul3A_1061 = arith.mulf %mul3A_1050, %select_n3A_987 : vector<384x128xf32>
    %mul3A_1062 = arith.mulf %select_n3A_986, %max3A_1060 : vector<384x128xf32>
    %gt3A_1063 = arith.cmpf ogt, %mul3A_1061, %mul3A_1062 : vector<384x128xf32>
    %select_n3A_1064 = arith.select %gt3A_1063, %mul3A_1050, %select_n3A_986 : vector<384x128xi1>, vector<384x128xf32>
    %select_n3A_1065 = arith.select %gt3A_1063, %max3A_1060, %select_n3A_987 : vector<384x128xi1>, vector<384x128xf32>
    %get3A_1066 = arith.constant 0 : index
    %get3A_1067 = arith.constant 0 : index
    %get3A_1068 = arith.constant 78 : index
    %get3A_1069 = memref.load %arg1[%get3A_1066, %get3A_1067, %get3A_1068] : memref<1x1x192xf32, #tpu.memory_space<smem>>
    %broadcast_in_dim3A_1070 = vector.broadcast %get3A_1069 : f32 to vector<384x128xf32>
    %select_n3A_1071 = arith.select %gt3A_1063, %broadcast_in_dim3A_1070, %select_n3A_993 : vector<384x128xi1>, vector<384x128xf32>
    %get3A_1072 = arith.constant 0 : index
    %get3A_1073 = arith.constant 0 : index
    %get3A_1074 = arith.constant 79 : index
    %get3A_1075 = memref.load %arg1[%get3A_1072, %get3A_1073, %get3A_1074] : memref<1x1x192xf32, #tpu.memory_space<smem>>
    %broadcast_in_dim3A_1076 = vector.broadcast %get3A_1075 : f32 to vector<384x128xf32>
    %select_n3A_1077 = arith.select %gt3A_1063, %broadcast_in_dim3A_1076, %select_n3A_999 : vector<384x128xi1>, vector<384x128xf32>
    %get3A_1078 = arith.constant 0 : index
    %get3A_1079 = arith.constant 0 : index
    %get3A_1080 = arith.constant 80 : index
    %get3A_1081 = memref.load %arg1[%get3A_1078, %get3A_1079, %get3A_1080] : memref<1x1x192xf32, #tpu.memory_space<smem>>
    %broadcast_in_dim3A_1082 = vector.broadcast %get3A_1081 : f32 to vector<384x128xf32>
    %select_n3A_1083 = arith.select %gt3A_1063, %broadcast_in_dim3A_1082, %select_n3A_1005 : vector<384x128xi1>, vector<384x128xf32>
    %get3A_1084 = arith.constant 0 : index
    %get3A_1085 = arith.constant 0 : index
    %get3A_1086 = arith.constant 81 : index
    %get3A_1087 = memref.load %arg1[%get3A_1084, %get3A_1085, %get3A_1086] : memref<1x1x192xf32, #tpu.memory_space<smem>>
    %broadcast_in_dim3A_1088 = vector.broadcast %get3A_1087 : f32 to vector<384x128xf32>
    %select_n3A_1089 = arith.select %gt3A_1063, %broadcast_in_dim3A_1088, %select_n3A_1011 : vector<384x128xi1>, vector<384x128xf32>
    %get3A_1090 = arith.constant 0 : index
    %get3A_1091 = arith.constant 0 : index
    %get3A_1092 = arith.constant 82 : index
    %get3A_1093 = memref.load %arg1[%get3A_1090, %get3A_1091, %get3A_1092] : memref<1x1x192xf32, #tpu.memory_space<smem>>
    %broadcast_in_dim3A_1094 = vector.broadcast %get3A_1093 : f32 to vector<384x128xf32>
    %select_n3A_1095 = arith.select %gt3A_1063, %broadcast_in_dim3A_1094, %select_n3A_1017 : vector<384x128xi1>, vector<384x128xf32>
    %get3A_1096 = arith.constant 0 : index
    %get3A_1097 = arith.constant 0 : index
    %get3A_1098 = arith.constant 84 : index
    %get3A_1099 = memref.load %arg1[%get3A_1096, %get3A_1097, %get3A_1098] : memref<1x1x192xf32, #tpu.memory_space<smem>>
    %get3A_1100 = arith.constant 0 : index
    %get3A_1101 = arith.constant 0 : index
    %get3A_1102 = arith.constant 85 : index
    %get3A_1103 = memref.load %arg1[%get3A_1100, %get3A_1101, %get3A_1102] : memref<1x1x192xf32, #tpu.memory_space<smem>>
    %get3A_1104 = arith.constant 0 : index
    %get3A_1105 = arith.constant 0 : index
    %get3A_1106 = arith.constant 86 : index
    %get3A_1107 = memref.load %arg1[%get3A_1104, %get3A_1105, %get3A_1106] : memref<1x1x192xf32, #tpu.memory_space<smem>>
    %get3A_1108 = arith.constant 0 : index
    %get3A_1109 = arith.constant 0 : index
    %get3A_1110 = arith.constant 87 : index
    %get3A_1111 = memref.load %arg1[%get3A_1108, %get3A_1109, %get3A_1110] : memref<1x1x192xf32, #tpu.memory_space<smem>>
    %min3A_1112 = vector.broadcast %get3A_1107 : f32 to vector<384x128xf32>
    %min3A_1113 = arith.minimumf %get3A_13, %min3A_1112 : vector<384x128xf32>
    %max3A_1114 = vector.broadcast %get3A_1099 : f32 to vector<384x128xf32>
    %max3A_1115 = arith.maximumf %get3A_3, %max3A_1114 : vector<384x128xf32>
    %sub3A_1116 = arith.subf %min3A_1113, %max3A_1115 : vector<384x128xf32>
    %max3A_1117 = arith.constant 0.000000e+00 : f32
    %max3A_1118 = vector.broadcast %max3A_1117 : f32 to vector<384x128xf32>
    %max3A_1119 = arith.maximumf %sub3A_1116, %max3A_1118 : vector<384x128xf32>
    %min3A_1120 = vector.broadcast %get3A_1111 : f32 to vector<384x128xf32>
    %min3A_1121 = arith.minimumf %get3A_18, %min3A_1120 : vector<384x128xf32>
    %max3A_1122 = vector.broadcast %get3A_1103 : f32 to vector<384x128xf32>
    %max3A_1123 = arith.maximumf %get3A_8, %max3A_1122 : vector<384x128xf32>
    %sub3A_1124 = arith.subf %min3A_1121, %max3A_1123 : vector<384x128xf32>
    %max3A_1125 = arith.constant 0.000000e+00 : f32
    %max3A_1126 = vector.broadcast %max3A_1125 : f32 to vector<384x128xf32>
    %max3A_1127 = arith.maximumf %sub3A_1124, %max3A_1126 : vector<384x128xf32>
    %mul3A_1128 = arith.mulf %max3A_1119, %max3A_1127 : vector<384x128xf32>
    %get3A_1129 = arith.constant 0 : index
    %get3A_1130 = arith.constant 0 : index
    %get3A_1131 = arith.constant 89 : index
    %get3A_1132 = memref.load %arg1[%get3A_1129, %get3A_1130, %get3A_1131] : memref<1x1x192xf32, #tpu.memory_space<smem>>
    %sub3A_1133 = vector.broadcast %get3A_1132 : f32 to vector<384x128xf32>
    %sub3A_1134 = arith.subf %sub3A_1133, %mul3A_1128 : vector<384x128xf32>
    %add3A_1135 = arith.addf %mul3A, %sub3A_1134 : vector<384x128xf32>
    %max3A_1136 = arith.constant 9.99999993E-9 : f32
    %max3A_1137 = vector.broadcast %max3A_1136 : f32 to vector<384x128xf32>
    %max3A_1138 = arith.maximumf %add3A_1135, %max3A_1137 : vector<384x128xf32>
    %mul3A_1139 = arith.mulf %mul3A_1128, %select_n3A_1065 : vector<384x128xf32>
    %mul3A_1140 = arith.mulf %select_n3A_1064, %max3A_1138 : vector<384x128xf32>
    %gt3A_1141 = arith.cmpf ogt, %mul3A_1139, %mul3A_1140 : vector<384x128xf32>
    %select_n3A_1142 = arith.select %gt3A_1141, %mul3A_1128, %select_n3A_1064 : vector<384x128xi1>, vector<384x128xf32>
    %select_n3A_1143 = arith.select %gt3A_1141, %max3A_1138, %select_n3A_1065 : vector<384x128xi1>, vector<384x128xf32>
    %get3A_1144 = arith.constant 0 : index
    %get3A_1145 = arith.constant 0 : index
    %get3A_1146 = arith.constant 84 : index
    %get3A_1147 = memref.load %arg1[%get3A_1144, %get3A_1145, %get3A_1146] : memref<1x1x192xf32, #tpu.memory_space<smem>>
    %broadcast_in_dim3A_1148 = vector.broadcast %get3A_1147 : f32 to vector<384x128xf32>
    %select_n3A_1149 = arith.select %gt3A_1141, %broadcast_in_dim3A_1148, %select_n3A_1071 : vector<384x128xi1>, vector<384x128xf32>
    %get3A_1150 = arith.constant 0 : index
    %get3A_1151 = arith.constant 0 : index
    %get3A_1152 = arith.constant 85 : index
    %get3A_1153 = memref.load %arg1[%get3A_1150, %get3A_1151, %get3A_1152] : memref<1x1x192xf32, #tpu.memory_space<smem>>
    %broadcast_in_dim3A_1154 = vector.broadcast %get3A_1153 : f32 to vector<384x128xf32>
    %select_n3A_1155 = arith.select %gt3A_1141, %broadcast_in_dim3A_1154, %select_n3A_1077 : vector<384x128xi1>, vector<384x128xf32>
    %get3A_1156 = arith.constant 0 : index
    %get3A_1157 = arith.constant 0 : index
    %get3A_1158 = arith.constant 86 : index
    %get3A_1159 = memref.load %arg1[%get3A_1156, %get3A_1157, %get3A_1158] : memref<1x1x192xf32, #tpu.memory_space<smem>>
    %broadcast_in_dim3A_1160 = vector.broadcast %get3A_1159 : f32 to vector<384x128xf32>
    %select_n3A_1161 = arith.select %gt3A_1141, %broadcast_in_dim3A_1160, %select_n3A_1083 : vector<384x128xi1>, vector<384x128xf32>
    %get3A_1162 = arith.constant 0 : index
    %get3A_1163 = arith.constant 0 : index
    %get3A_1164 = arith.constant 87 : index
    %get3A_1165 = memref.load %arg1[%get3A_1162, %get3A_1163, %get3A_1164] : memref<1x1x192xf32, #tpu.memory_space<smem>>
    %broadcast_in_dim3A_1166 = vector.broadcast %get3A_1165 : f32 to vector<384x128xf32>
    %select_n3A_1167 = arith.select %gt3A_1141, %broadcast_in_dim3A_1166, %select_n3A_1089 : vector<384x128xi1>, vector<384x128xf32>
    %get3A_1168 = arith.constant 0 : index
    %get3A_1169 = arith.constant 0 : index
    %get3A_1170 = arith.constant 88 : index
    %get3A_1171 = memref.load %arg1[%get3A_1168, %get3A_1169, %get3A_1170] : memref<1x1x192xf32, #tpu.memory_space<smem>>
    %broadcast_in_dim3A_1172 = vector.broadcast %get3A_1171 : f32 to vector<384x128xf32>
    %select_n3A_1173 = arith.select %gt3A_1141, %broadcast_in_dim3A_1172, %select_n3A_1095 : vector<384x128xi1>, vector<384x128xf32>
    %get3A_1174 = arith.constant 0 : index
    %get3A_1175 = arith.constant 0 : index
    %get3A_1176 = arith.constant 90 : index
    %get3A_1177 = memref.load %arg1[%get3A_1174, %get3A_1175, %get3A_1176] : memref<1x1x192xf32, #tpu.memory_space<smem>>
    %get3A_1178 = arith.constant 0 : index
    %get3A_1179 = arith.constant 0 : index
    %get3A_1180 = arith.constant 91 : index
    %get3A_1181 = memref.load %arg1[%get3A_1178, %get3A_1179, %get3A_1180] : memref<1x1x192xf32, #tpu.memory_space<smem>>
    %get3A_1182 = arith.constant 0 : index
    %get3A_1183 = arith.constant 0 : index
    %get3A_1184 = arith.constant 92 : index
    %get3A_1185 = memref.load %arg1[%get3A_1182, %get3A_1183, %get3A_1184] : memref<1x1x192xf32, #tpu.memory_space<smem>>
    %get3A_1186 = arith.constant 0 : index
    %get3A_1187 = arith.constant 0 : index
    %get3A_1188 = arith.constant 93 : index
    %get3A_1189 = memref.load %arg1[%get3A_1186, %get3A_1187, %get3A_1188] : memref<1x1x192xf32, #tpu.memory_space<smem>>
    %min3A_1190 = vector.broadcast %get3A_1185 : f32 to vector<384x128xf32>
    %min3A_1191 = arith.minimumf %get3A_13, %min3A_1190 : vector<384x128xf32>
    %max3A_1192 = vector.broadcast %get3A_1177 : f32 to vector<384x128xf32>
    %max3A_1193 = arith.maximumf %get3A_3, %max3A_1192 : vector<384x128xf32>
    %sub3A_1194 = arith.subf %min3A_1191, %max3A_1193 : vector<384x128xf32>
    %max3A_1195 = arith.constant 0.000000e+00 : f32
    %max3A_1196 = vector.broadcast %max3A_1195 : f32 to vector<384x128xf32>
    %max3A_1197 = arith.maximumf %sub3A_1194, %max3A_1196 : vector<384x128xf32>
    %min3A_1198 = vector.broadcast %get3A_1189 : f32 to vector<384x128xf32>
    %min3A_1199 = arith.minimumf %get3A_18, %min3A_1198 : vector<384x128xf32>
    %max3A_1200 = vector.broadcast %get3A_1181 : f32 to vector<384x128xf32>
    %max3A_1201 = arith.maximumf %get3A_8, %max3A_1200 : vector<384x128xf32>
    %sub3A_1202 = arith.subf %min3A_1199, %max3A_1201 : vector<384x128xf32>
    %max3A_1203 = arith.constant 0.000000e+00 : f32
    %max3A_1204 = vector.broadcast %max3A_1203 : f32 to vector<384x128xf32>
    %max3A_1205 = arith.maximumf %sub3A_1202, %max3A_1204 : vector<384x128xf32>
    %mul3A_1206 = arith.mulf %max3A_1197, %max3A_1205 : vector<384x128xf32>
    %get3A_1207 = arith.constant 0 : index
    %get3A_1208 = arith.constant 0 : index
    %get3A_1209 = arith.constant 95 : index
    %get3A_1210 = memref.load %arg1[%get3A_1207, %get3A_1208, %get3A_1209] : memref<1x1x192xf32, #tpu.memory_space<smem>>
    %sub3A_1211 = vector.broadcast %get3A_1210 : f32 to vector<384x128xf32>
    %sub3A_1212 = arith.subf %sub3A_1211, %mul3A_1206 : vector<384x128xf32>
    %add3A_1213 = arith.addf %mul3A, %sub3A_1212 : vector<384x128xf32>
    %max3A_1214 = arith.constant 9.99999993E-9 : f32
    %max3A_1215 = vector.broadcast %max3A_1214 : f32 to vector<384x128xf32>
    %max3A_1216 = arith.maximumf %add3A_1213, %max3A_1215 : vector<384x128xf32>
    %mul3A_1217 = arith.mulf %mul3A_1206, %select_n3A_1143 : vector<384x128xf32>
    %mul3A_1218 = arith.mulf %select_n3A_1142, %max3A_1216 : vector<384x128xf32>
    %gt3A_1219 = arith.cmpf ogt, %mul3A_1217, %mul3A_1218 : vector<384x128xf32>
    %select_n3A_1220 = arith.select %gt3A_1219, %mul3A_1206, %select_n3A_1142 : vector<384x128xi1>, vector<384x128xf32>
    %select_n3A_1221 = arith.select %gt3A_1219, %max3A_1216, %select_n3A_1143 : vector<384x128xi1>, vector<384x128xf32>
    %get3A_1222 = arith.constant 0 : index
    %get3A_1223 = arith.constant 0 : index
    %get3A_1224 = arith.constant 90 : index
    %get3A_1225 = memref.load %arg1[%get3A_1222, %get3A_1223, %get3A_1224] : memref<1x1x192xf32, #tpu.memory_space<smem>>
    %broadcast_in_dim3A_1226 = vector.broadcast %get3A_1225 : f32 to vector<384x128xf32>
    %select_n3A_1227 = arith.select %gt3A_1219, %broadcast_in_dim3A_1226, %select_n3A_1149 : vector<384x128xi1>, vector<384x128xf32>
    %get3A_1228 = arith.constant 0 : index
    %get3A_1229 = arith.constant 0 : index
    %get3A_1230 = arith.constant 91 : index
    %get3A_1231 = memref.load %arg1[%get3A_1228, %get3A_1229, %get3A_1230] : memref<1x1x192xf32, #tpu.memory_space<smem>>
    %broadcast_in_dim3A_1232 = vector.broadcast %get3A_1231 : f32 to vector<384x128xf32>
    %select_n3A_1233 = arith.select %gt3A_1219, %broadcast_in_dim3A_1232, %select_n3A_1155 : vector<384x128xi1>, vector<384x128xf32>
    %get3A_1234 = arith.constant 0 : index
    %get3A_1235 = arith.constant 0 : index
    %get3A_1236 = arith.constant 92 : index
    %get3A_1237 = memref.load %arg1[%get3A_1234, %get3A_1235, %get3A_1236] : memref<1x1x192xf32, #tpu.memory_space<smem>>
    %broadcast_in_dim3A_1238 = vector.broadcast %get3A_1237 : f32 to vector<384x128xf32>
    %select_n3A_1239 = arith.select %gt3A_1219, %broadcast_in_dim3A_1238, %select_n3A_1161 : vector<384x128xi1>, vector<384x128xf32>
    %get3A_1240 = arith.constant 0 : index
    %get3A_1241 = arith.constant 0 : index
    %get3A_1242 = arith.constant 93 : index
    %get3A_1243 = memref.load %arg1[%get3A_1240, %get3A_1241, %get3A_1242] : memref<1x1x192xf32, #tpu.memory_space<smem>>
    %broadcast_in_dim3A_1244 = vector.broadcast %get3A_1243 : f32 to vector<384x128xf32>
    %select_n3A_1245 = arith.select %gt3A_1219, %broadcast_in_dim3A_1244, %select_n3A_1167 : vector<384x128xi1>, vector<384x128xf32>
    %get3A_1246 = arith.constant 0 : index
    %get3A_1247 = arith.constant 0 : index
    %get3A_1248 = arith.constant 94 : index
    %get3A_1249 = memref.load %arg1[%get3A_1246, %get3A_1247, %get3A_1248] : memref<1x1x192xf32, #tpu.memory_space<smem>>
    %broadcast_in_dim3A_1250 = vector.broadcast %get3A_1249 : f32 to vector<384x128xf32>
    %select_n3A_1251 = arith.select %gt3A_1219, %broadcast_in_dim3A_1250, %select_n3A_1173 : vector<384x128xi1>, vector<384x128xf32>
    %get3A_1252 = arith.constant 0 : index
    %get3A_1253 = arith.constant 0 : index
    %get3A_1254 = arith.constant 96 : index
    %get3A_1255 = memref.load %arg1[%get3A_1252, %get3A_1253, %get3A_1254] : memref<1x1x192xf32, #tpu.memory_space<smem>>
    %get3A_1256 = arith.constant 0 : index
    %get3A_1257 = arith.constant 0 : index
    %get3A_1258 = arith.constant 97 : index
    %get3A_1259 = memref.load %arg1[%get3A_1256, %get3A_1257, %get3A_1258] : memref<1x1x192xf32, #tpu.memory_space<smem>>
    %get3A_1260 = arith.constant 0 : index
    %get3A_1261 = arith.constant 0 : index
    %get3A_1262 = arith.constant 98 : index
    %get3A_1263 = memref.load %arg1[%get3A_1260, %get3A_1261, %get3A_1262] : memref<1x1x192xf32, #tpu.memory_space<smem>>
    %get3A_1264 = arith.constant 0 : index
    %get3A_1265 = arith.constant 0 : index
    %get3A_1266 = arith.constant 99 : index
    %get3A_1267 = memref.load %arg1[%get3A_1264, %get3A_1265, %get3A_1266] : memref<1x1x192xf32, #tpu.memory_space<smem>>
    %min3A_1268 = vector.broadcast %get3A_1263 : f32 to vector<384x128xf32>
    %min3A_1269 = arith.minimumf %get3A_13, %min3A_1268 : vector<384x128xf32>
    %max3A_1270 = vector.broadcast %get3A_1255 : f32 to vector<384x128xf32>
    %max3A_1271 = arith.maximumf %get3A_3, %max3A_1270 : vector<384x128xf32>
    %sub3A_1272 = arith.subf %min3A_1269, %max3A_1271 : vector<384x128xf32>
    %max3A_1273 = arith.constant 0.000000e+00 : f32
    %max3A_1274 = vector.broadcast %max3A_1273 : f32 to vector<384x128xf32>
    %max3A_1275 = arith.maximumf %sub3A_1272, %max3A_1274 : vector<384x128xf32>
    %min3A_1276 = vector.broadcast %get3A_1267 : f32 to vector<384x128xf32>
    %min3A_1277 = arith.minimumf %get3A_18, %min3A_1276 : vector<384x128xf32>
    %max3A_1278 = vector.broadcast %get3A_1259 : f32 to vector<384x128xf32>
    %max3A_1279 = arith.maximumf %get3A_8, %max3A_1278 : vector<384x128xf32>
    %sub3A_1280 = arith.subf %min3A_1277, %max3A_1279 : vector<384x128xf32>
    %max3A_1281 = arith.constant 0.000000e+00 : f32
    %max3A_1282 = vector.broadcast %max3A_1281 : f32 to vector<384x128xf32>
    %max3A_1283 = arith.maximumf %sub3A_1280, %max3A_1282 : vector<384x128xf32>
    %mul3A_1284 = arith.mulf %max3A_1275, %max3A_1283 : vector<384x128xf32>
    %get3A_1285 = arith.constant 0 : index
    %get3A_1286 = arith.constant 0 : index
    %get3A_1287 = arith.constant 101 : index
    %get3A_1288 = memref.load %arg1[%get3A_1285, %get3A_1286, %get3A_1287] : memref<1x1x192xf32, #tpu.memory_space<smem>>
    %sub3A_1289 = vector.broadcast %get3A_1288 : f32 to vector<384x128xf32>
    %sub3A_1290 = arith.subf %sub3A_1289, %mul3A_1284 : vector<384x128xf32>
    %add3A_1291 = arith.addf %mul3A, %sub3A_1290 : vector<384x128xf32>
    %max3A_1292 = arith.constant 9.99999993E-9 : f32
    %max3A_1293 = vector.broadcast %max3A_1292 : f32 to vector<384x128xf32>
    %max3A_1294 = arith.maximumf %add3A_1291, %max3A_1293 : vector<384x128xf32>
    %mul3A_1295 = arith.mulf %mul3A_1284, %select_n3A_1221 : vector<384x128xf32>
    %mul3A_1296 = arith.mulf %select_n3A_1220, %max3A_1294 : vector<384x128xf32>
    %gt3A_1297 = arith.cmpf ogt, %mul3A_1295, %mul3A_1296 : vector<384x128xf32>
    %select_n3A_1298 = arith.select %gt3A_1297, %mul3A_1284, %select_n3A_1220 : vector<384x128xi1>, vector<384x128xf32>
    %select_n3A_1299 = arith.select %gt3A_1297, %max3A_1294, %select_n3A_1221 : vector<384x128xi1>, vector<384x128xf32>
    %get3A_1300 = arith.constant 0 : index
    %get3A_1301 = arith.constant 0 : index
    %get3A_1302 = arith.constant 96 : index
    %get3A_1303 = memref.load %arg1[%get3A_1300, %get3A_1301, %get3A_1302] : memref<1x1x192xf32, #tpu.memory_space<smem>>
    %broadcast_in_dim3A_1304 = vector.broadcast %get3A_1303 : f32 to vector<384x128xf32>
    %select_n3A_1305 = arith.select %gt3A_1297, %broadcast_in_dim3A_1304, %select_n3A_1227 : vector<384x128xi1>, vector<384x128xf32>
    %get3A_1306 = arith.constant 0 : index
    %get3A_1307 = arith.constant 0 : index
    %get3A_1308 = arith.constant 97 : index
    %get3A_1309 = memref.load %arg1[%get3A_1306, %get3A_1307, %get3A_1308] : memref<1x1x192xf32, #tpu.memory_space<smem>>
    %broadcast_in_dim3A_1310 = vector.broadcast %get3A_1309 : f32 to vector<384x128xf32>
    %select_n3A_1311 = arith.select %gt3A_1297, %broadcast_in_dim3A_1310, %select_n3A_1233 : vector<384x128xi1>, vector<384x128xf32>
    %get3A_1312 = arith.constant 0 : index
    %get3A_1313 = arith.constant 0 : index
    %get3A_1314 = arith.constant 98 : index
    %get3A_1315 = memref.load %arg1[%get3A_1312, %get3A_1313, %get3A_1314] : memref<1x1x192xf32, #tpu.memory_space<smem>>
    %broadcast_in_dim3A_1316 = vector.broadcast %get3A_1315 : f32 to vector<384x128xf32>
    %select_n3A_1317 = arith.select %gt3A_1297, %broadcast_in_dim3A_1316, %select_n3A_1239 : vector<384x128xi1>, vector<384x128xf32>
    %get3A_1318 = arith.constant 0 : index
    %get3A_1319 = arith.constant 0 : index
    %get3A_1320 = arith.constant 99 : index
    %get3A_1321 = memref.load %arg1[%get3A_1318, %get3A_1319, %get3A_1320] : memref<1x1x192xf32, #tpu.memory_space<smem>>
    %broadcast_in_dim3A_1322 = vector.broadcast %get3A_1321 : f32 to vector<384x128xf32>
    %select_n3A_1323 = arith.select %gt3A_1297, %broadcast_in_dim3A_1322, %select_n3A_1245 : vector<384x128xi1>, vector<384x128xf32>
    %get3A_1324 = arith.constant 0 : index
    %get3A_1325 = arith.constant 0 : index
    %get3A_1326 = arith.constant 100 : index
    %get3A_1327 = memref.load %arg1[%get3A_1324, %get3A_1325, %get3A_1326] : memref<1x1x192xf32, #tpu.memory_space<smem>>
    %broadcast_in_dim3A_1328 = vector.broadcast %get3A_1327 : f32 to vector<384x128xf32>
    %select_n3A_1329 = arith.select %gt3A_1297, %broadcast_in_dim3A_1328, %select_n3A_1251 : vector<384x128xi1>, vector<384x128xf32>
    %get3A_1330 = arith.constant 0 : index
    %get3A_1331 = arith.constant 0 : index
    %get3A_1332 = arith.constant 102 : index
    %get3A_1333 = memref.load %arg1[%get3A_1330, %get3A_1331, %get3A_1332] : memref<1x1x192xf32, #tpu.memory_space<smem>>
    %get3A_1334 = arith.constant 0 : index
    %get3A_1335 = arith.constant 0 : index
    %get3A_1336 = arith.constant 103 : index
    %get3A_1337 = memref.load %arg1[%get3A_1334, %get3A_1335, %get3A_1336] : memref<1x1x192xf32, #tpu.memory_space<smem>>
    %get3A_1338 = arith.constant 0 : index
    %get3A_1339 = arith.constant 0 : index
    %get3A_1340 = arith.constant 104 : index
    %get3A_1341 = memref.load %arg1[%get3A_1338, %get3A_1339, %get3A_1340] : memref<1x1x192xf32, #tpu.memory_space<smem>>
    %get3A_1342 = arith.constant 0 : index
    %get3A_1343 = arith.constant 0 : index
    %get3A_1344 = arith.constant 105 : index
    %get3A_1345 = memref.load %arg1[%get3A_1342, %get3A_1343, %get3A_1344] : memref<1x1x192xf32, #tpu.memory_space<smem>>
    %min3A_1346 = vector.broadcast %get3A_1341 : f32 to vector<384x128xf32>
    %min3A_1347 = arith.minimumf %get3A_13, %min3A_1346 : vector<384x128xf32>
    %max3A_1348 = vector.broadcast %get3A_1333 : f32 to vector<384x128xf32>
    %max3A_1349 = arith.maximumf %get3A_3, %max3A_1348 : vector<384x128xf32>
    %sub3A_1350 = arith.subf %min3A_1347, %max3A_1349 : vector<384x128xf32>
    %max3A_1351 = arith.constant 0.000000e+00 : f32
    %max3A_1352 = vector.broadcast %max3A_1351 : f32 to vector<384x128xf32>
    %max3A_1353 = arith.maximumf %sub3A_1350, %max3A_1352 : vector<384x128xf32>
    %min3A_1354 = vector.broadcast %get3A_1345 : f32 to vector<384x128xf32>
    %min3A_1355 = arith.minimumf %get3A_18, %min3A_1354 : vector<384x128xf32>
    %max3A_1356 = vector.broadcast %get3A_1337 : f32 to vector<384x128xf32>
    %max3A_1357 = arith.maximumf %get3A_8, %max3A_1356 : vector<384x128xf32>
    %sub3A_1358 = arith.subf %min3A_1355, %max3A_1357 : vector<384x128xf32>
    %max3A_1359 = arith.constant 0.000000e+00 : f32
    %max3A_1360 = vector.broadcast %max3A_1359 : f32 to vector<384x128xf32>
    %max3A_1361 = arith.maximumf %sub3A_1358, %max3A_1360 : vector<384x128xf32>
    %mul3A_1362 = arith.mulf %max3A_1353, %max3A_1361 : vector<384x128xf32>
    %get3A_1363 = arith.constant 0 : index
    %get3A_1364 = arith.constant 0 : index
    %get3A_1365 = arith.constant 107 : index
    %get3A_1366 = memref.load %arg1[%get3A_1363, %get3A_1364, %get3A_1365] : memref<1x1x192xf32, #tpu.memory_space<smem>>
    %sub3A_1367 = vector.broadcast %get3A_1366 : f32 to vector<384x128xf32>
    %sub3A_1368 = arith.subf %sub3A_1367, %mul3A_1362 : vector<384x128xf32>
    %add3A_1369 = arith.addf %mul3A, %sub3A_1368 : vector<384x128xf32>
    %max3A_1370 = arith.constant 9.99999993E-9 : f32
    %max3A_1371 = vector.broadcast %max3A_1370 : f32 to vector<384x128xf32>
    %max3A_1372 = arith.maximumf %add3A_1369, %max3A_1371 : vector<384x128xf32>
    %mul3A_1373 = arith.mulf %mul3A_1362, %select_n3A_1299 : vector<384x128xf32>
    %mul3A_1374 = arith.mulf %select_n3A_1298, %max3A_1372 : vector<384x128xf32>
    %gt3A_1375 = arith.cmpf ogt, %mul3A_1373, %mul3A_1374 : vector<384x128xf32>
    %select_n3A_1376 = arith.select %gt3A_1375, %mul3A_1362, %select_n3A_1298 : vector<384x128xi1>, vector<384x128xf32>
    %select_n3A_1377 = arith.select %gt3A_1375, %max3A_1372, %select_n3A_1299 : vector<384x128xi1>, vector<384x128xf32>
    %get3A_1378 = arith.constant 0 : index
    %get3A_1379 = arith.constant 0 : index
    %get3A_1380 = arith.constant 102 : index
    %get3A_1381 = memref.load %arg1[%get3A_1378, %get3A_1379, %get3A_1380] : memref<1x1x192xf32, #tpu.memory_space<smem>>
    %broadcast_in_dim3A_1382 = vector.broadcast %get3A_1381 : f32 to vector<384x128xf32>
    %select_n3A_1383 = arith.select %gt3A_1375, %broadcast_in_dim3A_1382, %select_n3A_1305 : vector<384x128xi1>, vector<384x128xf32>
    %get3A_1384 = arith.constant 0 : index
    %get3A_1385 = arith.constant 0 : index
    %get3A_1386 = arith.constant 103 : index
    %get3A_1387 = memref.load %arg1[%get3A_1384, %get3A_1385, %get3A_1386] : memref<1x1x192xf32, #tpu.memory_space<smem>>
    %broadcast_in_dim3A_1388 = vector.broadcast %get3A_1387 : f32 to vector<384x128xf32>
    %select_n3A_1389 = arith.select %gt3A_1375, %broadcast_in_dim3A_1388, %select_n3A_1311 : vector<384x128xi1>, vector<384x128xf32>
    %get3A_1390 = arith.constant 0 : index
    %get3A_1391 = arith.constant 0 : index
    %get3A_1392 = arith.constant 104 : index
    %get3A_1393 = memref.load %arg1[%get3A_1390, %get3A_1391, %get3A_1392] : memref<1x1x192xf32, #tpu.memory_space<smem>>
    %broadcast_in_dim3A_1394 = vector.broadcast %get3A_1393 : f32 to vector<384x128xf32>
    %select_n3A_1395 = arith.select %gt3A_1375, %broadcast_in_dim3A_1394, %select_n3A_1317 : vector<384x128xi1>, vector<384x128xf32>
    %get3A_1396 = arith.constant 0 : index
    %get3A_1397 = arith.constant 0 : index
    %get3A_1398 = arith.constant 105 : index
    %get3A_1399 = memref.load %arg1[%get3A_1396, %get3A_1397, %get3A_1398] : memref<1x1x192xf32, #tpu.memory_space<smem>>
    %broadcast_in_dim3A_1400 = vector.broadcast %get3A_1399 : f32 to vector<384x128xf32>
    %select_n3A_1401 = arith.select %gt3A_1375, %broadcast_in_dim3A_1400, %select_n3A_1323 : vector<384x128xi1>, vector<384x128xf32>
    %get3A_1402 = arith.constant 0 : index
    %get3A_1403 = arith.constant 0 : index
    %get3A_1404 = arith.constant 106 : index
    %get3A_1405 = memref.load %arg1[%get3A_1402, %get3A_1403, %get3A_1404] : memref<1x1x192xf32, #tpu.memory_space<smem>>
    %broadcast_in_dim3A_1406 = vector.broadcast %get3A_1405 : f32 to vector<384x128xf32>
    %select_n3A_1407 = arith.select %gt3A_1375, %broadcast_in_dim3A_1406, %select_n3A_1329 : vector<384x128xi1>, vector<384x128xf32>
    %get3A_1408 = arith.constant 0 : index
    %get3A_1409 = arith.constant 0 : index
    %get3A_1410 = arith.constant 108 : index
    %get3A_1411 = memref.load %arg1[%get3A_1408, %get3A_1409, %get3A_1410] : memref<1x1x192xf32, #tpu.memory_space<smem>>
    %get3A_1412 = arith.constant 0 : index
    %get3A_1413 = arith.constant 0 : index
    %get3A_1414 = arith.constant 109 : index
    %get3A_1415 = memref.load %arg1[%get3A_1412, %get3A_1413, %get3A_1414] : memref<1x1x192xf32, #tpu.memory_space<smem>>
    %get3A_1416 = arith.constant 0 : index
    %get3A_1417 = arith.constant 0 : index
    %get3A_1418 = arith.constant 110 : index
    %get3A_1419 = memref.load %arg1[%get3A_1416, %get3A_1417, %get3A_1418] : memref<1x1x192xf32, #tpu.memory_space<smem>>
    %get3A_1420 = arith.constant 0 : index
    %get3A_1421 = arith.constant 0 : index
    %get3A_1422 = arith.constant 111 : index
    %get3A_1423 = memref.load %arg1[%get3A_1420, %get3A_1421, %get3A_1422] : memref<1x1x192xf32, #tpu.memory_space<smem>>
    %min3A_1424 = vector.broadcast %get3A_1419 : f32 to vector<384x128xf32>
    %min3A_1425 = arith.minimumf %get3A_13, %min3A_1424 : vector<384x128xf32>
    %max3A_1426 = vector.broadcast %get3A_1411 : f32 to vector<384x128xf32>
    %max3A_1427 = arith.maximumf %get3A_3, %max3A_1426 : vector<384x128xf32>
    %sub3A_1428 = arith.subf %min3A_1425, %max3A_1427 : vector<384x128xf32>
    %max3A_1429 = arith.constant 0.000000e+00 : f32
    %max3A_1430 = vector.broadcast %max3A_1429 : f32 to vector<384x128xf32>
    %max3A_1431 = arith.maximumf %sub3A_1428, %max3A_1430 : vector<384x128xf32>
    %min3A_1432 = vector.broadcast %get3A_1423 : f32 to vector<384x128xf32>
    %min3A_1433 = arith.minimumf %get3A_18, %min3A_1432 : vector<384x128xf32>
    %max3A_1434 = vector.broadcast %get3A_1415 : f32 to vector<384x128xf32>
    %max3A_1435 = arith.maximumf %get3A_8, %max3A_1434 : vector<384x128xf32>
    %sub3A_1436 = arith.subf %min3A_1433, %max3A_1435 : vector<384x128xf32>
    %max3A_1437 = arith.constant 0.000000e+00 : f32
    %max3A_1438 = vector.broadcast %max3A_1437 : f32 to vector<384x128xf32>
    %max3A_1439 = arith.maximumf %sub3A_1436, %max3A_1438 : vector<384x128xf32>
    %mul3A_1440 = arith.mulf %max3A_1431, %max3A_1439 : vector<384x128xf32>
    %get3A_1441 = arith.constant 0 : index
    %get3A_1442 = arith.constant 0 : index
    %get3A_1443 = arith.constant 113 : index
    %get3A_1444 = memref.load %arg1[%get3A_1441, %get3A_1442, %get3A_1443] : memref<1x1x192xf32, #tpu.memory_space<smem>>
    %sub3A_1445 = vector.broadcast %get3A_1444 : f32 to vector<384x128xf32>
    %sub3A_1446 = arith.subf %sub3A_1445, %mul3A_1440 : vector<384x128xf32>
    %add3A_1447 = arith.addf %mul3A, %sub3A_1446 : vector<384x128xf32>
    %max3A_1448 = arith.constant 9.99999993E-9 : f32
    %max3A_1449 = vector.broadcast %max3A_1448 : f32 to vector<384x128xf32>
    %max3A_1450 = arith.maximumf %add3A_1447, %max3A_1449 : vector<384x128xf32>
    %mul3A_1451 = arith.mulf %mul3A_1440, %select_n3A_1377 : vector<384x128xf32>
    %mul3A_1452 = arith.mulf %select_n3A_1376, %max3A_1450 : vector<384x128xf32>
    %gt3A_1453 = arith.cmpf ogt, %mul3A_1451, %mul3A_1452 : vector<384x128xf32>
    %select_n3A_1454 = arith.select %gt3A_1453, %mul3A_1440, %select_n3A_1376 : vector<384x128xi1>, vector<384x128xf32>
    %select_n3A_1455 = arith.select %gt3A_1453, %max3A_1450, %select_n3A_1377 : vector<384x128xi1>, vector<384x128xf32>
    %get3A_1456 = arith.constant 0 : index
    %get3A_1457 = arith.constant 0 : index
    %get3A_1458 = arith.constant 108 : index
    %get3A_1459 = memref.load %arg1[%get3A_1456, %get3A_1457, %get3A_1458] : memref<1x1x192xf32, #tpu.memory_space<smem>>
    %broadcast_in_dim3A_1460 = vector.broadcast %get3A_1459 : f32 to vector<384x128xf32>
    %select_n3A_1461 = arith.select %gt3A_1453, %broadcast_in_dim3A_1460, %select_n3A_1383 : vector<384x128xi1>, vector<384x128xf32>
    %get3A_1462 = arith.constant 0 : index
    %get3A_1463 = arith.constant 0 : index
    %get3A_1464 = arith.constant 109 : index
    %get3A_1465 = memref.load %arg1[%get3A_1462, %get3A_1463, %get3A_1464] : memref<1x1x192xf32, #tpu.memory_space<smem>>
    %broadcast_in_dim3A_1466 = vector.broadcast %get3A_1465 : f32 to vector<384x128xf32>
    %select_n3A_1467 = arith.select %gt3A_1453, %broadcast_in_dim3A_1466, %select_n3A_1389 : vector<384x128xi1>, vector<384x128xf32>
    %get3A_1468 = arith.constant 0 : index
    %get3A_1469 = arith.constant 0 : index
    %get3A_1470 = arith.constant 110 : index
    %get3A_1471 = memref.load %arg1[%get3A_1468, %get3A_1469, %get3A_1470] : memref<1x1x192xf32, #tpu.memory_space<smem>>
    %broadcast_in_dim3A_1472 = vector.broadcast %get3A_1471 : f32 to vector<384x128xf32>
    %select_n3A_1473 = arith.select %gt3A_1453, %broadcast_in_dim3A_1472, %select_n3A_1395 : vector<384x128xi1>, vector<384x128xf32>
    %get3A_1474 = arith.constant 0 : index
    %get3A_1475 = arith.constant 0 : index
    %get3A_1476 = arith.constant 111 : index
    %get3A_1477 = memref.load %arg1[%get3A_1474, %get3A_1475, %get3A_1476] : memref<1x1x192xf32, #tpu.memory_space<smem>>
    %broadcast_in_dim3A_1478 = vector.broadcast %get3A_1477 : f32 to vector<384x128xf32>
    %select_n3A_1479 = arith.select %gt3A_1453, %broadcast_in_dim3A_1478, %select_n3A_1401 : vector<384x128xi1>, vector<384x128xf32>
    %get3A_1480 = arith.constant 0 : index
    %get3A_1481 = arith.constant 0 : index
    %get3A_1482 = arith.constant 112 : index
    %get3A_1483 = memref.load %arg1[%get3A_1480, %get3A_1481, %get3A_1482] : memref<1x1x192xf32, #tpu.memory_space<smem>>
    %broadcast_in_dim3A_1484 = vector.broadcast %get3A_1483 : f32 to vector<384x128xf32>
    %select_n3A_1485 = arith.select %gt3A_1453, %broadcast_in_dim3A_1484, %select_n3A_1407 : vector<384x128xi1>, vector<384x128xf32>
    %get3A_1486 = arith.constant 0 : index
    %get3A_1487 = arith.constant 0 : index
    %get3A_1488 = arith.constant 114 : index
    %get3A_1489 = memref.load %arg1[%get3A_1486, %get3A_1487, %get3A_1488] : memref<1x1x192xf32, #tpu.memory_space<smem>>
    %get3A_1490 = arith.constant 0 : index
    %get3A_1491 = arith.constant 0 : index
    %get3A_1492 = arith.constant 115 : index
    %get3A_1493 = memref.load %arg1[%get3A_1490, %get3A_1491, %get3A_1492] : memref<1x1x192xf32, #tpu.memory_space<smem>>
    %get3A_1494 = arith.constant 0 : index
    %get3A_1495 = arith.constant 0 : index
    %get3A_1496 = arith.constant 116 : index
    %get3A_1497 = memref.load %arg1[%get3A_1494, %get3A_1495, %get3A_1496] : memref<1x1x192xf32, #tpu.memory_space<smem>>
    %get3A_1498 = arith.constant 0 : index
    %get3A_1499 = arith.constant 0 : index
    %get3A_1500 = arith.constant 117 : index
    %get3A_1501 = memref.load %arg1[%get3A_1498, %get3A_1499, %get3A_1500] : memref<1x1x192xf32, #tpu.memory_space<smem>>
    %min3A_1502 = vector.broadcast %get3A_1497 : f32 to vector<384x128xf32>
    %min3A_1503 = arith.minimumf %get3A_13, %min3A_1502 : vector<384x128xf32>
    %max3A_1504 = vector.broadcast %get3A_1489 : f32 to vector<384x128xf32>
    %max3A_1505 = arith.maximumf %get3A_3, %max3A_1504 : vector<384x128xf32>
    %sub3A_1506 = arith.subf %min3A_1503, %max3A_1505 : vector<384x128xf32>
    %max3A_1507 = arith.constant 0.000000e+00 : f32
    %max3A_1508 = vector.broadcast %max3A_1507 : f32 to vector<384x128xf32>
    %max3A_1509 = arith.maximumf %sub3A_1506, %max3A_1508 : vector<384x128xf32>
    %min3A_1510 = vector.broadcast %get3A_1501 : f32 to vector<384x128xf32>
    %min3A_1511 = arith.minimumf %get3A_18, %min3A_1510 : vector<384x128xf32>
    %max3A_1512 = vector.broadcast %get3A_1493 : f32 to vector<384x128xf32>
    %max3A_1513 = arith.maximumf %get3A_8, %max3A_1512 : vector<384x128xf32>
    %sub3A_1514 = arith.subf %min3A_1511, %max3A_1513 : vector<384x128xf32>
    %max3A_1515 = arith.constant 0.000000e+00 : f32
    %max3A_1516 = vector.broadcast %max3A_1515 : f32 to vector<384x128xf32>
    %max3A_1517 = arith.maximumf %sub3A_1514, %max3A_1516 : vector<384x128xf32>
    %mul3A_1518 = arith.mulf %max3A_1509, %max3A_1517 : vector<384x128xf32>
    %get3A_1519 = arith.constant 0 : index
    %get3A_1520 = arith.constant 0 : index
    %get3A_1521 = arith.constant 119 : index
    %get3A_1522 = memref.load %arg1[%get3A_1519, %get3A_1520, %get3A_1521] : memref<1x1x192xf32, #tpu.memory_space<smem>>
    %sub3A_1523 = vector.broadcast %get3A_1522 : f32 to vector<384x128xf32>
    %sub3A_1524 = arith.subf %sub3A_1523, %mul3A_1518 : vector<384x128xf32>
    %add3A_1525 = arith.addf %mul3A, %sub3A_1524 : vector<384x128xf32>
    %max3A_1526 = arith.constant 9.99999993E-9 : f32
    %max3A_1527 = vector.broadcast %max3A_1526 : f32 to vector<384x128xf32>
    %max3A_1528 = arith.maximumf %add3A_1525, %max3A_1527 : vector<384x128xf32>
    %mul3A_1529 = arith.mulf %mul3A_1518, %select_n3A_1455 : vector<384x128xf32>
    %mul3A_1530 = arith.mulf %select_n3A_1454, %max3A_1528 : vector<384x128xf32>
    %gt3A_1531 = arith.cmpf ogt, %mul3A_1529, %mul3A_1530 : vector<384x128xf32>
    %select_n3A_1532 = arith.select %gt3A_1531, %mul3A_1518, %select_n3A_1454 : vector<384x128xi1>, vector<384x128xf32>
    %select_n3A_1533 = arith.select %gt3A_1531, %max3A_1528, %select_n3A_1455 : vector<384x128xi1>, vector<384x128xf32>
    %get3A_1534 = arith.constant 0 : index
    %get3A_1535 = arith.constant 0 : index
    %get3A_1536 = arith.constant 114 : index
    %get3A_1537 = memref.load %arg1[%get3A_1534, %get3A_1535, %get3A_1536] : memref<1x1x192xf32, #tpu.memory_space<smem>>
    %broadcast_in_dim3A_1538 = vector.broadcast %get3A_1537 : f32 to vector<384x128xf32>
    %select_n3A_1539 = arith.select %gt3A_1531, %broadcast_in_dim3A_1538, %select_n3A_1461 : vector<384x128xi1>, vector<384x128xf32>
    %get3A_1540 = arith.constant 0 : index
    %get3A_1541 = arith.constant 0 : index
    %get3A_1542 = arith.constant 115 : index
    %get3A_1543 = memref.load %arg1[%get3A_1540, %get3A_1541, %get3A_1542] : memref<1x1x192xf32, #tpu.memory_space<smem>>
    %broadcast_in_dim3A_1544 = vector.broadcast %get3A_1543 : f32 to vector<384x128xf32>
    %select_n3A_1545 = arith.select %gt3A_1531, %broadcast_in_dim3A_1544, %select_n3A_1467 : vector<384x128xi1>, vector<384x128xf32>
    %get3A_1546 = arith.constant 0 : index
    %get3A_1547 = arith.constant 0 : index
    %get3A_1548 = arith.constant 116 : index
    %get3A_1549 = memref.load %arg1[%get3A_1546, %get3A_1547, %get3A_1548] : memref<1x1x192xf32, #tpu.memory_space<smem>>
    %broadcast_in_dim3A_1550 = vector.broadcast %get3A_1549 : f32 to vector<384x128xf32>
    %select_n3A_1551 = arith.select %gt3A_1531, %broadcast_in_dim3A_1550, %select_n3A_1473 : vector<384x128xi1>, vector<384x128xf32>
    %get3A_1552 = arith.constant 0 : index
    %get3A_1553 = arith.constant 0 : index
    %get3A_1554 = arith.constant 117 : index
    %get3A_1555 = memref.load %arg1[%get3A_1552, %get3A_1553, %get3A_1554] : memref<1x1x192xf32, #tpu.memory_space<smem>>
    %broadcast_in_dim3A_1556 = vector.broadcast %get3A_1555 : f32 to vector<384x128xf32>
    %select_n3A_1557 = arith.select %gt3A_1531, %broadcast_in_dim3A_1556, %select_n3A_1479 : vector<384x128xi1>, vector<384x128xf32>
    %get3A_1558 = arith.constant 0 : index
    %get3A_1559 = arith.constant 0 : index
    %get3A_1560 = arith.constant 118 : index
    %get3A_1561 = memref.load %arg1[%get3A_1558, %get3A_1559, %get3A_1560] : memref<1x1x192xf32, #tpu.memory_space<smem>>
    %broadcast_in_dim3A_1562 = vector.broadcast %get3A_1561 : f32 to vector<384x128xf32>
    %select_n3A_1563 = arith.select %gt3A_1531, %broadcast_in_dim3A_1562, %select_n3A_1485 : vector<384x128xi1>, vector<384x128xf32>
    %get3A_1564 = arith.constant 0 : index
    %get3A_1565 = arith.constant 0 : index
    %get3A_1566 = arith.constant 120 : index
    %get3A_1567 = memref.load %arg1[%get3A_1564, %get3A_1565, %get3A_1566] : memref<1x1x192xf32, #tpu.memory_space<smem>>
    %get3A_1568 = arith.constant 0 : index
    %get3A_1569 = arith.constant 0 : index
    %get3A_1570 = arith.constant 121 : index
    %get3A_1571 = memref.load %arg1[%get3A_1568, %get3A_1569, %get3A_1570] : memref<1x1x192xf32, #tpu.memory_space<smem>>
    %get3A_1572 = arith.constant 0 : index
    %get3A_1573 = arith.constant 0 : index
    %get3A_1574 = arith.constant 122 : index
    %get3A_1575 = memref.load %arg1[%get3A_1572, %get3A_1573, %get3A_1574] : memref<1x1x192xf32, #tpu.memory_space<smem>>
    %get3A_1576 = arith.constant 0 : index
    %get3A_1577 = arith.constant 0 : index
    %get3A_1578 = arith.constant 123 : index
    %get3A_1579 = memref.load %arg1[%get3A_1576, %get3A_1577, %get3A_1578] : memref<1x1x192xf32, #tpu.memory_space<smem>>
    %min3A_1580 = vector.broadcast %get3A_1575 : f32 to vector<384x128xf32>
    %min3A_1581 = arith.minimumf %get3A_13, %min3A_1580 : vector<384x128xf32>
    %max3A_1582 = vector.broadcast %get3A_1567 : f32 to vector<384x128xf32>
    %max3A_1583 = arith.maximumf %get3A_3, %max3A_1582 : vector<384x128xf32>
    %sub3A_1584 = arith.subf %min3A_1581, %max3A_1583 : vector<384x128xf32>
    %max3A_1585 = arith.constant 0.000000e+00 : f32
    %max3A_1586 = vector.broadcast %max3A_1585 : f32 to vector<384x128xf32>
    %max3A_1587 = arith.maximumf %sub3A_1584, %max3A_1586 : vector<384x128xf32>
    %min3A_1588 = vector.broadcast %get3A_1579 : f32 to vector<384x128xf32>
    %min3A_1589 = arith.minimumf %get3A_18, %min3A_1588 : vector<384x128xf32>
    %max3A_1590 = vector.broadcast %get3A_1571 : f32 to vector<384x128xf32>
    %max3A_1591 = arith.maximumf %get3A_8, %max3A_1590 : vector<384x128xf32>
    %sub3A_1592 = arith.subf %min3A_1589, %max3A_1591 : vector<384x128xf32>
    %max3A_1593 = arith.constant 0.000000e+00 : f32
    %max3A_1594 = vector.broadcast %max3A_1593 : f32 to vector<384x128xf32>
    %max3A_1595 = arith.maximumf %sub3A_1592, %max3A_1594 : vector<384x128xf32>
    %mul3A_1596 = arith.mulf %max3A_1587, %max3A_1595 : vector<384x128xf32>
    %get3A_1597 = arith.constant 0 : index
    %get3A_1598 = arith.constant 0 : index
    %get3A_1599 = arith.constant 125 : index
    %get3A_1600 = memref.load %arg1[%get3A_1597, %get3A_1598, %get3A_1599] : memref<1x1x192xf32, #tpu.memory_space<smem>>
    %sub3A_1601 = vector.broadcast %get3A_1600 : f32 to vector<384x128xf32>
    %sub3A_1602 = arith.subf %sub3A_1601, %mul3A_1596 : vector<384x128xf32>
    %add3A_1603 = arith.addf %mul3A, %sub3A_1602 : vector<384x128xf32>
    %max3A_1604 = arith.constant 9.99999993E-9 : f32
    %max3A_1605 = vector.broadcast %max3A_1604 : f32 to vector<384x128xf32>
    %max3A_1606 = arith.maximumf %add3A_1603, %max3A_1605 : vector<384x128xf32>
    %mul3A_1607 = arith.mulf %mul3A_1596, %select_n3A_1533 : vector<384x128xf32>
    %mul3A_1608 = arith.mulf %select_n3A_1532, %max3A_1606 : vector<384x128xf32>
    %gt3A_1609 = arith.cmpf ogt, %mul3A_1607, %mul3A_1608 : vector<384x128xf32>
    %select_n3A_1610 = arith.select %gt3A_1609, %mul3A_1596, %select_n3A_1532 : vector<384x128xi1>, vector<384x128xf32>
    %select_n3A_1611 = arith.select %gt3A_1609, %max3A_1606, %select_n3A_1533 : vector<384x128xi1>, vector<384x128xf32>
    %get3A_1612 = arith.constant 0 : index
    %get3A_1613 = arith.constant 0 : index
    %get3A_1614 = arith.constant 120 : index
    %get3A_1615 = memref.load %arg1[%get3A_1612, %get3A_1613, %get3A_1614] : memref<1x1x192xf32, #tpu.memory_space<smem>>
    %broadcast_in_dim3A_1616 = vector.broadcast %get3A_1615 : f32 to vector<384x128xf32>
    %select_n3A_1617 = arith.select %gt3A_1609, %broadcast_in_dim3A_1616, %select_n3A_1539 : vector<384x128xi1>, vector<384x128xf32>
    %get3A_1618 = arith.constant 0 : index
    %get3A_1619 = arith.constant 0 : index
    %get3A_1620 = arith.constant 121 : index
    %get3A_1621 = memref.load %arg1[%get3A_1618, %get3A_1619, %get3A_1620] : memref<1x1x192xf32, #tpu.memory_space<smem>>
    %broadcast_in_dim3A_1622 = vector.broadcast %get3A_1621 : f32 to vector<384x128xf32>
    %select_n3A_1623 = arith.select %gt3A_1609, %broadcast_in_dim3A_1622, %select_n3A_1545 : vector<384x128xi1>, vector<384x128xf32>
    %get3A_1624 = arith.constant 0 : index
    %get3A_1625 = arith.constant 0 : index
    %get3A_1626 = arith.constant 122 : index
    %get3A_1627 = memref.load %arg1[%get3A_1624, %get3A_1625, %get3A_1626] : memref<1x1x192xf32, #tpu.memory_space<smem>>
    %broadcast_in_dim3A_1628 = vector.broadcast %get3A_1627 : f32 to vector<384x128xf32>
    %select_n3A_1629 = arith.select %gt3A_1609, %broadcast_in_dim3A_1628, %select_n3A_1551 : vector<384x128xi1>, vector<384x128xf32>
    %get3A_1630 = arith.constant 0 : index
    %get3A_1631 = arith.constant 0 : index
    %get3A_1632 = arith.constant 123 : index
    %get3A_1633 = memref.load %arg1[%get3A_1630, %get3A_1631, %get3A_1632] : memref<1x1x192xf32, #tpu.memory_space<smem>>
    %broadcast_in_dim3A_1634 = vector.broadcast %get3A_1633 : f32 to vector<384x128xf32>
    %select_n3A_1635 = arith.select %gt3A_1609, %broadcast_in_dim3A_1634, %select_n3A_1557 : vector<384x128xi1>, vector<384x128xf32>
    %get3A_1636 = arith.constant 0 : index
    %get3A_1637 = arith.constant 0 : index
    %get3A_1638 = arith.constant 124 : index
    %get3A_1639 = memref.load %arg1[%get3A_1636, %get3A_1637, %get3A_1638] : memref<1x1x192xf32, #tpu.memory_space<smem>>
    %broadcast_in_dim3A_1640 = vector.broadcast %get3A_1639 : f32 to vector<384x128xf32>
    %select_n3A_1641 = arith.select %gt3A_1609, %broadcast_in_dim3A_1640, %select_n3A_1563 : vector<384x128xi1>, vector<384x128xf32>
    %get3A_1642 = arith.constant 0 : index
    %get3A_1643 = arith.constant 0 : index
    %get3A_1644 = arith.constant 126 : index
    %get3A_1645 = memref.load %arg1[%get3A_1642, %get3A_1643, %get3A_1644] : memref<1x1x192xf32, #tpu.memory_space<smem>>
    %get3A_1646 = arith.constant 0 : index
    %get3A_1647 = arith.constant 0 : index
    %get3A_1648 = arith.constant 127 : index
    %get3A_1649 = memref.load %arg1[%get3A_1646, %get3A_1647, %get3A_1648] : memref<1x1x192xf32, #tpu.memory_space<smem>>
    %get3A_1650 = arith.constant 0 : index
    %get3A_1651 = arith.constant 0 : index
    %get3A_1652 = arith.constant 128 : index
    %get3A_1653 = memref.load %arg1[%get3A_1650, %get3A_1651, %get3A_1652] : memref<1x1x192xf32, #tpu.memory_space<smem>>
    %get3A_1654 = arith.constant 0 : index
    %get3A_1655 = arith.constant 0 : index
    %get3A_1656 = arith.constant 129 : index
    %get3A_1657 = memref.load %arg1[%get3A_1654, %get3A_1655, %get3A_1656] : memref<1x1x192xf32, #tpu.memory_space<smem>>
    %min3A_1658 = vector.broadcast %get3A_1653 : f32 to vector<384x128xf32>
    %min3A_1659 = arith.minimumf %get3A_13, %min3A_1658 : vector<384x128xf32>
    %max3A_1660 = vector.broadcast %get3A_1645 : f32 to vector<384x128xf32>
    %max3A_1661 = arith.maximumf %get3A_3, %max3A_1660 : vector<384x128xf32>
    %sub3A_1662 = arith.subf %min3A_1659, %max3A_1661 : vector<384x128xf32>
    %max3A_1663 = arith.constant 0.000000e+00 : f32
    %max3A_1664 = vector.broadcast %max3A_1663 : f32 to vector<384x128xf32>
    %max3A_1665 = arith.maximumf %sub3A_1662, %max3A_1664 : vector<384x128xf32>
    %min3A_1666 = vector.broadcast %get3A_1657 : f32 to vector<384x128xf32>
    %min3A_1667 = arith.minimumf %get3A_18, %min3A_1666 : vector<384x128xf32>
    %max3A_1668 = vector.broadcast %get3A_1649 : f32 to vector<384x128xf32>
    %max3A_1669 = arith.maximumf %get3A_8, %max3A_1668 : vector<384x128xf32>
    %sub3A_1670 = arith.subf %min3A_1667, %max3A_1669 : vector<384x128xf32>
    %max3A_1671 = arith.constant 0.000000e+00 : f32
    %max3A_1672 = vector.broadcast %max3A_1671 : f32 to vector<384x128xf32>
    %max3A_1673 = arith.maximumf %sub3A_1670, %max3A_1672 : vector<384x128xf32>
    %mul3A_1674 = arith.mulf %max3A_1665, %max3A_1673 : vector<384x128xf32>
    %get3A_1675 = arith.constant 0 : index
    %get3A_1676 = arith.constant 0 : index
    %get3A_1677 = arith.constant 131 : index
    %get3A_1678 = memref.load %arg1[%get3A_1675, %get3A_1676, %get3A_1677] : memref<1x1x192xf32, #tpu.memory_space<smem>>
    %sub3A_1679 = vector.broadcast %get3A_1678 : f32 to vector<384x128xf32>
    %sub3A_1680 = arith.subf %sub3A_1679, %mul3A_1674 : vector<384x128xf32>
    %add3A_1681 = arith.addf %mul3A, %sub3A_1680 : vector<384x128xf32>
    %max3A_1682 = arith.constant 9.99999993E-9 : f32
    %max3A_1683 = vector.broadcast %max3A_1682 : f32 to vector<384x128xf32>
    %max3A_1684 = arith.maximumf %add3A_1681, %max3A_1683 : vector<384x128xf32>
    %mul3A_1685 = arith.mulf %mul3A_1674, %select_n3A_1611 : vector<384x128xf32>
    %mul3A_1686 = arith.mulf %select_n3A_1610, %max3A_1684 : vector<384x128xf32>
    %gt3A_1687 = arith.cmpf ogt, %mul3A_1685, %mul3A_1686 : vector<384x128xf32>
    %select_n3A_1688 = arith.select %gt3A_1687, %mul3A_1674, %select_n3A_1610 : vector<384x128xi1>, vector<384x128xf32>
    %select_n3A_1689 = arith.select %gt3A_1687, %max3A_1684, %select_n3A_1611 : vector<384x128xi1>, vector<384x128xf32>
    %get3A_1690 = arith.constant 0 : index
    %get3A_1691 = arith.constant 0 : index
    %get3A_1692 = arith.constant 126 : index
    %get3A_1693 = memref.load %arg1[%get3A_1690, %get3A_1691, %get3A_1692] : memref<1x1x192xf32, #tpu.memory_space<smem>>
    %broadcast_in_dim3A_1694 = vector.broadcast %get3A_1693 : f32 to vector<384x128xf32>
    %select_n3A_1695 = arith.select %gt3A_1687, %broadcast_in_dim3A_1694, %select_n3A_1617 : vector<384x128xi1>, vector<384x128xf32>
    %get3A_1696 = arith.constant 0 : index
    %get3A_1697 = arith.constant 0 : index
    %get3A_1698 = arith.constant 127 : index
    %get3A_1699 = memref.load %arg1[%get3A_1696, %get3A_1697, %get3A_1698] : memref<1x1x192xf32, #tpu.memory_space<smem>>
    %broadcast_in_dim3A_1700 = vector.broadcast %get3A_1699 : f32 to vector<384x128xf32>
    %select_n3A_1701 = arith.select %gt3A_1687, %broadcast_in_dim3A_1700, %select_n3A_1623 : vector<384x128xi1>, vector<384x128xf32>
    %get3A_1702 = arith.constant 0 : index
    %get3A_1703 = arith.constant 0 : index
    %get3A_1704 = arith.constant 128 : index
    %get3A_1705 = memref.load %arg1[%get3A_1702, %get3A_1703, %get3A_1704] : memref<1x1x192xf32, #tpu.memory_space<smem>>
    %broadcast_in_dim3A_1706 = vector.broadcast %get3A_1705 : f32 to vector<384x128xf32>
    %select_n3A_1707 = arith.select %gt3A_1687, %broadcast_in_dim3A_1706, %select_n3A_1629 : vector<384x128xi1>, vector<384x128xf32>
    %get3A_1708 = arith.constant 0 : index
    %get3A_1709 = arith.constant 0 : index
    %get3A_1710 = arith.constant 129 : index
    %get3A_1711 = memref.load %arg1[%get3A_1708, %get3A_1709, %get3A_1710] : memref<1x1x192xf32, #tpu.memory_space<smem>>
    %broadcast_in_dim3A_1712 = vector.broadcast %get3A_1711 : f32 to vector<384x128xf32>
    %select_n3A_1713 = arith.select %gt3A_1687, %broadcast_in_dim3A_1712, %select_n3A_1635 : vector<384x128xi1>, vector<384x128xf32>
    %get3A_1714 = arith.constant 0 : index
    %get3A_1715 = arith.constant 0 : index
    %get3A_1716 = arith.constant 130 : index
    %get3A_1717 = memref.load %arg1[%get3A_1714, %get3A_1715, %get3A_1716] : memref<1x1x192xf32, #tpu.memory_space<smem>>
    %broadcast_in_dim3A_1718 = vector.broadcast %get3A_1717 : f32 to vector<384x128xf32>
    %select_n3A_1719 = arith.select %gt3A_1687, %broadcast_in_dim3A_1718, %select_n3A_1641 : vector<384x128xi1>, vector<384x128xf32>
    %get3A_1720 = arith.constant 0 : index
    %get3A_1721 = arith.constant 0 : index
    %get3A_1722 = arith.constant 132 : index
    %get3A_1723 = memref.load %arg1[%get3A_1720, %get3A_1721, %get3A_1722] : memref<1x1x192xf32, #tpu.memory_space<smem>>
    %get3A_1724 = arith.constant 0 : index
    %get3A_1725 = arith.constant 0 : index
    %get3A_1726 = arith.constant 133 : index
    %get3A_1727 = memref.load %arg1[%get3A_1724, %get3A_1725, %get3A_1726] : memref<1x1x192xf32, #tpu.memory_space<smem>>
    %get3A_1728 = arith.constant 0 : index
    %get3A_1729 = arith.constant 0 : index
    %get3A_1730 = arith.constant 134 : index
    %get3A_1731 = memref.load %arg1[%get3A_1728, %get3A_1729, %get3A_1730] : memref<1x1x192xf32, #tpu.memory_space<smem>>
    %get3A_1732 = arith.constant 0 : index
    %get3A_1733 = arith.constant 0 : index
    %get3A_1734 = arith.constant 135 : index
    %get3A_1735 = memref.load %arg1[%get3A_1732, %get3A_1733, %get3A_1734] : memref<1x1x192xf32, #tpu.memory_space<smem>>
    %min3A_1736 = vector.broadcast %get3A_1731 : f32 to vector<384x128xf32>
    %min3A_1737 = arith.minimumf %get3A_13, %min3A_1736 : vector<384x128xf32>
    %max3A_1738 = vector.broadcast %get3A_1723 : f32 to vector<384x128xf32>
    %max3A_1739 = arith.maximumf %get3A_3, %max3A_1738 : vector<384x128xf32>
    %sub3A_1740 = arith.subf %min3A_1737, %max3A_1739 : vector<384x128xf32>
    %max3A_1741 = arith.constant 0.000000e+00 : f32
    %max3A_1742 = vector.broadcast %max3A_1741 : f32 to vector<384x128xf32>
    %max3A_1743 = arith.maximumf %sub3A_1740, %max3A_1742 : vector<384x128xf32>
    %min3A_1744 = vector.broadcast %get3A_1735 : f32 to vector<384x128xf32>
    %min3A_1745 = arith.minimumf %get3A_18, %min3A_1744 : vector<384x128xf32>
    %max3A_1746 = vector.broadcast %get3A_1727 : f32 to vector<384x128xf32>
    %max3A_1747 = arith.maximumf %get3A_8, %max3A_1746 : vector<384x128xf32>
    %sub3A_1748 = arith.subf %min3A_1745, %max3A_1747 : vector<384x128xf32>
    %max3A_1749 = arith.constant 0.000000e+00 : f32
    %max3A_1750 = vector.broadcast %max3A_1749 : f32 to vector<384x128xf32>
    %max3A_1751 = arith.maximumf %sub3A_1748, %max3A_1750 : vector<384x128xf32>
    %mul3A_1752 = arith.mulf %max3A_1743, %max3A_1751 : vector<384x128xf32>
    %get3A_1753 = arith.constant 0 : index
    %get3A_1754 = arith.constant 0 : index
    %get3A_1755 = arith.constant 137 : index
    %get3A_1756 = memref.load %arg1[%get3A_1753, %get3A_1754, %get3A_1755] : memref<1x1x192xf32, #tpu.memory_space<smem>>
    %sub3A_1757 = vector.broadcast %get3A_1756 : f32 to vector<384x128xf32>
    %sub3A_1758 = arith.subf %sub3A_1757, %mul3A_1752 : vector<384x128xf32>
    %add3A_1759 = arith.addf %mul3A, %sub3A_1758 : vector<384x128xf32>
    %max3A_1760 = arith.constant 9.99999993E-9 : f32
    %max3A_1761 = vector.broadcast %max3A_1760 : f32 to vector<384x128xf32>
    %max3A_1762 = arith.maximumf %add3A_1759, %max3A_1761 : vector<384x128xf32>
    %mul3A_1763 = arith.mulf %mul3A_1752, %select_n3A_1689 : vector<384x128xf32>
    %mul3A_1764 = arith.mulf %select_n3A_1688, %max3A_1762 : vector<384x128xf32>
    %gt3A_1765 = arith.cmpf ogt, %mul3A_1763, %mul3A_1764 : vector<384x128xf32>
    %select_n3A_1766 = arith.select %gt3A_1765, %mul3A_1752, %select_n3A_1688 : vector<384x128xi1>, vector<384x128xf32>
    %select_n3A_1767 = arith.select %gt3A_1765, %max3A_1762, %select_n3A_1689 : vector<384x128xi1>, vector<384x128xf32>
    %get3A_1768 = arith.constant 0 : index
    %get3A_1769 = arith.constant 0 : index
    %get3A_1770 = arith.constant 132 : index
    %get3A_1771 = memref.load %arg1[%get3A_1768, %get3A_1769, %get3A_1770] : memref<1x1x192xf32, #tpu.memory_space<smem>>
    %broadcast_in_dim3A_1772 = vector.broadcast %get3A_1771 : f32 to vector<384x128xf32>
    %select_n3A_1773 = arith.select %gt3A_1765, %broadcast_in_dim3A_1772, %select_n3A_1695 : vector<384x128xi1>, vector<384x128xf32>
    %get3A_1774 = arith.constant 0 : index
    %get3A_1775 = arith.constant 0 : index
    %get3A_1776 = arith.constant 133 : index
    %get3A_1777 = memref.load %arg1[%get3A_1774, %get3A_1775, %get3A_1776] : memref<1x1x192xf32, #tpu.memory_space<smem>>
    %broadcast_in_dim3A_1778 = vector.broadcast %get3A_1777 : f32 to vector<384x128xf32>
    %select_n3A_1779 = arith.select %gt3A_1765, %broadcast_in_dim3A_1778, %select_n3A_1701 : vector<384x128xi1>, vector<384x128xf32>
    %get3A_1780 = arith.constant 0 : index
    %get3A_1781 = arith.constant 0 : index
    %get3A_1782 = arith.constant 134 : index
    %get3A_1783 = memref.load %arg1[%get3A_1780, %get3A_1781, %get3A_1782] : memref<1x1x192xf32, #tpu.memory_space<smem>>
    %broadcast_in_dim3A_1784 = vector.broadcast %get3A_1783 : f32 to vector<384x128xf32>
    %select_n3A_1785 = arith.select %gt3A_1765, %broadcast_in_dim3A_1784, %select_n3A_1707 : vector<384x128xi1>, vector<384x128xf32>
    %get3A_1786 = arith.constant 0 : index
    %get3A_1787 = arith.constant 0 : index
    %get3A_1788 = arith.constant 135 : index
    %get3A_1789 = memref.load %arg1[%get3A_1786, %get3A_1787, %get3A_1788] : memref<1x1x192xf32, #tpu.memory_space<smem>>
    %broadcast_in_dim3A_1790 = vector.broadcast %get3A_1789 : f32 to vector<384x128xf32>
    %select_n3A_1791 = arith.select %gt3A_1765, %broadcast_in_dim3A_1790, %select_n3A_1713 : vector<384x128xi1>, vector<384x128xf32>
    %get3A_1792 = arith.constant 0 : index
    %get3A_1793 = arith.constant 0 : index
    %get3A_1794 = arith.constant 136 : index
    %get3A_1795 = memref.load %arg1[%get3A_1792, %get3A_1793, %get3A_1794] : memref<1x1x192xf32, #tpu.memory_space<smem>>
    %broadcast_in_dim3A_1796 = vector.broadcast %get3A_1795 : f32 to vector<384x128xf32>
    %select_n3A_1797 = arith.select %gt3A_1765, %broadcast_in_dim3A_1796, %select_n3A_1719 : vector<384x128xi1>, vector<384x128xf32>
    %get3A_1798 = arith.constant 0 : index
    %get3A_1799 = arith.constant 0 : index
    %get3A_1800 = arith.constant 138 : index
    %get3A_1801 = memref.load %arg1[%get3A_1798, %get3A_1799, %get3A_1800] : memref<1x1x192xf32, #tpu.memory_space<smem>>
    %get3A_1802 = arith.constant 0 : index
    %get3A_1803 = arith.constant 0 : index
    %get3A_1804 = arith.constant 139 : index
    %get3A_1805 = memref.load %arg1[%get3A_1802, %get3A_1803, %get3A_1804] : memref<1x1x192xf32, #tpu.memory_space<smem>>
    %get3A_1806 = arith.constant 0 : index
    %get3A_1807 = arith.constant 0 : index
    %get3A_1808 = arith.constant 140 : index
    %get3A_1809 = memref.load %arg1[%get3A_1806, %get3A_1807, %get3A_1808] : memref<1x1x192xf32, #tpu.memory_space<smem>>
    %get3A_1810 = arith.constant 0 : index
    %get3A_1811 = arith.constant 0 : index
    %get3A_1812 = arith.constant 141 : index
    %get3A_1813 = memref.load %arg1[%get3A_1810, %get3A_1811, %get3A_1812] : memref<1x1x192xf32, #tpu.memory_space<smem>>
    %min3A_1814 = vector.broadcast %get3A_1809 : f32 to vector<384x128xf32>
    %min3A_1815 = arith.minimumf %get3A_13, %min3A_1814 : vector<384x128xf32>
    %max3A_1816 = vector.broadcast %get3A_1801 : f32 to vector<384x128xf32>
    %max3A_1817 = arith.maximumf %get3A_3, %max3A_1816 : vector<384x128xf32>
    %sub3A_1818 = arith.subf %min3A_1815, %max3A_1817 : vector<384x128xf32>
    %max3A_1819 = arith.constant 0.000000e+00 : f32
    %max3A_1820 = vector.broadcast %max3A_1819 : f32 to vector<384x128xf32>
    %max3A_1821 = arith.maximumf %sub3A_1818, %max3A_1820 : vector<384x128xf32>
    %min3A_1822 = vector.broadcast %get3A_1813 : f32 to vector<384x128xf32>
    %min3A_1823 = arith.minimumf %get3A_18, %min3A_1822 : vector<384x128xf32>
    %max3A_1824 = vector.broadcast %get3A_1805 : f32 to vector<384x128xf32>
    %max3A_1825 = arith.maximumf %get3A_8, %max3A_1824 : vector<384x128xf32>
    %sub3A_1826 = arith.subf %min3A_1823, %max3A_1825 : vector<384x128xf32>
    %max3A_1827 = arith.constant 0.000000e+00 : f32
    %max3A_1828 = vector.broadcast %max3A_1827 : f32 to vector<384x128xf32>
    %max3A_1829 = arith.maximumf %sub3A_1826, %max3A_1828 : vector<384x128xf32>
    %mul3A_1830 = arith.mulf %max3A_1821, %max3A_1829 : vector<384x128xf32>
    %get3A_1831 = arith.constant 0 : index
    %get3A_1832 = arith.constant 0 : index
    %get3A_1833 = arith.constant 143 : index
    %get3A_1834 = memref.load %arg1[%get3A_1831, %get3A_1832, %get3A_1833] : memref<1x1x192xf32, #tpu.memory_space<smem>>
    %sub3A_1835 = vector.broadcast %get3A_1834 : f32 to vector<384x128xf32>
    %sub3A_1836 = arith.subf %sub3A_1835, %mul3A_1830 : vector<384x128xf32>
    %add3A_1837 = arith.addf %mul3A, %sub3A_1836 : vector<384x128xf32>
    %max3A_1838 = arith.constant 9.99999993E-9 : f32
    %max3A_1839 = vector.broadcast %max3A_1838 : f32 to vector<384x128xf32>
    %max3A_1840 = arith.maximumf %add3A_1837, %max3A_1839 : vector<384x128xf32>
    %mul3A_1841 = arith.mulf %mul3A_1830, %select_n3A_1767 : vector<384x128xf32>
    %mul3A_1842 = arith.mulf %select_n3A_1766, %max3A_1840 : vector<384x128xf32>
    %gt3A_1843 = arith.cmpf ogt, %mul3A_1841, %mul3A_1842 : vector<384x128xf32>
    %select_n3A_1844 = arith.select %gt3A_1843, %mul3A_1830, %select_n3A_1766 : vector<384x128xi1>, vector<384x128xf32>
    %select_n3A_1845 = arith.select %gt3A_1843, %max3A_1840, %select_n3A_1767 : vector<384x128xi1>, vector<384x128xf32>
    %get3A_1846 = arith.constant 0 : index
    %get3A_1847 = arith.constant 0 : index
    %get3A_1848 = arith.constant 138 : index
    %get3A_1849 = memref.load %arg1[%get3A_1846, %get3A_1847, %get3A_1848] : memref<1x1x192xf32, #tpu.memory_space<smem>>
    %broadcast_in_dim3A_1850 = vector.broadcast %get3A_1849 : f32 to vector<384x128xf32>
    %select_n3A_1851 = arith.select %gt3A_1843, %broadcast_in_dim3A_1850, %select_n3A_1773 : vector<384x128xi1>, vector<384x128xf32>
    %get3A_1852 = arith.constant 0 : index
    %get3A_1853 = arith.constant 0 : index
    %get3A_1854 = arith.constant 139 : index
    %get3A_1855 = memref.load %arg1[%get3A_1852, %get3A_1853, %get3A_1854] : memref<1x1x192xf32, #tpu.memory_space<smem>>
    %broadcast_in_dim3A_1856 = vector.broadcast %get3A_1855 : f32 to vector<384x128xf32>
    %select_n3A_1857 = arith.select %gt3A_1843, %broadcast_in_dim3A_1856, %select_n3A_1779 : vector<384x128xi1>, vector<384x128xf32>
    %get3A_1858 = arith.constant 0 : index
    %get3A_1859 = arith.constant 0 : index
    %get3A_1860 = arith.constant 140 : index
    %get3A_1861 = memref.load %arg1[%get3A_1858, %get3A_1859, %get3A_1860] : memref<1x1x192xf32, #tpu.memory_space<smem>>
    %broadcast_in_dim3A_1862 = vector.broadcast %get3A_1861 : f32 to vector<384x128xf32>
    %select_n3A_1863 = arith.select %gt3A_1843, %broadcast_in_dim3A_1862, %select_n3A_1785 : vector<384x128xi1>, vector<384x128xf32>
    %get3A_1864 = arith.constant 0 : index
    %get3A_1865 = arith.constant 0 : index
    %get3A_1866 = arith.constant 141 : index
    %get3A_1867 = memref.load %arg1[%get3A_1864, %get3A_1865, %get3A_1866] : memref<1x1x192xf32, #tpu.memory_space<smem>>
    %broadcast_in_dim3A_1868 = vector.broadcast %get3A_1867 : f32 to vector<384x128xf32>
    %select_n3A_1869 = arith.select %gt3A_1843, %broadcast_in_dim3A_1868, %select_n3A_1791 : vector<384x128xi1>, vector<384x128xf32>
    %get3A_1870 = arith.constant 0 : index
    %get3A_1871 = arith.constant 0 : index
    %get3A_1872 = arith.constant 142 : index
    %get3A_1873 = memref.load %arg1[%get3A_1870, %get3A_1871, %get3A_1872] : memref<1x1x192xf32, #tpu.memory_space<smem>>
    %broadcast_in_dim3A_1874 = vector.broadcast %get3A_1873 : f32 to vector<384x128xf32>
    %select_n3A_1875 = arith.select %gt3A_1843, %broadcast_in_dim3A_1874, %select_n3A_1797 : vector<384x128xi1>, vector<384x128xf32>
    %get3A_1876 = arith.constant 0 : index
    %get3A_1877 = arith.constant 0 : index
    %get3A_1878 = arith.constant 144 : index
    %get3A_1879 = memref.load %arg1[%get3A_1876, %get3A_1877, %get3A_1878] : memref<1x1x192xf32, #tpu.memory_space<smem>>
    %get3A_1880 = arith.constant 0 : index
    %get3A_1881 = arith.constant 0 : index
    %get3A_1882 = arith.constant 145 : index
    %get3A_1883 = memref.load %arg1[%get3A_1880, %get3A_1881, %get3A_1882] : memref<1x1x192xf32, #tpu.memory_space<smem>>
    %get3A_1884 = arith.constant 0 : index
    %get3A_1885 = arith.constant 0 : index
    %get3A_1886 = arith.constant 146 : index
    %get3A_1887 = memref.load %arg1[%get3A_1884, %get3A_1885, %get3A_1886] : memref<1x1x192xf32, #tpu.memory_space<smem>>
    %get3A_1888 = arith.constant 0 : index
    %get3A_1889 = arith.constant 0 : index
    %get3A_1890 = arith.constant 147 : index
    %get3A_1891 = memref.load %arg1[%get3A_1888, %get3A_1889, %get3A_1890] : memref<1x1x192xf32, #tpu.memory_space<smem>>
    %min3A_1892 = vector.broadcast %get3A_1887 : f32 to vector<384x128xf32>
    %min3A_1893 = arith.minimumf %get3A_13, %min3A_1892 : vector<384x128xf32>
    %max3A_1894 = vector.broadcast %get3A_1879 : f32 to vector<384x128xf32>
    %max3A_1895 = arith.maximumf %get3A_3, %max3A_1894 : vector<384x128xf32>
    %sub3A_1896 = arith.subf %min3A_1893, %max3A_1895 : vector<384x128xf32>
    %max3A_1897 = arith.constant 0.000000e+00 : f32
    %max3A_1898 = vector.broadcast %max3A_1897 : f32 to vector<384x128xf32>
    %max3A_1899 = arith.maximumf %sub3A_1896, %max3A_1898 : vector<384x128xf32>
    %min3A_1900 = vector.broadcast %get3A_1891 : f32 to vector<384x128xf32>
    %min3A_1901 = arith.minimumf %get3A_18, %min3A_1900 : vector<384x128xf32>
    %max3A_1902 = vector.broadcast %get3A_1883 : f32 to vector<384x128xf32>
    %max3A_1903 = arith.maximumf %get3A_8, %max3A_1902 : vector<384x128xf32>
    %sub3A_1904 = arith.subf %min3A_1901, %max3A_1903 : vector<384x128xf32>
    %max3A_1905 = arith.constant 0.000000e+00 : f32
    %max3A_1906 = vector.broadcast %max3A_1905 : f32 to vector<384x128xf32>
    %max3A_1907 = arith.maximumf %sub3A_1904, %max3A_1906 : vector<384x128xf32>
    %mul3A_1908 = arith.mulf %max3A_1899, %max3A_1907 : vector<384x128xf32>
    %get3A_1909 = arith.constant 0 : index
    %get3A_1910 = arith.constant 0 : index
    %get3A_1911 = arith.constant 149 : index
    %get3A_1912 = memref.load %arg1[%get3A_1909, %get3A_1910, %get3A_1911] : memref<1x1x192xf32, #tpu.memory_space<smem>>
    %sub3A_1913 = vector.broadcast %get3A_1912 : f32 to vector<384x128xf32>
    %sub3A_1914 = arith.subf %sub3A_1913, %mul3A_1908 : vector<384x128xf32>
    %add3A_1915 = arith.addf %mul3A, %sub3A_1914 : vector<384x128xf32>
    %max3A_1916 = arith.constant 9.99999993E-9 : f32
    %max3A_1917 = vector.broadcast %max3A_1916 : f32 to vector<384x128xf32>
    %max3A_1918 = arith.maximumf %add3A_1915, %max3A_1917 : vector<384x128xf32>
    %mul3A_1919 = arith.mulf %mul3A_1908, %select_n3A_1845 : vector<384x128xf32>
    %mul3A_1920 = arith.mulf %select_n3A_1844, %max3A_1918 : vector<384x128xf32>
    %gt3A_1921 = arith.cmpf ogt, %mul3A_1919, %mul3A_1920 : vector<384x128xf32>
    %select_n3A_1922 = arith.select %gt3A_1921, %mul3A_1908, %select_n3A_1844 : vector<384x128xi1>, vector<384x128xf32>
    %select_n3A_1923 = arith.select %gt3A_1921, %max3A_1918, %select_n3A_1845 : vector<384x128xi1>, vector<384x128xf32>
    %get3A_1924 = arith.constant 0 : index
    %get3A_1925 = arith.constant 0 : index
    %get3A_1926 = arith.constant 144 : index
    %get3A_1927 = memref.load %arg1[%get3A_1924, %get3A_1925, %get3A_1926] : memref<1x1x192xf32, #tpu.memory_space<smem>>
    %broadcast_in_dim3A_1928 = vector.broadcast %get3A_1927 : f32 to vector<384x128xf32>
    %select_n3A_1929 = arith.select %gt3A_1921, %broadcast_in_dim3A_1928, %select_n3A_1851 : vector<384x128xi1>, vector<384x128xf32>
    %get3A_1930 = arith.constant 0 : index
    %get3A_1931 = arith.constant 0 : index
    %get3A_1932 = arith.constant 145 : index
    %get3A_1933 = memref.load %arg1[%get3A_1930, %get3A_1931, %get3A_1932] : memref<1x1x192xf32, #tpu.memory_space<smem>>
    %broadcast_in_dim3A_1934 = vector.broadcast %get3A_1933 : f32 to vector<384x128xf32>
    %select_n3A_1935 = arith.select %gt3A_1921, %broadcast_in_dim3A_1934, %select_n3A_1857 : vector<384x128xi1>, vector<384x128xf32>
    %get3A_1936 = arith.constant 0 : index
    %get3A_1937 = arith.constant 0 : index
    %get3A_1938 = arith.constant 146 : index
    %get3A_1939 = memref.load %arg1[%get3A_1936, %get3A_1937, %get3A_1938] : memref<1x1x192xf32, #tpu.memory_space<smem>>
    %broadcast_in_dim3A_1940 = vector.broadcast %get3A_1939 : f32 to vector<384x128xf32>
    %select_n3A_1941 = arith.select %gt3A_1921, %broadcast_in_dim3A_1940, %select_n3A_1863 : vector<384x128xi1>, vector<384x128xf32>
    %get3A_1942 = arith.constant 0 : index
    %get3A_1943 = arith.constant 0 : index
    %get3A_1944 = arith.constant 147 : index
    %get3A_1945 = memref.load %arg1[%get3A_1942, %get3A_1943, %get3A_1944] : memref<1x1x192xf32, #tpu.memory_space<smem>>
    %broadcast_in_dim3A_1946 = vector.broadcast %get3A_1945 : f32 to vector<384x128xf32>
    %select_n3A_1947 = arith.select %gt3A_1921, %broadcast_in_dim3A_1946, %select_n3A_1869 : vector<384x128xi1>, vector<384x128xf32>
    %get3A_1948 = arith.constant 0 : index
    %get3A_1949 = arith.constant 0 : index
    %get3A_1950 = arith.constant 148 : index
    %get3A_1951 = memref.load %arg1[%get3A_1948, %get3A_1949, %get3A_1950] : memref<1x1x192xf32, #tpu.memory_space<smem>>
    %broadcast_in_dim3A_1952 = vector.broadcast %get3A_1951 : f32 to vector<384x128xf32>
    %select_n3A_1953 = arith.select %gt3A_1921, %broadcast_in_dim3A_1952, %select_n3A_1875 : vector<384x128xi1>, vector<384x128xf32>
    %get3A_1954 = arith.constant 0 : index
    %get3A_1955 = arith.constant 0 : index
    %get3A_1956 = arith.constant 150 : index
    %get3A_1957 = memref.load %arg1[%get3A_1954, %get3A_1955, %get3A_1956] : memref<1x1x192xf32, #tpu.memory_space<smem>>
    %get3A_1958 = arith.constant 0 : index
    %get3A_1959 = arith.constant 0 : index
    %get3A_1960 = arith.constant 151 : index
    %get3A_1961 = memref.load %arg1[%get3A_1958, %get3A_1959, %get3A_1960] : memref<1x1x192xf32, #tpu.memory_space<smem>>
    %get3A_1962 = arith.constant 0 : index
    %get3A_1963 = arith.constant 0 : index
    %get3A_1964 = arith.constant 152 : index
    %get3A_1965 = memref.load %arg1[%get3A_1962, %get3A_1963, %get3A_1964] : memref<1x1x192xf32, #tpu.memory_space<smem>>
    %get3A_1966 = arith.constant 0 : index
    %get3A_1967 = arith.constant 0 : index
    %get3A_1968 = arith.constant 153 : index
    %get3A_1969 = memref.load %arg1[%get3A_1966, %get3A_1967, %get3A_1968] : memref<1x1x192xf32, #tpu.memory_space<smem>>
    %min3A_1970 = vector.broadcast %get3A_1965 : f32 to vector<384x128xf32>
    %min3A_1971 = arith.minimumf %get3A_13, %min3A_1970 : vector<384x128xf32>
    %max3A_1972 = vector.broadcast %get3A_1957 : f32 to vector<384x128xf32>
    %max3A_1973 = arith.maximumf %get3A_3, %max3A_1972 : vector<384x128xf32>
    %sub3A_1974 = arith.subf %min3A_1971, %max3A_1973 : vector<384x128xf32>
    %max3A_1975 = arith.constant 0.000000e+00 : f32
    %max3A_1976 = vector.broadcast %max3A_1975 : f32 to vector<384x128xf32>
    %max3A_1977 = arith.maximumf %sub3A_1974, %max3A_1976 : vector<384x128xf32>
    %min3A_1978 = vector.broadcast %get3A_1969 : f32 to vector<384x128xf32>
    %min3A_1979 = arith.minimumf %get3A_18, %min3A_1978 : vector<384x128xf32>
    %max3A_1980 = vector.broadcast %get3A_1961 : f32 to vector<384x128xf32>
    %max3A_1981 = arith.maximumf %get3A_8, %max3A_1980 : vector<384x128xf32>
    %sub3A_1982 = arith.subf %min3A_1979, %max3A_1981 : vector<384x128xf32>
    %max3A_1983 = arith.constant 0.000000e+00 : f32
    %max3A_1984 = vector.broadcast %max3A_1983 : f32 to vector<384x128xf32>
    %max3A_1985 = arith.maximumf %sub3A_1982, %max3A_1984 : vector<384x128xf32>
    %mul3A_1986 = arith.mulf %max3A_1977, %max3A_1985 : vector<384x128xf32>
    %get3A_1987 = arith.constant 0 : index
    %get3A_1988 = arith.constant 0 : index
    %get3A_1989 = arith.constant 155 : index
    %get3A_1990 = memref.load %arg1[%get3A_1987, %get3A_1988, %get3A_1989] : memref<1x1x192xf32, #tpu.memory_space<smem>>
    %sub3A_1991 = vector.broadcast %get3A_1990 : f32 to vector<384x128xf32>
    %sub3A_1992 = arith.subf %sub3A_1991, %mul3A_1986 : vector<384x128xf32>
    %add3A_1993 = arith.addf %mul3A, %sub3A_1992 : vector<384x128xf32>
    %max3A_1994 = arith.constant 9.99999993E-9 : f32
    %max3A_1995 = vector.broadcast %max3A_1994 : f32 to vector<384x128xf32>
    %max3A_1996 = arith.maximumf %add3A_1993, %max3A_1995 : vector<384x128xf32>
    %mul3A_1997 = arith.mulf %mul3A_1986, %select_n3A_1923 : vector<384x128xf32>
    %mul3A_1998 = arith.mulf %select_n3A_1922, %max3A_1996 : vector<384x128xf32>
    %gt3A_1999 = arith.cmpf ogt, %mul3A_1997, %mul3A_1998 : vector<384x128xf32>
    %select_n3A_2000 = arith.select %gt3A_1999, %mul3A_1986, %select_n3A_1922 : vector<384x128xi1>, vector<384x128xf32>
    %select_n3A_2001 = arith.select %gt3A_1999, %max3A_1996, %select_n3A_1923 : vector<384x128xi1>, vector<384x128xf32>
    %get3A_2002 = arith.constant 0 : index
    %get3A_2003 = arith.constant 0 : index
    %get3A_2004 = arith.constant 150 : index
    %get3A_2005 = memref.load %arg1[%get3A_2002, %get3A_2003, %get3A_2004] : memref<1x1x192xf32, #tpu.memory_space<smem>>
    %broadcast_in_dim3A_2006 = vector.broadcast %get3A_2005 : f32 to vector<384x128xf32>
    %select_n3A_2007 = arith.select %gt3A_1999, %broadcast_in_dim3A_2006, %select_n3A_1929 : vector<384x128xi1>, vector<384x128xf32>
    %get3A_2008 = arith.constant 0 : index
    %get3A_2009 = arith.constant 0 : index
    %get3A_2010 = arith.constant 151 : index
    %get3A_2011 = memref.load %arg1[%get3A_2008, %get3A_2009, %get3A_2010] : memref<1x1x192xf32, #tpu.memory_space<smem>>
    %broadcast_in_dim3A_2012 = vector.broadcast %get3A_2011 : f32 to vector<384x128xf32>
    %select_n3A_2013 = arith.select %gt3A_1999, %broadcast_in_dim3A_2012, %select_n3A_1935 : vector<384x128xi1>, vector<384x128xf32>
    %get3A_2014 = arith.constant 0 : index
    %get3A_2015 = arith.constant 0 : index
    %get3A_2016 = arith.constant 152 : index
    %get3A_2017 = memref.load %arg1[%get3A_2014, %get3A_2015, %get3A_2016] : memref<1x1x192xf32, #tpu.memory_space<smem>>
    %broadcast_in_dim3A_2018 = vector.broadcast %get3A_2017 : f32 to vector<384x128xf32>
    %select_n3A_2019 = arith.select %gt3A_1999, %broadcast_in_dim3A_2018, %select_n3A_1941 : vector<384x128xi1>, vector<384x128xf32>
    %get3A_2020 = arith.constant 0 : index
    %get3A_2021 = arith.constant 0 : index
    %get3A_2022 = arith.constant 153 : index
    %get3A_2023 = memref.load %arg1[%get3A_2020, %get3A_2021, %get3A_2022] : memref<1x1x192xf32, #tpu.memory_space<smem>>
    %broadcast_in_dim3A_2024 = vector.broadcast %get3A_2023 : f32 to vector<384x128xf32>
    %select_n3A_2025 = arith.select %gt3A_1999, %broadcast_in_dim3A_2024, %select_n3A_1947 : vector<384x128xi1>, vector<384x128xf32>
    %get3A_2026 = arith.constant 0 : index
    %get3A_2027 = arith.constant 0 : index
    %get3A_2028 = arith.constant 154 : index
    %get3A_2029 = memref.load %arg1[%get3A_2026, %get3A_2027, %get3A_2028] : memref<1x1x192xf32, #tpu.memory_space<smem>>
    %broadcast_in_dim3A_2030 = vector.broadcast %get3A_2029 : f32 to vector<384x128xf32>
    %select_n3A_2031 = arith.select %gt3A_1999, %broadcast_in_dim3A_2030, %select_n3A_1953 : vector<384x128xi1>, vector<384x128xf32>
    %get3A_2032 = arith.constant 0 : index
    %get3A_2033 = arith.constant 0 : index
    %get3A_2034 = arith.constant 156 : index
    %get3A_2035 = memref.load %arg1[%get3A_2032, %get3A_2033, %get3A_2034] : memref<1x1x192xf32, #tpu.memory_space<smem>>
    %get3A_2036 = arith.constant 0 : index
    %get3A_2037 = arith.constant 0 : index
    %get3A_2038 = arith.constant 157 : index
    %get3A_2039 = memref.load %arg1[%get3A_2036, %get3A_2037, %get3A_2038] : memref<1x1x192xf32, #tpu.memory_space<smem>>
    %get3A_2040 = arith.constant 0 : index
    %get3A_2041 = arith.constant 0 : index
    %get3A_2042 = arith.constant 158 : index
    %get3A_2043 = memref.load %arg1[%get3A_2040, %get3A_2041, %get3A_2042] : memref<1x1x192xf32, #tpu.memory_space<smem>>
    %get3A_2044 = arith.constant 0 : index
    %get3A_2045 = arith.constant 0 : index
    %get3A_2046 = arith.constant 159 : index
    %get3A_2047 = memref.load %arg1[%get3A_2044, %get3A_2045, %get3A_2046] : memref<1x1x192xf32, #tpu.memory_space<smem>>
    %min3A_2048 = vector.broadcast %get3A_2043 : f32 to vector<384x128xf32>
    %min3A_2049 = arith.minimumf %get3A_13, %min3A_2048 : vector<384x128xf32>
    %max3A_2050 = vector.broadcast %get3A_2035 : f32 to vector<384x128xf32>
    %max3A_2051 = arith.maximumf %get3A_3, %max3A_2050 : vector<384x128xf32>
    %sub3A_2052 = arith.subf %min3A_2049, %max3A_2051 : vector<384x128xf32>
    %max3A_2053 = arith.constant 0.000000e+00 : f32
    %max3A_2054 = vector.broadcast %max3A_2053 : f32 to vector<384x128xf32>
    %max3A_2055 = arith.maximumf %sub3A_2052, %max3A_2054 : vector<384x128xf32>
    %min3A_2056 = vector.broadcast %get3A_2047 : f32 to vector<384x128xf32>
    %min3A_2057 = arith.minimumf %get3A_18, %min3A_2056 : vector<384x128xf32>
    %max3A_2058 = vector.broadcast %get3A_2039 : f32 to vector<384x128xf32>
    %max3A_2059 = arith.maximumf %get3A_8, %max3A_2058 : vector<384x128xf32>
    %sub3A_2060 = arith.subf %min3A_2057, %max3A_2059 : vector<384x128xf32>
    %max3A_2061 = arith.constant 0.000000e+00 : f32
    %max3A_2062 = vector.broadcast %max3A_2061 : f32 to vector<384x128xf32>
    %max3A_2063 = arith.maximumf %sub3A_2060, %max3A_2062 : vector<384x128xf32>
    %mul3A_2064 = arith.mulf %max3A_2055, %max3A_2063 : vector<384x128xf32>
    %get3A_2065 = arith.constant 0 : index
    %get3A_2066 = arith.constant 0 : index
    %get3A_2067 = arith.constant 161 : index
    %get3A_2068 = memref.load %arg1[%get3A_2065, %get3A_2066, %get3A_2067] : memref<1x1x192xf32, #tpu.memory_space<smem>>
    %sub3A_2069 = vector.broadcast %get3A_2068 : f32 to vector<384x128xf32>
    %sub3A_2070 = arith.subf %sub3A_2069, %mul3A_2064 : vector<384x128xf32>
    %add3A_2071 = arith.addf %mul3A, %sub3A_2070 : vector<384x128xf32>
    %max3A_2072 = arith.constant 9.99999993E-9 : f32
    %max3A_2073 = vector.broadcast %max3A_2072 : f32 to vector<384x128xf32>
    %max3A_2074 = arith.maximumf %add3A_2071, %max3A_2073 : vector<384x128xf32>
    %mul3A_2075 = arith.mulf %mul3A_2064, %select_n3A_2001 : vector<384x128xf32>
    %mul3A_2076 = arith.mulf %select_n3A_2000, %max3A_2074 : vector<384x128xf32>
    %gt3A_2077 = arith.cmpf ogt, %mul3A_2075, %mul3A_2076 : vector<384x128xf32>
    %select_n3A_2078 = arith.select %gt3A_2077, %mul3A_2064, %select_n3A_2000 : vector<384x128xi1>, vector<384x128xf32>
    %select_n3A_2079 = arith.select %gt3A_2077, %max3A_2074, %select_n3A_2001 : vector<384x128xi1>, vector<384x128xf32>
    %get3A_2080 = arith.constant 0 : index
    %get3A_2081 = arith.constant 0 : index
    %get3A_2082 = arith.constant 156 : index
    %get3A_2083 = memref.load %arg1[%get3A_2080, %get3A_2081, %get3A_2082] : memref<1x1x192xf32, #tpu.memory_space<smem>>
    %broadcast_in_dim3A_2084 = vector.broadcast %get3A_2083 : f32 to vector<384x128xf32>
    %select_n3A_2085 = arith.select %gt3A_2077, %broadcast_in_dim3A_2084, %select_n3A_2007 : vector<384x128xi1>, vector<384x128xf32>
    %get3A_2086 = arith.constant 0 : index
    %get3A_2087 = arith.constant 0 : index
    %get3A_2088 = arith.constant 157 : index
    %get3A_2089 = memref.load %arg1[%get3A_2086, %get3A_2087, %get3A_2088] : memref<1x1x192xf32, #tpu.memory_space<smem>>
    %broadcast_in_dim3A_2090 = vector.broadcast %get3A_2089 : f32 to vector<384x128xf32>
    %select_n3A_2091 = arith.select %gt3A_2077, %broadcast_in_dim3A_2090, %select_n3A_2013 : vector<384x128xi1>, vector<384x128xf32>
    %get3A_2092 = arith.constant 0 : index
    %get3A_2093 = arith.constant 0 : index
    %get3A_2094 = arith.constant 158 : index
    %get3A_2095 = memref.load %arg1[%get3A_2092, %get3A_2093, %get3A_2094] : memref<1x1x192xf32, #tpu.memory_space<smem>>
    %broadcast_in_dim3A_2096 = vector.broadcast %get3A_2095 : f32 to vector<384x128xf32>
    %select_n3A_2097 = arith.select %gt3A_2077, %broadcast_in_dim3A_2096, %select_n3A_2019 : vector<384x128xi1>, vector<384x128xf32>
    %get3A_2098 = arith.constant 0 : index
    %get3A_2099 = arith.constant 0 : index
    %get3A_2100 = arith.constant 159 : index
    %get3A_2101 = memref.load %arg1[%get3A_2098, %get3A_2099, %get3A_2100] : memref<1x1x192xf32, #tpu.memory_space<smem>>
    %broadcast_in_dim3A_2102 = vector.broadcast %get3A_2101 : f32 to vector<384x128xf32>
    %select_n3A_2103 = arith.select %gt3A_2077, %broadcast_in_dim3A_2102, %select_n3A_2025 : vector<384x128xi1>, vector<384x128xf32>
    %get3A_2104 = arith.constant 0 : index
    %get3A_2105 = arith.constant 0 : index
    %get3A_2106 = arith.constant 160 : index
    %get3A_2107 = memref.load %arg1[%get3A_2104, %get3A_2105, %get3A_2106] : memref<1x1x192xf32, #tpu.memory_space<smem>>
    %broadcast_in_dim3A_2108 = vector.broadcast %get3A_2107 : f32 to vector<384x128xf32>
    %select_n3A_2109 = arith.select %gt3A_2077, %broadcast_in_dim3A_2108, %select_n3A_2031 : vector<384x128xi1>, vector<384x128xf32>
    %get3A_2110 = arith.constant 0 : index
    %get3A_2111 = arith.constant 0 : index
    %get3A_2112 = arith.constant 162 : index
    %get3A_2113 = memref.load %arg1[%get3A_2110, %get3A_2111, %get3A_2112] : memref<1x1x192xf32, #tpu.memory_space<smem>>
    %get3A_2114 = arith.constant 0 : index
    %get3A_2115 = arith.constant 0 : index
    %get3A_2116 = arith.constant 163 : index
    %get3A_2117 = memref.load %arg1[%get3A_2114, %get3A_2115, %get3A_2116] : memref<1x1x192xf32, #tpu.memory_space<smem>>
    %get3A_2118 = arith.constant 0 : index
    %get3A_2119 = arith.constant 0 : index
    %get3A_2120 = arith.constant 164 : index
    %get3A_2121 = memref.load %arg1[%get3A_2118, %get3A_2119, %get3A_2120] : memref<1x1x192xf32, #tpu.memory_space<smem>>
    %get3A_2122 = arith.constant 0 : index
    %get3A_2123 = arith.constant 0 : index
    %get3A_2124 = arith.constant 165 : index
    %get3A_2125 = memref.load %arg1[%get3A_2122, %get3A_2123, %get3A_2124] : memref<1x1x192xf32, #tpu.memory_space<smem>>
    %min3A_2126 = vector.broadcast %get3A_2121 : f32 to vector<384x128xf32>
    %min3A_2127 = arith.minimumf %get3A_13, %min3A_2126 : vector<384x128xf32>
    %max3A_2128 = vector.broadcast %get3A_2113 : f32 to vector<384x128xf32>
    %max3A_2129 = arith.maximumf %get3A_3, %max3A_2128 : vector<384x128xf32>
    %sub3A_2130 = arith.subf %min3A_2127, %max3A_2129 : vector<384x128xf32>
    %max3A_2131 = arith.constant 0.000000e+00 : f32
    %max3A_2132 = vector.broadcast %max3A_2131 : f32 to vector<384x128xf32>
    %max3A_2133 = arith.maximumf %sub3A_2130, %max3A_2132 : vector<384x128xf32>
    %min3A_2134 = vector.broadcast %get3A_2125 : f32 to vector<384x128xf32>
    %min3A_2135 = arith.minimumf %get3A_18, %min3A_2134 : vector<384x128xf32>
    %max3A_2136 = vector.broadcast %get3A_2117 : f32 to vector<384x128xf32>
    %max3A_2137 = arith.maximumf %get3A_8, %max3A_2136 : vector<384x128xf32>
    %sub3A_2138 = arith.subf %min3A_2135, %max3A_2137 : vector<384x128xf32>
    %max3A_2139 = arith.constant 0.000000e+00 : f32
    %max3A_2140 = vector.broadcast %max3A_2139 : f32 to vector<384x128xf32>
    %max3A_2141 = arith.maximumf %sub3A_2138, %max3A_2140 : vector<384x128xf32>
    %mul3A_2142 = arith.mulf %max3A_2133, %max3A_2141 : vector<384x128xf32>
    %get3A_2143 = arith.constant 0 : index
    %get3A_2144 = arith.constant 0 : index
    %get3A_2145 = arith.constant 167 : index
    %get3A_2146 = memref.load %arg1[%get3A_2143, %get3A_2144, %get3A_2145] : memref<1x1x192xf32, #tpu.memory_space<smem>>
    %sub3A_2147 = vector.broadcast %get3A_2146 : f32 to vector<384x128xf32>
    %sub3A_2148 = arith.subf %sub3A_2147, %mul3A_2142 : vector<384x128xf32>
    %add3A_2149 = arith.addf %mul3A, %sub3A_2148 : vector<384x128xf32>
    %max3A_2150 = arith.constant 9.99999993E-9 : f32
    %max3A_2151 = vector.broadcast %max3A_2150 : f32 to vector<384x128xf32>
    %max3A_2152 = arith.maximumf %add3A_2149, %max3A_2151 : vector<384x128xf32>
    %mul3A_2153 = arith.mulf %mul3A_2142, %select_n3A_2079 : vector<384x128xf32>
    %mul3A_2154 = arith.mulf %select_n3A_2078, %max3A_2152 : vector<384x128xf32>
    %gt3A_2155 = arith.cmpf ogt, %mul3A_2153, %mul3A_2154 : vector<384x128xf32>
    %select_n3A_2156 = arith.select %gt3A_2155, %mul3A_2142, %select_n3A_2078 : vector<384x128xi1>, vector<384x128xf32>
    %select_n3A_2157 = arith.select %gt3A_2155, %max3A_2152, %select_n3A_2079 : vector<384x128xi1>, vector<384x128xf32>
    %get3A_2158 = arith.constant 0 : index
    %get3A_2159 = arith.constant 0 : index
    %get3A_2160 = arith.constant 162 : index
    %get3A_2161 = memref.load %arg1[%get3A_2158, %get3A_2159, %get3A_2160] : memref<1x1x192xf32, #tpu.memory_space<smem>>
    %broadcast_in_dim3A_2162 = vector.broadcast %get3A_2161 : f32 to vector<384x128xf32>
    %select_n3A_2163 = arith.select %gt3A_2155, %broadcast_in_dim3A_2162, %select_n3A_2085 : vector<384x128xi1>, vector<384x128xf32>
    %get3A_2164 = arith.constant 0 : index
    %get3A_2165 = arith.constant 0 : index
    %get3A_2166 = arith.constant 163 : index
    %get3A_2167 = memref.load %arg1[%get3A_2164, %get3A_2165, %get3A_2166] : memref<1x1x192xf32, #tpu.memory_space<smem>>
    %broadcast_in_dim3A_2168 = vector.broadcast %get3A_2167 : f32 to vector<384x128xf32>
    %select_n3A_2169 = arith.select %gt3A_2155, %broadcast_in_dim3A_2168, %select_n3A_2091 : vector<384x128xi1>, vector<384x128xf32>
    %get3A_2170 = arith.constant 0 : index
    %get3A_2171 = arith.constant 0 : index
    %get3A_2172 = arith.constant 164 : index
    %get3A_2173 = memref.load %arg1[%get3A_2170, %get3A_2171, %get3A_2172] : memref<1x1x192xf32, #tpu.memory_space<smem>>
    %broadcast_in_dim3A_2174 = vector.broadcast %get3A_2173 : f32 to vector<384x128xf32>
    %select_n3A_2175 = arith.select %gt3A_2155, %broadcast_in_dim3A_2174, %select_n3A_2097 : vector<384x128xi1>, vector<384x128xf32>
    %get3A_2176 = arith.constant 0 : index
    %get3A_2177 = arith.constant 0 : index
    %get3A_2178 = arith.constant 165 : index
    %get3A_2179 = memref.load %arg1[%get3A_2176, %get3A_2177, %get3A_2178] : memref<1x1x192xf32, #tpu.memory_space<smem>>
    %broadcast_in_dim3A_2180 = vector.broadcast %get3A_2179 : f32 to vector<384x128xf32>
    %select_n3A_2181 = arith.select %gt3A_2155, %broadcast_in_dim3A_2180, %select_n3A_2103 : vector<384x128xi1>, vector<384x128xf32>
    %get3A_2182 = arith.constant 0 : index
    %get3A_2183 = arith.constant 0 : index
    %get3A_2184 = arith.constant 166 : index
    %get3A_2185 = memref.load %arg1[%get3A_2182, %get3A_2183, %get3A_2184] : memref<1x1x192xf32, #tpu.memory_space<smem>>
    %broadcast_in_dim3A_2186 = vector.broadcast %get3A_2185 : f32 to vector<384x128xf32>
    %select_n3A_2187 = arith.select %gt3A_2155, %broadcast_in_dim3A_2186, %select_n3A_2109 : vector<384x128xi1>, vector<384x128xf32>
    %get3A_2188 = arith.constant 0 : index
    %get3A_2189 = arith.constant 0 : index
    %get3A_2190 = arith.constant 168 : index
    %get3A_2191 = memref.load %arg1[%get3A_2188, %get3A_2189, %get3A_2190] : memref<1x1x192xf32, #tpu.memory_space<smem>>
    %get3A_2192 = arith.constant 0 : index
    %get3A_2193 = arith.constant 0 : index
    %get3A_2194 = arith.constant 169 : index
    %get3A_2195 = memref.load %arg1[%get3A_2192, %get3A_2193, %get3A_2194] : memref<1x1x192xf32, #tpu.memory_space<smem>>
    %get3A_2196 = arith.constant 0 : index
    %get3A_2197 = arith.constant 0 : index
    %get3A_2198 = arith.constant 170 : index
    %get3A_2199 = memref.load %arg1[%get3A_2196, %get3A_2197, %get3A_2198] : memref<1x1x192xf32, #tpu.memory_space<smem>>
    %get3A_2200 = arith.constant 0 : index
    %get3A_2201 = arith.constant 0 : index
    %get3A_2202 = arith.constant 171 : index
    %get3A_2203 = memref.load %arg1[%get3A_2200, %get3A_2201, %get3A_2202] : memref<1x1x192xf32, #tpu.memory_space<smem>>
    %min3A_2204 = vector.broadcast %get3A_2199 : f32 to vector<384x128xf32>
    %min3A_2205 = arith.minimumf %get3A_13, %min3A_2204 : vector<384x128xf32>
    %max3A_2206 = vector.broadcast %get3A_2191 : f32 to vector<384x128xf32>
    %max3A_2207 = arith.maximumf %get3A_3, %max3A_2206 : vector<384x128xf32>
    %sub3A_2208 = arith.subf %min3A_2205, %max3A_2207 : vector<384x128xf32>
    %max3A_2209 = arith.constant 0.000000e+00 : f32
    %max3A_2210 = vector.broadcast %max3A_2209 : f32 to vector<384x128xf32>
    %max3A_2211 = arith.maximumf %sub3A_2208, %max3A_2210 : vector<384x128xf32>
    %min3A_2212 = vector.broadcast %get3A_2203 : f32 to vector<384x128xf32>
    %min3A_2213 = arith.minimumf %get3A_18, %min3A_2212 : vector<384x128xf32>
    %max3A_2214 = vector.broadcast %get3A_2195 : f32 to vector<384x128xf32>
    %max3A_2215 = arith.maximumf %get3A_8, %max3A_2214 : vector<384x128xf32>
    %sub3A_2216 = arith.subf %min3A_2213, %max3A_2215 : vector<384x128xf32>
    %max3A_2217 = arith.constant 0.000000e+00 : f32
    %max3A_2218 = vector.broadcast %max3A_2217 : f32 to vector<384x128xf32>
    %max3A_2219 = arith.maximumf %sub3A_2216, %max3A_2218 : vector<384x128xf32>
    %mul3A_2220 = arith.mulf %max3A_2211, %max3A_2219 : vector<384x128xf32>
    %get3A_2221 = arith.constant 0 : index
    %get3A_2222 = arith.constant 0 : index
    %get3A_2223 = arith.constant 173 : index
    %get3A_2224 = memref.load %arg1[%get3A_2221, %get3A_2222, %get3A_2223] : memref<1x1x192xf32, #tpu.memory_space<smem>>
    %sub3A_2225 = vector.broadcast %get3A_2224 : f32 to vector<384x128xf32>
    %sub3A_2226 = arith.subf %sub3A_2225, %mul3A_2220 : vector<384x128xf32>
    %add3A_2227 = arith.addf %mul3A, %sub3A_2226 : vector<384x128xf32>
    %max3A_2228 = arith.constant 9.99999993E-9 : f32
    %max3A_2229 = vector.broadcast %max3A_2228 : f32 to vector<384x128xf32>
    %max3A_2230 = arith.maximumf %add3A_2227, %max3A_2229 : vector<384x128xf32>
    %mul3A_2231 = arith.mulf %mul3A_2220, %select_n3A_2157 : vector<384x128xf32>
    %mul3A_2232 = arith.mulf %select_n3A_2156, %max3A_2230 : vector<384x128xf32>
    %gt3A_2233 = arith.cmpf ogt, %mul3A_2231, %mul3A_2232 : vector<384x128xf32>
    %select_n3A_2234 = arith.select %gt3A_2233, %mul3A_2220, %select_n3A_2156 : vector<384x128xi1>, vector<384x128xf32>
    %select_n3A_2235 = arith.select %gt3A_2233, %max3A_2230, %select_n3A_2157 : vector<384x128xi1>, vector<384x128xf32>
    %get3A_2236 = arith.constant 0 : index
    %get3A_2237 = arith.constant 0 : index
    %get3A_2238 = arith.constant 168 : index
    %get3A_2239 = memref.load %arg1[%get3A_2236, %get3A_2237, %get3A_2238] : memref<1x1x192xf32, #tpu.memory_space<smem>>
    %broadcast_in_dim3A_2240 = vector.broadcast %get3A_2239 : f32 to vector<384x128xf32>
    %select_n3A_2241 = arith.select %gt3A_2233, %broadcast_in_dim3A_2240, %select_n3A_2163 : vector<384x128xi1>, vector<384x128xf32>
    %get3A_2242 = arith.constant 0 : index
    %get3A_2243 = arith.constant 0 : index
    %get3A_2244 = arith.constant 169 : index
    %get3A_2245 = memref.load %arg1[%get3A_2242, %get3A_2243, %get3A_2244] : memref<1x1x192xf32, #tpu.memory_space<smem>>
    %broadcast_in_dim3A_2246 = vector.broadcast %get3A_2245 : f32 to vector<384x128xf32>
    %select_n3A_2247 = arith.select %gt3A_2233, %broadcast_in_dim3A_2246, %select_n3A_2169 : vector<384x128xi1>, vector<384x128xf32>
    %get3A_2248 = arith.constant 0 : index
    %get3A_2249 = arith.constant 0 : index
    %get3A_2250 = arith.constant 170 : index
    %get3A_2251 = memref.load %arg1[%get3A_2248, %get3A_2249, %get3A_2250] : memref<1x1x192xf32, #tpu.memory_space<smem>>
    %broadcast_in_dim3A_2252 = vector.broadcast %get3A_2251 : f32 to vector<384x128xf32>
    %select_n3A_2253 = arith.select %gt3A_2233, %broadcast_in_dim3A_2252, %select_n3A_2175 : vector<384x128xi1>, vector<384x128xf32>
    %get3A_2254 = arith.constant 0 : index
    %get3A_2255 = arith.constant 0 : index
    %get3A_2256 = arith.constant 171 : index
    %get3A_2257 = memref.load %arg1[%get3A_2254, %get3A_2255, %get3A_2256] : memref<1x1x192xf32, #tpu.memory_space<smem>>
    %broadcast_in_dim3A_2258 = vector.broadcast %get3A_2257 : f32 to vector<384x128xf32>
    %select_n3A_2259 = arith.select %gt3A_2233, %broadcast_in_dim3A_2258, %select_n3A_2181 : vector<384x128xi1>, vector<384x128xf32>
    %get3A_2260 = arith.constant 0 : index
    %get3A_2261 = arith.constant 0 : index
    %get3A_2262 = arith.constant 172 : index
    %get3A_2263 = memref.load %arg1[%get3A_2260, %get3A_2261, %get3A_2262] : memref<1x1x192xf32, #tpu.memory_space<smem>>
    %broadcast_in_dim3A_2264 = vector.broadcast %get3A_2263 : f32 to vector<384x128xf32>
    %select_n3A_2265 = arith.select %gt3A_2233, %broadcast_in_dim3A_2264, %select_n3A_2187 : vector<384x128xi1>, vector<384x128xf32>
    %get3A_2266 = arith.constant 0 : index
    %get3A_2267 = arith.constant 0 : index
    %get3A_2268 = arith.constant 174 : index
    %get3A_2269 = memref.load %arg1[%get3A_2266, %get3A_2267, %get3A_2268] : memref<1x1x192xf32, #tpu.memory_space<smem>>
    %get3A_2270 = arith.constant 0 : index
    %get3A_2271 = arith.constant 0 : index
    %get3A_2272 = arith.constant 175 : index
    %get3A_2273 = memref.load %arg1[%get3A_2270, %get3A_2271, %get3A_2272] : memref<1x1x192xf32, #tpu.memory_space<smem>>
    %get3A_2274 = arith.constant 0 : index
    %get3A_2275 = arith.constant 0 : index
    %get3A_2276 = arith.constant 176 : index
    %get3A_2277 = memref.load %arg1[%get3A_2274, %get3A_2275, %get3A_2276] : memref<1x1x192xf32, #tpu.memory_space<smem>>
    %get3A_2278 = arith.constant 0 : index
    %get3A_2279 = arith.constant 0 : index
    %get3A_2280 = arith.constant 177 : index
    %get3A_2281 = memref.load %arg1[%get3A_2278, %get3A_2279, %get3A_2280] : memref<1x1x192xf32, #tpu.memory_space<smem>>
    %min3A_2282 = vector.broadcast %get3A_2277 : f32 to vector<384x128xf32>
    %min3A_2283 = arith.minimumf %get3A_13, %min3A_2282 : vector<384x128xf32>
    %max3A_2284 = vector.broadcast %get3A_2269 : f32 to vector<384x128xf32>
    %max3A_2285 = arith.maximumf %get3A_3, %max3A_2284 : vector<384x128xf32>
    %sub3A_2286 = arith.subf %min3A_2283, %max3A_2285 : vector<384x128xf32>
    %max3A_2287 = arith.constant 0.000000e+00 : f32
    %max3A_2288 = vector.broadcast %max3A_2287 : f32 to vector<384x128xf32>
    %max3A_2289 = arith.maximumf %sub3A_2286, %max3A_2288 : vector<384x128xf32>
    %min3A_2290 = vector.broadcast %get3A_2281 : f32 to vector<384x128xf32>
    %min3A_2291 = arith.minimumf %get3A_18, %min3A_2290 : vector<384x128xf32>
    %max3A_2292 = vector.broadcast %get3A_2273 : f32 to vector<384x128xf32>
    %max3A_2293 = arith.maximumf %get3A_8, %max3A_2292 : vector<384x128xf32>
    %sub3A_2294 = arith.subf %min3A_2291, %max3A_2293 : vector<384x128xf32>
    %max3A_2295 = arith.constant 0.000000e+00 : f32
    %max3A_2296 = vector.broadcast %max3A_2295 : f32 to vector<384x128xf32>
    %max3A_2297 = arith.maximumf %sub3A_2294, %max3A_2296 : vector<384x128xf32>
    %mul3A_2298 = arith.mulf %max3A_2289, %max3A_2297 : vector<384x128xf32>
    %get3A_2299 = arith.constant 0 : index
    %get3A_2300 = arith.constant 0 : index
    %get3A_2301 = arith.constant 179 : index
    %get3A_2302 = memref.load %arg1[%get3A_2299, %get3A_2300, %get3A_2301] : memref<1x1x192xf32, #tpu.memory_space<smem>>
    %sub3A_2303 = vector.broadcast %get3A_2302 : f32 to vector<384x128xf32>
    %sub3A_2304 = arith.subf %sub3A_2303, %mul3A_2298 : vector<384x128xf32>
    %add3A_2305 = arith.addf %mul3A, %sub3A_2304 : vector<384x128xf32>
    %max3A_2306 = arith.constant 9.99999993E-9 : f32
    %max3A_2307 = vector.broadcast %max3A_2306 : f32 to vector<384x128xf32>
    %max3A_2308 = arith.maximumf %add3A_2305, %max3A_2307 : vector<384x128xf32>
    %mul3A_2309 = arith.mulf %mul3A_2298, %select_n3A_2235 : vector<384x128xf32>
    %mul3A_2310 = arith.mulf %select_n3A_2234, %max3A_2308 : vector<384x128xf32>
    %gt3A_2311 = arith.cmpf ogt, %mul3A_2309, %mul3A_2310 : vector<384x128xf32>
    %select_n3A_2312 = arith.select %gt3A_2311, %mul3A_2298, %select_n3A_2234 : vector<384x128xi1>, vector<384x128xf32>
    %select_n3A_2313 = arith.select %gt3A_2311, %max3A_2308, %select_n3A_2235 : vector<384x128xi1>, vector<384x128xf32>
    %get3A_2314 = arith.constant 0 : index
    %get3A_2315 = arith.constant 0 : index
    %get3A_2316 = arith.constant 174 : index
    %get3A_2317 = memref.load %arg1[%get3A_2314, %get3A_2315, %get3A_2316] : memref<1x1x192xf32, #tpu.memory_space<smem>>
    %broadcast_in_dim3A_2318 = vector.broadcast %get3A_2317 : f32 to vector<384x128xf32>
    %select_n3A_2319 = arith.select %gt3A_2311, %broadcast_in_dim3A_2318, %select_n3A_2241 : vector<384x128xi1>, vector<384x128xf32>
    %get3A_2320 = arith.constant 0 : index
    %get3A_2321 = arith.constant 0 : index
    %get3A_2322 = arith.constant 175 : index
    %get3A_2323 = memref.load %arg1[%get3A_2320, %get3A_2321, %get3A_2322] : memref<1x1x192xf32, #tpu.memory_space<smem>>
    %broadcast_in_dim3A_2324 = vector.broadcast %get3A_2323 : f32 to vector<384x128xf32>
    %select_n3A_2325 = arith.select %gt3A_2311, %broadcast_in_dim3A_2324, %select_n3A_2247 : vector<384x128xi1>, vector<384x128xf32>
    %get3A_2326 = arith.constant 0 : index
    %get3A_2327 = arith.constant 0 : index
    %get3A_2328 = arith.constant 176 : index
    %get3A_2329 = memref.load %arg1[%get3A_2326, %get3A_2327, %get3A_2328] : memref<1x1x192xf32, #tpu.memory_space<smem>>
    %broadcast_in_dim3A_2330 = vector.broadcast %get3A_2329 : f32 to vector<384x128xf32>
    %select_n3A_2331 = arith.select %gt3A_2311, %broadcast_in_dim3A_2330, %select_n3A_2253 : vector<384x128xi1>, vector<384x128xf32>
    %get3A_2332 = arith.constant 0 : index
    %get3A_2333 = arith.constant 0 : index
    %get3A_2334 = arith.constant 177 : index
    %get3A_2335 = memref.load %arg1[%get3A_2332, %get3A_2333, %get3A_2334] : memref<1x1x192xf32, #tpu.memory_space<smem>>
    %broadcast_in_dim3A_2336 = vector.broadcast %get3A_2335 : f32 to vector<384x128xf32>
    %select_n3A_2337 = arith.select %gt3A_2311, %broadcast_in_dim3A_2336, %select_n3A_2259 : vector<384x128xi1>, vector<384x128xf32>
    %get3A_2338 = arith.constant 0 : index
    %get3A_2339 = arith.constant 0 : index
    %get3A_2340 = arith.constant 178 : index
    %get3A_2341 = memref.load %arg1[%get3A_2338, %get3A_2339, %get3A_2340] : memref<1x1x192xf32, #tpu.memory_space<smem>>
    %broadcast_in_dim3A_2342 = vector.broadcast %get3A_2341 : f32 to vector<384x128xf32>
    %select_n3A_2343 = arith.select %gt3A_2311, %broadcast_in_dim3A_2342, %select_n3A_2265 : vector<384x128xi1>, vector<384x128xf32>
    %get3A_2344 = arith.constant 0 : index
    %get3A_2345 = arith.constant 0 : index
    %get3A_2346 = arith.constant 180 : index
    %get3A_2347 = memref.load %arg1[%get3A_2344, %get3A_2345, %get3A_2346] : memref<1x1x192xf32, #tpu.memory_space<smem>>
    %get3A_2348 = arith.constant 0 : index
    %get3A_2349 = arith.constant 0 : index
    %get3A_2350 = arith.constant 181 : index
    %get3A_2351 = memref.load %arg1[%get3A_2348, %get3A_2349, %get3A_2350] : memref<1x1x192xf32, #tpu.memory_space<smem>>
    %get3A_2352 = arith.constant 0 : index
    %get3A_2353 = arith.constant 0 : index
    %get3A_2354 = arith.constant 182 : index
    %get3A_2355 = memref.load %arg1[%get3A_2352, %get3A_2353, %get3A_2354] : memref<1x1x192xf32, #tpu.memory_space<smem>>
    %get3A_2356 = arith.constant 0 : index
    %get3A_2357 = arith.constant 0 : index
    %get3A_2358 = arith.constant 183 : index
    %get3A_2359 = memref.load %arg1[%get3A_2356, %get3A_2357, %get3A_2358] : memref<1x1x192xf32, #tpu.memory_space<smem>>
    %min3A_2360 = vector.broadcast %get3A_2355 : f32 to vector<384x128xf32>
    %min3A_2361 = arith.minimumf %get3A_13, %min3A_2360 : vector<384x128xf32>
    %max3A_2362 = vector.broadcast %get3A_2347 : f32 to vector<384x128xf32>
    %max3A_2363 = arith.maximumf %get3A_3, %max3A_2362 : vector<384x128xf32>
    %sub3A_2364 = arith.subf %min3A_2361, %max3A_2363 : vector<384x128xf32>
    %max3A_2365 = arith.constant 0.000000e+00 : f32
    %max3A_2366 = vector.broadcast %max3A_2365 : f32 to vector<384x128xf32>
    %max3A_2367 = arith.maximumf %sub3A_2364, %max3A_2366 : vector<384x128xf32>
    %min3A_2368 = vector.broadcast %get3A_2359 : f32 to vector<384x128xf32>
    %min3A_2369 = arith.minimumf %get3A_18, %min3A_2368 : vector<384x128xf32>
    %max3A_2370 = vector.broadcast %get3A_2351 : f32 to vector<384x128xf32>
    %max3A_2371 = arith.maximumf %get3A_8, %max3A_2370 : vector<384x128xf32>
    %sub3A_2372 = arith.subf %min3A_2369, %max3A_2371 : vector<384x128xf32>
    %max3A_2373 = arith.constant 0.000000e+00 : f32
    %max3A_2374 = vector.broadcast %max3A_2373 : f32 to vector<384x128xf32>
    %max3A_2375 = arith.maximumf %sub3A_2372, %max3A_2374 : vector<384x128xf32>
    %mul3A_2376 = arith.mulf %max3A_2367, %max3A_2375 : vector<384x128xf32>
    %get3A_2377 = arith.constant 0 : index
    %get3A_2378 = arith.constant 0 : index
    %get3A_2379 = arith.constant 185 : index
    %get3A_2380 = memref.load %arg1[%get3A_2377, %get3A_2378, %get3A_2379] : memref<1x1x192xf32, #tpu.memory_space<smem>>
    %sub3A_2381 = vector.broadcast %get3A_2380 : f32 to vector<384x128xf32>
    %sub3A_2382 = arith.subf %sub3A_2381, %mul3A_2376 : vector<384x128xf32>
    %add3A_2383 = arith.addf %mul3A, %sub3A_2382 : vector<384x128xf32>
    %max3A_2384 = arith.constant 9.99999993E-9 : f32
    %max3A_2385 = vector.broadcast %max3A_2384 : f32 to vector<384x128xf32>
    %max3A_2386 = arith.maximumf %add3A_2383, %max3A_2385 : vector<384x128xf32>
    %mul3A_2387 = arith.mulf %mul3A_2376, %select_n3A_2313 : vector<384x128xf32>
    %mul3A_2388 = arith.mulf %select_n3A_2312, %max3A_2386 : vector<384x128xf32>
    %gt3A_2389 = arith.cmpf ogt, %mul3A_2387, %mul3A_2388 : vector<384x128xf32>
    %select_n3A_2390 = arith.select %gt3A_2389, %mul3A_2376, %select_n3A_2312 : vector<384x128xi1>, vector<384x128xf32>
    %select_n3A_2391 = arith.select %gt3A_2389, %max3A_2386, %select_n3A_2313 : vector<384x128xi1>, vector<384x128xf32>
    %get3A_2392 = arith.constant 0 : index
    %get3A_2393 = arith.constant 0 : index
    %get3A_2394 = arith.constant 180 : index
    %get3A_2395 = memref.load %arg1[%get3A_2392, %get3A_2393, %get3A_2394] : memref<1x1x192xf32, #tpu.memory_space<smem>>
    %broadcast_in_dim3A_2396 = vector.broadcast %get3A_2395 : f32 to vector<384x128xf32>
    %select_n3A_2397 = arith.select %gt3A_2389, %broadcast_in_dim3A_2396, %select_n3A_2319 : vector<384x128xi1>, vector<384x128xf32>
    %get3A_2398 = arith.constant 0 : index
    %get3A_2399 = arith.constant 0 : index
    %get3A_2400 = arith.constant 181 : index
    %get3A_2401 = memref.load %arg1[%get3A_2398, %get3A_2399, %get3A_2400] : memref<1x1x192xf32, #tpu.memory_space<smem>>
    %broadcast_in_dim3A_2402 = vector.broadcast %get3A_2401 : f32 to vector<384x128xf32>
    %select_n3A_2403 = arith.select %gt3A_2389, %broadcast_in_dim3A_2402, %select_n3A_2325 : vector<384x128xi1>, vector<384x128xf32>
    %get3A_2404 = arith.constant 0 : index
    %get3A_2405 = arith.constant 0 : index
    %get3A_2406 = arith.constant 182 : index
    %get3A_2407 = memref.load %arg1[%get3A_2404, %get3A_2405, %get3A_2406] : memref<1x1x192xf32, #tpu.memory_space<smem>>
    %broadcast_in_dim3A_2408 = vector.broadcast %get3A_2407 : f32 to vector<384x128xf32>
    %select_n3A_2409 = arith.select %gt3A_2389, %broadcast_in_dim3A_2408, %select_n3A_2331 : vector<384x128xi1>, vector<384x128xf32>
    %get3A_2410 = arith.constant 0 : index
    %get3A_2411 = arith.constant 0 : index
    %get3A_2412 = arith.constant 183 : index
    %get3A_2413 = memref.load %arg1[%get3A_2410, %get3A_2411, %get3A_2412] : memref<1x1x192xf32, #tpu.memory_space<smem>>
    %broadcast_in_dim3A_2414 = vector.broadcast %get3A_2413 : f32 to vector<384x128xf32>
    %select_n3A_2415 = arith.select %gt3A_2389, %broadcast_in_dim3A_2414, %select_n3A_2337 : vector<384x128xi1>, vector<384x128xf32>
    %get3A_2416 = arith.constant 0 : index
    %get3A_2417 = arith.constant 0 : index
    %get3A_2418 = arith.constant 184 : index
    %get3A_2419 = memref.load %arg1[%get3A_2416, %get3A_2417, %get3A_2418] : memref<1x1x192xf32, #tpu.memory_space<smem>>
    %broadcast_in_dim3A_2420 = vector.broadcast %get3A_2419 : f32 to vector<384x128xf32>
    %select_n3A_2421 = arith.select %gt3A_2389, %broadcast_in_dim3A_2420, %select_n3A_2343 : vector<384x128xi1>, vector<384x128xf32>
    %get3A_2422 = arith.constant 0 : index
    %get3A_2423 = arith.constant 0 : index
    %get3A_2424 = arith.constant 186 : index
    %get3A_2425 = memref.load %arg1[%get3A_2422, %get3A_2423, %get3A_2424] : memref<1x1x192xf32, #tpu.memory_space<smem>>
    %get3A_2426 = arith.constant 0 : index
    %get3A_2427 = arith.constant 0 : index
    %get3A_2428 = arith.constant 187 : index
    %get3A_2429 = memref.load %arg1[%get3A_2426, %get3A_2427, %get3A_2428] : memref<1x1x192xf32, #tpu.memory_space<smem>>
    %get3A_2430 = arith.constant 0 : index
    %get3A_2431 = arith.constant 0 : index
    %get3A_2432 = arith.constant 188 : index
    %get3A_2433 = memref.load %arg1[%get3A_2430, %get3A_2431, %get3A_2432] : memref<1x1x192xf32, #tpu.memory_space<smem>>
    %get3A_2434 = arith.constant 0 : index
    %get3A_2435 = arith.constant 0 : index
    %get3A_2436 = arith.constant 189 : index
    %get3A_2437 = memref.load %arg1[%get3A_2434, %get3A_2435, %get3A_2436] : memref<1x1x192xf32, #tpu.memory_space<smem>>
    %min3A_2438 = vector.broadcast %get3A_2433 : f32 to vector<384x128xf32>
    %min3A_2439 = arith.minimumf %get3A_13, %min3A_2438 : vector<384x128xf32>
    %max3A_2440 = vector.broadcast %get3A_2425 : f32 to vector<384x128xf32>
    %max3A_2441 = arith.maximumf %get3A_3, %max3A_2440 : vector<384x128xf32>
    %sub3A_2442 = arith.subf %min3A_2439, %max3A_2441 : vector<384x128xf32>
    %max3A_2443 = arith.constant 0.000000e+00 : f32
    %max3A_2444 = vector.broadcast %max3A_2443 : f32 to vector<384x128xf32>
    %max3A_2445 = arith.maximumf %sub3A_2442, %max3A_2444 : vector<384x128xf32>
    %min3A_2446 = vector.broadcast %get3A_2437 : f32 to vector<384x128xf32>
    %min3A_2447 = arith.minimumf %get3A_18, %min3A_2446 : vector<384x128xf32>
    %max3A_2448 = vector.broadcast %get3A_2429 : f32 to vector<384x128xf32>
    %max3A_2449 = arith.maximumf %get3A_8, %max3A_2448 : vector<384x128xf32>
    %sub3A_2450 = arith.subf %min3A_2447, %max3A_2449 : vector<384x128xf32>
    %max3A_2451 = arith.constant 0.000000e+00 : f32
    %max3A_2452 = vector.broadcast %max3A_2451 : f32 to vector<384x128xf32>
    %max3A_2453 = arith.maximumf %sub3A_2450, %max3A_2452 : vector<384x128xf32>
    %mul3A_2454 = arith.mulf %max3A_2445, %max3A_2453 : vector<384x128xf32>
    %get3A_2455 = arith.constant 0 : index
    %get3A_2456 = arith.constant 0 : index
    %get3A_2457 = arith.constant 191 : index
    %get3A_2458 = memref.load %arg1[%get3A_2455, %get3A_2456, %get3A_2457] : memref<1x1x192xf32, #tpu.memory_space<smem>>
    %sub3A_2459 = vector.broadcast %get3A_2458 : f32 to vector<384x128xf32>
    %sub3A_2460 = arith.subf %sub3A_2459, %mul3A_2454 : vector<384x128xf32>
    %add3A_2461 = arith.addf %mul3A, %sub3A_2460 : vector<384x128xf32>
    %max3A_2462 = arith.constant 9.99999993E-9 : f32
    %max3A_2463 = vector.broadcast %max3A_2462 : f32 to vector<384x128xf32>
    %max3A_2464 = arith.maximumf %add3A_2461, %max3A_2463 : vector<384x128xf32>
    %mul3A_2465 = arith.mulf %mul3A_2454, %select_n3A_2391 : vector<384x128xf32>
    %mul3A_2466 = arith.mulf %select_n3A_2390, %max3A_2464 : vector<384x128xf32>
    %gt3A_2467 = arith.cmpf ogt, %mul3A_2465, %mul3A_2466 : vector<384x128xf32>
    %select_n3A_2468 = arith.select %gt3A_2467, %mul3A_2454, %select_n3A_2390 : vector<384x128xi1>, vector<384x128xf32>
    %select_n3A_2469 = arith.select %gt3A_2467, %max3A_2464, %select_n3A_2391 : vector<384x128xi1>, vector<384x128xf32>
    %get3A_2470 = arith.constant 0 : index
    %get3A_2471 = arith.constant 0 : index
    %get3A_2472 = arith.constant 186 : index
    %get3A_2473 = memref.load %arg1[%get3A_2470, %get3A_2471, %get3A_2472] : memref<1x1x192xf32, #tpu.memory_space<smem>>
    %broadcast_in_dim3A_2474 = vector.broadcast %get3A_2473 : f32 to vector<384x128xf32>
    %select_n3A_2475 = arith.select %gt3A_2467, %broadcast_in_dim3A_2474, %select_n3A_2397 : vector<384x128xi1>, vector<384x128xf32>
    %get3A_2476 = arith.constant 0 : index
    %get3A_2477 = arith.constant 0 : index
    %get3A_2478 = arith.constant 187 : index
    %get3A_2479 = memref.load %arg1[%get3A_2476, %get3A_2477, %get3A_2478] : memref<1x1x192xf32, #tpu.memory_space<smem>>
    %broadcast_in_dim3A_2480 = vector.broadcast %get3A_2479 : f32 to vector<384x128xf32>
    %select_n3A_2481 = arith.select %gt3A_2467, %broadcast_in_dim3A_2480, %select_n3A_2403 : vector<384x128xi1>, vector<384x128xf32>
    %get3A_2482 = arith.constant 0 : index
    %get3A_2483 = arith.constant 0 : index
    %get3A_2484 = arith.constant 188 : index
    %get3A_2485 = memref.load %arg1[%get3A_2482, %get3A_2483, %get3A_2484] : memref<1x1x192xf32, #tpu.memory_space<smem>>
    %broadcast_in_dim3A_2486 = vector.broadcast %get3A_2485 : f32 to vector<384x128xf32>
    %select_n3A_2487 = arith.select %gt3A_2467, %broadcast_in_dim3A_2486, %select_n3A_2409 : vector<384x128xi1>, vector<384x128xf32>
    %get3A_2488 = arith.constant 0 : index
    %get3A_2489 = arith.constant 0 : index
    %get3A_2490 = arith.constant 189 : index
    %get3A_2491 = memref.load %arg1[%get3A_2488, %get3A_2489, %get3A_2490] : memref<1x1x192xf32, #tpu.memory_space<smem>>
    %broadcast_in_dim3A_2492 = vector.broadcast %get3A_2491 : f32 to vector<384x128xf32>
    %select_n3A_2493 = arith.select %gt3A_2467, %broadcast_in_dim3A_2492, %select_n3A_2415 : vector<384x128xi1>, vector<384x128xf32>
    %get3A_2494 = arith.constant 0 : index
    %get3A_2495 = arith.constant 0 : index
    %get3A_2496 = arith.constant 190 : index
    %get3A_2497 = memref.load %arg1[%get3A_2494, %get3A_2495, %get3A_2496] : memref<1x1x192xf32, #tpu.memory_space<smem>>
    %broadcast_in_dim3A_2498 = vector.broadcast %get3A_2497 : f32 to vector<384x128xf32>
    %select_n3A_2499 = arith.select %gt3A_2467, %broadcast_in_dim3A_2498, %select_n3A_2421 : vector<384x128xi1>, vector<384x128xf32>
    %div3A = arith.divf %select_n3A_2468, %select_n3A_2469 : vector<384x128xf32>
    %iota3A = tpu.iota {dimensions = array<i32: 0>} : vector<384x128xi32>
    %iota3A_2500 = tpu.iota {dimensions = array<i32: 1>} : vector<384x128xi32>
    %mul3A_2501 = arith.constant 128 : i32
    %mul3A_2502 = vector.broadcast %mul3A_2501 : i32 to vector<384x128xi32>
    %mul3A_2503 = arith.muli %iota3A, %mul3A_2502 : vector<384x128xi32>
    %add3A_2504 = arith.addi %mul3A_2503, %iota3A_2500 : vector<384x128xi32>
    %lt3A = arith.constant 49104 : i32
    %lt3A_2505 = vector.broadcast %lt3A : i32 to vector<384x128xi32>
    %lt3A_2506 = arith.cmpi slt, %add3A_2504, %lt3A_2505 : vector<384x128xi32>
    %ge3A = arith.constant 5.000000e-01 : f32
    %ge3A_2507 = vector.broadcast %ge3A : f32 to vector<384x128xf32>
    %ge3A_2508 = arith.cmpf oge, %div3A, %ge3A_2507 : vector<384x128xf32>
    %and3A = arith.andi %ge3A_2508, %lt3A_2506 : vector<384x128xi1>
    %lt3A_2509 = arith.constant 4.000000e-01 : f32
    %lt3A_2510 = vector.broadcast %lt3A_2509 : f32 to vector<384x128xf32>
    %lt3A_2511 = arith.cmpf olt, %div3A, %lt3A_2510 : vector<384x128xf32>
    %and3A_2512 = arith.andi %lt3A_2511, %lt3A_2506 : vector<384x128xi1>
    %jit3A = arith.constant 1.000000e+02 : f32
    %jit3A_2513 = arith.constant 1.250000e+02 : f32
    %broadcast_in_dim3A_2514 = vector.broadcast %jit3A : f32 to vector<384x128xf32>
    %broadcast_in_dim3A_2515 = vector.broadcast %jit3A_2513 : f32 to vector<384x128xf32>
    %select_n3A_2516 = arith.select %and3A_2512, %broadcast_in_dim3A_2514, %broadcast_in_dim3A_2515 : vector<384x128xi1>, vector<384x128xf32>
    %select_n3A_2517 = arith.select %and3A, %select_n3A_2499, %select_n3A_2516 : vector<384x128xi1>, vector<384x128xf32>
    %swap3A = arith.constant 0 : index
    %swap3A_2518 = arith.constant 0 : index
    %swap3A_2519 = arith.constant 0 : index
    %swap3A_2520 = vector.load %arg4[%swap3A, %swap3A_2518, %swap3A_2519] : memref<1x384x128xf32, #tpu.memory_space<vmem>>, vector<1x384x128xf32>
    %swap3A_2521 = vector.shape_cast %swap3A_2520 : vector<1x384x128xf32> to vector<384x128xf32>
    %swap3A_2522 = vector.shape_cast %select_n3A_2517 : vector<384x128xf32> to vector<1x384x128xf32>
    tpu.vector_store %arg4[%swap3A, %swap3A_2518, %swap3A_2519], %swap3A_2522 {strides = array<i32>} : memref<1x384x128xf32, #tpu.memory_space<vmem>>, vector<1x384x128xf32>,
    %convert_element_type3A = arith.fptosi %select_n3A_2499 : vector<384x128xf32> to vector<384x128xi32>
    %mul3A_2523 = arith.constant 128 : i32
    %mul3A_2524 = vector.broadcast %mul3A_2523 : i32 to vector<384x128xi32>
    %mul3A_2525 = arith.muli %add3A_2504, %mul3A_2524 : vector<384x128xi32>
    %add3A_2526 = arith.addi %mul3A_2525, %convert_element_type3A : vector<384x128xi32>
    %jit3A_2527 = arith.constant -1 : i32
    %broadcast_in_dim3A_2528 = vector.broadcast %jit3A_2527 : i32 to vector<384x128xi32>
    %select_n3A_2529 = arith.select %and3A, %add3A_2526, %broadcast_in_dim3A_2528 : vector<384x128xi1>, vector<384x128xi32>
    %swap3A_2530 = arith.constant 0 : index
    %swap3A_2531 = arith.constant 0 : index
    %swap3A_2532 = arith.constant 0 : index
    %swap3A_2533 = vector.load %arg5[%swap3A_2530, %swap3A_2531, %swap3A_2532] : memref<1x384x128xi32, #tpu.memory_space<vmem>>, vector<1x384x128xi32>
    %swap3A_2534 = vector.shape_cast %swap3A_2533 : vector<1x384x128xi32> to vector<384x128xi32>
    %swap3A_2535 = vector.shape_cast %select_n3A_2529 : vector<384x128xi32> to vector<1x384x128xi32>
    tpu.vector_store %arg5[%swap3A_2530, %swap3A_2531, %swap3A_2532], %swap3A_2535 {strides = array<i32>} : memref<1x384x128xi32, #tpu.memory_space<vmem>>, vector<1x384x128xi32>,
    %sub3A_2536 = arith.subf %select_n3A_2487, %select_n3A_2475 : vector<384x128xf32>
    %sub3A_2537 = arith.subf %select_n3A_2493, %select_n3A_2481 : vector<384x128xf32>
    %mul3A_2538 = arith.constant 5.000000e-01 : f32
    %mul3A_2539 = vector.broadcast %mul3A_2538 : f32 to vector<384x128xf32>
    %mul3A_2540 = arith.mulf %mul3A_2539, %sub3A_2536 : vector<384x128xf32>
    %add3A_2541 = arith.addf %select_n3A_2475, %mul3A_2540 : vector<384x128xf32>
    %mul3A_2542 = arith.constant 5.000000e-01 : f32
    %mul3A_2543 = vector.broadcast %mul3A_2542 : f32 to vector<384x128xf32>
    %mul3A_2544 = arith.mulf %mul3A_2543, %sub3A_2537 : vector<384x128xf32>
    %add3A_2545 = arith.addf %select_n3A_2481, %mul3A_2544 : vector<384x128xf32>
    %div3A_2546 = arith.constant 1.000000e+00 : f32
    %div3A_2547 = vector.broadcast %div3A_2546 : f32 to vector<384x128xf32>
    %div3A_2548 = arith.divf %div3A_2547, %sub3A : vector<384x128xf32>
    %div3A_2549 = arith.constant 1.000000e+00 : f32
    %div3A_2550 = vector.broadcast %div3A_2549 : f32 to vector<384x128xf32>
    %div3A_2551 = arith.divf %div3A_2550, %sub3A_19 : vector<384x128xf32>
    %mul3A_2552 = arith.constant 5.000000e-01 : f32
    %mul3A_2553 = vector.broadcast %mul3A_2552 : f32 to vector<384x128xf32>
    %mul3A_2554 = arith.mulf %mul3A_2553, %sub3A : vector<384x128xf32>
    %add3A_2555 = arith.addf %get3A_3, %mul3A_2554 : vector<384x128xf32>
    %mul3A_2556 = arith.constant 5.000000e-01 : f32
    %mul3A_2557 = vector.broadcast %mul3A_2556 : f32 to vector<384x128xf32>
    %mul3A_2558 = arith.mulf %mul3A_2557, %sub3A_19 : vector<384x128xf32>
    %add3A_2559 = arith.addf %get3A_8, %mul3A_2558 : vector<384x128xf32>
    %sub3A_2560 = arith.subf %add3A_2541, %add3A_2555 : vector<384x128xf32>
    %mul3A_2561 = arith.mulf %sub3A_2560, %div3A_2548 : vector<384x128xf32>
    %mul3A_2562 = arith.constant 1.000000e+01 : f32
    %mul3A_2563 = vector.broadcast %mul3A_2562 : f32 to vector<384x128xf32>
    %mul3A_2564 = arith.mulf %mul3A_2561, %mul3A_2563 : vector<384x128xf32>
    %sub3A_2565 = arith.subf %add3A_2545, %add3A_2559 : vector<384x128xf32>
    %mul3A_2566 = arith.mulf %sub3A_2565, %div3A_2551 : vector<384x128xf32>
    %mul3A_2567 = arith.constant 1.000000e+01 : f32
    %mul3A_2568 = vector.broadcast %mul3A_2567 : f32 to vector<384x128xf32>
    %mul3A_2569 = arith.mulf %mul3A_2566, %mul3A_2568 : vector<384x128xf32>
    %max3A_2570 = arith.constant 1.000000e+00 : f32
    %max3A_2571 = vector.broadcast %max3A_2570 : f32 to vector<384x128xf32>
    %max3A_2572 = arith.maximumf %sub3A_2536, %max3A_2571 : vector<384x128xf32>
    %mul3A_2573 = arith.mulf %max3A_2572, %div3A_2548 : vector<384x128xf32>
    %log3A = math.log %mul3A_2573 : vector<384x128xf32>
    %mul3A_2574 = arith.constant 5.000000e+00 : f32
    %mul3A_2575 = vector.broadcast %mul3A_2574 : f32 to vector<384x128xf32>
    %mul3A_2576 = arith.mulf %log3A, %mul3A_2575 : vector<384x128xf32>
    %max3A_2577 = arith.constant 1.000000e+00 : f32
    %max3A_2578 = vector.broadcast %max3A_2577 : f32 to vector<384x128xf32>
    %max3A_2579 = arith.maximumf %sub3A_2537, %max3A_2578 : vector<384x128xf32>
    %mul3A_2580 = arith.mulf %max3A_2579, %div3A_2551 : vector<384x128xf32>
    %log3A_2581 = math.log %mul3A_2580 : vector<384x128xf32>
    %mul3A_2582 = arith.constant 5.000000e+00 : f32
    %mul3A_2583 = vector.broadcast %mul3A_2582 : f32 to vector<384x128xf32>
    %mul3A_2584 = arith.mulf %log3A_2581, %mul3A_2583 : vector<384x128xf32>
    %broadcast_in_dim3A_2585 = arith.constant 0.000000e+00 : f32
    %broadcast_in_dim3A_2586 = vector.broadcast %broadcast_in_dim3A_2585 : f32 to vector<384x128xf32>
    %get3A_2587 = arith.constant 0 : index
    %get3A_2588 = arith.constant 0 : index
    %get3A_2589 = arith.constant 0 : index
    %get3A_2590 = arith.constant 0 : index
    %get3A_2591 = vector.load %arg3[%get3A_2587, %get3A_2588, %get3A_2589, %get3A_2590] : memref<1x4x384x128xf32, #tpu.memory_space<vmem>>, vector<1x1x384x128xf32>
    %get3A_2592 = vector.shape_cast %get3A_2591 : vector<1x1x384x128xf32> to vector<384x128xf32>
    %sub3A_2593 = arith.subf %mul3A_2564, %get3A_2592 : vector<384x128xf32>
    %abs3A = math.absf %sub3A_2593 : vector<384x128xf32>
    %le3A = arith.constant 0.111111112 : f32
    %le3A_2594 = vector.broadcast %le3A : f32 to vector<384x128xf32>
    %le3A_2595 = arith.cmpf ole, %abs3A, %le3A_2594 : vector<384x128xf32>
    %mul3A_2596 = arith.constant 4.500000e+00 : f32
    %mul3A_2597 = vector.broadcast %mul3A_2596 : f32 to vector<384x128xf32>
    %mul3A_2598 = arith.mulf %mul3A_2597, %abs3A : vector<384x128xf32>
    %mul3A_2599 = arith.mulf %mul3A_2598, %abs3A : vector<384x128xf32>
    %sub3A_2600 = arith.constant 0.055555556 : f32
    %sub3A_2601 = vector.broadcast %sub3A_2600 : f32 to vector<384x128xf32>
    %sub3A_2602 = arith.subf %abs3A, %sub3A_2601 : vector<384x128xf32>
    %select_n3A_2603 = arith.select %le3A_2595, %mul3A_2599, %sub3A_2602 : vector<384x128xi1>, vector<384x128xf32>
    %add3A_2604 = arith.addf %broadcast_in_dim3A_2586, %select_n3A_2603 : vector<384x128xf32>
    %get3A_2605 = arith.constant 0 : index
    %get3A_2606 = arith.constant 1 : index
    %get3A_2607 = arith.constant 0 : index
    %get3A_2608 = arith.constant 0 : index
    %get3A_2609 = vector.load %arg3[%get3A_2605, %get3A_2606, %get3A_2607, %get3A_2608] : memref<1x4x384x128xf32, #tpu.memory_space<vmem>>, vector<1x1x384x128xf32>
    %get3A_2610 = vector.shape_cast %get3A_2609 : vector<1x1x384x128xf32> to vector<384x128xf32>
    %sub3A_2611 = arith.subf %mul3A_2569, %get3A_2610 : vector<384x128xf32>
    %abs3A_2612 = math.absf %sub3A_2611 : vector<384x128xf32>
    %le3A_2613 = arith.constant 0.111111112 : f32
    %le3A_2614 = vector.broadcast %le3A_2613 : f32 to vector<384x128xf32>
    %le3A_2615 = arith.cmpf ole, %abs3A_2612, %le3A_2614 : vector<384x128xf32>
    %mul3A_2616 = arith.constant 4.500000e+00 : f32
    %mul3A_2617 = vector.broadcast %mul3A_2616 : f32 to vector<384x128xf32>
    %mul3A_2618 = arith.mulf %mul3A_2617, %abs3A_2612 : vector<384x128xf32>
    %mul3A_2619 = arith.mulf %mul3A_2618, %abs3A_2612 : vector<384x128xf32>
    %sub3A_2620 = arith.constant 0.055555556 : f32
    %sub3A_2621 = vector.broadcast %sub3A_2620 : f32 to vector<384x128xf32>
    %sub3A_2622 = arith.subf %abs3A_2612, %sub3A_2621 : vector<384x128xf32>
    %select_n3A_2623 = arith.select %le3A_2615, %mul3A_2619, %sub3A_2622 : vector<384x128xi1>, vector<384x128xf32>
    %add3A_2624 = arith.addf %add3A_2604, %select_n3A_2623 : vector<384x128xf32>
    %get3A_2625 = arith.constant 0 : index
    %get3A_2626 = arith.constant 2 : index
    %get3A_2627 = arith.constant 0 : index
    %get3A_2628 = arith.constant 0 : index
    %get3A_2629 = vector.load %arg3[%get3A_2625, %get3A_2626, %get3A_2627, %get3A_2628] : memref<1x4x384x128xf32, #tpu.memory_space<vmem>>, vector<1x1x384x128xf32>
    %get3A_2630 = vector.shape_cast %get3A_2629 : vector<1x1x384x128xf32> to vector<384x128xf32>
    %sub3A_2631 = arith.subf %mul3A_2576, %get3A_2630 : vector<384x128xf32>
    %abs3A_2632 = math.absf %sub3A_2631 : vector<384x128xf32>
    %le3A_2633 = arith.constant 0.111111112 : f32
    %le3A_2634 = vector.broadcast %le3A_2633 : f32 to vector<384x128xf32>
    %le3A_2635 = arith.cmpf ole, %abs3A_2632, %le3A_2634 : vector<384x128xf32>
    %mul3A_2636 = arith.constant 4.500000e+00 : f32
    %mul3A_2637 = vector.broadcast %mul3A_2636 : f32 to vector<384x128xf32>
    %mul3A_2638 = arith.mulf %mul3A_2637, %abs3A_2632 : vector<384x128xf32>
    %mul3A_2639 = arith.mulf %mul3A_2638, %abs3A_2632 : vector<384x128xf32>
    %sub3A_2640 = arith.constant 0.055555556 : f32
    %sub3A_2641 = vector.broadcast %sub3A_2640 : f32 to vector<384x128xf32>
    %sub3A_2642 = arith.subf %abs3A_2632, %sub3A_2641 : vector<384x128xf32>
    %select_n3A_2643 = arith.select %le3A_2635, %mul3A_2639, %sub3A_2642 : vector<384x128xi1>, vector<384x128xf32>
    %add3A_2644 = arith.addf %add3A_2624, %select_n3A_2643 : vector<384x128xf32>
    %get3A_2645 = arith.constant 0 : index
    %get3A_2646 = arith.constant 3 : index
    %get3A_2647 = arith.constant 0 : index
    %get3A_2648 = arith.constant 0 : index
    %get3A_2649 = vector.load %arg3[%get3A_2645, %get3A_2646, %get3A_2647, %get3A_2648] : memref<1x4x384x128xf32, #tpu.memory_space<vmem>>, vector<1x1x384x128xf32>
    %get3A_2650 = vector.shape_cast %get3A_2649 : vector<1x1x384x128xf32> to vector<384x128xf32>
    %sub3A_2651 = arith.subf %mul3A_2584, %get3A_2650 : vector<384x128xf32>
    %abs3A_2652 = math.absf %sub3A_2651 : vector<384x128xf32>
    %le3A_2653 = arith.constant 0.111111112 : f32
    %le3A_2654 = vector.broadcast %le3A_2653 : f32 to vector<384x128xf32>
    %le3A_2655 = arith.cmpf ole, %abs3A_2652, %le3A_2654 : vector<384x128xf32>
    %mul3A_2656 = arith.constant 4.500000e+00 : f32
    %mul3A_2657 = vector.broadcast %mul3A_2656 : f32 to vector<384x128xf32>
    %mul3A_2658 = arith.mulf %mul3A_2657, %abs3A_2652 : vector<384x128xf32>
    %mul3A_2659 = arith.mulf %mul3A_2658, %abs3A_2652 : vector<384x128xf32>
    %sub3A_2660 = arith.constant 0.055555556 : f32
    %sub3A_2661 = vector.broadcast %sub3A_2660 : f32 to vector<384x128xf32>
    %sub3A_2662 = arith.subf %abs3A_2652, %sub3A_2661 : vector<384x128xf32>
    %select_n3A_2663 = arith.select %le3A_2655, %mul3A_2659, %sub3A_2662 : vector<384x128xi1>, vector<384x128xf32>
    %add3A_2664 = arith.addf %add3A_2644, %select_n3A_2663 : vector<384x128xf32>
    %convert_element_type3A_2665 = arith.extui %and3A : vector<384x128xi1> to vector<384x128xi32>
    %convert_element_type3A_2666 = arith.sitofp %convert_element_type3A_2665 : vector<384x128xi32> to vector<384x128xf32>
    %jit3A_2667 = arith.constant 0.000000e+00 : f32
    %broadcast_in_dim3A_2668 = vector.broadcast %jit3A_2667 : f32 to vector<384x128xf32>
    %select_n3A_2669 = arith.select %and3A, %add3A_2664, %broadcast_in_dim3A_2668 : vector<384x128xi1>, vector<384x128xf32>
    %reduce_sum3A = arith.constant dense<0.000000e+00> : vector<128xf32>
    %reduce_sum3A_2670 = vector.multi_reduction <add>, %convert_element_type3A_2666, %reduce_sum3A [0] : vector<384x128xf32> to vector<128xf32>
    %broadcast_in_dim3A_2671 = vector.shape_cast %reduce_sum3A_2670 : vector<128xf32> to vector<1x128xf32>
    %swap3A_2672 = arith.constant 0 : index
    %swap3A_2673 = arith.constant 0 : index
    %swap3A_2674 = arith.constant 0 : index
    %swap3A_2675 = vector.load %arg6[%swap3A_2672, %swap3A_2673, %swap3A_2674] : memref<1x2x128xf32, #tpu.memory_space<vmem>>, vector<1x1x128xf32>
    %swap3A_2676 = vector.shape_cast %swap3A_2675 : vector<1x1x128xf32> to vector<1x128xf32>
    %swap3A_2677 = vector.shape_cast %broadcast_in_dim3A_2671 : vector<1x128xf32> to vector<1x1x128xf32>
    tpu.vector_store %arg6[%swap3A_2672, %swap3A_2673, %swap3A_2674], %swap3A_2677 {strides = array<i32>} : memref<1x2x128xf32, #tpu.memory_space<vmem>>, vector<1x1x128xf32>,
    %reduce_sum3A_2678 = arith.constant dense<0.000000e+00> : vector<128xf32>
    %reduce_sum3A_2679 = vector.multi_reduction <add>, %select_n3A_2669, %reduce_sum3A_2678 [0] : vector<384x128xf32> to vector<128xf32>
    %broadcast_in_dim3A_2680 = vector.shape_cast %reduce_sum3A_2679 : vector<128xf32> to vector<1x128xf32>
    %swap3A_2681 = arith.constant 0 : index
    %swap3A_2682 = arith.constant 1 : index
    %swap3A_2683 = arith.constant 0 : index
    %swap3A_2684 = vector.load %arg6[%swap3A_2681, %swap3A_2682, %swap3A_2683] : memref<1x2x128xf32, #tpu.memory_space<vmem>>, vector<1x1x128xf32>
    %swap3A_2685 = vector.shape_cast %swap3A_2684 : vector<1x1x128xf32> to vector<1x128xf32>
    %swap3A_2686 = vector.shape_cast %broadcast_in_dim3A_2680 : vector<1x128xf32> to vector<1x1x128xf32>
    tpu.vector_store %arg6[%swap3A_2681, %swap3A_2682, %swap3A_2683], %swap3A_2686 {strides = array<i32>} : memref<1x2x128xf32, #tpu.memory_space<vmem>>, vector<1x1x128xf32>,
    return
  }
  func.func @transform_0(%arg0: i32) -> (i32, i32, i32) {
    %c0_i32 = arith.constant 0 : i32
    %c0_i32_0 = arith.constant 0 : i32
    %c0_i32_1 = arith.constant 0 : i32
    return %arg0, %c0_i32, %c0_i32_0 : i32, i32, i32
  }
  func.func @transform_1(%arg0: i32) -> (i32, i32, i32) {
    %c0_i32 = arith.constant 0 : i32
    %c0_i32_0 = arith.constant 0 : i32
    %c0_i32_1 = arith.constant 0 : i32
    %c0_i32_2 = arith.constant 0 : i32
    return %c0_i32, %c0_i32_0, %c0_i32_1 : i32, i32, i32
  }
  func.func @transform_2(%arg0: i32) -> (i32, i32, i32, i32) {
    %c0_i32 = arith.constant 0 : i32
    %c0_i32_0 = arith.constant 0 : i32
    %c0_i32_1 = arith.constant 0 : i32
    %c0_i32_2 = arith.constant 0 : i32
    return %arg0, %c0_i32, %c0_i32_0, %c0_i32_1 : i32, i32, i32, i32
  }
  func.func @transform_3(%arg0: i32) -> (i32, i32, i32) {
    %c0_i32 = arith.constant 0 : i32
    %c0_i32_0 = arith.constant 0 : i32
    %c0_i32_1 = arith.constant 0 : i32
    return %arg0, %c0_i32, %c0_i32_0 : i32, i32, i32
  }
  func.func @transform_4(%arg0: i32) -> (i32, i32, i32) {
    %c0_i32 = arith.constant 0 : i32
    %c0_i32_0 = arith.constant 0 : i32
    %c0_i32_1 = arith.constant 0 : i32
    return %arg0, %c0_i32, %c0_i32_0 : i32, i32, i32
  }
  func.func @transform_5(%arg0: i32) -> (i32, i32, i32) {
    %c0_i32 = arith.constant 0 : i32
    %c0_i32_0 = arith.constant 0 : i32
    %c0_i32_1 = arith.constant 0 : i32
    return %arg0, %c0_i32, %c0_i32_0 : i32, i32, i32
  }
}

module attributes {stable_mosaic.version = 14 : i64} {
  func.func @_focal_body(%arg0: i32, %arg1: i32, %arg2: memref<1x8192x80xf32, #tpu.memory_space<vmem>>, %arg3: memref<1x64x128xf32, #tpu.memory_space<vmem>>, %arg4: memref<1x1x80xf32, #tpu.memory_space<vmem>>) attributes {dimension_semantics = [#tpu.dimension_semantics<parallel>, #tpu.dimension_semantics<arbitrary>], iteration_bounds = array<i64: 8, 6>, scalar_prefetch = 0 : i64, scratch_operands = 0 : i64, tpu.core_type = #tpu.core_type<tc>, window_params = [{transform_indices = @transform_0, window_bounds = array<i64: 1, 8192, 80>}, {transform_indices = @transform_1, window_bounds = array<i64: 1, 64, 128>}, {transform_indices = @transform_2, window_bounds = array<i64: 1, 1, 80>}]} {
    %get3A = arith.constant 0 : index
    %get3A_0 = arith.constant 0 : index
    %get3A_1 = arith.constant 0 : index
    %get3A_2 = vector.load %arg3[%get3A, %get3A_0, %get3A_1] : memref<1x64x128xf32, #tpu.memory_space<vmem>>, vector<1x64x128xf32>
    %get3A_3 = vector.shape_cast %get3A_2 : vector<1x64x128xf32> to vector<64x128xf32>
    %lt3A = arith.constant 1.100000e+02 : f32
    %lt3A_4 = vector.broadcast %lt3A : f32 to vector<64x128xf32>
    %lt3A_5 = arith.cmpf olt, %get3A_3, %lt3A_4 : vector<64x128xf32>
    %jit3A = arith.constant 1.000000e+00 : f32
    %jit3A_6 = arith.constant 0.000000e+00 : f32
    %broadcast_in_dim3A = vector.broadcast %jit3A : f32 to vector<64x128xf32>
    %broadcast_in_dim3A_7 = vector.broadcast %jit3A_6 : f32 to vector<64x128xf32>
    %select_n3A = arith.select %lt3A_5, %broadcast_in_dim3A, %broadcast_in_dim3A_7 : vector<64x128xi1>, vector<64x128xf32>
    %eq3A = arith.constant 0 : i32
    %eq3A_8 = arith.cmpi eq, %arg1, %eq3A : i32
    %convert_element_type3A = arith.extui %eq3A_8 : i1 to i32
    %cond3A = arith.constant 0 : i32
    %cond3A_9 = arith.cmpi ne, %convert_element_type3A, %cond3A : i32
    scf.if %cond3A_9 {
      %get3A_21 = arith.constant 0 : index
      %get3A_22 = arith.constant 0 : index
      %get3A_23 = arith.constant 0 : index
      %get3A_24 = vector.load %arg2[%get3A_21, %get3A_22, %get3A_23] : memref<1x8192x80xf32, #tpu.memory_space<vmem>>, vector<1x8192x80xf32>
      %get3A_25 = vector.shape_cast %get3A_24 : vector<1x8192x80xf32> to vector<8192x80xf32>
      %jit3A_26 = arith.constant 9.99999974E-5 : f32
      %jit3A_27 = arith.constant 0.999899983 : f32
      %max3A = vector.broadcast %jit3A_26 : f32 to vector<8192x80xf32>
      %max3A_28 = arith.maximumf %max3A, %get3A_25 : vector<8192x80xf32>
      %min3A = vector.broadcast %jit3A_27 : f32 to vector<8192x80xf32>
      %min3A_29 = arith.minimumf %min3A, %max3A_28 : vector<8192x80xf32>
      %mul3A = arith.mulf %min3A_29, %min3A_29 : vector<8192x80xf32>
      %sub3A = arith.constant 1.000000e+00 : f32
      %sub3A_30 = vector.broadcast %sub3A : f32 to vector<8192x80xf32>
      %sub3A_31 = arith.subf %sub3A_30, %min3A_29 : vector<8192x80xf32>
      %log3A = math.log %sub3A_31 : vector<8192x80xf32>
      %log3A_32 = arith.constant 2.000000e+00 : f32
      %log3A_33 = math.log %log3A_32 : f32
      %div3A = vector.broadcast %log3A_33 : f32 to vector<8192x80xf32>
      %div3A_34 = arith.divf %log3A, %div3A : vector<8192x80xf32>
      %mul3A_35 = arith.mulf %mul3A, %div3A_34 : vector<8192x80xf32>
      %broadcast_in_dim3A_36 = arith.constant 0.000000e+00 : f32
      %broadcast_in_dim3A_37 = vector.broadcast %broadcast_in_dim3A_36 : f32 to vector<1x80xf32>
      %slice3A = vector.extract_strided_slice %select_n3A {offsets = [0, 0], sizes = [1, 128], strides = [1, 1]} : vector<64x128xf32> to vector<1x128xf32>
      %slice3A_38 = vector.extract_strided_slice %mul3A_35 {offsets = [0, 0], sizes = [128, 80], strides = [1, 1]} : vector<8192x80xf32> to vector<128x80xf32>
      %dot_general3A = arith.constant dense<0.000000e+00> : vector<1x80xf32>
      %dot_general3A_39 = tpu.matmul %slice3A, %slice3A_38, %dot_general3A {dimension_numbers = #tpu.dot_dimension_numbers<[1], [0], [0], [1], [0, 0, 1, 1], [], []>, transpose_lhs_hint = false} : vector<1x128xf32>, vector<128x80xf32>, vector<1x80xf32> -> vector<1x80xf32>
      %add3A = arith.addf %broadcast_in_dim3A_37, %dot_general3A_39 : vector<1x80xf32>
      %slice3A_40 = vector.extract_strided_slice %select_n3A {offsets = [1, 0], sizes = [1, 128], strides = [1, 1]} : vector<64x128xf32> to vector<1x128xf32>
      %slice3A_41 = vector.extract_strided_slice %mul3A_35 {offsets = [128, 0], sizes = [128, 80], strides = [1, 1]} : vector<8192x80xf32> to vector<128x80xf32>
      %dot_general3A_42 = arith.constant dense<0.000000e+00> : vector<1x80xf32>
      %dot_general3A_43 = tpu.matmul %slice3A_40, %slice3A_41, %dot_general3A_42 {dimension_numbers = #tpu.dot_dimension_numbers<[1], [0], [0], [1], [0, 0, 1, 1], [], []>, transpose_lhs_hint = false} : vector<1x128xf32>, vector<128x80xf32>, vector<1x80xf32> -> vector<1x80xf32>
      %add3A_44 = arith.addf %add3A, %dot_general3A_43 : vector<1x80xf32>
      %slice3A_45 = vector.extract_strided_slice %select_n3A {offsets = [2, 0], sizes = [1, 128], strides = [1, 1]} : vector<64x128xf32> to vector<1x128xf32>
      %slice3A_46 = vector.extract_strided_slice %mul3A_35 {offsets = [256, 0], sizes = [128, 80], strides = [1, 1]} : vector<8192x80xf32> to vector<128x80xf32>
      %dot_general3A_47 = arith.constant dense<0.000000e+00> : vector<1x80xf32>
      %dot_general3A_48 = tpu.matmul %slice3A_45, %slice3A_46, %dot_general3A_47 {dimension_numbers = #tpu.dot_dimension_numbers<[1], [0], [0], [1], [0, 0, 1, 1], [], []>, transpose_lhs_hint = false} : vector<1x128xf32>, vector<128x80xf32>, vector<1x80xf32> -> vector<1x80xf32>
      %add3A_49 = arith.addf %add3A_44, %dot_general3A_48 : vector<1x80xf32>
      %slice3A_50 = vector.extract_strided_slice %select_n3A {offsets = [3, 0], sizes = [1, 128], strides = [1, 1]} : vector<64x128xf32> to vector<1x128xf32>
      %slice3A_51 = vector.extract_strided_slice %mul3A_35 {offsets = [384, 0], sizes = [128, 80], strides = [1, 1]} : vector<8192x80xf32> to vector<128x80xf32>
      %dot_general3A_52 = arith.constant dense<0.000000e+00> : vector<1x80xf32>
      %dot_general3A_53 = tpu.matmul %slice3A_50, %slice3A_51, %dot_general3A_52 {dimension_numbers = #tpu.dot_dimension_numbers<[1], [0], [0], [1], [0, 0, 1, 1], [], []>, transpose_lhs_hint = false} : vector<1x128xf32>, vector<128x80xf32>, vector<1x80xf32> -> vector<1x80xf32>
      %add3A_54 = arith.addf %add3A_49, %dot_general3A_53 : vector<1x80xf32>
      %slice3A_55 = vector.extract_strided_slice %select_n3A {offsets = [4, 0], sizes = [1, 128], strides = [1, 1]} : vector<64x128xf32> to vector<1x128xf32>
      %slice3A_56 = vector.extract_strided_slice %mul3A_35 {offsets = [512, 0], sizes = [128, 80], strides = [1, 1]} : vector<8192x80xf32> to vector<128x80xf32>
      %dot_general3A_57 = arith.constant dense<0.000000e+00> : vector<1x80xf32>
      %dot_general3A_58 = tpu.matmul %slice3A_55, %slice3A_56, %dot_general3A_57 {dimension_numbers = #tpu.dot_dimension_numbers<[1], [0], [0], [1], [0, 0, 1, 1], [], []>, transpose_lhs_hint = false} : vector<1x128xf32>, vector<128x80xf32>, vector<1x80xf32> -> vector<1x80xf32>
      %add3A_59 = arith.addf %add3A_54, %dot_general3A_58 : vector<1x80xf32>
      %slice3A_60 = vector.extract_strided_slice %select_n3A {offsets = [5, 0], sizes = [1, 128], strides = [1, 1]} : vector<64x128xf32> to vector<1x128xf32>
      %slice3A_61 = vector.extract_strided_slice %mul3A_35 {offsets = [640, 0], sizes = [128, 80], strides = [1, 1]} : vector<8192x80xf32> to vector<128x80xf32>
      %dot_general3A_62 = arith.constant dense<0.000000e+00> : vector<1x80xf32>
      %dot_general3A_63 = tpu.matmul %slice3A_60, %slice3A_61, %dot_general3A_62 {dimension_numbers = #tpu.dot_dimension_numbers<[1], [0], [0], [1], [0, 0, 1, 1], [], []>, transpose_lhs_hint = false} : vector<1x128xf32>, vector<128x80xf32>, vector<1x80xf32> -> vector<1x80xf32>
      %add3A_64 = arith.addf %add3A_59, %dot_general3A_63 : vector<1x80xf32>
      %slice3A_65 = vector.extract_strided_slice %select_n3A {offsets = [6, 0], sizes = [1, 128], strides = [1, 1]} : vector<64x128xf32> to vector<1x128xf32>
      %slice3A_66 = vector.extract_strided_slice %mul3A_35 {offsets = [768, 0], sizes = [128, 80], strides = [1, 1]} : vector<8192x80xf32> to vector<128x80xf32>
      %dot_general3A_67 = arith.constant dense<0.000000e+00> : vector<1x80xf32>
      %dot_general3A_68 = tpu.matmul %slice3A_65, %slice3A_66, %dot_general3A_67 {dimension_numbers = #tpu.dot_dimension_numbers<[1], [0], [0], [1], [0, 0, 1, 1], [], []>, transpose_lhs_hint = false} : vector<1x128xf32>, vector<128x80xf32>, vector<1x80xf32> -> vector<1x80xf32>
      %add3A_69 = arith.addf %add3A_64, %dot_general3A_68 : vector<1x80xf32>
      %slice3A_70 = vector.extract_strided_slice %select_n3A {offsets = [7, 0], sizes = [1, 128], strides = [1, 1]} : vector<64x128xf32> to vector<1x128xf32>
      %slice3A_71 = vector.extract_strided_slice %mul3A_35 {offsets = [896, 0], sizes = [128, 80], strides = [1, 1]} : vector<8192x80xf32> to vector<128x80xf32>
      %dot_general3A_72 = arith.constant dense<0.000000e+00> : vector<1x80xf32>
      %dot_general3A_73 = tpu.matmul %slice3A_70, %slice3A_71, %dot_general3A_72 {dimension_numbers = #tpu.dot_dimension_numbers<[1], [0], [0], [1], [0, 0, 1, 1], [], []>, transpose_lhs_hint = false} : vector<1x128xf32>, vector<128x80xf32>, vector<1x80xf32> -> vector<1x80xf32>
      %add3A_74 = arith.addf %add3A_69, %dot_general3A_73 : vector<1x80xf32>
      %slice3A_75 = vector.extract_strided_slice %select_n3A {offsets = [8, 0], sizes = [1, 128], strides = [1, 1]} : vector<64x128xf32> to vector<1x128xf32>
      %slice3A_76 = vector.extract_strided_slice %mul3A_35 {offsets = [1024, 0], sizes = [128, 80], strides = [1, 1]} : vector<8192x80xf32> to vector<128x80xf32>
      %dot_general3A_77 = arith.constant dense<0.000000e+00> : vector<1x80xf32>
      %dot_general3A_78 = tpu.matmul %slice3A_75, %slice3A_76, %dot_general3A_77 {dimension_numbers = #tpu.dot_dimension_numbers<[1], [0], [0], [1], [0, 0, 1, 1], [], []>, transpose_lhs_hint = false} : vector<1x128xf32>, vector<128x80xf32>, vector<1x80xf32> -> vector<1x80xf32>
      %add3A_79 = arith.addf %add3A_74, %dot_general3A_78 : vector<1x80xf32>
      %slice3A_80 = vector.extract_strided_slice %select_n3A {offsets = [9, 0], sizes = [1, 128], strides = [1, 1]} : vector<64x128xf32> to vector<1x128xf32>
      %slice3A_81 = vector.extract_strided_slice %mul3A_35 {offsets = [1152, 0], sizes = [128, 80], strides = [1, 1]} : vector<8192x80xf32> to vector<128x80xf32>
      %dot_general3A_82 = arith.constant dense<0.000000e+00> : vector<1x80xf32>
      %dot_general3A_83 = tpu.matmul %slice3A_80, %slice3A_81, %dot_general3A_82 {dimension_numbers = #tpu.dot_dimension_numbers<[1], [0], [0], [1], [0, 0, 1, 1], [], []>, transpose_lhs_hint = false} : vector<1x128xf32>, vector<128x80xf32>, vector<1x80xf32> -> vector<1x80xf32>
      %add3A_84 = arith.addf %add3A_79, %dot_general3A_83 : vector<1x80xf32>
      %slice3A_85 = vector.extract_strided_slice %select_n3A {offsets = [10, 0], sizes = [1, 128], strides = [1, 1]} : vector<64x128xf32> to vector<1x128xf32>
      %slice3A_86 = vector.extract_strided_slice %mul3A_35 {offsets = [1280, 0], sizes = [128, 80], strides = [1, 1]} : vector<8192x80xf32> to vector<128x80xf32>
      %dot_general3A_87 = arith.constant dense<0.000000e+00> : vector<1x80xf32>
      %dot_general3A_88 = tpu.matmul %slice3A_85, %slice3A_86, %dot_general3A_87 {dimension_numbers = #tpu.dot_dimension_numbers<[1], [0], [0], [1], [0, 0, 1, 1], [], []>, transpose_lhs_hint = false} : vector<1x128xf32>, vector<128x80xf32>, vector<1x80xf32> -> vector<1x80xf32>
      %add3A_89 = arith.addf %add3A_84, %dot_general3A_88 : vector<1x80xf32>
      %slice3A_90 = vector.extract_strided_slice %select_n3A {offsets = [11, 0], sizes = [1, 128], strides = [1, 1]} : vector<64x128xf32> to vector<1x128xf32>
      %slice3A_91 = vector.extract_strided_slice %mul3A_35 {offsets = [1408, 0], sizes = [128, 80], strides = [1, 1]} : vector<8192x80xf32> to vector<128x80xf32>
      %dot_general3A_92 = arith.constant dense<0.000000e+00> : vector<1x80xf32>
      %dot_general3A_93 = tpu.matmul %slice3A_90, %slice3A_91, %dot_general3A_92 {dimension_numbers = #tpu.dot_dimension_numbers<[1], [0], [0], [1], [0, 0, 1, 1], [], []>, transpose_lhs_hint = false} : vector<1x128xf32>, vector<128x80xf32>, vector<1x80xf32> -> vector<1x80xf32>
      %add3A_94 = arith.addf %add3A_89, %dot_general3A_93 : vector<1x80xf32>
      %slice3A_95 = vector.extract_strided_slice %select_n3A {offsets = [12, 0], sizes = [1, 128], strides = [1, 1]} : vector<64x128xf32> to vector<1x128xf32>
      %slice3A_96 = vector.extract_strided_slice %mul3A_35 {offsets = [1536, 0], sizes = [128, 80], strides = [1, 1]} : vector<8192x80xf32> to vector<128x80xf32>
      %dot_general3A_97 = arith.constant dense<0.000000e+00> : vector<1x80xf32>
      %dot_general3A_98 = tpu.matmul %slice3A_95, %slice3A_96, %dot_general3A_97 {dimension_numbers = #tpu.dot_dimension_numbers<[1], [0], [0], [1], [0, 0, 1, 1], [], []>, transpose_lhs_hint = false} : vector<1x128xf32>, vector<128x80xf32>, vector<1x80xf32> -> vector<1x80xf32>
      %add3A_99 = arith.addf %add3A_94, %dot_general3A_98 : vector<1x80xf32>
      %slice3A_100 = vector.extract_strided_slice %select_n3A {offsets = [13, 0], sizes = [1, 128], strides = [1, 1]} : vector<64x128xf32> to vector<1x128xf32>
      %slice3A_101 = vector.extract_strided_slice %mul3A_35 {offsets = [1664, 0], sizes = [128, 80], strides = [1, 1]} : vector<8192x80xf32> to vector<128x80xf32>
      %dot_general3A_102 = arith.constant dense<0.000000e+00> : vector<1x80xf32>
      %dot_general3A_103 = tpu.matmul %slice3A_100, %slice3A_101, %dot_general3A_102 {dimension_numbers = #tpu.dot_dimension_numbers<[1], [0], [0], [1], [0, 0, 1, 1], [], []>, transpose_lhs_hint = false} : vector<1x128xf32>, vector<128x80xf32>, vector<1x80xf32> -> vector<1x80xf32>
      %add3A_104 = arith.addf %add3A_99, %dot_general3A_103 : vector<1x80xf32>
      %slice3A_105 = vector.extract_strided_slice %select_n3A {offsets = [14, 0], sizes = [1, 128], strides = [1, 1]} : vector<64x128xf32> to vector<1x128xf32>
      %slice3A_106 = vector.extract_strided_slice %mul3A_35 {offsets = [1792, 0], sizes = [128, 80], strides = [1, 1]} : vector<8192x80xf32> to vector<128x80xf32>
      %dot_general3A_107 = arith.constant dense<0.000000e+00> : vector<1x80xf32>
      %dot_general3A_108 = tpu.matmul %slice3A_105, %slice3A_106, %dot_general3A_107 {dimension_numbers = #tpu.dot_dimension_numbers<[1], [0], [0], [1], [0, 0, 1, 1], [], []>, transpose_lhs_hint = false} : vector<1x128xf32>, vector<128x80xf32>, vector<1x80xf32> -> vector<1x80xf32>
      %add3A_109 = arith.addf %add3A_104, %dot_general3A_108 : vector<1x80xf32>
      %slice3A_110 = vector.extract_strided_slice %select_n3A {offsets = [15, 0], sizes = [1, 128], strides = [1, 1]} : vector<64x128xf32> to vector<1x128xf32>
      %slice3A_111 = vector.extract_strided_slice %mul3A_35 {offsets = [1920, 0], sizes = [128, 80], strides = [1, 1]} : vector<8192x80xf32> to vector<128x80xf32>
      %dot_general3A_112 = arith.constant dense<0.000000e+00> : vector<1x80xf32>
      %dot_general3A_113 = tpu.matmul %slice3A_110, %slice3A_111, %dot_general3A_112 {dimension_numbers = #tpu.dot_dimension_numbers<[1], [0], [0], [1], [0, 0, 1, 1], [], []>, transpose_lhs_hint = false} : vector<1x128xf32>, vector<128x80xf32>, vector<1x80xf32> -> vector<1x80xf32>
      %add3A_114 = arith.addf %add3A_109, %dot_general3A_113 : vector<1x80xf32>
      %slice3A_115 = vector.extract_strided_slice %select_n3A {offsets = [16, 0], sizes = [1, 128], strides = [1, 1]} : vector<64x128xf32> to vector<1x128xf32>
      %slice3A_116 = vector.extract_strided_slice %mul3A_35 {offsets = [2048, 0], sizes = [128, 80], strides = [1, 1]} : vector<8192x80xf32> to vector<128x80xf32>
      %dot_general3A_117 = arith.constant dense<0.000000e+00> : vector<1x80xf32>
      %dot_general3A_118 = tpu.matmul %slice3A_115, %slice3A_116, %dot_general3A_117 {dimension_numbers = #tpu.dot_dimension_numbers<[1], [0], [0], [1], [0, 0, 1, 1], [], []>, transpose_lhs_hint = false} : vector<1x128xf32>, vector<128x80xf32>, vector<1x80xf32> -> vector<1x80xf32>
      %add3A_119 = arith.addf %add3A_114, %dot_general3A_118 : vector<1x80xf32>
      %slice3A_120 = vector.extract_strided_slice %select_n3A {offsets = [17, 0], sizes = [1, 128], strides = [1, 1]} : vector<64x128xf32> to vector<1x128xf32>
      %slice3A_121 = vector.extract_strided_slice %mul3A_35 {offsets = [2176, 0], sizes = [128, 80], strides = [1, 1]} : vector<8192x80xf32> to vector<128x80xf32>
      %dot_general3A_122 = arith.constant dense<0.000000e+00> : vector<1x80xf32>
      %dot_general3A_123 = tpu.matmul %slice3A_120, %slice3A_121, %dot_general3A_122 {dimension_numbers = #tpu.dot_dimension_numbers<[1], [0], [0], [1], [0, 0, 1, 1], [], []>, transpose_lhs_hint = false} : vector<1x128xf32>, vector<128x80xf32>, vector<1x80xf32> -> vector<1x80xf32>
      %add3A_124 = arith.addf %add3A_119, %dot_general3A_123 : vector<1x80xf32>
      %slice3A_125 = vector.extract_strided_slice %select_n3A {offsets = [18, 0], sizes = [1, 128], strides = [1, 1]} : vector<64x128xf32> to vector<1x128xf32>
      %slice3A_126 = vector.extract_strided_slice %mul3A_35 {offsets = [2304, 0], sizes = [128, 80], strides = [1, 1]} : vector<8192x80xf32> to vector<128x80xf32>
      %dot_general3A_127 = arith.constant dense<0.000000e+00> : vector<1x80xf32>
      %dot_general3A_128 = tpu.matmul %slice3A_125, %slice3A_126, %dot_general3A_127 {dimension_numbers = #tpu.dot_dimension_numbers<[1], [0], [0], [1], [0, 0, 1, 1], [], []>, transpose_lhs_hint = false} : vector<1x128xf32>, vector<128x80xf32>, vector<1x80xf32> -> vector<1x80xf32>
      %add3A_129 = arith.addf %add3A_124, %dot_general3A_128 : vector<1x80xf32>
      %slice3A_130 = vector.extract_strided_slice %select_n3A {offsets = [19, 0], sizes = [1, 128], strides = [1, 1]} : vector<64x128xf32> to vector<1x128xf32>
      %slice3A_131 = vector.extract_strided_slice %mul3A_35 {offsets = [2432, 0], sizes = [128, 80], strides = [1, 1]} : vector<8192x80xf32> to vector<128x80xf32>
      %dot_general3A_132 = arith.constant dense<0.000000e+00> : vector<1x80xf32>
      %dot_general3A_133 = tpu.matmul %slice3A_130, %slice3A_131, %dot_general3A_132 {dimension_numbers = #tpu.dot_dimension_numbers<[1], [0], [0], [1], [0, 0, 1, 1], [], []>, transpose_lhs_hint = false} : vector<1x128xf32>, vector<128x80xf32>, vector<1x80xf32> -> vector<1x80xf32>
      %add3A_134 = arith.addf %add3A_129, %dot_general3A_133 : vector<1x80xf32>
      %slice3A_135 = vector.extract_strided_slice %select_n3A {offsets = [20, 0], sizes = [1, 128], strides = [1, 1]} : vector<64x128xf32> to vector<1x128xf32>
      %slice3A_136 = vector.extract_strided_slice %mul3A_35 {offsets = [2560, 0], sizes = [128, 80], strides = [1, 1]} : vector<8192x80xf32> to vector<128x80xf32>
      %dot_general3A_137 = arith.constant dense<0.000000e+00> : vector<1x80xf32>
      %dot_general3A_138 = tpu.matmul %slice3A_135, %slice3A_136, %dot_general3A_137 {dimension_numbers = #tpu.dot_dimension_numbers<[1], [0], [0], [1], [0, 0, 1, 1], [], []>, transpose_lhs_hint = false} : vector<1x128xf32>, vector<128x80xf32>, vector<1x80xf32> -> vector<1x80xf32>
      %add3A_139 = arith.addf %add3A_134, %dot_general3A_138 : vector<1x80xf32>
      %slice3A_140 = vector.extract_strided_slice %select_n3A {offsets = [21, 0], sizes = [1, 128], strides = [1, 1]} : vector<64x128xf32> to vector<1x128xf32>
      %slice3A_141 = vector.extract_strided_slice %mul3A_35 {offsets = [2688, 0], sizes = [128, 80], strides = [1, 1]} : vector<8192x80xf32> to vector<128x80xf32>
      %dot_general3A_142 = arith.constant dense<0.000000e+00> : vector<1x80xf32>
      %dot_general3A_143 = tpu.matmul %slice3A_140, %slice3A_141, %dot_general3A_142 {dimension_numbers = #tpu.dot_dimension_numbers<[1], [0], [0], [1], [0, 0, 1, 1], [], []>, transpose_lhs_hint = false} : vector<1x128xf32>, vector<128x80xf32>, vector<1x80xf32> -> vector<1x80xf32>
      %add3A_144 = arith.addf %add3A_139, %dot_general3A_143 : vector<1x80xf32>
      %slice3A_145 = vector.extract_strided_slice %select_n3A {offsets = [22, 0], sizes = [1, 128], strides = [1, 1]} : vector<64x128xf32> to vector<1x128xf32>
      %slice3A_146 = vector.extract_strided_slice %mul3A_35 {offsets = [2816, 0], sizes = [128, 80], strides = [1, 1]} : vector<8192x80xf32> to vector<128x80xf32>
      %dot_general3A_147 = arith.constant dense<0.000000e+00> : vector<1x80xf32>
      %dot_general3A_148 = tpu.matmul %slice3A_145, %slice3A_146, %dot_general3A_147 {dimension_numbers = #tpu.dot_dimension_numbers<[1], [0], [0], [1], [0, 0, 1, 1], [], []>, transpose_lhs_hint = false} : vector<1x128xf32>, vector<128x80xf32>, vector<1x80xf32> -> vector<1x80xf32>
      %add3A_149 = arith.addf %add3A_144, %dot_general3A_148 : vector<1x80xf32>
      %slice3A_150 = vector.extract_strided_slice %select_n3A {offsets = [23, 0], sizes = [1, 128], strides = [1, 1]} : vector<64x128xf32> to vector<1x128xf32>
      %slice3A_151 = vector.extract_strided_slice %mul3A_35 {offsets = [2944, 0], sizes = [128, 80], strides = [1, 1]} : vector<8192x80xf32> to vector<128x80xf32>
      %dot_general3A_152 = arith.constant dense<0.000000e+00> : vector<1x80xf32>
      %dot_general3A_153 = tpu.matmul %slice3A_150, %slice3A_151, %dot_general3A_152 {dimension_numbers = #tpu.dot_dimension_numbers<[1], [0], [0], [1], [0, 0, 1, 1], [], []>, transpose_lhs_hint = false} : vector<1x128xf32>, vector<128x80xf32>, vector<1x80xf32> -> vector<1x80xf32>
      %add3A_154 = arith.addf %add3A_149, %dot_general3A_153 : vector<1x80xf32>
      %slice3A_155 = vector.extract_strided_slice %select_n3A {offsets = [24, 0], sizes = [1, 128], strides = [1, 1]} : vector<64x128xf32> to vector<1x128xf32>
      %slice3A_156 = vector.extract_strided_slice %mul3A_35 {offsets = [3072, 0], sizes = [128, 80], strides = [1, 1]} : vector<8192x80xf32> to vector<128x80xf32>
      %dot_general3A_157 = arith.constant dense<0.000000e+00> : vector<1x80xf32>
      %dot_general3A_158 = tpu.matmul %slice3A_155, %slice3A_156, %dot_general3A_157 {dimension_numbers = #tpu.dot_dimension_numbers<[1], [0], [0], [1], [0, 0, 1, 1], [], []>, transpose_lhs_hint = false} : vector<1x128xf32>, vector<128x80xf32>, vector<1x80xf32> -> vector<1x80xf32>
      %add3A_159 = arith.addf %add3A_154, %dot_general3A_158 : vector<1x80xf32>
      %slice3A_160 = vector.extract_strided_slice %select_n3A {offsets = [25, 0], sizes = [1, 128], strides = [1, 1]} : vector<64x128xf32> to vector<1x128xf32>
      %slice3A_161 = vector.extract_strided_slice %mul3A_35 {offsets = [3200, 0], sizes = [128, 80], strides = [1, 1]} : vector<8192x80xf32> to vector<128x80xf32>
      %dot_general3A_162 = arith.constant dense<0.000000e+00> : vector<1x80xf32>
      %dot_general3A_163 = tpu.matmul %slice3A_160, %slice3A_161, %dot_general3A_162 {dimension_numbers = #tpu.dot_dimension_numbers<[1], [0], [0], [1], [0, 0, 1, 1], [], []>, transpose_lhs_hint = false} : vector<1x128xf32>, vector<128x80xf32>, vector<1x80xf32> -> vector<1x80xf32>
      %add3A_164 = arith.addf %add3A_159, %dot_general3A_163 : vector<1x80xf32>
      %slice3A_165 = vector.extract_strided_slice %select_n3A {offsets = [26, 0], sizes = [1, 128], strides = [1, 1]} : vector<64x128xf32> to vector<1x128xf32>
      %slice3A_166 = vector.extract_strided_slice %mul3A_35 {offsets = [3328, 0], sizes = [128, 80], strides = [1, 1]} : vector<8192x80xf32> to vector<128x80xf32>
      %dot_general3A_167 = arith.constant dense<0.000000e+00> : vector<1x80xf32>
      %dot_general3A_168 = tpu.matmul %slice3A_165, %slice3A_166, %dot_general3A_167 {dimension_numbers = #tpu.dot_dimension_numbers<[1], [0], [0], [1], [0, 0, 1, 1], [], []>, transpose_lhs_hint = false} : vector<1x128xf32>, vector<128x80xf32>, vector<1x80xf32> -> vector<1x80xf32>
      %add3A_169 = arith.addf %add3A_164, %dot_general3A_168 : vector<1x80xf32>
      %slice3A_170 = vector.extract_strided_slice %select_n3A {offsets = [27, 0], sizes = [1, 128], strides = [1, 1]} : vector<64x128xf32> to vector<1x128xf32>
      %slice3A_171 = vector.extract_strided_slice %mul3A_35 {offsets = [3456, 0], sizes = [128, 80], strides = [1, 1]} : vector<8192x80xf32> to vector<128x80xf32>
      %dot_general3A_172 = arith.constant dense<0.000000e+00> : vector<1x80xf32>
      %dot_general3A_173 = tpu.matmul %slice3A_170, %slice3A_171, %dot_general3A_172 {dimension_numbers = #tpu.dot_dimension_numbers<[1], [0], [0], [1], [0, 0, 1, 1], [], []>, transpose_lhs_hint = false} : vector<1x128xf32>, vector<128x80xf32>, vector<1x80xf32> -> vector<1x80xf32>
      %add3A_174 = arith.addf %add3A_169, %dot_general3A_173 : vector<1x80xf32>
      %slice3A_175 = vector.extract_strided_slice %select_n3A {offsets = [28, 0], sizes = [1, 128], strides = [1, 1]} : vector<64x128xf32> to vector<1x128xf32>
      %slice3A_176 = vector.extract_strided_slice %mul3A_35 {offsets = [3584, 0], sizes = [128, 80], strides = [1, 1]} : vector<8192x80xf32> to vector<128x80xf32>
      %dot_general3A_177 = arith.constant dense<0.000000e+00> : vector<1x80xf32>
      %dot_general3A_178 = tpu.matmul %slice3A_175, %slice3A_176, %dot_general3A_177 {dimension_numbers = #tpu.dot_dimension_numbers<[1], [0], [0], [1], [0, 0, 1, 1], [], []>, transpose_lhs_hint = false} : vector<1x128xf32>, vector<128x80xf32>, vector<1x80xf32> -> vector<1x80xf32>
      %add3A_179 = arith.addf %add3A_174, %dot_general3A_178 : vector<1x80xf32>
      %slice3A_180 = vector.extract_strided_slice %select_n3A {offsets = [29, 0], sizes = [1, 128], strides = [1, 1]} : vector<64x128xf32> to vector<1x128xf32>
      %slice3A_181 = vector.extract_strided_slice %mul3A_35 {offsets = [3712, 0], sizes = [128, 80], strides = [1, 1]} : vector<8192x80xf32> to vector<128x80xf32>
      %dot_general3A_182 = arith.constant dense<0.000000e+00> : vector<1x80xf32>
      %dot_general3A_183 = tpu.matmul %slice3A_180, %slice3A_181, %dot_general3A_182 {dimension_numbers = #tpu.dot_dimension_numbers<[1], [0], [0], [1], [0, 0, 1, 1], [], []>, transpose_lhs_hint = false} : vector<1x128xf32>, vector<128x80xf32>, vector<1x80xf32> -> vector<1x80xf32>
      %add3A_184 = arith.addf %add3A_179, %dot_general3A_183 : vector<1x80xf32>
      %slice3A_185 = vector.extract_strided_slice %select_n3A {offsets = [30, 0], sizes = [1, 128], strides = [1, 1]} : vector<64x128xf32> to vector<1x128xf32>
      %slice3A_186 = vector.extract_strided_slice %mul3A_35 {offsets = [3840, 0], sizes = [128, 80], strides = [1, 1]} : vector<8192x80xf32> to vector<128x80xf32>
      %dot_general3A_187 = arith.constant dense<0.000000e+00> : vector<1x80xf32>
      %dot_general3A_188 = tpu.matmul %slice3A_185, %slice3A_186, %dot_general3A_187 {dimension_numbers = #tpu.dot_dimension_numbers<[1], [0], [0], [1], [0, 0, 1, 1], [], []>, transpose_lhs_hint = false} : vector<1x128xf32>, vector<128x80xf32>, vector<1x80xf32> -> vector<1x80xf32>
      %add3A_189 = arith.addf %add3A_184, %dot_general3A_188 : vector<1x80xf32>
      %slice3A_190 = vector.extract_strided_slice %select_n3A {offsets = [31, 0], sizes = [1, 128], strides = [1, 1]} : vector<64x128xf32> to vector<1x128xf32>
      %slice3A_191 = vector.extract_strided_slice %mul3A_35 {offsets = [3968, 0], sizes = [128, 80], strides = [1, 1]} : vector<8192x80xf32> to vector<128x80xf32>
      %dot_general3A_192 = arith.constant dense<0.000000e+00> : vector<1x80xf32>
      %dot_general3A_193 = tpu.matmul %slice3A_190, %slice3A_191, %dot_general3A_192 {dimension_numbers = #tpu.dot_dimension_numbers<[1], [0], [0], [1], [0, 0, 1, 1], [], []>, transpose_lhs_hint = false} : vector<1x128xf32>, vector<128x80xf32>, vector<1x80xf32> -> vector<1x80xf32>
      %add3A_194 = arith.addf %add3A_189, %dot_general3A_193 : vector<1x80xf32>
      %slice3A_195 = vector.extract_strided_slice %select_n3A {offsets = [32, 0], sizes = [1, 128], strides = [1, 1]} : vector<64x128xf32> to vector<1x128xf32>
      %slice3A_196 = vector.extract_strided_slice %mul3A_35 {offsets = [4096, 0], sizes = [128, 80], strides = [1, 1]} : vector<8192x80xf32> to vector<128x80xf32>
      %dot_general3A_197 = arith.constant dense<0.000000e+00> : vector<1x80xf32>
      %dot_general3A_198 = tpu.matmul %slice3A_195, %slice3A_196, %dot_general3A_197 {dimension_numbers = #tpu.dot_dimension_numbers<[1], [0], [0], [1], [0, 0, 1, 1], [], []>, transpose_lhs_hint = false} : vector<1x128xf32>, vector<128x80xf32>, vector<1x80xf32> -> vector<1x80xf32>
      %add3A_199 = arith.addf %add3A_194, %dot_general3A_198 : vector<1x80xf32>
      %slice3A_200 = vector.extract_strided_slice %select_n3A {offsets = [33, 0], sizes = [1, 128], strides = [1, 1]} : vector<64x128xf32> to vector<1x128xf32>
      %slice3A_201 = vector.extract_strided_slice %mul3A_35 {offsets = [4224, 0], sizes = [128, 80], strides = [1, 1]} : vector<8192x80xf32> to vector<128x80xf32>
      %dot_general3A_202 = arith.constant dense<0.000000e+00> : vector<1x80xf32>
      %dot_general3A_203 = tpu.matmul %slice3A_200, %slice3A_201, %dot_general3A_202 {dimension_numbers = #tpu.dot_dimension_numbers<[1], [0], [0], [1], [0, 0, 1, 1], [], []>, transpose_lhs_hint = false} : vector<1x128xf32>, vector<128x80xf32>, vector<1x80xf32> -> vector<1x80xf32>
      %add3A_204 = arith.addf %add3A_199, %dot_general3A_203 : vector<1x80xf32>
      %slice3A_205 = vector.extract_strided_slice %select_n3A {offsets = [34, 0], sizes = [1, 128], strides = [1, 1]} : vector<64x128xf32> to vector<1x128xf32>
      %slice3A_206 = vector.extract_strided_slice %mul3A_35 {offsets = [4352, 0], sizes = [128, 80], strides = [1, 1]} : vector<8192x80xf32> to vector<128x80xf32>
      %dot_general3A_207 = arith.constant dense<0.000000e+00> : vector<1x80xf32>
      %dot_general3A_208 = tpu.matmul %slice3A_205, %slice3A_206, %dot_general3A_207 {dimension_numbers = #tpu.dot_dimension_numbers<[1], [0], [0], [1], [0, 0, 1, 1], [], []>, transpose_lhs_hint = false} : vector<1x128xf32>, vector<128x80xf32>, vector<1x80xf32> -> vector<1x80xf32>
      %add3A_209 = arith.addf %add3A_204, %dot_general3A_208 : vector<1x80xf32>
      %slice3A_210 = vector.extract_strided_slice %select_n3A {offsets = [35, 0], sizes = [1, 128], strides = [1, 1]} : vector<64x128xf32> to vector<1x128xf32>
      %slice3A_211 = vector.extract_strided_slice %mul3A_35 {offsets = [4480, 0], sizes = [128, 80], strides = [1, 1]} : vector<8192x80xf32> to vector<128x80xf32>
      %dot_general3A_212 = arith.constant dense<0.000000e+00> : vector<1x80xf32>
      %dot_general3A_213 = tpu.matmul %slice3A_210, %slice3A_211, %dot_general3A_212 {dimension_numbers = #tpu.dot_dimension_numbers<[1], [0], [0], [1], [0, 0, 1, 1], [], []>, transpose_lhs_hint = false} : vector<1x128xf32>, vector<128x80xf32>, vector<1x80xf32> -> vector<1x80xf32>
      %add3A_214 = arith.addf %add3A_209, %dot_general3A_213 : vector<1x80xf32>
      %slice3A_215 = vector.extract_strided_slice %select_n3A {offsets = [36, 0], sizes = [1, 128], strides = [1, 1]} : vector<64x128xf32> to vector<1x128xf32>
      %slice3A_216 = vector.extract_strided_slice %mul3A_35 {offsets = [4608, 0], sizes = [128, 80], strides = [1, 1]} : vector<8192x80xf32> to vector<128x80xf32>
      %dot_general3A_217 = arith.constant dense<0.000000e+00> : vector<1x80xf32>
      %dot_general3A_218 = tpu.matmul %slice3A_215, %slice3A_216, %dot_general3A_217 {dimension_numbers = #tpu.dot_dimension_numbers<[1], [0], [0], [1], [0, 0, 1, 1], [], []>, transpose_lhs_hint = false} : vector<1x128xf32>, vector<128x80xf32>, vector<1x80xf32> -> vector<1x80xf32>
      %add3A_219 = arith.addf %add3A_214, %dot_general3A_218 : vector<1x80xf32>
      %slice3A_220 = vector.extract_strided_slice %select_n3A {offsets = [37, 0], sizes = [1, 128], strides = [1, 1]} : vector<64x128xf32> to vector<1x128xf32>
      %slice3A_221 = vector.extract_strided_slice %mul3A_35 {offsets = [4736, 0], sizes = [128, 80], strides = [1, 1]} : vector<8192x80xf32> to vector<128x80xf32>
      %dot_general3A_222 = arith.constant dense<0.000000e+00> : vector<1x80xf32>
      %dot_general3A_223 = tpu.matmul %slice3A_220, %slice3A_221, %dot_general3A_222 {dimension_numbers = #tpu.dot_dimension_numbers<[1], [0], [0], [1], [0, 0, 1, 1], [], []>, transpose_lhs_hint = false} : vector<1x128xf32>, vector<128x80xf32>, vector<1x80xf32> -> vector<1x80xf32>
      %add3A_224 = arith.addf %add3A_219, %dot_general3A_223 : vector<1x80xf32>
      %slice3A_225 = vector.extract_strided_slice %select_n3A {offsets = [38, 0], sizes = [1, 128], strides = [1, 1]} : vector<64x128xf32> to vector<1x128xf32>
      %slice3A_226 = vector.extract_strided_slice %mul3A_35 {offsets = [4864, 0], sizes = [128, 80], strides = [1, 1]} : vector<8192x80xf32> to vector<128x80xf32>
      %dot_general3A_227 = arith.constant dense<0.000000e+00> : vector<1x80xf32>
      %dot_general3A_228 = tpu.matmul %slice3A_225, %slice3A_226, %dot_general3A_227 {dimension_numbers = #tpu.dot_dimension_numbers<[1], [0], [0], [1], [0, 0, 1, 1], [], []>, transpose_lhs_hint = false} : vector<1x128xf32>, vector<128x80xf32>, vector<1x80xf32> -> vector<1x80xf32>
      %add3A_229 = arith.addf %add3A_224, %dot_general3A_228 : vector<1x80xf32>
      %slice3A_230 = vector.extract_strided_slice %select_n3A {offsets = [39, 0], sizes = [1, 128], strides = [1, 1]} : vector<64x128xf32> to vector<1x128xf32>
      %slice3A_231 = vector.extract_strided_slice %mul3A_35 {offsets = [4992, 0], sizes = [128, 80], strides = [1, 1]} : vector<8192x80xf32> to vector<128x80xf32>
      %dot_general3A_232 = arith.constant dense<0.000000e+00> : vector<1x80xf32>
      %dot_general3A_233 = tpu.matmul %slice3A_230, %slice3A_231, %dot_general3A_232 {dimension_numbers = #tpu.dot_dimension_numbers<[1], [0], [0], [1], [0, 0, 1, 1], [], []>, transpose_lhs_hint = false} : vector<1x128xf32>, vector<128x80xf32>, vector<1x80xf32> -> vector<1x80xf32>
      %add3A_234 = arith.addf %add3A_229, %dot_general3A_233 : vector<1x80xf32>
      %slice3A_235 = vector.extract_strided_slice %select_n3A {offsets = [40, 0], sizes = [1, 128], strides = [1, 1]} : vector<64x128xf32> to vector<1x128xf32>
      %slice3A_236 = vector.extract_strided_slice %mul3A_35 {offsets = [5120, 0], sizes = [128, 80], strides = [1, 1]} : vector<8192x80xf32> to vector<128x80xf32>
      %dot_general3A_237 = arith.constant dense<0.000000e+00> : vector<1x80xf32>
      %dot_general3A_238 = tpu.matmul %slice3A_235, %slice3A_236, %dot_general3A_237 {dimension_numbers = #tpu.dot_dimension_numbers<[1], [0], [0], [1], [0, 0, 1, 1], [], []>, transpose_lhs_hint = false} : vector<1x128xf32>, vector<128x80xf32>, vector<1x80xf32> -> vector<1x80xf32>
      %add3A_239 = arith.addf %add3A_234, %dot_general3A_238 : vector<1x80xf32>
      %slice3A_240 = vector.extract_strided_slice %select_n3A {offsets = [41, 0], sizes = [1, 128], strides = [1, 1]} : vector<64x128xf32> to vector<1x128xf32>
      %slice3A_241 = vector.extract_strided_slice %mul3A_35 {offsets = [5248, 0], sizes = [128, 80], strides = [1, 1]} : vector<8192x80xf32> to vector<128x80xf32>
      %dot_general3A_242 = arith.constant dense<0.000000e+00> : vector<1x80xf32>
      %dot_general3A_243 = tpu.matmul %slice3A_240, %slice3A_241, %dot_general3A_242 {dimension_numbers = #tpu.dot_dimension_numbers<[1], [0], [0], [1], [0, 0, 1, 1], [], []>, transpose_lhs_hint = false} : vector<1x128xf32>, vector<128x80xf32>, vector<1x80xf32> -> vector<1x80xf32>
      %add3A_244 = arith.addf %add3A_239, %dot_general3A_243 : vector<1x80xf32>
      %slice3A_245 = vector.extract_strided_slice %select_n3A {offsets = [42, 0], sizes = [1, 128], strides = [1, 1]} : vector<64x128xf32> to vector<1x128xf32>
      %slice3A_246 = vector.extract_strided_slice %mul3A_35 {offsets = [5376, 0], sizes = [128, 80], strides = [1, 1]} : vector<8192x80xf32> to vector<128x80xf32>
      %dot_general3A_247 = arith.constant dense<0.000000e+00> : vector<1x80xf32>
      %dot_general3A_248 = tpu.matmul %slice3A_245, %slice3A_246, %dot_general3A_247 {dimension_numbers = #tpu.dot_dimension_numbers<[1], [0], [0], [1], [0, 0, 1, 1], [], []>, transpose_lhs_hint = false} : vector<1x128xf32>, vector<128x80xf32>, vector<1x80xf32> -> vector<1x80xf32>
      %add3A_249 = arith.addf %add3A_244, %dot_general3A_248 : vector<1x80xf32>
      %slice3A_250 = vector.extract_strided_slice %select_n3A {offsets = [43, 0], sizes = [1, 128], strides = [1, 1]} : vector<64x128xf32> to vector<1x128xf32>
      %slice3A_251 = vector.extract_strided_slice %mul3A_35 {offsets = [5504, 0], sizes = [128, 80], strides = [1, 1]} : vector<8192x80xf32> to vector<128x80xf32>
      %dot_general3A_252 = arith.constant dense<0.000000e+00> : vector<1x80xf32>
      %dot_general3A_253 = tpu.matmul %slice3A_250, %slice3A_251, %dot_general3A_252 {dimension_numbers = #tpu.dot_dimension_numbers<[1], [0], [0], [1], [0, 0, 1, 1], [], []>, transpose_lhs_hint = false} : vector<1x128xf32>, vector<128x80xf32>, vector<1x80xf32> -> vector<1x80xf32>
      %add3A_254 = arith.addf %add3A_249, %dot_general3A_253 : vector<1x80xf32>
      %slice3A_255 = vector.extract_strided_slice %select_n3A {offsets = [44, 0], sizes = [1, 128], strides = [1, 1]} : vector<64x128xf32> to vector<1x128xf32>
      %slice3A_256 = vector.extract_strided_slice %mul3A_35 {offsets = [5632, 0], sizes = [128, 80], strides = [1, 1]} : vector<8192x80xf32> to vector<128x80xf32>
      %dot_general3A_257 = arith.constant dense<0.000000e+00> : vector<1x80xf32>
      %dot_general3A_258 = tpu.matmul %slice3A_255, %slice3A_256, %dot_general3A_257 {dimension_numbers = #tpu.dot_dimension_numbers<[1], [0], [0], [1], [0, 0, 1, 1], [], []>, transpose_lhs_hint = false} : vector<1x128xf32>, vector<128x80xf32>, vector<1x80xf32> -> vector<1x80xf32>
      %add3A_259 = arith.addf %add3A_254, %dot_general3A_258 : vector<1x80xf32>
      %slice3A_260 = vector.extract_strided_slice %select_n3A {offsets = [45, 0], sizes = [1, 128], strides = [1, 1]} : vector<64x128xf32> to vector<1x128xf32>
      %slice3A_261 = vector.extract_strided_slice %mul3A_35 {offsets = [5760, 0], sizes = [128, 80], strides = [1, 1]} : vector<8192x80xf32> to vector<128x80xf32>
      %dot_general3A_262 = arith.constant dense<0.000000e+00> : vector<1x80xf32>
      %dot_general3A_263 = tpu.matmul %slice3A_260, %slice3A_261, %dot_general3A_262 {dimension_numbers = #tpu.dot_dimension_numbers<[1], [0], [0], [1], [0, 0, 1, 1], [], []>, transpose_lhs_hint = false} : vector<1x128xf32>, vector<128x80xf32>, vector<1x80xf32> -> vector<1x80xf32>
      %add3A_264 = arith.addf %add3A_259, %dot_general3A_263 : vector<1x80xf32>
      %slice3A_265 = vector.extract_strided_slice %select_n3A {offsets = [46, 0], sizes = [1, 128], strides = [1, 1]} : vector<64x128xf32> to vector<1x128xf32>
      %slice3A_266 = vector.extract_strided_slice %mul3A_35 {offsets = [5888, 0], sizes = [128, 80], strides = [1, 1]} : vector<8192x80xf32> to vector<128x80xf32>
      %dot_general3A_267 = arith.constant dense<0.000000e+00> : vector<1x80xf32>
      %dot_general3A_268 = tpu.matmul %slice3A_265, %slice3A_266, %dot_general3A_267 {dimension_numbers = #tpu.dot_dimension_numbers<[1], [0], [0], [1], [0, 0, 1, 1], [], []>, transpose_lhs_hint = false} : vector<1x128xf32>, vector<128x80xf32>, vector<1x80xf32> -> vector<1x80xf32>
      %add3A_269 = arith.addf %add3A_264, %dot_general3A_268 : vector<1x80xf32>
      %slice3A_270 = vector.extract_strided_slice %select_n3A {offsets = [47, 0], sizes = [1, 128], strides = [1, 1]} : vector<64x128xf32> to vector<1x128xf32>
      %slice3A_271 = vector.extract_strided_slice %mul3A_35 {offsets = [6016, 0], sizes = [128, 80], strides = [1, 1]} : vector<8192x80xf32> to vector<128x80xf32>
      %dot_general3A_272 = arith.constant dense<0.000000e+00> : vector<1x80xf32>
      %dot_general3A_273 = tpu.matmul %slice3A_270, %slice3A_271, %dot_general3A_272 {dimension_numbers = #tpu.dot_dimension_numbers<[1], [0], [0], [1], [0, 0, 1, 1], [], []>, transpose_lhs_hint = false} : vector<1x128xf32>, vector<128x80xf32>, vector<1x80xf32> -> vector<1x80xf32>
      %add3A_274 = arith.addf %add3A_269, %dot_general3A_273 : vector<1x80xf32>
      %slice3A_275 = vector.extract_strided_slice %select_n3A {offsets = [48, 0], sizes = [1, 128], strides = [1, 1]} : vector<64x128xf32> to vector<1x128xf32>
      %slice3A_276 = vector.extract_strided_slice %mul3A_35 {offsets = [6144, 0], sizes = [128, 80], strides = [1, 1]} : vector<8192x80xf32> to vector<128x80xf32>
      %dot_general3A_277 = arith.constant dense<0.000000e+00> : vector<1x80xf32>
      %dot_general3A_278 = tpu.matmul %slice3A_275, %slice3A_276, %dot_general3A_277 {dimension_numbers = #tpu.dot_dimension_numbers<[1], [0], [0], [1], [0, 0, 1, 1], [], []>, transpose_lhs_hint = false} : vector<1x128xf32>, vector<128x80xf32>, vector<1x80xf32> -> vector<1x80xf32>
      %add3A_279 = arith.addf %add3A_274, %dot_general3A_278 : vector<1x80xf32>
      %slice3A_280 = vector.extract_strided_slice %select_n3A {offsets = [49, 0], sizes = [1, 128], strides = [1, 1]} : vector<64x128xf32> to vector<1x128xf32>
      %slice3A_281 = vector.extract_strided_slice %mul3A_35 {offsets = [6272, 0], sizes = [128, 80], strides = [1, 1]} : vector<8192x80xf32> to vector<128x80xf32>
      %dot_general3A_282 = arith.constant dense<0.000000e+00> : vector<1x80xf32>
      %dot_general3A_283 = tpu.matmul %slice3A_280, %slice3A_281, %dot_general3A_282 {dimension_numbers = #tpu.dot_dimension_numbers<[1], [0], [0], [1], [0, 0, 1, 1], [], []>, transpose_lhs_hint = false} : vector<1x128xf32>, vector<128x80xf32>, vector<1x80xf32> -> vector<1x80xf32>
      %add3A_284 = arith.addf %add3A_279, %dot_general3A_283 : vector<1x80xf32>
      %slice3A_285 = vector.extract_strided_slice %select_n3A {offsets = [50, 0], sizes = [1, 128], strides = [1, 1]} : vector<64x128xf32> to vector<1x128xf32>
      %slice3A_286 = vector.extract_strided_slice %mul3A_35 {offsets = [6400, 0], sizes = [128, 80], strides = [1, 1]} : vector<8192x80xf32> to vector<128x80xf32>
      %dot_general3A_287 = arith.constant dense<0.000000e+00> : vector<1x80xf32>
      %dot_general3A_288 = tpu.matmul %slice3A_285, %slice3A_286, %dot_general3A_287 {dimension_numbers = #tpu.dot_dimension_numbers<[1], [0], [0], [1], [0, 0, 1, 1], [], []>, transpose_lhs_hint = false} : vector<1x128xf32>, vector<128x80xf32>, vector<1x80xf32> -> vector<1x80xf32>
      %add3A_289 = arith.addf %add3A_284, %dot_general3A_288 : vector<1x80xf32>
      %slice3A_290 = vector.extract_strided_slice %select_n3A {offsets = [51, 0], sizes = [1, 128], strides = [1, 1]} : vector<64x128xf32> to vector<1x128xf32>
      %slice3A_291 = vector.extract_strided_slice %mul3A_35 {offsets = [6528, 0], sizes = [128, 80], strides = [1, 1]} : vector<8192x80xf32> to vector<128x80xf32>
      %dot_general3A_292 = arith.constant dense<0.000000e+00> : vector<1x80xf32>
      %dot_general3A_293 = tpu.matmul %slice3A_290, %slice3A_291, %dot_general3A_292 {dimension_numbers = #tpu.dot_dimension_numbers<[1], [0], [0], [1], [0, 0, 1, 1], [], []>, transpose_lhs_hint = false} : vector<1x128xf32>, vector<128x80xf32>, vector<1x80xf32> -> vector<1x80xf32>
      %add3A_294 = arith.addf %add3A_289, %dot_general3A_293 : vector<1x80xf32>
      %slice3A_295 = vector.extract_strided_slice %select_n3A {offsets = [52, 0], sizes = [1, 128], strides = [1, 1]} : vector<64x128xf32> to vector<1x128xf32>
      %slice3A_296 = vector.extract_strided_slice %mul3A_35 {offsets = [6656, 0], sizes = [128, 80], strides = [1, 1]} : vector<8192x80xf32> to vector<128x80xf32>
      %dot_general3A_297 = arith.constant dense<0.000000e+00> : vector<1x80xf32>
      %dot_general3A_298 = tpu.matmul %slice3A_295, %slice3A_296, %dot_general3A_297 {dimension_numbers = #tpu.dot_dimension_numbers<[1], [0], [0], [1], [0, 0, 1, 1], [], []>, transpose_lhs_hint = false} : vector<1x128xf32>, vector<128x80xf32>, vector<1x80xf32> -> vector<1x80xf32>
      %add3A_299 = arith.addf %add3A_294, %dot_general3A_298 : vector<1x80xf32>
      %slice3A_300 = vector.extract_strided_slice %select_n3A {offsets = [53, 0], sizes = [1, 128], strides = [1, 1]} : vector<64x128xf32> to vector<1x128xf32>
      %slice3A_301 = vector.extract_strided_slice %mul3A_35 {offsets = [6784, 0], sizes = [128, 80], strides = [1, 1]} : vector<8192x80xf32> to vector<128x80xf32>
      %dot_general3A_302 = arith.constant dense<0.000000e+00> : vector<1x80xf32>
      %dot_general3A_303 = tpu.matmul %slice3A_300, %slice3A_301, %dot_general3A_302 {dimension_numbers = #tpu.dot_dimension_numbers<[1], [0], [0], [1], [0, 0, 1, 1], [], []>, transpose_lhs_hint = false} : vector<1x128xf32>, vector<128x80xf32>, vector<1x80xf32> -> vector<1x80xf32>
      %add3A_304 = arith.addf %add3A_299, %dot_general3A_303 : vector<1x80xf32>
      %slice3A_305 = vector.extract_strided_slice %select_n3A {offsets = [54, 0], sizes = [1, 128], strides = [1, 1]} : vector<64x128xf32> to vector<1x128xf32>
      %slice3A_306 = vector.extract_strided_slice %mul3A_35 {offsets = [6912, 0], sizes = [128, 80], strides = [1, 1]} : vector<8192x80xf32> to vector<128x80xf32>
      %dot_general3A_307 = arith.constant dense<0.000000e+00> : vector<1x80xf32>
      %dot_general3A_308 = tpu.matmul %slice3A_305, %slice3A_306, %dot_general3A_307 {dimension_numbers = #tpu.dot_dimension_numbers<[1], [0], [0], [1], [0, 0, 1, 1], [], []>, transpose_lhs_hint = false} : vector<1x128xf32>, vector<128x80xf32>, vector<1x80xf32> -> vector<1x80xf32>
      %add3A_309 = arith.addf %add3A_304, %dot_general3A_308 : vector<1x80xf32>
      %slice3A_310 = vector.extract_strided_slice %select_n3A {offsets = [55, 0], sizes = [1, 128], strides = [1, 1]} : vector<64x128xf32> to vector<1x128xf32>
      %slice3A_311 = vector.extract_strided_slice %mul3A_35 {offsets = [7040, 0], sizes = [128, 80], strides = [1, 1]} : vector<8192x80xf32> to vector<128x80xf32>
      %dot_general3A_312 = arith.constant dense<0.000000e+00> : vector<1x80xf32>
      %dot_general3A_313 = tpu.matmul %slice3A_310, %slice3A_311, %dot_general3A_312 {dimension_numbers = #tpu.dot_dimension_numbers<[1], [0], [0], [1], [0, 0, 1, 1], [], []>, transpose_lhs_hint = false} : vector<1x128xf32>, vector<128x80xf32>, vector<1x80xf32> -> vector<1x80xf32>
      %add3A_314 = arith.addf %add3A_309, %dot_general3A_313 : vector<1x80xf32>
      %slice3A_315 = vector.extract_strided_slice %select_n3A {offsets = [56, 0], sizes = [1, 128], strides = [1, 1]} : vector<64x128xf32> to vector<1x128xf32>
      %slice3A_316 = vector.extract_strided_slice %mul3A_35 {offsets = [7168, 0], sizes = [128, 80], strides = [1, 1]} : vector<8192x80xf32> to vector<128x80xf32>
      %dot_general3A_317 = arith.constant dense<0.000000e+00> : vector<1x80xf32>
      %dot_general3A_318 = tpu.matmul %slice3A_315, %slice3A_316, %dot_general3A_317 {dimension_numbers = #tpu.dot_dimension_numbers<[1], [0], [0], [1], [0, 0, 1, 1], [], []>, transpose_lhs_hint = false} : vector<1x128xf32>, vector<128x80xf32>, vector<1x80xf32> -> vector<1x80xf32>
      %add3A_319 = arith.addf %add3A_314, %dot_general3A_318 : vector<1x80xf32>
      %slice3A_320 = vector.extract_strided_slice %select_n3A {offsets = [57, 0], sizes = [1, 128], strides = [1, 1]} : vector<64x128xf32> to vector<1x128xf32>
      %slice3A_321 = vector.extract_strided_slice %mul3A_35 {offsets = [7296, 0], sizes = [128, 80], strides = [1, 1]} : vector<8192x80xf32> to vector<128x80xf32>
      %dot_general3A_322 = arith.constant dense<0.000000e+00> : vector<1x80xf32>
      %dot_general3A_323 = tpu.matmul %slice3A_320, %slice3A_321, %dot_general3A_322 {dimension_numbers = #tpu.dot_dimension_numbers<[1], [0], [0], [1], [0, 0, 1, 1], [], []>, transpose_lhs_hint = false} : vector<1x128xf32>, vector<128x80xf32>, vector<1x80xf32> -> vector<1x80xf32>
      %add3A_324 = arith.addf %add3A_319, %dot_general3A_323 : vector<1x80xf32>
      %slice3A_325 = vector.extract_strided_slice %select_n3A {offsets = [58, 0], sizes = [1, 128], strides = [1, 1]} : vector<64x128xf32> to vector<1x128xf32>
      %slice3A_326 = vector.extract_strided_slice %mul3A_35 {offsets = [7424, 0], sizes = [128, 80], strides = [1, 1]} : vector<8192x80xf32> to vector<128x80xf32>
      %dot_general3A_327 = arith.constant dense<0.000000e+00> : vector<1x80xf32>
      %dot_general3A_328 = tpu.matmul %slice3A_325, %slice3A_326, %dot_general3A_327 {dimension_numbers = #tpu.dot_dimension_numbers<[1], [0], [0], [1], [0, 0, 1, 1], [], []>, transpose_lhs_hint = false} : vector<1x128xf32>, vector<128x80xf32>, vector<1x80xf32> -> vector<1x80xf32>
      %add3A_329 = arith.addf %add3A_324, %dot_general3A_328 : vector<1x80xf32>
      %slice3A_330 = vector.extract_strided_slice %select_n3A {offsets = [59, 0], sizes = [1, 128], strides = [1, 1]} : vector<64x128xf32> to vector<1x128xf32>
      %slice3A_331 = vector.extract_strided_slice %mul3A_35 {offsets = [7552, 0], sizes = [128, 80], strides = [1, 1]} : vector<8192x80xf32> to vector<128x80xf32>
      %dot_general3A_332 = arith.constant dense<0.000000e+00> : vector<1x80xf32>
      %dot_general3A_333 = tpu.matmul %slice3A_330, %slice3A_331, %dot_general3A_332 {dimension_numbers = #tpu.dot_dimension_numbers<[1], [0], [0], [1], [0, 0, 1, 1], [], []>, transpose_lhs_hint = false} : vector<1x128xf32>, vector<128x80xf32>, vector<1x80xf32> -> vector<1x80xf32>
      %add3A_334 = arith.addf %add3A_329, %dot_general3A_333 : vector<1x80xf32>
      %slice3A_335 = vector.extract_strided_slice %select_n3A {offsets = [60, 0], sizes = [1, 128], strides = [1, 1]} : vector<64x128xf32> to vector<1x128xf32>
      %slice3A_336 = vector.extract_strided_slice %mul3A_35 {offsets = [7680, 0], sizes = [128, 80], strides = [1, 1]} : vector<8192x80xf32> to vector<128x80xf32>
      %dot_general3A_337 = arith.constant dense<0.000000e+00> : vector<1x80xf32>
      %dot_general3A_338 = tpu.matmul %slice3A_335, %slice3A_336, %dot_general3A_337 {dimension_numbers = #tpu.dot_dimension_numbers<[1], [0], [0], [1], [0, 0, 1, 1], [], []>, transpose_lhs_hint = false} : vector<1x128xf32>, vector<128x80xf32>, vector<1x80xf32> -> vector<1x80xf32>
      %add3A_339 = arith.addf %add3A_334, %dot_general3A_338 : vector<1x80xf32>
      %slice3A_340 = vector.extract_strided_slice %select_n3A {offsets = [61, 0], sizes = [1, 128], strides = [1, 1]} : vector<64x128xf32> to vector<1x128xf32>
      %slice3A_341 = vector.extract_strided_slice %mul3A_35 {offsets = [7808, 0], sizes = [128, 80], strides = [1, 1]} : vector<8192x80xf32> to vector<128x80xf32>
      %dot_general3A_342 = arith.constant dense<0.000000e+00> : vector<1x80xf32>
      %dot_general3A_343 = tpu.matmul %slice3A_340, %slice3A_341, %dot_general3A_342 {dimension_numbers = #tpu.dot_dimension_numbers<[1], [0], [0], [1], [0, 0, 1, 1], [], []>, transpose_lhs_hint = false} : vector<1x128xf32>, vector<128x80xf32>, vector<1x80xf32> -> vector<1x80xf32>
      %add3A_344 = arith.addf %add3A_339, %dot_general3A_343 : vector<1x80xf32>
      %slice3A_345 = vector.extract_strided_slice %select_n3A {offsets = [62, 0], sizes = [1, 128], strides = [1, 1]} : vector<64x128xf32> to vector<1x128xf32>
      %slice3A_346 = vector.extract_strided_slice %mul3A_35 {offsets = [7936, 0], sizes = [128, 80], strides = [1, 1]} : vector<8192x80xf32> to vector<128x80xf32>
      %dot_general3A_347 = arith.constant dense<0.000000e+00> : vector<1x80xf32>
      %dot_general3A_348 = tpu.matmul %slice3A_345, %slice3A_346, %dot_general3A_347 {dimension_numbers = #tpu.dot_dimension_numbers<[1], [0], [0], [1], [0, 0, 1, 1], [], []>, transpose_lhs_hint = false} : vector<1x128xf32>, vector<128x80xf32>, vector<1x80xf32> -> vector<1x80xf32>
      %add3A_349 = arith.addf %add3A_344, %dot_general3A_348 : vector<1x80xf32>
      %slice3A_350 = vector.extract_strided_slice %select_n3A {offsets = [63, 0], sizes = [1, 128], strides = [1, 1]} : vector<64x128xf32> to vector<1x128xf32>
      %slice3A_351 = vector.extract_strided_slice %mul3A_35 {offsets = [8064, 0], sizes = [128, 80], strides = [1, 1]} : vector<8192x80xf32> to vector<128x80xf32>
      %dot_general3A_352 = arith.constant dense<0.000000e+00> : vector<1x80xf32>
      %dot_general3A_353 = tpu.matmul %slice3A_350, %slice3A_351, %dot_general3A_352 {dimension_numbers = #tpu.dot_dimension_numbers<[1], [0], [0], [1], [0, 0, 1, 1], [], []>, transpose_lhs_hint = false} : vector<1x128xf32>, vector<128x80xf32>, vector<1x80xf32> -> vector<1x80xf32>
      %add3A_354 = arith.addf %add3A_349, %dot_general3A_353 : vector<1x80xf32>
      %broadcast_in_dim3A_355 = vector.shape_cast %add3A_354 : vector<1x80xf32> to vector<1x1x80xf32>
      %swap3A = arith.constant 0 : index
      %swap3A_356 = arith.constant 0 : index
      %swap3A_357 = arith.constant 0 : index
      %swap3A_358 = vector.load %arg4[%swap3A, %swap3A_356, %swap3A_357] : memref<1x1x80xf32, #tpu.memory_space<vmem>>, vector<1x1x80xf32>
      tpu.vector_store %arg4[%swap3A, %swap3A_356, %swap3A_357], %broadcast_in_dim3A_355 {strides = array<i32>} : memref<1x1x80xf32, #tpu.memory_space<vmem>>, vector<1x1x80xf32>,
    } else {
    }
    %ne3A = arith.constant 0 : i32
    %ne3A_10 = arith.cmpi ne, %arg1, %ne3A : i32
    %ne3A_11 = arith.constant 5 : i32
    %ne3A_12 = arith.cmpi ne, %arg1, %ne3A_11 : i32
    %and3A = arith.andi %ne3A_10, %ne3A_12 : i1
    %convert_element_type3A_13 = arith.extui %and3A : i1 to i32
    %cond3A_14 = arith.constant 0 : i32
    %cond3A_15 = arith.cmpi ne, %convert_element_type3A_13, %cond3A_14 : i32
    scf.if %cond3A_15 {
      %get3A_21 = arith.constant 0 : index
      %get3A_22 = arith.constant 0 : index
      %get3A_23 = arith.constant 0 : index
      %get3A_24 = vector.load %arg4[%get3A_21, %get3A_22, %get3A_23] : memref<1x1x80xf32, #tpu.memory_space<vmem>>, vector<1x1x80xf32>
      %get3A_25 = arith.constant 0 : index
      %get3A_26 = arith.constant 0 : index
      %get3A_27 = arith.constant 0 : index
      %get3A_28 = vector.load %arg2[%get3A_25, %get3A_26, %get3A_27] : memref<1x8192x80xf32, #tpu.memory_space<vmem>>, vector<1x8192x80xf32>
      %get3A_29 = vector.shape_cast %get3A_28 : vector<1x8192x80xf32> to vector<8192x80xf32>
      %jit3A_30 = arith.constant 9.99999974E-5 : f32
      %jit3A_31 = arith.constant 0.999899983 : f32
      %max3A = vector.broadcast %jit3A_30 : f32 to vector<8192x80xf32>
      %max3A_32 = arith.maximumf %max3A, %get3A_29 : vector<8192x80xf32>
      %min3A = vector.broadcast %jit3A_31 : f32 to vector<8192x80xf32>
      %min3A_33 = arith.minimumf %min3A, %max3A_32 : vector<8192x80xf32>
      %mul3A = arith.mulf %min3A_33, %min3A_33 : vector<8192x80xf32>
      %sub3A = arith.constant 1.000000e+00 : f32
      %sub3A_34 = vector.broadcast %sub3A : f32 to vector<8192x80xf32>
      %sub3A_35 = arith.subf %sub3A_34, %min3A_33 : vector<8192x80xf32>
      %log3A = math.log %sub3A_35 : vector<8192x80xf32>
      %log3A_36 = arith.constant 2.000000e+00 : f32
      %log3A_37 = math.log %log3A_36 : f32
      %div3A = vector.broadcast %log3A_37 : f32 to vector<8192x80xf32>
      %div3A_38 = arith.divf %log3A, %div3A : vector<8192x80xf32>
      %mul3A_39 = arith.mulf %mul3A, %div3A_38 : vector<8192x80xf32>
      %broadcast_in_dim3A_40 = arith.constant 0.000000e+00 : f32
      %broadcast_in_dim3A_41 = vector.broadcast %broadcast_in_dim3A_40 : f32 to vector<1x80xf32>
      %slice3A = vector.extract_strided_slice %select_n3A {offsets = [0, 0], sizes = [1, 128], strides = [1, 1]} : vector<64x128xf32> to vector<1x128xf32>
      %slice3A_42 = vector.extract_strided_slice %mul3A_39 {offsets = [0, 0], sizes = [128, 80], strides = [1, 1]} : vector<8192x80xf32> to vector<128x80xf32>
      %dot_general3A = arith.constant dense<0.000000e+00> : vector<1x80xf32>
      %dot_general3A_43 = tpu.matmul %slice3A, %slice3A_42, %dot_general3A {dimension_numbers = #tpu.dot_dimension_numbers<[1], [0], [0], [1], [0, 0, 1, 1], [], []>, transpose_lhs_hint = false} : vector<1x128xf32>, vector<128x80xf32>, vector<1x80xf32> -> vector<1x80xf32>
      %add3A = arith.addf %broadcast_in_dim3A_41, %dot_general3A_43 : vector<1x80xf32>
      %slice3A_44 = vector.extract_strided_slice %select_n3A {offsets = [1, 0], sizes = [1, 128], strides = [1, 1]} : vector<64x128xf32> to vector<1x128xf32>
      %slice3A_45 = vector.extract_strided_slice %mul3A_39 {offsets = [128, 0], sizes = [128, 80], strides = [1, 1]} : vector<8192x80xf32> to vector<128x80xf32>
      %dot_general3A_46 = arith.constant dense<0.000000e+00> : vector<1x80xf32>
      %dot_general3A_47 = tpu.matmul %slice3A_44, %slice3A_45, %dot_general3A_46 {dimension_numbers = #tpu.dot_dimension_numbers<[1], [0], [0], [1], [0, 0, 1, 1], [], []>, transpose_lhs_hint = false} : vector<1x128xf32>, vector<128x80xf32>, vector<1x80xf32> -> vector<1x80xf32>
      %add3A_48 = arith.addf %add3A, %dot_general3A_47 : vector<1x80xf32>
      %slice3A_49 = vector.extract_strided_slice %select_n3A {offsets = [2, 0], sizes = [1, 128], strides = [1, 1]} : vector<64x128xf32> to vector<1x128xf32>
      %slice3A_50 = vector.extract_strided_slice %mul3A_39 {offsets = [256, 0], sizes = [128, 80], strides = [1, 1]} : vector<8192x80xf32> to vector<128x80xf32>
      %dot_general3A_51 = arith.constant dense<0.000000e+00> : vector<1x80xf32>
      %dot_general3A_52 = tpu.matmul %slice3A_49, %slice3A_50, %dot_general3A_51 {dimension_numbers = #tpu.dot_dimension_numbers<[1], [0], [0], [1], [0, 0, 1, 1], [], []>, transpose_lhs_hint = false} : vector<1x128xf32>, vector<128x80xf32>, vector<1x80xf32> -> vector<1x80xf32>
      %add3A_53 = arith.addf %add3A_48, %dot_general3A_52 : vector<1x80xf32>
      %slice3A_54 = vector.extract_strided_slice %select_n3A {offsets = [3, 0], sizes = [1, 128], strides = [1, 1]} : vector<64x128xf32> to vector<1x128xf32>
      %slice3A_55 = vector.extract_strided_slice %mul3A_39 {offsets = [384, 0], sizes = [128, 80], strides = [1, 1]} : vector<8192x80xf32> to vector<128x80xf32>
      %dot_general3A_56 = arith.constant dense<0.000000e+00> : vector<1x80xf32>
      %dot_general3A_57 = tpu.matmul %slice3A_54, %slice3A_55, %dot_general3A_56 {dimension_numbers = #tpu.dot_dimension_numbers<[1], [0], [0], [1], [0, 0, 1, 1], [], []>, transpose_lhs_hint = false} : vector<1x128xf32>, vector<128x80xf32>, vector<1x80xf32> -> vector<1x80xf32>
      %add3A_58 = arith.addf %add3A_53, %dot_general3A_57 : vector<1x80xf32>
      %slice3A_59 = vector.extract_strided_slice %select_n3A {offsets = [4, 0], sizes = [1, 128], strides = [1, 1]} : vector<64x128xf32> to vector<1x128xf32>
      %slice3A_60 = vector.extract_strided_slice %mul3A_39 {offsets = [512, 0], sizes = [128, 80], strides = [1, 1]} : vector<8192x80xf32> to vector<128x80xf32>
      %dot_general3A_61 = arith.constant dense<0.000000e+00> : vector<1x80xf32>
      %dot_general3A_62 = tpu.matmul %slice3A_59, %slice3A_60, %dot_general3A_61 {dimension_numbers = #tpu.dot_dimension_numbers<[1], [0], [0], [1], [0, 0, 1, 1], [], []>, transpose_lhs_hint = false} : vector<1x128xf32>, vector<128x80xf32>, vector<1x80xf32> -> vector<1x80xf32>
      %add3A_63 = arith.addf %add3A_58, %dot_general3A_62 : vector<1x80xf32>
      %slice3A_64 = vector.extract_strided_slice %select_n3A {offsets = [5, 0], sizes = [1, 128], strides = [1, 1]} : vector<64x128xf32> to vector<1x128xf32>
      %slice3A_65 = vector.extract_strided_slice %mul3A_39 {offsets = [640, 0], sizes = [128, 80], strides = [1, 1]} : vector<8192x80xf32> to vector<128x80xf32>
      %dot_general3A_66 = arith.constant dense<0.000000e+00> : vector<1x80xf32>
      %dot_general3A_67 = tpu.matmul %slice3A_64, %slice3A_65, %dot_general3A_66 {dimension_numbers = #tpu.dot_dimension_numbers<[1], [0], [0], [1], [0, 0, 1, 1], [], []>, transpose_lhs_hint = false} : vector<1x128xf32>, vector<128x80xf32>, vector<1x80xf32> -> vector<1x80xf32>
      %add3A_68 = arith.addf %add3A_63, %dot_general3A_67 : vector<1x80xf32>
      %slice3A_69 = vector.extract_strided_slice %select_n3A {offsets = [6, 0], sizes = [1, 128], strides = [1, 1]} : vector<64x128xf32> to vector<1x128xf32>
      %slice3A_70 = vector.extract_strided_slice %mul3A_39 {offsets = [768, 0], sizes = [128, 80], strides = [1, 1]} : vector<8192x80xf32> to vector<128x80xf32>
      %dot_general3A_71 = arith.constant dense<0.000000e+00> : vector<1x80xf32>
      %dot_general3A_72 = tpu.matmul %slice3A_69, %slice3A_70, %dot_general3A_71 {dimension_numbers = #tpu.dot_dimension_numbers<[1], [0], [0], [1], [0, 0, 1, 1], [], []>, transpose_lhs_hint = false} : vector<1x128xf32>, vector<128x80xf32>, vector<1x80xf32> -> vector<1x80xf32>
      %add3A_73 = arith.addf %add3A_68, %dot_general3A_72 : vector<1x80xf32>
      %slice3A_74 = vector.extract_strided_slice %select_n3A {offsets = [7, 0], sizes = [1, 128], strides = [1, 1]} : vector<64x128xf32> to vector<1x128xf32>
      %slice3A_75 = vector.extract_strided_slice %mul3A_39 {offsets = [896, 0], sizes = [128, 80], strides = [1, 1]} : vector<8192x80xf32> to vector<128x80xf32>
      %dot_general3A_76 = arith.constant dense<0.000000e+00> : vector<1x80xf32>
      %dot_general3A_77 = tpu.matmul %slice3A_74, %slice3A_75, %dot_general3A_76 {dimension_numbers = #tpu.dot_dimension_numbers<[1], [0], [0], [1], [0, 0, 1, 1], [], []>, transpose_lhs_hint = false} : vector<1x128xf32>, vector<128x80xf32>, vector<1x80xf32> -> vector<1x80xf32>
      %add3A_78 = arith.addf %add3A_73, %dot_general3A_77 : vector<1x80xf32>
      %slice3A_79 = vector.extract_strided_slice %select_n3A {offsets = [8, 0], sizes = [1, 128], strides = [1, 1]} : vector<64x128xf32> to vector<1x128xf32>
      %slice3A_80 = vector.extract_strided_slice %mul3A_39 {offsets = [1024, 0], sizes = [128, 80], strides = [1, 1]} : vector<8192x80xf32> to vector<128x80xf32>
      %dot_general3A_81 = arith.constant dense<0.000000e+00> : vector<1x80xf32>
      %dot_general3A_82 = tpu.matmul %slice3A_79, %slice3A_80, %dot_general3A_81 {dimension_numbers = #tpu.dot_dimension_numbers<[1], [0], [0], [1], [0, 0, 1, 1], [], []>, transpose_lhs_hint = false} : vector<1x128xf32>, vector<128x80xf32>, vector<1x80xf32> -> vector<1x80xf32>
      %add3A_83 = arith.addf %add3A_78, %dot_general3A_82 : vector<1x80xf32>
      %slice3A_84 = vector.extract_strided_slice %select_n3A {offsets = [9, 0], sizes = [1, 128], strides = [1, 1]} : vector<64x128xf32> to vector<1x128xf32>
      %slice3A_85 = vector.extract_strided_slice %mul3A_39 {offsets = [1152, 0], sizes = [128, 80], strides = [1, 1]} : vector<8192x80xf32> to vector<128x80xf32>
      %dot_general3A_86 = arith.constant dense<0.000000e+00> : vector<1x80xf32>
      %dot_general3A_87 = tpu.matmul %slice3A_84, %slice3A_85, %dot_general3A_86 {dimension_numbers = #tpu.dot_dimension_numbers<[1], [0], [0], [1], [0, 0, 1, 1], [], []>, transpose_lhs_hint = false} : vector<1x128xf32>, vector<128x80xf32>, vector<1x80xf32> -> vector<1x80xf32>
      %add3A_88 = arith.addf %add3A_83, %dot_general3A_87 : vector<1x80xf32>
      %slice3A_89 = vector.extract_strided_slice %select_n3A {offsets = [10, 0], sizes = [1, 128], strides = [1, 1]} : vector<64x128xf32> to vector<1x128xf32>
      %slice3A_90 = vector.extract_strided_slice %mul3A_39 {offsets = [1280, 0], sizes = [128, 80], strides = [1, 1]} : vector<8192x80xf32> to vector<128x80xf32>
      %dot_general3A_91 = arith.constant dense<0.000000e+00> : vector<1x80xf32>
      %dot_general3A_92 = tpu.matmul %slice3A_89, %slice3A_90, %dot_general3A_91 {dimension_numbers = #tpu.dot_dimension_numbers<[1], [0], [0], [1], [0, 0, 1, 1], [], []>, transpose_lhs_hint = false} : vector<1x128xf32>, vector<128x80xf32>, vector<1x80xf32> -> vector<1x80xf32>
      %add3A_93 = arith.addf %add3A_88, %dot_general3A_92 : vector<1x80xf32>
      %slice3A_94 = vector.extract_strided_slice %select_n3A {offsets = [11, 0], sizes = [1, 128], strides = [1, 1]} : vector<64x128xf32> to vector<1x128xf32>
      %slice3A_95 = vector.extract_strided_slice %mul3A_39 {offsets = [1408, 0], sizes = [128, 80], strides = [1, 1]} : vector<8192x80xf32> to vector<128x80xf32>
      %dot_general3A_96 = arith.constant dense<0.000000e+00> : vector<1x80xf32>
      %dot_general3A_97 = tpu.matmul %slice3A_94, %slice3A_95, %dot_general3A_96 {dimension_numbers = #tpu.dot_dimension_numbers<[1], [0], [0], [1], [0, 0, 1, 1], [], []>, transpose_lhs_hint = false} : vector<1x128xf32>, vector<128x80xf32>, vector<1x80xf32> -> vector<1x80xf32>
      %add3A_98 = arith.addf %add3A_93, %dot_general3A_97 : vector<1x80xf32>
      %slice3A_99 = vector.extract_strided_slice %select_n3A {offsets = [12, 0], sizes = [1, 128], strides = [1, 1]} : vector<64x128xf32> to vector<1x128xf32>
      %slice3A_100 = vector.extract_strided_slice %mul3A_39 {offsets = [1536, 0], sizes = [128, 80], strides = [1, 1]} : vector<8192x80xf32> to vector<128x80xf32>
      %dot_general3A_101 = arith.constant dense<0.000000e+00> : vector<1x80xf32>
      %dot_general3A_102 = tpu.matmul %slice3A_99, %slice3A_100, %dot_general3A_101 {dimension_numbers = #tpu.dot_dimension_numbers<[1], [0], [0], [1], [0, 0, 1, 1], [], []>, transpose_lhs_hint = false} : vector<1x128xf32>, vector<128x80xf32>, vector<1x80xf32> -> vector<1x80xf32>
      %add3A_103 = arith.addf %add3A_98, %dot_general3A_102 : vector<1x80xf32>
      %slice3A_104 = vector.extract_strided_slice %select_n3A {offsets = [13, 0], sizes = [1, 128], strides = [1, 1]} : vector<64x128xf32> to vector<1x128xf32>
      %slice3A_105 = vector.extract_strided_slice %mul3A_39 {offsets = [1664, 0], sizes = [128, 80], strides = [1, 1]} : vector<8192x80xf32> to vector<128x80xf32>
      %dot_general3A_106 = arith.constant dense<0.000000e+00> : vector<1x80xf32>
      %dot_general3A_107 = tpu.matmul %slice3A_104, %slice3A_105, %dot_general3A_106 {dimension_numbers = #tpu.dot_dimension_numbers<[1], [0], [0], [1], [0, 0, 1, 1], [], []>, transpose_lhs_hint = false} : vector<1x128xf32>, vector<128x80xf32>, vector<1x80xf32> -> vector<1x80xf32>
      %add3A_108 = arith.addf %add3A_103, %dot_general3A_107 : vector<1x80xf32>
      %slice3A_109 = vector.extract_strided_slice %select_n3A {offsets = [14, 0], sizes = [1, 128], strides = [1, 1]} : vector<64x128xf32> to vector<1x128xf32>
      %slice3A_110 = vector.extract_strided_slice %mul3A_39 {offsets = [1792, 0], sizes = [128, 80], strides = [1, 1]} : vector<8192x80xf32> to vector<128x80xf32>
      %dot_general3A_111 = arith.constant dense<0.000000e+00> : vector<1x80xf32>
      %dot_general3A_112 = tpu.matmul %slice3A_109, %slice3A_110, %dot_general3A_111 {dimension_numbers = #tpu.dot_dimension_numbers<[1], [0], [0], [1], [0, 0, 1, 1], [], []>, transpose_lhs_hint = false} : vector<1x128xf32>, vector<128x80xf32>, vector<1x80xf32> -> vector<1x80xf32>
      %add3A_113 = arith.addf %add3A_108, %dot_general3A_112 : vector<1x80xf32>
      %slice3A_114 = vector.extract_strided_slice %select_n3A {offsets = [15, 0], sizes = [1, 128], strides = [1, 1]} : vector<64x128xf32> to vector<1x128xf32>
      %slice3A_115 = vector.extract_strided_slice %mul3A_39 {offsets = [1920, 0], sizes = [128, 80], strides = [1, 1]} : vector<8192x80xf32> to vector<128x80xf32>
      %dot_general3A_116 = arith.constant dense<0.000000e+00> : vector<1x80xf32>
      %dot_general3A_117 = tpu.matmul %slice3A_114, %slice3A_115, %dot_general3A_116 {dimension_numbers = #tpu.dot_dimension_numbers<[1], [0], [0], [1], [0, 0, 1, 1], [], []>, transpose_lhs_hint = false} : vector<1x128xf32>, vector<128x80xf32>, vector<1x80xf32> -> vector<1x80xf32>
      %add3A_118 = arith.addf %add3A_113, %dot_general3A_117 : vector<1x80xf32>
      %slice3A_119 = vector.extract_strided_slice %select_n3A {offsets = [16, 0], sizes = [1, 128], strides = [1, 1]} : vector<64x128xf32> to vector<1x128xf32>
      %slice3A_120 = vector.extract_strided_slice %mul3A_39 {offsets = [2048, 0], sizes = [128, 80], strides = [1, 1]} : vector<8192x80xf32> to vector<128x80xf32>
      %dot_general3A_121 = arith.constant dense<0.000000e+00> : vector<1x80xf32>
      %dot_general3A_122 = tpu.matmul %slice3A_119, %slice3A_120, %dot_general3A_121 {dimension_numbers = #tpu.dot_dimension_numbers<[1], [0], [0], [1], [0, 0, 1, 1], [], []>, transpose_lhs_hint = false} : vector<1x128xf32>, vector<128x80xf32>, vector<1x80xf32> -> vector<1x80xf32>
      %add3A_123 = arith.addf %add3A_118, %dot_general3A_122 : vector<1x80xf32>
      %slice3A_124 = vector.extract_strided_slice %select_n3A {offsets = [17, 0], sizes = [1, 128], strides = [1, 1]} : vector<64x128xf32> to vector<1x128xf32>
      %slice3A_125 = vector.extract_strided_slice %mul3A_39 {offsets = [2176, 0], sizes = [128, 80], strides = [1, 1]} : vector<8192x80xf32> to vector<128x80xf32>
      %dot_general3A_126 = arith.constant dense<0.000000e+00> : vector<1x80xf32>
      %dot_general3A_127 = tpu.matmul %slice3A_124, %slice3A_125, %dot_general3A_126 {dimension_numbers = #tpu.dot_dimension_numbers<[1], [0], [0], [1], [0, 0, 1, 1], [], []>, transpose_lhs_hint = false} : vector<1x128xf32>, vector<128x80xf32>, vector<1x80xf32> -> vector<1x80xf32>
      %add3A_128 = arith.addf %add3A_123, %dot_general3A_127 : vector<1x80xf32>
      %slice3A_129 = vector.extract_strided_slice %select_n3A {offsets = [18, 0], sizes = [1, 128], strides = [1, 1]} : vector<64x128xf32> to vector<1x128xf32>
      %slice3A_130 = vector.extract_strided_slice %mul3A_39 {offsets = [2304, 0], sizes = [128, 80], strides = [1, 1]} : vector<8192x80xf32> to vector<128x80xf32>
      %dot_general3A_131 = arith.constant dense<0.000000e+00> : vector<1x80xf32>
      %dot_general3A_132 = tpu.matmul %slice3A_129, %slice3A_130, %dot_general3A_131 {dimension_numbers = #tpu.dot_dimension_numbers<[1], [0], [0], [1], [0, 0, 1, 1], [], []>, transpose_lhs_hint = false} : vector<1x128xf32>, vector<128x80xf32>, vector<1x80xf32> -> vector<1x80xf32>
      %add3A_133 = arith.addf %add3A_128, %dot_general3A_132 : vector<1x80xf32>
      %slice3A_134 = vector.extract_strided_slice %select_n3A {offsets = [19, 0], sizes = [1, 128], strides = [1, 1]} : vector<64x128xf32> to vector<1x128xf32>
      %slice3A_135 = vector.extract_strided_slice %mul3A_39 {offsets = [2432, 0], sizes = [128, 80], strides = [1, 1]} : vector<8192x80xf32> to vector<128x80xf32>
      %dot_general3A_136 = arith.constant dense<0.000000e+00> : vector<1x80xf32>
      %dot_general3A_137 = tpu.matmul %slice3A_134, %slice3A_135, %dot_general3A_136 {dimension_numbers = #tpu.dot_dimension_numbers<[1], [0], [0], [1], [0, 0, 1, 1], [], []>, transpose_lhs_hint = false} : vector<1x128xf32>, vector<128x80xf32>, vector<1x80xf32> -> vector<1x80xf32>
      %add3A_138 = arith.addf %add3A_133, %dot_general3A_137 : vector<1x80xf32>
      %slice3A_139 = vector.extract_strided_slice %select_n3A {offsets = [20, 0], sizes = [1, 128], strides = [1, 1]} : vector<64x128xf32> to vector<1x128xf32>
      %slice3A_140 = vector.extract_strided_slice %mul3A_39 {offsets = [2560, 0], sizes = [128, 80], strides = [1, 1]} : vector<8192x80xf32> to vector<128x80xf32>
      %dot_general3A_141 = arith.constant dense<0.000000e+00> : vector<1x80xf32>
      %dot_general3A_142 = tpu.matmul %slice3A_139, %slice3A_140, %dot_general3A_141 {dimension_numbers = #tpu.dot_dimension_numbers<[1], [0], [0], [1], [0, 0, 1, 1], [], []>, transpose_lhs_hint = false} : vector<1x128xf32>, vector<128x80xf32>, vector<1x80xf32> -> vector<1x80xf32>
      %add3A_143 = arith.addf %add3A_138, %dot_general3A_142 : vector<1x80xf32>
      %slice3A_144 = vector.extract_strided_slice %select_n3A {offsets = [21, 0], sizes = [1, 128], strides = [1, 1]} : vector<64x128xf32> to vector<1x128xf32>
      %slice3A_145 = vector.extract_strided_slice %mul3A_39 {offsets = [2688, 0], sizes = [128, 80], strides = [1, 1]} : vector<8192x80xf32> to vector<128x80xf32>
      %dot_general3A_146 = arith.constant dense<0.000000e+00> : vector<1x80xf32>
      %dot_general3A_147 = tpu.matmul %slice3A_144, %slice3A_145, %dot_general3A_146 {dimension_numbers = #tpu.dot_dimension_numbers<[1], [0], [0], [1], [0, 0, 1, 1], [], []>, transpose_lhs_hint = false} : vector<1x128xf32>, vector<128x80xf32>, vector<1x80xf32> -> vector<1x80xf32>
      %add3A_148 = arith.addf %add3A_143, %dot_general3A_147 : vector<1x80xf32>
      %slice3A_149 = vector.extract_strided_slice %select_n3A {offsets = [22, 0], sizes = [1, 128], strides = [1, 1]} : vector<64x128xf32> to vector<1x128xf32>
      %slice3A_150 = vector.extract_strided_slice %mul3A_39 {offsets = [2816, 0], sizes = [128, 80], strides = [1, 1]} : vector<8192x80xf32> to vector<128x80xf32>
      %dot_general3A_151 = arith.constant dense<0.000000e+00> : vector<1x80xf32>
      %dot_general3A_152 = tpu.matmul %slice3A_149, %slice3A_150, %dot_general3A_151 {dimension_numbers = #tpu.dot_dimension_numbers<[1], [0], [0], [1], [0, 0, 1, 1], [], []>, transpose_lhs_hint = false} : vector<1x128xf32>, vector<128x80xf32>, vector<1x80xf32> -> vector<1x80xf32>
      %add3A_153 = arith.addf %add3A_148, %dot_general3A_152 : vector<1x80xf32>
      %slice3A_154 = vector.extract_strided_slice %select_n3A {offsets = [23, 0], sizes = [1, 128], strides = [1, 1]} : vector<64x128xf32> to vector<1x128xf32>
      %slice3A_155 = vector.extract_strided_slice %mul3A_39 {offsets = [2944, 0], sizes = [128, 80], strides = [1, 1]} : vector<8192x80xf32> to vector<128x80xf32>
      %dot_general3A_156 = arith.constant dense<0.000000e+00> : vector<1x80xf32>
      %dot_general3A_157 = tpu.matmul %slice3A_154, %slice3A_155, %dot_general3A_156 {dimension_numbers = #tpu.dot_dimension_numbers<[1], [0], [0], [1], [0, 0, 1, 1], [], []>, transpose_lhs_hint = false} : vector<1x128xf32>, vector<128x80xf32>, vector<1x80xf32> -> vector<1x80xf32>
      %add3A_158 = arith.addf %add3A_153, %dot_general3A_157 : vector<1x80xf32>
      %slice3A_159 = vector.extract_strided_slice %select_n3A {offsets = [24, 0], sizes = [1, 128], strides = [1, 1]} : vector<64x128xf32> to vector<1x128xf32>
      %slice3A_160 = vector.extract_strided_slice %mul3A_39 {offsets = [3072, 0], sizes = [128, 80], strides = [1, 1]} : vector<8192x80xf32> to vector<128x80xf32>
      %dot_general3A_161 = arith.constant dense<0.000000e+00> : vector<1x80xf32>
      %dot_general3A_162 = tpu.matmul %slice3A_159, %slice3A_160, %dot_general3A_161 {dimension_numbers = #tpu.dot_dimension_numbers<[1], [0], [0], [1], [0, 0, 1, 1], [], []>, transpose_lhs_hint = false} : vector<1x128xf32>, vector<128x80xf32>, vector<1x80xf32> -> vector<1x80xf32>
      %add3A_163 = arith.addf %add3A_158, %dot_general3A_162 : vector<1x80xf32>
      %slice3A_164 = vector.extract_strided_slice %select_n3A {offsets = [25, 0], sizes = [1, 128], strides = [1, 1]} : vector<64x128xf32> to vector<1x128xf32>
      %slice3A_165 = vector.extract_strided_slice %mul3A_39 {offsets = [3200, 0], sizes = [128, 80], strides = [1, 1]} : vector<8192x80xf32> to vector<128x80xf32>
      %dot_general3A_166 = arith.constant dense<0.000000e+00> : vector<1x80xf32>
      %dot_general3A_167 = tpu.matmul %slice3A_164, %slice3A_165, %dot_general3A_166 {dimension_numbers = #tpu.dot_dimension_numbers<[1], [0], [0], [1], [0, 0, 1, 1], [], []>, transpose_lhs_hint = false} : vector<1x128xf32>, vector<128x80xf32>, vector<1x80xf32> -> vector<1x80xf32>
      %add3A_168 = arith.addf %add3A_163, %dot_general3A_167 : vector<1x80xf32>
      %slice3A_169 = vector.extract_strided_slice %select_n3A {offsets = [26, 0], sizes = [1, 128], strides = [1, 1]} : vector<64x128xf32> to vector<1x128xf32>
      %slice3A_170 = vector.extract_strided_slice %mul3A_39 {offsets = [3328, 0], sizes = [128, 80], strides = [1, 1]} : vector<8192x80xf32> to vector<128x80xf32>
      %dot_general3A_171 = arith.constant dense<0.000000e+00> : vector<1x80xf32>
      %dot_general3A_172 = tpu.matmul %slice3A_169, %slice3A_170, %dot_general3A_171 {dimension_numbers = #tpu.dot_dimension_numbers<[1], [0], [0], [1], [0, 0, 1, 1], [], []>, transpose_lhs_hint = false} : vector<1x128xf32>, vector<128x80xf32>, vector<1x80xf32> -> vector<1x80xf32>
      %add3A_173 = arith.addf %add3A_168, %dot_general3A_172 : vector<1x80xf32>
      %slice3A_174 = vector.extract_strided_slice %select_n3A {offsets = [27, 0], sizes = [1, 128], strides = [1, 1]} : vector<64x128xf32> to vector<1x128xf32>
      %slice3A_175 = vector.extract_strided_slice %mul3A_39 {offsets = [3456, 0], sizes = [128, 80], strides = [1, 1]} : vector<8192x80xf32> to vector<128x80xf32>
      %dot_general3A_176 = arith.constant dense<0.000000e+00> : vector<1x80xf32>
      %dot_general3A_177 = tpu.matmul %slice3A_174, %slice3A_175, %dot_general3A_176 {dimension_numbers = #tpu.dot_dimension_numbers<[1], [0], [0], [1], [0, 0, 1, 1], [], []>, transpose_lhs_hint = false} : vector<1x128xf32>, vector<128x80xf32>, vector<1x80xf32> -> vector<1x80xf32>
      %add3A_178 = arith.addf %add3A_173, %dot_general3A_177 : vector<1x80xf32>
      %slice3A_179 = vector.extract_strided_slice %select_n3A {offsets = [28, 0], sizes = [1, 128], strides = [1, 1]} : vector<64x128xf32> to vector<1x128xf32>
      %slice3A_180 = vector.extract_strided_slice %mul3A_39 {offsets = [3584, 0], sizes = [128, 80], strides = [1, 1]} : vector<8192x80xf32> to vector<128x80xf32>
      %dot_general3A_181 = arith.constant dense<0.000000e+00> : vector<1x80xf32>
      %dot_general3A_182 = tpu.matmul %slice3A_179, %slice3A_180, %dot_general3A_181 {dimension_numbers = #tpu.dot_dimension_numbers<[1], [0], [0], [1], [0, 0, 1, 1], [], []>, transpose_lhs_hint = false} : vector<1x128xf32>, vector<128x80xf32>, vector<1x80xf32> -> vector<1x80xf32>
      %add3A_183 = arith.addf %add3A_178, %dot_general3A_182 : vector<1x80xf32>
      %slice3A_184 = vector.extract_strided_slice %select_n3A {offsets = [29, 0], sizes = [1, 128], strides = [1, 1]} : vector<64x128xf32> to vector<1x128xf32>
      %slice3A_185 = vector.extract_strided_slice %mul3A_39 {offsets = [3712, 0], sizes = [128, 80], strides = [1, 1]} : vector<8192x80xf32> to vector<128x80xf32>
      %dot_general3A_186 = arith.constant dense<0.000000e+00> : vector<1x80xf32>
      %dot_general3A_187 = tpu.matmul %slice3A_184, %slice3A_185, %dot_general3A_186 {dimension_numbers = #tpu.dot_dimension_numbers<[1], [0], [0], [1], [0, 0, 1, 1], [], []>, transpose_lhs_hint = false} : vector<1x128xf32>, vector<128x80xf32>, vector<1x80xf32> -> vector<1x80xf32>
      %add3A_188 = arith.addf %add3A_183, %dot_general3A_187 : vector<1x80xf32>
      %slice3A_189 = vector.extract_strided_slice %select_n3A {offsets = [30, 0], sizes = [1, 128], strides = [1, 1]} : vector<64x128xf32> to vector<1x128xf32>
      %slice3A_190 = vector.extract_strided_slice %mul3A_39 {offsets = [3840, 0], sizes = [128, 80], strides = [1, 1]} : vector<8192x80xf32> to vector<128x80xf32>
      %dot_general3A_191 = arith.constant dense<0.000000e+00> : vector<1x80xf32>
      %dot_general3A_192 = tpu.matmul %slice3A_189, %slice3A_190, %dot_general3A_191 {dimension_numbers = #tpu.dot_dimension_numbers<[1], [0], [0], [1], [0, 0, 1, 1], [], []>, transpose_lhs_hint = false} : vector<1x128xf32>, vector<128x80xf32>, vector<1x80xf32> -> vector<1x80xf32>
      %add3A_193 = arith.addf %add3A_188, %dot_general3A_192 : vector<1x80xf32>
      %slice3A_194 = vector.extract_strided_slice %select_n3A {offsets = [31, 0], sizes = [1, 128], strides = [1, 1]} : vector<64x128xf32> to vector<1x128xf32>
      %slice3A_195 = vector.extract_strided_slice %mul3A_39 {offsets = [3968, 0], sizes = [128, 80], strides = [1, 1]} : vector<8192x80xf32> to vector<128x80xf32>
      %dot_general3A_196 = arith.constant dense<0.000000e+00> : vector<1x80xf32>
      %dot_general3A_197 = tpu.matmul %slice3A_194, %slice3A_195, %dot_general3A_196 {dimension_numbers = #tpu.dot_dimension_numbers<[1], [0], [0], [1], [0, 0, 1, 1], [], []>, transpose_lhs_hint = false} : vector<1x128xf32>, vector<128x80xf32>, vector<1x80xf32> -> vector<1x80xf32>
      %add3A_198 = arith.addf %add3A_193, %dot_general3A_197 : vector<1x80xf32>
      %slice3A_199 = vector.extract_strided_slice %select_n3A {offsets = [32, 0], sizes = [1, 128], strides = [1, 1]} : vector<64x128xf32> to vector<1x128xf32>
      %slice3A_200 = vector.extract_strided_slice %mul3A_39 {offsets = [4096, 0], sizes = [128, 80], strides = [1, 1]} : vector<8192x80xf32> to vector<128x80xf32>
      %dot_general3A_201 = arith.constant dense<0.000000e+00> : vector<1x80xf32>
      %dot_general3A_202 = tpu.matmul %slice3A_199, %slice3A_200, %dot_general3A_201 {dimension_numbers = #tpu.dot_dimension_numbers<[1], [0], [0], [1], [0, 0, 1, 1], [], []>, transpose_lhs_hint = false} : vector<1x128xf32>, vector<128x80xf32>, vector<1x80xf32> -> vector<1x80xf32>
      %add3A_203 = arith.addf %add3A_198, %dot_general3A_202 : vector<1x80xf32>
      %slice3A_204 = vector.extract_strided_slice %select_n3A {offsets = [33, 0], sizes = [1, 128], strides = [1, 1]} : vector<64x128xf32> to vector<1x128xf32>
      %slice3A_205 = vector.extract_strided_slice %mul3A_39 {offsets = [4224, 0], sizes = [128, 80], strides = [1, 1]} : vector<8192x80xf32> to vector<128x80xf32>
      %dot_general3A_206 = arith.constant dense<0.000000e+00> : vector<1x80xf32>
      %dot_general3A_207 = tpu.matmul %slice3A_204, %slice3A_205, %dot_general3A_206 {dimension_numbers = #tpu.dot_dimension_numbers<[1], [0], [0], [1], [0, 0, 1, 1], [], []>, transpose_lhs_hint = false} : vector<1x128xf32>, vector<128x80xf32>, vector<1x80xf32> -> vector<1x80xf32>
      %add3A_208 = arith.addf %add3A_203, %dot_general3A_207 : vector<1x80xf32>
      %slice3A_209 = vector.extract_strided_slice %select_n3A {offsets = [34, 0], sizes = [1, 128], strides = [1, 1]} : vector<64x128xf32> to vector<1x128xf32>
      %slice3A_210 = vector.extract_strided_slice %mul3A_39 {offsets = [4352, 0], sizes = [128, 80], strides = [1, 1]} : vector<8192x80xf32> to vector<128x80xf32>
      %dot_general3A_211 = arith.constant dense<0.000000e+00> : vector<1x80xf32>
      %dot_general3A_212 = tpu.matmul %slice3A_209, %slice3A_210, %dot_general3A_211 {dimension_numbers = #tpu.dot_dimension_numbers<[1], [0], [0], [1], [0, 0, 1, 1], [], []>, transpose_lhs_hint = false} : vector<1x128xf32>, vector<128x80xf32>, vector<1x80xf32> -> vector<1x80xf32>
      %add3A_213 = arith.addf %add3A_208, %dot_general3A_212 : vector<1x80xf32>
      %slice3A_214 = vector.extract_strided_slice %select_n3A {offsets = [35, 0], sizes = [1, 128], strides = [1, 1]} : vector<64x128xf32> to vector<1x128xf32>
      %slice3A_215 = vector.extract_strided_slice %mul3A_39 {offsets = [4480, 0], sizes = [128, 80], strides = [1, 1]} : vector<8192x80xf32> to vector<128x80xf32>
      %dot_general3A_216 = arith.constant dense<0.000000e+00> : vector<1x80xf32>
      %dot_general3A_217 = tpu.matmul %slice3A_214, %slice3A_215, %dot_general3A_216 {dimension_numbers = #tpu.dot_dimension_numbers<[1], [0], [0], [1], [0, 0, 1, 1], [], []>, transpose_lhs_hint = false} : vector<1x128xf32>, vector<128x80xf32>, vector<1x80xf32> -> vector<1x80xf32>
      %add3A_218 = arith.addf %add3A_213, %dot_general3A_217 : vector<1x80xf32>
      %slice3A_219 = vector.extract_strided_slice %select_n3A {offsets = [36, 0], sizes = [1, 128], strides = [1, 1]} : vector<64x128xf32> to vector<1x128xf32>
      %slice3A_220 = vector.extract_strided_slice %mul3A_39 {offsets = [4608, 0], sizes = [128, 80], strides = [1, 1]} : vector<8192x80xf32> to vector<128x80xf32>
      %dot_general3A_221 = arith.constant dense<0.000000e+00> : vector<1x80xf32>
      %dot_general3A_222 = tpu.matmul %slice3A_219, %slice3A_220, %dot_general3A_221 {dimension_numbers = #tpu.dot_dimension_numbers<[1], [0], [0], [1], [0, 0, 1, 1], [], []>, transpose_lhs_hint = false} : vector<1x128xf32>, vector<128x80xf32>, vector<1x80xf32> -> vector<1x80xf32>
      %add3A_223 = arith.addf %add3A_218, %dot_general3A_222 : vector<1x80xf32>
      %slice3A_224 = vector.extract_strided_slice %select_n3A {offsets = [37, 0], sizes = [1, 128], strides = [1, 1]} : vector<64x128xf32> to vector<1x128xf32>
      %slice3A_225 = vector.extract_strided_slice %mul3A_39 {offsets = [4736, 0], sizes = [128, 80], strides = [1, 1]} : vector<8192x80xf32> to vector<128x80xf32>
      %dot_general3A_226 = arith.constant dense<0.000000e+00> : vector<1x80xf32>
      %dot_general3A_227 = tpu.matmul %slice3A_224, %slice3A_225, %dot_general3A_226 {dimension_numbers = #tpu.dot_dimension_numbers<[1], [0], [0], [1], [0, 0, 1, 1], [], []>, transpose_lhs_hint = false} : vector<1x128xf32>, vector<128x80xf32>, vector<1x80xf32> -> vector<1x80xf32>
      %add3A_228 = arith.addf %add3A_223, %dot_general3A_227 : vector<1x80xf32>
      %slice3A_229 = vector.extract_strided_slice %select_n3A {offsets = [38, 0], sizes = [1, 128], strides = [1, 1]} : vector<64x128xf32> to vector<1x128xf32>
      %slice3A_230 = vector.extract_strided_slice %mul3A_39 {offsets = [4864, 0], sizes = [128, 80], strides = [1, 1]} : vector<8192x80xf32> to vector<128x80xf32>
      %dot_general3A_231 = arith.constant dense<0.000000e+00> : vector<1x80xf32>
      %dot_general3A_232 = tpu.matmul %slice3A_229, %slice3A_230, %dot_general3A_231 {dimension_numbers = #tpu.dot_dimension_numbers<[1], [0], [0], [1], [0, 0, 1, 1], [], []>, transpose_lhs_hint = false} : vector<1x128xf32>, vector<128x80xf32>, vector<1x80xf32> -> vector<1x80xf32>
      %add3A_233 = arith.addf %add3A_228, %dot_general3A_232 : vector<1x80xf32>
      %slice3A_234 = vector.extract_strided_slice %select_n3A {offsets = [39, 0], sizes = [1, 128], strides = [1, 1]} : vector<64x128xf32> to vector<1x128xf32>
      %slice3A_235 = vector.extract_strided_slice %mul3A_39 {offsets = [4992, 0], sizes = [128, 80], strides = [1, 1]} : vector<8192x80xf32> to vector<128x80xf32>
      %dot_general3A_236 = arith.constant dense<0.000000e+00> : vector<1x80xf32>
      %dot_general3A_237 = tpu.matmul %slice3A_234, %slice3A_235, %dot_general3A_236 {dimension_numbers = #tpu.dot_dimension_numbers<[1], [0], [0], [1], [0, 0, 1, 1], [], []>, transpose_lhs_hint = false} : vector<1x128xf32>, vector<128x80xf32>, vector<1x80xf32> -> vector<1x80xf32>
      %add3A_238 = arith.addf %add3A_233, %dot_general3A_237 : vector<1x80xf32>
      %slice3A_239 = vector.extract_strided_slice %select_n3A {offsets = [40, 0], sizes = [1, 128], strides = [1, 1]} : vector<64x128xf32> to vector<1x128xf32>
      %slice3A_240 = vector.extract_strided_slice %mul3A_39 {offsets = [5120, 0], sizes = [128, 80], strides = [1, 1]} : vector<8192x80xf32> to vector<128x80xf32>
      %dot_general3A_241 = arith.constant dense<0.000000e+00> : vector<1x80xf32>
      %dot_general3A_242 = tpu.matmul %slice3A_239, %slice3A_240, %dot_general3A_241 {dimension_numbers = #tpu.dot_dimension_numbers<[1], [0], [0], [1], [0, 0, 1, 1], [], []>, transpose_lhs_hint = false} : vector<1x128xf32>, vector<128x80xf32>, vector<1x80xf32> -> vector<1x80xf32>
      %add3A_243 = arith.addf %add3A_238, %dot_general3A_242 : vector<1x80xf32>
      %slice3A_244 = vector.extract_strided_slice %select_n3A {offsets = [41, 0], sizes = [1, 128], strides = [1, 1]} : vector<64x128xf32> to vector<1x128xf32>
      %slice3A_245 = vector.extract_strided_slice %mul3A_39 {offsets = [5248, 0], sizes = [128, 80], strides = [1, 1]} : vector<8192x80xf32> to vector<128x80xf32>
      %dot_general3A_246 = arith.constant dense<0.000000e+00> : vector<1x80xf32>
      %dot_general3A_247 = tpu.matmul %slice3A_244, %slice3A_245, %dot_general3A_246 {dimension_numbers = #tpu.dot_dimension_numbers<[1], [0], [0], [1], [0, 0, 1, 1], [], []>, transpose_lhs_hint = false} : vector<1x128xf32>, vector<128x80xf32>, vector<1x80xf32> -> vector<1x80xf32>
      %add3A_248 = arith.addf %add3A_243, %dot_general3A_247 : vector<1x80xf32>
      %slice3A_249 = vector.extract_strided_slice %select_n3A {offsets = [42, 0], sizes = [1, 128], strides = [1, 1]} : vector<64x128xf32> to vector<1x128xf32>
      %slice3A_250 = vector.extract_strided_slice %mul3A_39 {offsets = [5376, 0], sizes = [128, 80], strides = [1, 1]} : vector<8192x80xf32> to vector<128x80xf32>
      %dot_general3A_251 = arith.constant dense<0.000000e+00> : vector<1x80xf32>
      %dot_general3A_252 = tpu.matmul %slice3A_249, %slice3A_250, %dot_general3A_251 {dimension_numbers = #tpu.dot_dimension_numbers<[1], [0], [0], [1], [0, 0, 1, 1], [], []>, transpose_lhs_hint = false} : vector<1x128xf32>, vector<128x80xf32>, vector<1x80xf32> -> vector<1x80xf32>
      %add3A_253 = arith.addf %add3A_248, %dot_general3A_252 : vector<1x80xf32>
      %slice3A_254 = vector.extract_strided_slice %select_n3A {offsets = [43, 0], sizes = [1, 128], strides = [1, 1]} : vector<64x128xf32> to vector<1x128xf32>
      %slice3A_255 = vector.extract_strided_slice %mul3A_39 {offsets = [5504, 0], sizes = [128, 80], strides = [1, 1]} : vector<8192x80xf32> to vector<128x80xf32>
      %dot_general3A_256 = arith.constant dense<0.000000e+00> : vector<1x80xf32>
      %dot_general3A_257 = tpu.matmul %slice3A_254, %slice3A_255, %dot_general3A_256 {dimension_numbers = #tpu.dot_dimension_numbers<[1], [0], [0], [1], [0, 0, 1, 1], [], []>, transpose_lhs_hint = false} : vector<1x128xf32>, vector<128x80xf32>, vector<1x80xf32> -> vector<1x80xf32>
      %add3A_258 = arith.addf %add3A_253, %dot_general3A_257 : vector<1x80xf32>
      %slice3A_259 = vector.extract_strided_slice %select_n3A {offsets = [44, 0], sizes = [1, 128], strides = [1, 1]} : vector<64x128xf32> to vector<1x128xf32>
      %slice3A_260 = vector.extract_strided_slice %mul3A_39 {offsets = [5632, 0], sizes = [128, 80], strides = [1, 1]} : vector<8192x80xf32> to vector<128x80xf32>
      %dot_general3A_261 = arith.constant dense<0.000000e+00> : vector<1x80xf32>
      %dot_general3A_262 = tpu.matmul %slice3A_259, %slice3A_260, %dot_general3A_261 {dimension_numbers = #tpu.dot_dimension_numbers<[1], [0], [0], [1], [0, 0, 1, 1], [], []>, transpose_lhs_hint = false} : vector<1x128xf32>, vector<128x80xf32>, vector<1x80xf32> -> vector<1x80xf32>
      %add3A_263 = arith.addf %add3A_258, %dot_general3A_262 : vector<1x80xf32>
      %slice3A_264 = vector.extract_strided_slice %select_n3A {offsets = [45, 0], sizes = [1, 128], strides = [1, 1]} : vector<64x128xf32> to vector<1x128xf32>
      %slice3A_265 = vector.extract_strided_slice %mul3A_39 {offsets = [5760, 0], sizes = [128, 80], strides = [1, 1]} : vector<8192x80xf32> to vector<128x80xf32>
      %dot_general3A_266 = arith.constant dense<0.000000e+00> : vector<1x80xf32>
      %dot_general3A_267 = tpu.matmul %slice3A_264, %slice3A_265, %dot_general3A_266 {dimension_numbers = #tpu.dot_dimension_numbers<[1], [0], [0], [1], [0, 0, 1, 1], [], []>, transpose_lhs_hint = false} : vector<1x128xf32>, vector<128x80xf32>, vector<1x80xf32> -> vector<1x80xf32>
      %add3A_268 = arith.addf %add3A_263, %dot_general3A_267 : vector<1x80xf32>
      %slice3A_269 = vector.extract_strided_slice %select_n3A {offsets = [46, 0], sizes = [1, 128], strides = [1, 1]} : vector<64x128xf32> to vector<1x128xf32>
      %slice3A_270 = vector.extract_strided_slice %mul3A_39 {offsets = [5888, 0], sizes = [128, 80], strides = [1, 1]} : vector<8192x80xf32> to vector<128x80xf32>
      %dot_general3A_271 = arith.constant dense<0.000000e+00> : vector<1x80xf32>
      %dot_general3A_272 = tpu.matmul %slice3A_269, %slice3A_270, %dot_general3A_271 {dimension_numbers = #tpu.dot_dimension_numbers<[1], [0], [0], [1], [0, 0, 1, 1], [], []>, transpose_lhs_hint = false} : vector<1x128xf32>, vector<128x80xf32>, vector<1x80xf32> -> vector<1x80xf32>
      %add3A_273 = arith.addf %add3A_268, %dot_general3A_272 : vector<1x80xf32>
      %slice3A_274 = vector.extract_strided_slice %select_n3A {offsets = [47, 0], sizes = [1, 128], strides = [1, 1]} : vector<64x128xf32> to vector<1x128xf32>
      %slice3A_275 = vector.extract_strided_slice %mul3A_39 {offsets = [6016, 0], sizes = [128, 80], strides = [1, 1]} : vector<8192x80xf32> to vector<128x80xf32>
      %dot_general3A_276 = arith.constant dense<0.000000e+00> : vector<1x80xf32>
      %dot_general3A_277 = tpu.matmul %slice3A_274, %slice3A_275, %dot_general3A_276 {dimension_numbers = #tpu.dot_dimension_numbers<[1], [0], [0], [1], [0, 0, 1, 1], [], []>, transpose_lhs_hint = false} : vector<1x128xf32>, vector<128x80xf32>, vector<1x80xf32> -> vector<1x80xf32>
      %add3A_278 = arith.addf %add3A_273, %dot_general3A_277 : vector<1x80xf32>
      %slice3A_279 = vector.extract_strided_slice %select_n3A {offsets = [48, 0], sizes = [1, 128], strides = [1, 1]} : vector<64x128xf32> to vector<1x128xf32>
      %slice3A_280 = vector.extract_strided_slice %mul3A_39 {offsets = [6144, 0], sizes = [128, 80], strides = [1, 1]} : vector<8192x80xf32> to vector<128x80xf32>
      %dot_general3A_281 = arith.constant dense<0.000000e+00> : vector<1x80xf32>
      %dot_general3A_282 = tpu.matmul %slice3A_279, %slice3A_280, %dot_general3A_281 {dimension_numbers = #tpu.dot_dimension_numbers<[1], [0], [0], [1], [0, 0, 1, 1], [], []>, transpose_lhs_hint = false} : vector<1x128xf32>, vector<128x80xf32>, vector<1x80xf32> -> vector<1x80xf32>
      %add3A_283 = arith.addf %add3A_278, %dot_general3A_282 : vector<1x80xf32>
      %slice3A_284 = vector.extract_strided_slice %select_n3A {offsets = [49, 0], sizes = [1, 128], strides = [1, 1]} : vector<64x128xf32> to vector<1x128xf32>
      %slice3A_285 = vector.extract_strided_slice %mul3A_39 {offsets = [6272, 0], sizes = [128, 80], strides = [1, 1]} : vector<8192x80xf32> to vector<128x80xf32>
      %dot_general3A_286 = arith.constant dense<0.000000e+00> : vector<1x80xf32>
      %dot_general3A_287 = tpu.matmul %slice3A_284, %slice3A_285, %dot_general3A_286 {dimension_numbers = #tpu.dot_dimension_numbers<[1], [0], [0], [1], [0, 0, 1, 1], [], []>, transpose_lhs_hint = false} : vector<1x128xf32>, vector<128x80xf32>, vector<1x80xf32> -> vector<1x80xf32>
      %add3A_288 = arith.addf %add3A_283, %dot_general3A_287 : vector<1x80xf32>
      %slice3A_289 = vector.extract_strided_slice %select_n3A {offsets = [50, 0], sizes = [1, 128], strides = [1, 1]} : vector<64x128xf32> to vector<1x128xf32>
      %slice3A_290 = vector.extract_strided_slice %mul3A_39 {offsets = [6400, 0], sizes = [128, 80], strides = [1, 1]} : vector<8192x80xf32> to vector<128x80xf32>
      %dot_general3A_291 = arith.constant dense<0.000000e+00> : vector<1x80xf32>
      %dot_general3A_292 = tpu.matmul %slice3A_289, %slice3A_290, %dot_general3A_291 {dimension_numbers = #tpu.dot_dimension_numbers<[1], [0], [0], [1], [0, 0, 1, 1], [], []>, transpose_lhs_hint = false} : vector<1x128xf32>, vector<128x80xf32>, vector<1x80xf32> -> vector<1x80xf32>
      %add3A_293 = arith.addf %add3A_288, %dot_general3A_292 : vector<1x80xf32>
      %slice3A_294 = vector.extract_strided_slice %select_n3A {offsets = [51, 0], sizes = [1, 128], strides = [1, 1]} : vector<64x128xf32> to vector<1x128xf32>
      %slice3A_295 = vector.extract_strided_slice %mul3A_39 {offsets = [6528, 0], sizes = [128, 80], strides = [1, 1]} : vector<8192x80xf32> to vector<128x80xf32>
      %dot_general3A_296 = arith.constant dense<0.000000e+00> : vector<1x80xf32>
      %dot_general3A_297 = tpu.matmul %slice3A_294, %slice3A_295, %dot_general3A_296 {dimension_numbers = #tpu.dot_dimension_numbers<[1], [0], [0], [1], [0, 0, 1, 1], [], []>, transpose_lhs_hint = false} : vector<1x128xf32>, vector<128x80xf32>, vector<1x80xf32> -> vector<1x80xf32>
      %add3A_298 = arith.addf %add3A_293, %dot_general3A_297 : vector<1x80xf32>
      %slice3A_299 = vector.extract_strided_slice %select_n3A {offsets = [52, 0], sizes = [1, 128], strides = [1, 1]} : vector<64x128xf32> to vector<1x128xf32>
      %slice3A_300 = vector.extract_strided_slice %mul3A_39 {offsets = [6656, 0], sizes = [128, 80], strides = [1, 1]} : vector<8192x80xf32> to vector<128x80xf32>
      %dot_general3A_301 = arith.constant dense<0.000000e+00> : vector<1x80xf32>
      %dot_general3A_302 = tpu.matmul %slice3A_299, %slice3A_300, %dot_general3A_301 {dimension_numbers = #tpu.dot_dimension_numbers<[1], [0], [0], [1], [0, 0, 1, 1], [], []>, transpose_lhs_hint = false} : vector<1x128xf32>, vector<128x80xf32>, vector<1x80xf32> -> vector<1x80xf32>
      %add3A_303 = arith.addf %add3A_298, %dot_general3A_302 : vector<1x80xf32>
      %slice3A_304 = vector.extract_strided_slice %select_n3A {offsets = [53, 0], sizes = [1, 128], strides = [1, 1]} : vector<64x128xf32> to vector<1x128xf32>
      %slice3A_305 = vector.extract_strided_slice %mul3A_39 {offsets = [6784, 0], sizes = [128, 80], strides = [1, 1]} : vector<8192x80xf32> to vector<128x80xf32>
      %dot_general3A_306 = arith.constant dense<0.000000e+00> : vector<1x80xf32>
      %dot_general3A_307 = tpu.matmul %slice3A_304, %slice3A_305, %dot_general3A_306 {dimension_numbers = #tpu.dot_dimension_numbers<[1], [0], [0], [1], [0, 0, 1, 1], [], []>, transpose_lhs_hint = false} : vector<1x128xf32>, vector<128x80xf32>, vector<1x80xf32> -> vector<1x80xf32>
      %add3A_308 = arith.addf %add3A_303, %dot_general3A_307 : vector<1x80xf32>
      %slice3A_309 = vector.extract_strided_slice %select_n3A {offsets = [54, 0], sizes = [1, 128], strides = [1, 1]} : vector<64x128xf32> to vector<1x128xf32>
      %slice3A_310 = vector.extract_strided_slice %mul3A_39 {offsets = [6912, 0], sizes = [128, 80], strides = [1, 1]} : vector<8192x80xf32> to vector<128x80xf32>
      %dot_general3A_311 = arith.constant dense<0.000000e+00> : vector<1x80xf32>
      %dot_general3A_312 = tpu.matmul %slice3A_309, %slice3A_310, %dot_general3A_311 {dimension_numbers = #tpu.dot_dimension_numbers<[1], [0], [0], [1], [0, 0, 1, 1], [], []>, transpose_lhs_hint = false} : vector<1x128xf32>, vector<128x80xf32>, vector<1x80xf32> -> vector<1x80xf32>
      %add3A_313 = arith.addf %add3A_308, %dot_general3A_312 : vector<1x80xf32>
      %slice3A_314 = vector.extract_strided_slice %select_n3A {offsets = [55, 0], sizes = [1, 128], strides = [1, 1]} : vector<64x128xf32> to vector<1x128xf32>
      %slice3A_315 = vector.extract_strided_slice %mul3A_39 {offsets = [7040, 0], sizes = [128, 80], strides = [1, 1]} : vector<8192x80xf32> to vector<128x80xf32>
      %dot_general3A_316 = arith.constant dense<0.000000e+00> : vector<1x80xf32>
      %dot_general3A_317 = tpu.matmul %slice3A_314, %slice3A_315, %dot_general3A_316 {dimension_numbers = #tpu.dot_dimension_numbers<[1], [0], [0], [1], [0, 0, 1, 1], [], []>, transpose_lhs_hint = false} : vector<1x128xf32>, vector<128x80xf32>, vector<1x80xf32> -> vector<1x80xf32>
      %add3A_318 = arith.addf %add3A_313, %dot_general3A_317 : vector<1x80xf32>
      %slice3A_319 = vector.extract_strided_slice %select_n3A {offsets = [56, 0], sizes = [1, 128], strides = [1, 1]} : vector<64x128xf32> to vector<1x128xf32>
      %slice3A_320 = vector.extract_strided_slice %mul3A_39 {offsets = [7168, 0], sizes = [128, 80], strides = [1, 1]} : vector<8192x80xf32> to vector<128x80xf32>
      %dot_general3A_321 = arith.constant dense<0.000000e+00> : vector<1x80xf32>
      %dot_general3A_322 = tpu.matmul %slice3A_319, %slice3A_320, %dot_general3A_321 {dimension_numbers = #tpu.dot_dimension_numbers<[1], [0], [0], [1], [0, 0, 1, 1], [], []>, transpose_lhs_hint = false} : vector<1x128xf32>, vector<128x80xf32>, vector<1x80xf32> -> vector<1x80xf32>
      %add3A_323 = arith.addf %add3A_318, %dot_general3A_322 : vector<1x80xf32>
      %slice3A_324 = vector.extract_strided_slice %select_n3A {offsets = [57, 0], sizes = [1, 128], strides = [1, 1]} : vector<64x128xf32> to vector<1x128xf32>
      %slice3A_325 = vector.extract_strided_slice %mul3A_39 {offsets = [7296, 0], sizes = [128, 80], strides = [1, 1]} : vector<8192x80xf32> to vector<128x80xf32>
      %dot_general3A_326 = arith.constant dense<0.000000e+00> : vector<1x80xf32>
      %dot_general3A_327 = tpu.matmul %slice3A_324, %slice3A_325, %dot_general3A_326 {dimension_numbers = #tpu.dot_dimension_numbers<[1], [0], [0], [1], [0, 0, 1, 1], [], []>, transpose_lhs_hint = false} : vector<1x128xf32>, vector<128x80xf32>, vector<1x80xf32> -> vector<1x80xf32>
      %add3A_328 = arith.addf %add3A_323, %dot_general3A_327 : vector<1x80xf32>
      %slice3A_329 = vector.extract_strided_slice %select_n3A {offsets = [58, 0], sizes = [1, 128], strides = [1, 1]} : vector<64x128xf32> to vector<1x128xf32>
      %slice3A_330 = vector.extract_strided_slice %mul3A_39 {offsets = [7424, 0], sizes = [128, 80], strides = [1, 1]} : vector<8192x80xf32> to vector<128x80xf32>
      %dot_general3A_331 = arith.constant dense<0.000000e+00> : vector<1x80xf32>
      %dot_general3A_332 = tpu.matmul %slice3A_329, %slice3A_330, %dot_general3A_331 {dimension_numbers = #tpu.dot_dimension_numbers<[1], [0], [0], [1], [0, 0, 1, 1], [], []>, transpose_lhs_hint = false} : vector<1x128xf32>, vector<128x80xf32>, vector<1x80xf32> -> vector<1x80xf32>
      %add3A_333 = arith.addf %add3A_328, %dot_general3A_332 : vector<1x80xf32>
      %slice3A_334 = vector.extract_strided_slice %select_n3A {offsets = [59, 0], sizes = [1, 128], strides = [1, 1]} : vector<64x128xf32> to vector<1x128xf32>
      %slice3A_335 = vector.extract_strided_slice %mul3A_39 {offsets = [7552, 0], sizes = [128, 80], strides = [1, 1]} : vector<8192x80xf32> to vector<128x80xf32>
      %dot_general3A_336 = arith.constant dense<0.000000e+00> : vector<1x80xf32>
      %dot_general3A_337 = tpu.matmul %slice3A_334, %slice3A_335, %dot_general3A_336 {dimension_numbers = #tpu.dot_dimension_numbers<[1], [0], [0], [1], [0, 0, 1, 1], [], []>, transpose_lhs_hint = false} : vector<1x128xf32>, vector<128x80xf32>, vector<1x80xf32> -> vector<1x80xf32>
      %add3A_338 = arith.addf %add3A_333, %dot_general3A_337 : vector<1x80xf32>
      %slice3A_339 = vector.extract_strided_slice %select_n3A {offsets = [60, 0], sizes = [1, 128], strides = [1, 1]} : vector<64x128xf32> to vector<1x128xf32>
      %slice3A_340 = vector.extract_strided_slice %mul3A_39 {offsets = [7680, 0], sizes = [128, 80], strides = [1, 1]} : vector<8192x80xf32> to vector<128x80xf32>
      %dot_general3A_341 = arith.constant dense<0.000000e+00> : vector<1x80xf32>
      %dot_general3A_342 = tpu.matmul %slice3A_339, %slice3A_340, %dot_general3A_341 {dimension_numbers = #tpu.dot_dimension_numbers<[1], [0], [0], [1], [0, 0, 1, 1], [], []>, transpose_lhs_hint = false} : vector<1x128xf32>, vector<128x80xf32>, vector<1x80xf32> -> vector<1x80xf32>
      %add3A_343 = arith.addf %add3A_338, %dot_general3A_342 : vector<1x80xf32>
      %slice3A_344 = vector.extract_strided_slice %select_n3A {offsets = [61, 0], sizes = [1, 128], strides = [1, 1]} : vector<64x128xf32> to vector<1x128xf32>
      %slice3A_345 = vector.extract_strided_slice %mul3A_39 {offsets = [7808, 0], sizes = [128, 80], strides = [1, 1]} : vector<8192x80xf32> to vector<128x80xf32>
      %dot_general3A_346 = arith.constant dense<0.000000e+00> : vector<1x80xf32>
      %dot_general3A_347 = tpu.matmul %slice3A_344, %slice3A_345, %dot_general3A_346 {dimension_numbers = #tpu.dot_dimension_numbers<[1], [0], [0], [1], [0, 0, 1, 1], [], []>, transpose_lhs_hint = false} : vector<1x128xf32>, vector<128x80xf32>, vector<1x80xf32> -> vector<1x80xf32>
      %add3A_348 = arith.addf %add3A_343, %dot_general3A_347 : vector<1x80xf32>
      %slice3A_349 = vector.extract_strided_slice %select_n3A {offsets = [62, 0], sizes = [1, 128], strides = [1, 1]} : vector<64x128xf32> to vector<1x128xf32>
      %slice3A_350 = vector.extract_strided_slice %mul3A_39 {offsets = [7936, 0], sizes = [128, 80], strides = [1, 1]} : vector<8192x80xf32> to vector<128x80xf32>
      %dot_general3A_351 = arith.constant dense<0.000000e+00> : vector<1x80xf32>
      %dot_general3A_352 = tpu.matmul %slice3A_349, %slice3A_350, %dot_general3A_351 {dimension_numbers = #tpu.dot_dimension_numbers<[1], [0], [0], [1], [0, 0, 1, 1], [], []>, transpose_lhs_hint = false} : vector<1x128xf32>, vector<128x80xf32>, vector<1x80xf32> -> vector<1x80xf32>
      %add3A_353 = arith.addf %add3A_348, %dot_general3A_352 : vector<1x80xf32>
      %slice3A_354 = vector.extract_strided_slice %select_n3A {offsets = [63, 0], sizes = [1, 128], strides = [1, 1]} : vector<64x128xf32> to vector<1x128xf32>
      %slice3A_355 = vector.extract_strided_slice %mul3A_39 {offsets = [8064, 0], sizes = [128, 80], strides = [1, 1]} : vector<8192x80xf32> to vector<128x80xf32>
      %dot_general3A_356 = arith.constant dense<0.000000e+00> : vector<1x80xf32>
      %dot_general3A_357 = tpu.matmul %slice3A_354, %slice3A_355, %dot_general3A_356 {dimension_numbers = #tpu.dot_dimension_numbers<[1], [0], [0], [1], [0, 0, 1, 1], [], []>, transpose_lhs_hint = false} : vector<1x128xf32>, vector<128x80xf32>, vector<1x80xf32> -> vector<1x80xf32>
      %add3A_358 = arith.addf %add3A_353, %dot_general3A_357 : vector<1x80xf32>
      %broadcast_in_dim3A_359 = vector.shape_cast %add3A_358 : vector<1x80xf32> to vector<1x1x80xf32>
      %add3A_360 = arith.addf %get3A_24, %broadcast_in_dim3A_359 : vector<1x1x80xf32>
      %swap3A = arith.constant 0 : index
      %swap3A_361 = arith.constant 0 : index
      %swap3A_362 = arith.constant 0 : index
      %swap3A_363 = vector.load %arg4[%swap3A, %swap3A_361, %swap3A_362] : memref<1x1x80xf32, #tpu.memory_space<vmem>>, vector<1x1x80xf32>
      tpu.vector_store %arg4[%swap3A, %swap3A_361, %swap3A_362], %add3A_360 {strides = array<i32>} : memref<1x1x80xf32, #tpu.memory_space<vmem>>, vector<1x1x80xf32>,
    } else {
    }
    %eq3A_16 = arith.constant 5 : i32
    %eq3A_17 = arith.cmpi eq, %arg1, %eq3A_16 : i32
    %convert_element_type3A_18 = arith.extui %eq3A_17 : i1 to i32
    %cond3A_19 = arith.constant 0 : i32
    %cond3A_20 = arith.cmpi ne, %convert_element_type3A_18, %cond3A_19 : i32
    scf.if %cond3A_20 {
      %get3A_21 = arith.constant 0 : index
      %get3A_22 = arith.constant 0 : index
      %get3A_23 = arith.constant 0 : index
      %get3A_24 = vector.load %arg4[%get3A_21, %get3A_22, %get3A_23] : memref<1x1x80xf32, #tpu.memory_space<vmem>>, vector<1x1x80xf32>
      %get3A_25 = arith.constant 0 : index
      %get3A_26 = arith.constant 0 : index
      %get3A_27 = arith.constant 0 : index
      %get3A_28 = vector.load %arg2[%get3A_25, %get3A_26, %get3A_27] : memref<1x8192x80xf32, #tpu.memory_space<vmem>>, vector<1x8192x80xf32>
      %get3A_29 = vector.shape_cast %get3A_28 : vector<1x8192x80xf32> to vector<8192x80xf32>
      %jit3A_30 = arith.constant 9.99999974E-5 : f32
      %jit3A_31 = arith.constant 0.999899983 : f32
      %max3A = vector.broadcast %jit3A_30 : f32 to vector<8192x80xf32>
      %max3A_32 = arith.maximumf %max3A, %get3A_29 : vector<8192x80xf32>
      %min3A = vector.broadcast %jit3A_31 : f32 to vector<8192x80xf32>
      %min3A_33 = arith.minimumf %min3A, %max3A_32 : vector<8192x80xf32>
      %mul3A = arith.mulf %min3A_33, %min3A_33 : vector<8192x80xf32>
      %sub3A = arith.constant 1.000000e+00 : f32
      %sub3A_34 = vector.broadcast %sub3A : f32 to vector<8192x80xf32>
      %sub3A_35 = arith.subf %sub3A_34, %min3A_33 : vector<8192x80xf32>
      %log3A = math.log %sub3A_35 : vector<8192x80xf32>
      %log3A_36 = arith.constant 2.000000e+00 : f32
      %log3A_37 = math.log %log3A_36 : f32
      %div3A = vector.broadcast %log3A_37 : f32 to vector<8192x80xf32>
      %div3A_38 = arith.divf %log3A, %div3A : vector<8192x80xf32>
      %mul3A_39 = arith.mulf %mul3A, %div3A_38 : vector<8192x80xf32>
      %iota3A = tpu.iota {dimensions = array<i32: 0>} : vector<8192x80xi32>
      %mul3A_40 = arith.constant 8192 : i32
      %mul3A_41 = arith.muli %arg1, %mul3A_40 : i32
      %add3A = vector.broadcast %mul3A_41 : i32 to vector<8192x80xi32>
      %add3A_42 = arith.addi %iota3A, %add3A : vector<8192x80xi32>
      %lt3A_43 = arith.constant 49104 : i32
      %lt3A_44 = vector.broadcast %lt3A_43 : i32 to vector<8192x80xi32>
      %lt3A_45 = arith.cmpi slt, %add3A_42, %lt3A_44 : vector<8192x80xi32>
      %jit3A_46 = arith.constant 0.000000e+00 : f32
      %broadcast_in_dim3A_47 = vector.broadcast %jit3A_46 : f32 to vector<8192x80xf32>
      %select_n3A_48 = arith.select %lt3A_45, %mul3A_39, %broadcast_in_dim3A_47 : vector<8192x80xi1>, vector<8192x80xf32>
      %broadcast_in_dim3A_49 = arith.constant 0.000000e+00 : f32
      %broadcast_in_dim3A_50 = vector.broadcast %broadcast_in_dim3A_49 : f32 to vector<1x80xf32>
      %slice3A = vector.extract_strided_slice %select_n3A {offsets = [0, 0], sizes = [1, 128], strides = [1, 1]} : vector<64x128xf32> to vector<1x128xf32>
      %slice3A_51 = vector.extract_strided_slice %select_n3A_48 {offsets = [0, 0], sizes = [128, 80], strides = [1, 1]} : vector<8192x80xf32> to vector<128x80xf32>
      %dot_general3A = arith.constant dense<0.000000e+00> : vector<1x80xf32>
      %dot_general3A_52 = tpu.matmul %slice3A, %slice3A_51, %dot_general3A {dimension_numbers = #tpu.dot_dimension_numbers<[1], [0], [0], [1], [0, 0, 1, 1], [], []>, transpose_lhs_hint = false} : vector<1x128xf32>, vector<128x80xf32>, vector<1x80xf32> -> vector<1x80xf32>
      %add3A_53 = arith.addf %broadcast_in_dim3A_50, %dot_general3A_52 : vector<1x80xf32>
      %slice3A_54 = vector.extract_strided_slice %select_n3A {offsets = [1, 0], sizes = [1, 128], strides = [1, 1]} : vector<64x128xf32> to vector<1x128xf32>
      %slice3A_55 = vector.extract_strided_slice %select_n3A_48 {offsets = [128, 0], sizes = [128, 80], strides = [1, 1]} : vector<8192x80xf32> to vector<128x80xf32>
      %dot_general3A_56 = arith.constant dense<0.000000e+00> : vector<1x80xf32>
      %dot_general3A_57 = tpu.matmul %slice3A_54, %slice3A_55, %dot_general3A_56 {dimension_numbers = #tpu.dot_dimension_numbers<[1], [0], [0], [1], [0, 0, 1, 1], [], []>, transpose_lhs_hint = false} : vector<1x128xf32>, vector<128x80xf32>, vector<1x80xf32> -> vector<1x80xf32>
      %add3A_58 = arith.addf %add3A_53, %dot_general3A_57 : vector<1x80xf32>
      %slice3A_59 = vector.extract_strided_slice %select_n3A {offsets = [2, 0], sizes = [1, 128], strides = [1, 1]} : vector<64x128xf32> to vector<1x128xf32>
      %slice3A_60 = vector.extract_strided_slice %select_n3A_48 {offsets = [256, 0], sizes = [128, 80], strides = [1, 1]} : vector<8192x80xf32> to vector<128x80xf32>
      %dot_general3A_61 = arith.constant dense<0.000000e+00> : vector<1x80xf32>
      %dot_general3A_62 = tpu.matmul %slice3A_59, %slice3A_60, %dot_general3A_61 {dimension_numbers = #tpu.dot_dimension_numbers<[1], [0], [0], [1], [0, 0, 1, 1], [], []>, transpose_lhs_hint = false} : vector<1x128xf32>, vector<128x80xf32>, vector<1x80xf32> -> vector<1x80xf32>
      %add3A_63 = arith.addf %add3A_58, %dot_general3A_62 : vector<1x80xf32>
      %slice3A_64 = vector.extract_strided_slice %select_n3A {offsets = [3, 0], sizes = [1, 128], strides = [1, 1]} : vector<64x128xf32> to vector<1x128xf32>
      %slice3A_65 = vector.extract_strided_slice %select_n3A_48 {offsets = [384, 0], sizes = [128, 80], strides = [1, 1]} : vector<8192x80xf32> to vector<128x80xf32>
      %dot_general3A_66 = arith.constant dense<0.000000e+00> : vector<1x80xf32>
      %dot_general3A_67 = tpu.matmul %slice3A_64, %slice3A_65, %dot_general3A_66 {dimension_numbers = #tpu.dot_dimension_numbers<[1], [0], [0], [1], [0, 0, 1, 1], [], []>, transpose_lhs_hint = false} : vector<1x128xf32>, vector<128x80xf32>, vector<1x80xf32> -> vector<1x80xf32>
      %add3A_68 = arith.addf %add3A_63, %dot_general3A_67 : vector<1x80xf32>
      %slice3A_69 = vector.extract_strided_slice %select_n3A {offsets = [4, 0], sizes = [1, 128], strides = [1, 1]} : vector<64x128xf32> to vector<1x128xf32>
      %slice3A_70 = vector.extract_strided_slice %select_n3A_48 {offsets = [512, 0], sizes = [128, 80], strides = [1, 1]} : vector<8192x80xf32> to vector<128x80xf32>
      %dot_general3A_71 = arith.constant dense<0.000000e+00> : vector<1x80xf32>
      %dot_general3A_72 = tpu.matmul %slice3A_69, %slice3A_70, %dot_general3A_71 {dimension_numbers = #tpu.dot_dimension_numbers<[1], [0], [0], [1], [0, 0, 1, 1], [], []>, transpose_lhs_hint = false} : vector<1x128xf32>, vector<128x80xf32>, vector<1x80xf32> -> vector<1x80xf32>
      %add3A_73 = arith.addf %add3A_68, %dot_general3A_72 : vector<1x80xf32>
      %slice3A_74 = vector.extract_strided_slice %select_n3A {offsets = [5, 0], sizes = [1, 128], strides = [1, 1]} : vector<64x128xf32> to vector<1x128xf32>
      %slice3A_75 = vector.extract_strided_slice %select_n3A_48 {offsets = [640, 0], sizes = [128, 80], strides = [1, 1]} : vector<8192x80xf32> to vector<128x80xf32>
      %dot_general3A_76 = arith.constant dense<0.000000e+00> : vector<1x80xf32>
      %dot_general3A_77 = tpu.matmul %slice3A_74, %slice3A_75, %dot_general3A_76 {dimension_numbers = #tpu.dot_dimension_numbers<[1], [0], [0], [1], [0, 0, 1, 1], [], []>, transpose_lhs_hint = false} : vector<1x128xf32>, vector<128x80xf32>, vector<1x80xf32> -> vector<1x80xf32>
      %add3A_78 = arith.addf %add3A_73, %dot_general3A_77 : vector<1x80xf32>
      %slice3A_79 = vector.extract_strided_slice %select_n3A {offsets = [6, 0], sizes = [1, 128], strides = [1, 1]} : vector<64x128xf32> to vector<1x128xf32>
      %slice3A_80 = vector.extract_strided_slice %select_n3A_48 {offsets = [768, 0], sizes = [128, 80], strides = [1, 1]} : vector<8192x80xf32> to vector<128x80xf32>
      %dot_general3A_81 = arith.constant dense<0.000000e+00> : vector<1x80xf32>
      %dot_general3A_82 = tpu.matmul %slice3A_79, %slice3A_80, %dot_general3A_81 {dimension_numbers = #tpu.dot_dimension_numbers<[1], [0], [0], [1], [0, 0, 1, 1], [], []>, transpose_lhs_hint = false} : vector<1x128xf32>, vector<128x80xf32>, vector<1x80xf32> -> vector<1x80xf32>
      %add3A_83 = arith.addf %add3A_78, %dot_general3A_82 : vector<1x80xf32>
      %slice3A_84 = vector.extract_strided_slice %select_n3A {offsets = [7, 0], sizes = [1, 128], strides = [1, 1]} : vector<64x128xf32> to vector<1x128xf32>
      %slice3A_85 = vector.extract_strided_slice %select_n3A_48 {offsets = [896, 0], sizes = [128, 80], strides = [1, 1]} : vector<8192x80xf32> to vector<128x80xf32>
      %dot_general3A_86 = arith.constant dense<0.000000e+00> : vector<1x80xf32>
      %dot_general3A_87 = tpu.matmul %slice3A_84, %slice3A_85, %dot_general3A_86 {dimension_numbers = #tpu.dot_dimension_numbers<[1], [0], [0], [1], [0, 0, 1, 1], [], []>, transpose_lhs_hint = false} : vector<1x128xf32>, vector<128x80xf32>, vector<1x80xf32> -> vector<1x80xf32>
      %add3A_88 = arith.addf %add3A_83, %dot_general3A_87 : vector<1x80xf32>
      %slice3A_89 = vector.extract_strided_slice %select_n3A {offsets = [8, 0], sizes = [1, 128], strides = [1, 1]} : vector<64x128xf32> to vector<1x128xf32>
      %slice3A_90 = vector.extract_strided_slice %select_n3A_48 {offsets = [1024, 0], sizes = [128, 80], strides = [1, 1]} : vector<8192x80xf32> to vector<128x80xf32>
      %dot_general3A_91 = arith.constant dense<0.000000e+00> : vector<1x80xf32>
      %dot_general3A_92 = tpu.matmul %slice3A_89, %slice3A_90, %dot_general3A_91 {dimension_numbers = #tpu.dot_dimension_numbers<[1], [0], [0], [1], [0, 0, 1, 1], [], []>, transpose_lhs_hint = false} : vector<1x128xf32>, vector<128x80xf32>, vector<1x80xf32> -> vector<1x80xf32>
      %add3A_93 = arith.addf %add3A_88, %dot_general3A_92 : vector<1x80xf32>
      %slice3A_94 = vector.extract_strided_slice %select_n3A {offsets = [9, 0], sizes = [1, 128], strides = [1, 1]} : vector<64x128xf32> to vector<1x128xf32>
      %slice3A_95 = vector.extract_strided_slice %select_n3A_48 {offsets = [1152, 0], sizes = [128, 80], strides = [1, 1]} : vector<8192x80xf32> to vector<128x80xf32>
      %dot_general3A_96 = arith.constant dense<0.000000e+00> : vector<1x80xf32>
      %dot_general3A_97 = tpu.matmul %slice3A_94, %slice3A_95, %dot_general3A_96 {dimension_numbers = #tpu.dot_dimension_numbers<[1], [0], [0], [1], [0, 0, 1, 1], [], []>, transpose_lhs_hint = false} : vector<1x128xf32>, vector<128x80xf32>, vector<1x80xf32> -> vector<1x80xf32>
      %add3A_98 = arith.addf %add3A_93, %dot_general3A_97 : vector<1x80xf32>
      %slice3A_99 = vector.extract_strided_slice %select_n3A {offsets = [10, 0], sizes = [1, 128], strides = [1, 1]} : vector<64x128xf32> to vector<1x128xf32>
      %slice3A_100 = vector.extract_strided_slice %select_n3A_48 {offsets = [1280, 0], sizes = [128, 80], strides = [1, 1]} : vector<8192x80xf32> to vector<128x80xf32>
      %dot_general3A_101 = arith.constant dense<0.000000e+00> : vector<1x80xf32>
      %dot_general3A_102 = tpu.matmul %slice3A_99, %slice3A_100, %dot_general3A_101 {dimension_numbers = #tpu.dot_dimension_numbers<[1], [0], [0], [1], [0, 0, 1, 1], [], []>, transpose_lhs_hint = false} : vector<1x128xf32>, vector<128x80xf32>, vector<1x80xf32> -> vector<1x80xf32>
      %add3A_103 = arith.addf %add3A_98, %dot_general3A_102 : vector<1x80xf32>
      %slice3A_104 = vector.extract_strided_slice %select_n3A {offsets = [11, 0], sizes = [1, 128], strides = [1, 1]} : vector<64x128xf32> to vector<1x128xf32>
      %slice3A_105 = vector.extract_strided_slice %select_n3A_48 {offsets = [1408, 0], sizes = [128, 80], strides = [1, 1]} : vector<8192x80xf32> to vector<128x80xf32>
      %dot_general3A_106 = arith.constant dense<0.000000e+00> : vector<1x80xf32>
      %dot_general3A_107 = tpu.matmul %slice3A_104, %slice3A_105, %dot_general3A_106 {dimension_numbers = #tpu.dot_dimension_numbers<[1], [0], [0], [1], [0, 0, 1, 1], [], []>, transpose_lhs_hint = false} : vector<1x128xf32>, vector<128x80xf32>, vector<1x80xf32> -> vector<1x80xf32>
      %add3A_108 = arith.addf %add3A_103, %dot_general3A_107 : vector<1x80xf32>
      %slice3A_109 = vector.extract_strided_slice %select_n3A {offsets = [12, 0], sizes = [1, 128], strides = [1, 1]} : vector<64x128xf32> to vector<1x128xf32>
      %slice3A_110 = vector.extract_strided_slice %select_n3A_48 {offsets = [1536, 0], sizes = [128, 80], strides = [1, 1]} : vector<8192x80xf32> to vector<128x80xf32>
      %dot_general3A_111 = arith.constant dense<0.000000e+00> : vector<1x80xf32>
      %dot_general3A_112 = tpu.matmul %slice3A_109, %slice3A_110, %dot_general3A_111 {dimension_numbers = #tpu.dot_dimension_numbers<[1], [0], [0], [1], [0, 0, 1, 1], [], []>, transpose_lhs_hint = false} : vector<1x128xf32>, vector<128x80xf32>, vector<1x80xf32> -> vector<1x80xf32>
      %add3A_113 = arith.addf %add3A_108, %dot_general3A_112 : vector<1x80xf32>
      %slice3A_114 = vector.extract_strided_slice %select_n3A {offsets = [13, 0], sizes = [1, 128], strides = [1, 1]} : vector<64x128xf32> to vector<1x128xf32>
      %slice3A_115 = vector.extract_strided_slice %select_n3A_48 {offsets = [1664, 0], sizes = [128, 80], strides = [1, 1]} : vector<8192x80xf32> to vector<128x80xf32>
      %dot_general3A_116 = arith.constant dense<0.000000e+00> : vector<1x80xf32>
      %dot_general3A_117 = tpu.matmul %slice3A_114, %slice3A_115, %dot_general3A_116 {dimension_numbers = #tpu.dot_dimension_numbers<[1], [0], [0], [1], [0, 0, 1, 1], [], []>, transpose_lhs_hint = false} : vector<1x128xf32>, vector<128x80xf32>, vector<1x80xf32> -> vector<1x80xf32>
      %add3A_118 = arith.addf %add3A_113, %dot_general3A_117 : vector<1x80xf32>
      %slice3A_119 = vector.extract_strided_slice %select_n3A {offsets = [14, 0], sizes = [1, 128], strides = [1, 1]} : vector<64x128xf32> to vector<1x128xf32>
      %slice3A_120 = vector.extract_strided_slice %select_n3A_48 {offsets = [1792, 0], sizes = [128, 80], strides = [1, 1]} : vector<8192x80xf32> to vector<128x80xf32>
      %dot_general3A_121 = arith.constant dense<0.000000e+00> : vector<1x80xf32>
      %dot_general3A_122 = tpu.matmul %slice3A_119, %slice3A_120, %dot_general3A_121 {dimension_numbers = #tpu.dot_dimension_numbers<[1], [0], [0], [1], [0, 0, 1, 1], [], []>, transpose_lhs_hint = false} : vector<1x128xf32>, vector<128x80xf32>, vector<1x80xf32> -> vector<1x80xf32>
      %add3A_123 = arith.addf %add3A_118, %dot_general3A_122 : vector<1x80xf32>
      %slice3A_124 = vector.extract_strided_slice %select_n3A {offsets = [15, 0], sizes = [1, 128], strides = [1, 1]} : vector<64x128xf32> to vector<1x128xf32>
      %slice3A_125 = vector.extract_strided_slice %select_n3A_48 {offsets = [1920, 0], sizes = [128, 80], strides = [1, 1]} : vector<8192x80xf32> to vector<128x80xf32>
      %dot_general3A_126 = arith.constant dense<0.000000e+00> : vector<1x80xf32>
      %dot_general3A_127 = tpu.matmul %slice3A_124, %slice3A_125, %dot_general3A_126 {dimension_numbers = #tpu.dot_dimension_numbers<[1], [0], [0], [1], [0, 0, 1, 1], [], []>, transpose_lhs_hint = false} : vector<1x128xf32>, vector<128x80xf32>, vector<1x80xf32> -> vector<1x80xf32>
      %add3A_128 = arith.addf %add3A_123, %dot_general3A_127 : vector<1x80xf32>
      %slice3A_129 = vector.extract_strided_slice %select_n3A {offsets = [16, 0], sizes = [1, 128], strides = [1, 1]} : vector<64x128xf32> to vector<1x128xf32>
      %slice3A_130 = vector.extract_strided_slice %select_n3A_48 {offsets = [2048, 0], sizes = [128, 80], strides = [1, 1]} : vector<8192x80xf32> to vector<128x80xf32>
      %dot_general3A_131 = arith.constant dense<0.000000e+00> : vector<1x80xf32>
      %dot_general3A_132 = tpu.matmul %slice3A_129, %slice3A_130, %dot_general3A_131 {dimension_numbers = #tpu.dot_dimension_numbers<[1], [0], [0], [1], [0, 0, 1, 1], [], []>, transpose_lhs_hint = false} : vector<1x128xf32>, vector<128x80xf32>, vector<1x80xf32> -> vector<1x80xf32>
      %add3A_133 = arith.addf %add3A_128, %dot_general3A_132 : vector<1x80xf32>
      %slice3A_134 = vector.extract_strided_slice %select_n3A {offsets = [17, 0], sizes = [1, 128], strides = [1, 1]} : vector<64x128xf32> to vector<1x128xf32>
      %slice3A_135 = vector.extract_strided_slice %select_n3A_48 {offsets = [2176, 0], sizes = [128, 80], strides = [1, 1]} : vector<8192x80xf32> to vector<128x80xf32>
      %dot_general3A_136 = arith.constant dense<0.000000e+00> : vector<1x80xf32>
      %dot_general3A_137 = tpu.matmul %slice3A_134, %slice3A_135, %dot_general3A_136 {dimension_numbers = #tpu.dot_dimension_numbers<[1], [0], [0], [1], [0, 0, 1, 1], [], []>, transpose_lhs_hint = false} : vector<1x128xf32>, vector<128x80xf32>, vector<1x80xf32> -> vector<1x80xf32>
      %add3A_138 = arith.addf %add3A_133, %dot_general3A_137 : vector<1x80xf32>
      %slice3A_139 = vector.extract_strided_slice %select_n3A {offsets = [18, 0], sizes = [1, 128], strides = [1, 1]} : vector<64x128xf32> to vector<1x128xf32>
      %slice3A_140 = vector.extract_strided_slice %select_n3A_48 {offsets = [2304, 0], sizes = [128, 80], strides = [1, 1]} : vector<8192x80xf32> to vector<128x80xf32>
      %dot_general3A_141 = arith.constant dense<0.000000e+00> : vector<1x80xf32>
      %dot_general3A_142 = tpu.matmul %slice3A_139, %slice3A_140, %dot_general3A_141 {dimension_numbers = #tpu.dot_dimension_numbers<[1], [0], [0], [1], [0, 0, 1, 1], [], []>, transpose_lhs_hint = false} : vector<1x128xf32>, vector<128x80xf32>, vector<1x80xf32> -> vector<1x80xf32>
      %add3A_143 = arith.addf %add3A_138, %dot_general3A_142 : vector<1x80xf32>
      %slice3A_144 = vector.extract_strided_slice %select_n3A {offsets = [19, 0], sizes = [1, 128], strides = [1, 1]} : vector<64x128xf32> to vector<1x128xf32>
      %slice3A_145 = vector.extract_strided_slice %select_n3A_48 {offsets = [2432, 0], sizes = [128, 80], strides = [1, 1]} : vector<8192x80xf32> to vector<128x80xf32>
      %dot_general3A_146 = arith.constant dense<0.000000e+00> : vector<1x80xf32>
      %dot_general3A_147 = tpu.matmul %slice3A_144, %slice3A_145, %dot_general3A_146 {dimension_numbers = #tpu.dot_dimension_numbers<[1], [0], [0], [1], [0, 0, 1, 1], [], []>, transpose_lhs_hint = false} : vector<1x128xf32>, vector<128x80xf32>, vector<1x80xf32> -> vector<1x80xf32>
      %add3A_148 = arith.addf %add3A_143, %dot_general3A_147 : vector<1x80xf32>
      %slice3A_149 = vector.extract_strided_slice %select_n3A {offsets = [20, 0], sizes = [1, 128], strides = [1, 1]} : vector<64x128xf32> to vector<1x128xf32>
      %slice3A_150 = vector.extract_strided_slice %select_n3A_48 {offsets = [2560, 0], sizes = [128, 80], strides = [1, 1]} : vector<8192x80xf32> to vector<128x80xf32>
      %dot_general3A_151 = arith.constant dense<0.000000e+00> : vector<1x80xf32>
      %dot_general3A_152 = tpu.matmul %slice3A_149, %slice3A_150, %dot_general3A_151 {dimension_numbers = #tpu.dot_dimension_numbers<[1], [0], [0], [1], [0, 0, 1, 1], [], []>, transpose_lhs_hint = false} : vector<1x128xf32>, vector<128x80xf32>, vector<1x80xf32> -> vector<1x80xf32>
      %add3A_153 = arith.addf %add3A_148, %dot_general3A_152 : vector<1x80xf32>
      %slice3A_154 = vector.extract_strided_slice %select_n3A {offsets = [21, 0], sizes = [1, 128], strides = [1, 1]} : vector<64x128xf32> to vector<1x128xf32>
      %slice3A_155 = vector.extract_strided_slice %select_n3A_48 {offsets = [2688, 0], sizes = [128, 80], strides = [1, 1]} : vector<8192x80xf32> to vector<128x80xf32>
      %dot_general3A_156 = arith.constant dense<0.000000e+00> : vector<1x80xf32>
      %dot_general3A_157 = tpu.matmul %slice3A_154, %slice3A_155, %dot_general3A_156 {dimension_numbers = #tpu.dot_dimension_numbers<[1], [0], [0], [1], [0, 0, 1, 1], [], []>, transpose_lhs_hint = false} : vector<1x128xf32>, vector<128x80xf32>, vector<1x80xf32> -> vector<1x80xf32>
      %add3A_158 = arith.addf %add3A_153, %dot_general3A_157 : vector<1x80xf32>
      %slice3A_159 = vector.extract_strided_slice %select_n3A {offsets = [22, 0], sizes = [1, 128], strides = [1, 1]} : vector<64x128xf32> to vector<1x128xf32>
      %slice3A_160 = vector.extract_strided_slice %select_n3A_48 {offsets = [2816, 0], sizes = [128, 80], strides = [1, 1]} : vector<8192x80xf32> to vector<128x80xf32>
      %dot_general3A_161 = arith.constant dense<0.000000e+00> : vector<1x80xf32>
      %dot_general3A_162 = tpu.matmul %slice3A_159, %slice3A_160, %dot_general3A_161 {dimension_numbers = #tpu.dot_dimension_numbers<[1], [0], [0], [1], [0, 0, 1, 1], [], []>, transpose_lhs_hint = false} : vector<1x128xf32>, vector<128x80xf32>, vector<1x80xf32> -> vector<1x80xf32>
      %add3A_163 = arith.addf %add3A_158, %dot_general3A_162 : vector<1x80xf32>
      %slice3A_164 = vector.extract_strided_slice %select_n3A {offsets = [23, 0], sizes = [1, 128], strides = [1, 1]} : vector<64x128xf32> to vector<1x128xf32>
      %slice3A_165 = vector.extract_strided_slice %select_n3A_48 {offsets = [2944, 0], sizes = [128, 80], strides = [1, 1]} : vector<8192x80xf32> to vector<128x80xf32>
      %dot_general3A_166 = arith.constant dense<0.000000e+00> : vector<1x80xf32>
      %dot_general3A_167 = tpu.matmul %slice3A_164, %slice3A_165, %dot_general3A_166 {dimension_numbers = #tpu.dot_dimension_numbers<[1], [0], [0], [1], [0, 0, 1, 1], [], []>, transpose_lhs_hint = false} : vector<1x128xf32>, vector<128x80xf32>, vector<1x80xf32> -> vector<1x80xf32>
      %add3A_168 = arith.addf %add3A_163, %dot_general3A_167 : vector<1x80xf32>
      %slice3A_169 = vector.extract_strided_slice %select_n3A {offsets = [24, 0], sizes = [1, 128], strides = [1, 1]} : vector<64x128xf32> to vector<1x128xf32>
      %slice3A_170 = vector.extract_strided_slice %select_n3A_48 {offsets = [3072, 0], sizes = [128, 80], strides = [1, 1]} : vector<8192x80xf32> to vector<128x80xf32>
      %dot_general3A_171 = arith.constant dense<0.000000e+00> : vector<1x80xf32>
      %dot_general3A_172 = tpu.matmul %slice3A_169, %slice3A_170, %dot_general3A_171 {dimension_numbers = #tpu.dot_dimension_numbers<[1], [0], [0], [1], [0, 0, 1, 1], [], []>, transpose_lhs_hint = false} : vector<1x128xf32>, vector<128x80xf32>, vector<1x80xf32> -> vector<1x80xf32>
      %add3A_173 = arith.addf %add3A_168, %dot_general3A_172 : vector<1x80xf32>
      %slice3A_174 = vector.extract_strided_slice %select_n3A {offsets = [25, 0], sizes = [1, 128], strides = [1, 1]} : vector<64x128xf32> to vector<1x128xf32>
      %slice3A_175 = vector.extract_strided_slice %select_n3A_48 {offsets = [3200, 0], sizes = [128, 80], strides = [1, 1]} : vector<8192x80xf32> to vector<128x80xf32>
      %dot_general3A_176 = arith.constant dense<0.000000e+00> : vector<1x80xf32>
      %dot_general3A_177 = tpu.matmul %slice3A_174, %slice3A_175, %dot_general3A_176 {dimension_numbers = #tpu.dot_dimension_numbers<[1], [0], [0], [1], [0, 0, 1, 1], [], []>, transpose_lhs_hint = false} : vector<1x128xf32>, vector<128x80xf32>, vector<1x80xf32> -> vector<1x80xf32>
      %add3A_178 = arith.addf %add3A_173, %dot_general3A_177 : vector<1x80xf32>
      %slice3A_179 = vector.extract_strided_slice %select_n3A {offsets = [26, 0], sizes = [1, 128], strides = [1, 1]} : vector<64x128xf32> to vector<1x128xf32>
      %slice3A_180 = vector.extract_strided_slice %select_n3A_48 {offsets = [3328, 0], sizes = [128, 80], strides = [1, 1]} : vector<8192x80xf32> to vector<128x80xf32>
      %dot_general3A_181 = arith.constant dense<0.000000e+00> : vector<1x80xf32>
      %dot_general3A_182 = tpu.matmul %slice3A_179, %slice3A_180, %dot_general3A_181 {dimension_numbers = #tpu.dot_dimension_numbers<[1], [0], [0], [1], [0, 0, 1, 1], [], []>, transpose_lhs_hint = false} : vector<1x128xf32>, vector<128x80xf32>, vector<1x80xf32> -> vector<1x80xf32>
      %add3A_183 = arith.addf %add3A_178, %dot_general3A_182 : vector<1x80xf32>
      %slice3A_184 = vector.extract_strided_slice %select_n3A {offsets = [27, 0], sizes = [1, 128], strides = [1, 1]} : vector<64x128xf32> to vector<1x128xf32>
      %slice3A_185 = vector.extract_strided_slice %select_n3A_48 {offsets = [3456, 0], sizes = [128, 80], strides = [1, 1]} : vector<8192x80xf32> to vector<128x80xf32>
      %dot_general3A_186 = arith.constant dense<0.000000e+00> : vector<1x80xf32>
      %dot_general3A_187 = tpu.matmul %slice3A_184, %slice3A_185, %dot_general3A_186 {dimension_numbers = #tpu.dot_dimension_numbers<[1], [0], [0], [1], [0, 0, 1, 1], [], []>, transpose_lhs_hint = false} : vector<1x128xf32>, vector<128x80xf32>, vector<1x80xf32> -> vector<1x80xf32>
      %add3A_188 = arith.addf %add3A_183, %dot_general3A_187 : vector<1x80xf32>
      %slice3A_189 = vector.extract_strided_slice %select_n3A {offsets = [28, 0], sizes = [1, 128], strides = [1, 1]} : vector<64x128xf32> to vector<1x128xf32>
      %slice3A_190 = vector.extract_strided_slice %select_n3A_48 {offsets = [3584, 0], sizes = [128, 80], strides = [1, 1]} : vector<8192x80xf32> to vector<128x80xf32>
      %dot_general3A_191 = arith.constant dense<0.000000e+00> : vector<1x80xf32>
      %dot_general3A_192 = tpu.matmul %slice3A_189, %slice3A_190, %dot_general3A_191 {dimension_numbers = #tpu.dot_dimension_numbers<[1], [0], [0], [1], [0, 0, 1, 1], [], []>, transpose_lhs_hint = false} : vector<1x128xf32>, vector<128x80xf32>, vector<1x80xf32> -> vector<1x80xf32>
      %add3A_193 = arith.addf %add3A_188, %dot_general3A_192 : vector<1x80xf32>
      %slice3A_194 = vector.extract_strided_slice %select_n3A {offsets = [29, 0], sizes = [1, 128], strides = [1, 1]} : vector<64x128xf32> to vector<1x128xf32>
      %slice3A_195 = vector.extract_strided_slice %select_n3A_48 {offsets = [3712, 0], sizes = [128, 80], strides = [1, 1]} : vector<8192x80xf32> to vector<128x80xf32>
      %dot_general3A_196 = arith.constant dense<0.000000e+00> : vector<1x80xf32>
      %dot_general3A_197 = tpu.matmul %slice3A_194, %slice3A_195, %dot_general3A_196 {dimension_numbers = #tpu.dot_dimension_numbers<[1], [0], [0], [1], [0, 0, 1, 1], [], []>, transpose_lhs_hint = false} : vector<1x128xf32>, vector<128x80xf32>, vector<1x80xf32> -> vector<1x80xf32>
      %add3A_198 = arith.addf %add3A_193, %dot_general3A_197 : vector<1x80xf32>
      %slice3A_199 = vector.extract_strided_slice %select_n3A {offsets = [30, 0], sizes = [1, 128], strides = [1, 1]} : vector<64x128xf32> to vector<1x128xf32>
      %slice3A_200 = vector.extract_strided_slice %select_n3A_48 {offsets = [3840, 0], sizes = [128, 80], strides = [1, 1]} : vector<8192x80xf32> to vector<128x80xf32>
      %dot_general3A_201 = arith.constant dense<0.000000e+00> : vector<1x80xf32>
      %dot_general3A_202 = tpu.matmul %slice3A_199, %slice3A_200, %dot_general3A_201 {dimension_numbers = #tpu.dot_dimension_numbers<[1], [0], [0], [1], [0, 0, 1, 1], [], []>, transpose_lhs_hint = false} : vector<1x128xf32>, vector<128x80xf32>, vector<1x80xf32> -> vector<1x80xf32>
      %add3A_203 = arith.addf %add3A_198, %dot_general3A_202 : vector<1x80xf32>
      %slice3A_204 = vector.extract_strided_slice %select_n3A {offsets = [31, 0], sizes = [1, 128], strides = [1, 1]} : vector<64x128xf32> to vector<1x128xf32>
      %slice3A_205 = vector.extract_strided_slice %select_n3A_48 {offsets = [3968, 0], sizes = [128, 80], strides = [1, 1]} : vector<8192x80xf32> to vector<128x80xf32>
      %dot_general3A_206 = arith.constant dense<0.000000e+00> : vector<1x80xf32>
      %dot_general3A_207 = tpu.matmul %slice3A_204, %slice3A_205, %dot_general3A_206 {dimension_numbers = #tpu.dot_dimension_numbers<[1], [0], [0], [1], [0, 0, 1, 1], [], []>, transpose_lhs_hint = false} : vector<1x128xf32>, vector<128x80xf32>, vector<1x80xf32> -> vector<1x80xf32>
      %add3A_208 = arith.addf %add3A_203, %dot_general3A_207 : vector<1x80xf32>
      %slice3A_209 = vector.extract_strided_slice %select_n3A {offsets = [32, 0], sizes = [1, 128], strides = [1, 1]} : vector<64x128xf32> to vector<1x128xf32>
      %slice3A_210 = vector.extract_strided_slice %select_n3A_48 {offsets = [4096, 0], sizes = [128, 80], strides = [1, 1]} : vector<8192x80xf32> to vector<128x80xf32>
      %dot_general3A_211 = arith.constant dense<0.000000e+00> : vector<1x80xf32>
      %dot_general3A_212 = tpu.matmul %slice3A_209, %slice3A_210, %dot_general3A_211 {dimension_numbers = #tpu.dot_dimension_numbers<[1], [0], [0], [1], [0, 0, 1, 1], [], []>, transpose_lhs_hint = false} : vector<1x128xf32>, vector<128x80xf32>, vector<1x80xf32> -> vector<1x80xf32>
      %add3A_213 = arith.addf %add3A_208, %dot_general3A_212 : vector<1x80xf32>
      %slice3A_214 = vector.extract_strided_slice %select_n3A {offsets = [33, 0], sizes = [1, 128], strides = [1, 1]} : vector<64x128xf32> to vector<1x128xf32>
      %slice3A_215 = vector.extract_strided_slice %select_n3A_48 {offsets = [4224, 0], sizes = [128, 80], strides = [1, 1]} : vector<8192x80xf32> to vector<128x80xf32>
      %dot_general3A_216 = arith.constant dense<0.000000e+00> : vector<1x80xf32>
      %dot_general3A_217 = tpu.matmul %slice3A_214, %slice3A_215, %dot_general3A_216 {dimension_numbers = #tpu.dot_dimension_numbers<[1], [0], [0], [1], [0, 0, 1, 1], [], []>, transpose_lhs_hint = false} : vector<1x128xf32>, vector<128x80xf32>, vector<1x80xf32> -> vector<1x80xf32>
      %add3A_218 = arith.addf %add3A_213, %dot_general3A_217 : vector<1x80xf32>
      %slice3A_219 = vector.extract_strided_slice %select_n3A {offsets = [34, 0], sizes = [1, 128], strides = [1, 1]} : vector<64x128xf32> to vector<1x128xf32>
      %slice3A_220 = vector.extract_strided_slice %select_n3A_48 {offsets = [4352, 0], sizes = [128, 80], strides = [1, 1]} : vector<8192x80xf32> to vector<128x80xf32>
      %dot_general3A_221 = arith.constant dense<0.000000e+00> : vector<1x80xf32>
      %dot_general3A_222 = tpu.matmul %slice3A_219, %slice3A_220, %dot_general3A_221 {dimension_numbers = #tpu.dot_dimension_numbers<[1], [0], [0], [1], [0, 0, 1, 1], [], []>, transpose_lhs_hint = false} : vector<1x128xf32>, vector<128x80xf32>, vector<1x80xf32> -> vector<1x80xf32>
      %add3A_223 = arith.addf %add3A_218, %dot_general3A_222 : vector<1x80xf32>
      %slice3A_224 = vector.extract_strided_slice %select_n3A {offsets = [35, 0], sizes = [1, 128], strides = [1, 1]} : vector<64x128xf32> to vector<1x128xf32>
      %slice3A_225 = vector.extract_strided_slice %select_n3A_48 {offsets = [4480, 0], sizes = [128, 80], strides = [1, 1]} : vector<8192x80xf32> to vector<128x80xf32>
      %dot_general3A_226 = arith.constant dense<0.000000e+00> : vector<1x80xf32>
      %dot_general3A_227 = tpu.matmul %slice3A_224, %slice3A_225, %dot_general3A_226 {dimension_numbers = #tpu.dot_dimension_numbers<[1], [0], [0], [1], [0, 0, 1, 1], [], []>, transpose_lhs_hint = false} : vector<1x128xf32>, vector<128x80xf32>, vector<1x80xf32> -> vector<1x80xf32>
      %add3A_228 = arith.addf %add3A_223, %dot_general3A_227 : vector<1x80xf32>
      %slice3A_229 = vector.extract_strided_slice %select_n3A {offsets = [36, 0], sizes = [1, 128], strides = [1, 1]} : vector<64x128xf32> to vector<1x128xf32>
      %slice3A_230 = vector.extract_strided_slice %select_n3A_48 {offsets = [4608, 0], sizes = [128, 80], strides = [1, 1]} : vector<8192x80xf32> to vector<128x80xf32>
      %dot_general3A_231 = arith.constant dense<0.000000e+00> : vector<1x80xf32>
      %dot_general3A_232 = tpu.matmul %slice3A_229, %slice3A_230, %dot_general3A_231 {dimension_numbers = #tpu.dot_dimension_numbers<[1], [0], [0], [1], [0, 0, 1, 1], [], []>, transpose_lhs_hint = false} : vector<1x128xf32>, vector<128x80xf32>, vector<1x80xf32> -> vector<1x80xf32>
      %add3A_233 = arith.addf %add3A_228, %dot_general3A_232 : vector<1x80xf32>
      %slice3A_234 = vector.extract_strided_slice %select_n3A {offsets = [37, 0], sizes = [1, 128], strides = [1, 1]} : vector<64x128xf32> to vector<1x128xf32>
      %slice3A_235 = vector.extract_strided_slice %select_n3A_48 {offsets = [4736, 0], sizes = [128, 80], strides = [1, 1]} : vector<8192x80xf32> to vector<128x80xf32>
      %dot_general3A_236 = arith.constant dense<0.000000e+00> : vector<1x80xf32>
      %dot_general3A_237 = tpu.matmul %slice3A_234, %slice3A_235, %dot_general3A_236 {dimension_numbers = #tpu.dot_dimension_numbers<[1], [0], [0], [1], [0, 0, 1, 1], [], []>, transpose_lhs_hint = false} : vector<1x128xf32>, vector<128x80xf32>, vector<1x80xf32> -> vector<1x80xf32>
      %add3A_238 = arith.addf %add3A_233, %dot_general3A_237 : vector<1x80xf32>
      %slice3A_239 = vector.extract_strided_slice %select_n3A {offsets = [38, 0], sizes = [1, 128], strides = [1, 1]} : vector<64x128xf32> to vector<1x128xf32>
      %slice3A_240 = vector.extract_strided_slice %select_n3A_48 {offsets = [4864, 0], sizes = [128, 80], strides = [1, 1]} : vector<8192x80xf32> to vector<128x80xf32>
      %dot_general3A_241 = arith.constant dense<0.000000e+00> : vector<1x80xf32>
      %dot_general3A_242 = tpu.matmul %slice3A_239, %slice3A_240, %dot_general3A_241 {dimension_numbers = #tpu.dot_dimension_numbers<[1], [0], [0], [1], [0, 0, 1, 1], [], []>, transpose_lhs_hint = false} : vector<1x128xf32>, vector<128x80xf32>, vector<1x80xf32> -> vector<1x80xf32>
      %add3A_243 = arith.addf %add3A_238, %dot_general3A_242 : vector<1x80xf32>
      %slice3A_244 = vector.extract_strided_slice %select_n3A {offsets = [39, 0], sizes = [1, 128], strides = [1, 1]} : vector<64x128xf32> to vector<1x128xf32>
      %slice3A_245 = vector.extract_strided_slice %select_n3A_48 {offsets = [4992, 0], sizes = [128, 80], strides = [1, 1]} : vector<8192x80xf32> to vector<128x80xf32>
      %dot_general3A_246 = arith.constant dense<0.000000e+00> : vector<1x80xf32>
      %dot_general3A_247 = tpu.matmul %slice3A_244, %slice3A_245, %dot_general3A_246 {dimension_numbers = #tpu.dot_dimension_numbers<[1], [0], [0], [1], [0, 0, 1, 1], [], []>, transpose_lhs_hint = false} : vector<1x128xf32>, vector<128x80xf32>, vector<1x80xf32> -> vector<1x80xf32>
      %add3A_248 = arith.addf %add3A_243, %dot_general3A_247 : vector<1x80xf32>
      %slice3A_249 = vector.extract_strided_slice %select_n3A {offsets = [40, 0], sizes = [1, 128], strides = [1, 1]} : vector<64x128xf32> to vector<1x128xf32>
      %slice3A_250 = vector.extract_strided_slice %select_n3A_48 {offsets = [5120, 0], sizes = [128, 80], strides = [1, 1]} : vector<8192x80xf32> to vector<128x80xf32>
      %dot_general3A_251 = arith.constant dense<0.000000e+00> : vector<1x80xf32>
      %dot_general3A_252 = tpu.matmul %slice3A_249, %slice3A_250, %dot_general3A_251 {dimension_numbers = #tpu.dot_dimension_numbers<[1], [0], [0], [1], [0, 0, 1, 1], [], []>, transpose_lhs_hint = false} : vector<1x128xf32>, vector<128x80xf32>, vector<1x80xf32> -> vector<1x80xf32>
      %add3A_253 = arith.addf %add3A_248, %dot_general3A_252 : vector<1x80xf32>
      %slice3A_254 = vector.extract_strided_slice %select_n3A {offsets = [41, 0], sizes = [1, 128], strides = [1, 1]} : vector<64x128xf32> to vector<1x128xf32>
      %slice3A_255 = vector.extract_strided_slice %select_n3A_48 {offsets = [5248, 0], sizes = [128, 80], strides = [1, 1]} : vector<8192x80xf32> to vector<128x80xf32>
      %dot_general3A_256 = arith.constant dense<0.000000e+00> : vector<1x80xf32>
      %dot_general3A_257 = tpu.matmul %slice3A_254, %slice3A_255, %dot_general3A_256 {dimension_numbers = #tpu.dot_dimension_numbers<[1], [0], [0], [1], [0, 0, 1, 1], [], []>, transpose_lhs_hint = false} : vector<1x128xf32>, vector<128x80xf32>, vector<1x80xf32> -> vector<1x80xf32>
      %add3A_258 = arith.addf %add3A_253, %dot_general3A_257 : vector<1x80xf32>
      %slice3A_259 = vector.extract_strided_slice %select_n3A {offsets = [42, 0], sizes = [1, 128], strides = [1, 1]} : vector<64x128xf32> to vector<1x128xf32>
      %slice3A_260 = vector.extract_strided_slice %select_n3A_48 {offsets = [5376, 0], sizes = [128, 80], strides = [1, 1]} : vector<8192x80xf32> to vector<128x80xf32>
      %dot_general3A_261 = arith.constant dense<0.000000e+00> : vector<1x80xf32>
      %dot_general3A_262 = tpu.matmul %slice3A_259, %slice3A_260, %dot_general3A_261 {dimension_numbers = #tpu.dot_dimension_numbers<[1], [0], [0], [1], [0, 0, 1, 1], [], []>, transpose_lhs_hint = false} : vector<1x128xf32>, vector<128x80xf32>, vector<1x80xf32> -> vector<1x80xf32>
      %add3A_263 = arith.addf %add3A_258, %dot_general3A_262 : vector<1x80xf32>
      %slice3A_264 = vector.extract_strided_slice %select_n3A {offsets = [43, 0], sizes = [1, 128], strides = [1, 1]} : vector<64x128xf32> to vector<1x128xf32>
      %slice3A_265 = vector.extract_strided_slice %select_n3A_48 {offsets = [5504, 0], sizes = [128, 80], strides = [1, 1]} : vector<8192x80xf32> to vector<128x80xf32>
      %dot_general3A_266 = arith.constant dense<0.000000e+00> : vector<1x80xf32>
      %dot_general3A_267 = tpu.matmul %slice3A_264, %slice3A_265, %dot_general3A_266 {dimension_numbers = #tpu.dot_dimension_numbers<[1], [0], [0], [1], [0, 0, 1, 1], [], []>, transpose_lhs_hint = false} : vector<1x128xf32>, vector<128x80xf32>, vector<1x80xf32> -> vector<1x80xf32>
      %add3A_268 = arith.addf %add3A_263, %dot_general3A_267 : vector<1x80xf32>
      %slice3A_269 = vector.extract_strided_slice %select_n3A {offsets = [44, 0], sizes = [1, 128], strides = [1, 1]} : vector<64x128xf32> to vector<1x128xf32>
      %slice3A_270 = vector.extract_strided_slice %select_n3A_48 {offsets = [5632, 0], sizes = [128, 80], strides = [1, 1]} : vector<8192x80xf32> to vector<128x80xf32>
      %dot_general3A_271 = arith.constant dense<0.000000e+00> : vector<1x80xf32>
      %dot_general3A_272 = tpu.matmul %slice3A_269, %slice3A_270, %dot_general3A_271 {dimension_numbers = #tpu.dot_dimension_numbers<[1], [0], [0], [1], [0, 0, 1, 1], [], []>, transpose_lhs_hint = false} : vector<1x128xf32>, vector<128x80xf32>, vector<1x80xf32> -> vector<1x80xf32>
      %add3A_273 = arith.addf %add3A_268, %dot_general3A_272 : vector<1x80xf32>
      %slice3A_274 = vector.extract_strided_slice %select_n3A {offsets = [45, 0], sizes = [1, 128], strides = [1, 1]} : vector<64x128xf32> to vector<1x128xf32>
      %slice3A_275 = vector.extract_strided_slice %select_n3A_48 {offsets = [5760, 0], sizes = [128, 80], strides = [1, 1]} : vector<8192x80xf32> to vector<128x80xf32>
      %dot_general3A_276 = arith.constant dense<0.000000e+00> : vector<1x80xf32>
      %dot_general3A_277 = tpu.matmul %slice3A_274, %slice3A_275, %dot_general3A_276 {dimension_numbers = #tpu.dot_dimension_numbers<[1], [0], [0], [1], [0, 0, 1, 1], [], []>, transpose_lhs_hint = false} : vector<1x128xf32>, vector<128x80xf32>, vector<1x80xf32> -> vector<1x80xf32>
      %add3A_278 = arith.addf %add3A_273, %dot_general3A_277 : vector<1x80xf32>
      %slice3A_279 = vector.extract_strided_slice %select_n3A {offsets = [46, 0], sizes = [1, 128], strides = [1, 1]} : vector<64x128xf32> to vector<1x128xf32>
      %slice3A_280 = vector.extract_strided_slice %select_n3A_48 {offsets = [5888, 0], sizes = [128, 80], strides = [1, 1]} : vector<8192x80xf32> to vector<128x80xf32>
      %dot_general3A_281 = arith.constant dense<0.000000e+00> : vector<1x80xf32>
      %dot_general3A_282 = tpu.matmul %slice3A_279, %slice3A_280, %dot_general3A_281 {dimension_numbers = #tpu.dot_dimension_numbers<[1], [0], [0], [1], [0, 0, 1, 1], [], []>, transpose_lhs_hint = false} : vector<1x128xf32>, vector<128x80xf32>, vector<1x80xf32> -> vector<1x80xf32>
      %add3A_283 = arith.addf %add3A_278, %dot_general3A_282 : vector<1x80xf32>
      %slice3A_284 = vector.extract_strided_slice %select_n3A {offsets = [47, 0], sizes = [1, 128], strides = [1, 1]} : vector<64x128xf32> to vector<1x128xf32>
      %slice3A_285 = vector.extract_strided_slice %select_n3A_48 {offsets = [6016, 0], sizes = [128, 80], strides = [1, 1]} : vector<8192x80xf32> to vector<128x80xf32>
      %dot_general3A_286 = arith.constant dense<0.000000e+00> : vector<1x80xf32>
      %dot_general3A_287 = tpu.matmul %slice3A_284, %slice3A_285, %dot_general3A_286 {dimension_numbers = #tpu.dot_dimension_numbers<[1], [0], [0], [1], [0, 0, 1, 1], [], []>, transpose_lhs_hint = false} : vector<1x128xf32>, vector<128x80xf32>, vector<1x80xf32> -> vector<1x80xf32>
      %add3A_288 = arith.addf %add3A_283, %dot_general3A_287 : vector<1x80xf32>
      %slice3A_289 = vector.extract_strided_slice %select_n3A {offsets = [48, 0], sizes = [1, 128], strides = [1, 1]} : vector<64x128xf32> to vector<1x128xf32>
      %slice3A_290 = vector.extract_strided_slice %select_n3A_48 {offsets = [6144, 0], sizes = [128, 80], strides = [1, 1]} : vector<8192x80xf32> to vector<128x80xf32>
      %dot_general3A_291 = arith.constant dense<0.000000e+00> : vector<1x80xf32>
      %dot_general3A_292 = tpu.matmul %slice3A_289, %slice3A_290, %dot_general3A_291 {dimension_numbers = #tpu.dot_dimension_numbers<[1], [0], [0], [1], [0, 0, 1, 1], [], []>, transpose_lhs_hint = false} : vector<1x128xf32>, vector<128x80xf32>, vector<1x80xf32> -> vector<1x80xf32>
      %add3A_293 = arith.addf %add3A_288, %dot_general3A_292 : vector<1x80xf32>
      %slice3A_294 = vector.extract_strided_slice %select_n3A {offsets = [49, 0], sizes = [1, 128], strides = [1, 1]} : vector<64x128xf32> to vector<1x128xf32>
      %slice3A_295 = vector.extract_strided_slice %select_n3A_48 {offsets = [6272, 0], sizes = [128, 80], strides = [1, 1]} : vector<8192x80xf32> to vector<128x80xf32>
      %dot_general3A_296 = arith.constant dense<0.000000e+00> : vector<1x80xf32>
      %dot_general3A_297 = tpu.matmul %slice3A_294, %slice3A_295, %dot_general3A_296 {dimension_numbers = #tpu.dot_dimension_numbers<[1], [0], [0], [1], [0, 0, 1, 1], [], []>, transpose_lhs_hint = false} : vector<1x128xf32>, vector<128x80xf32>, vector<1x80xf32> -> vector<1x80xf32>
      %add3A_298 = arith.addf %add3A_293, %dot_general3A_297 : vector<1x80xf32>
      %slice3A_299 = vector.extract_strided_slice %select_n3A {offsets = [50, 0], sizes = [1, 128], strides = [1, 1]} : vector<64x128xf32> to vector<1x128xf32>
      %slice3A_300 = vector.extract_strided_slice %select_n3A_48 {offsets = [6400, 0], sizes = [128, 80], strides = [1, 1]} : vector<8192x80xf32> to vector<128x80xf32>
      %dot_general3A_301 = arith.constant dense<0.000000e+00> : vector<1x80xf32>
      %dot_general3A_302 = tpu.matmul %slice3A_299, %slice3A_300, %dot_general3A_301 {dimension_numbers = #tpu.dot_dimension_numbers<[1], [0], [0], [1], [0, 0, 1, 1], [], []>, transpose_lhs_hint = false} : vector<1x128xf32>, vector<128x80xf32>, vector<1x80xf32> -> vector<1x80xf32>
      %add3A_303 = arith.addf %add3A_298, %dot_general3A_302 : vector<1x80xf32>
      %slice3A_304 = vector.extract_strided_slice %select_n3A {offsets = [51, 0], sizes = [1, 128], strides = [1, 1]} : vector<64x128xf32> to vector<1x128xf32>
      %slice3A_305 = vector.extract_strided_slice %select_n3A_48 {offsets = [6528, 0], sizes = [128, 80], strides = [1, 1]} : vector<8192x80xf32> to vector<128x80xf32>
      %dot_general3A_306 = arith.constant dense<0.000000e+00> : vector<1x80xf32>
      %dot_general3A_307 = tpu.matmul %slice3A_304, %slice3A_305, %dot_general3A_306 {dimension_numbers = #tpu.dot_dimension_numbers<[1], [0], [0], [1], [0, 0, 1, 1], [], []>, transpose_lhs_hint = false} : vector<1x128xf32>, vector<128x80xf32>, vector<1x80xf32> -> vector<1x80xf32>
      %add3A_308 = arith.addf %add3A_303, %dot_general3A_307 : vector<1x80xf32>
      %slice3A_309 = vector.extract_strided_slice %select_n3A {offsets = [52, 0], sizes = [1, 128], strides = [1, 1]} : vector<64x128xf32> to vector<1x128xf32>
      %slice3A_310 = vector.extract_strided_slice %select_n3A_48 {offsets = [6656, 0], sizes = [128, 80], strides = [1, 1]} : vector<8192x80xf32> to vector<128x80xf32>
      %dot_general3A_311 = arith.constant dense<0.000000e+00> : vector<1x80xf32>
      %dot_general3A_312 = tpu.matmul %slice3A_309, %slice3A_310, %dot_general3A_311 {dimension_numbers = #tpu.dot_dimension_numbers<[1], [0], [0], [1], [0, 0, 1, 1], [], []>, transpose_lhs_hint = false} : vector<1x128xf32>, vector<128x80xf32>, vector<1x80xf32> -> vector<1x80xf32>
      %add3A_313 = arith.addf %add3A_308, %dot_general3A_312 : vector<1x80xf32>
      %slice3A_314 = vector.extract_strided_slice %select_n3A {offsets = [53, 0], sizes = [1, 128], strides = [1, 1]} : vector<64x128xf32> to vector<1x128xf32>
      %slice3A_315 = vector.extract_strided_slice %select_n3A_48 {offsets = [6784, 0], sizes = [128, 80], strides = [1, 1]} : vector<8192x80xf32> to vector<128x80xf32>
      %dot_general3A_316 = arith.constant dense<0.000000e+00> : vector<1x80xf32>
      %dot_general3A_317 = tpu.matmul %slice3A_314, %slice3A_315, %dot_general3A_316 {dimension_numbers = #tpu.dot_dimension_numbers<[1], [0], [0], [1], [0, 0, 1, 1], [], []>, transpose_lhs_hint = false} : vector<1x128xf32>, vector<128x80xf32>, vector<1x80xf32> -> vector<1x80xf32>
      %add3A_318 = arith.addf %add3A_313, %dot_general3A_317 : vector<1x80xf32>
      %slice3A_319 = vector.extract_strided_slice %select_n3A {offsets = [54, 0], sizes = [1, 128], strides = [1, 1]} : vector<64x128xf32> to vector<1x128xf32>
      %slice3A_320 = vector.extract_strided_slice %select_n3A_48 {offsets = [6912, 0], sizes = [128, 80], strides = [1, 1]} : vector<8192x80xf32> to vector<128x80xf32>
      %dot_general3A_321 = arith.constant dense<0.000000e+00> : vector<1x80xf32>
      %dot_general3A_322 = tpu.matmul %slice3A_319, %slice3A_320, %dot_general3A_321 {dimension_numbers = #tpu.dot_dimension_numbers<[1], [0], [0], [1], [0, 0, 1, 1], [], []>, transpose_lhs_hint = false} : vector<1x128xf32>, vector<128x80xf32>, vector<1x80xf32> -> vector<1x80xf32>
      %add3A_323 = arith.addf %add3A_318, %dot_general3A_322 : vector<1x80xf32>
      %slice3A_324 = vector.extract_strided_slice %select_n3A {offsets = [55, 0], sizes = [1, 128], strides = [1, 1]} : vector<64x128xf32> to vector<1x128xf32>
      %slice3A_325 = vector.extract_strided_slice %select_n3A_48 {offsets = [7040, 0], sizes = [128, 80], strides = [1, 1]} : vector<8192x80xf32> to vector<128x80xf32>
      %dot_general3A_326 = arith.constant dense<0.000000e+00> : vector<1x80xf32>
      %dot_general3A_327 = tpu.matmul %slice3A_324, %slice3A_325, %dot_general3A_326 {dimension_numbers = #tpu.dot_dimension_numbers<[1], [0], [0], [1], [0, 0, 1, 1], [], []>, transpose_lhs_hint = false} : vector<1x128xf32>, vector<128x80xf32>, vector<1x80xf32> -> vector<1x80xf32>
      %add3A_328 = arith.addf %add3A_323, %dot_general3A_327 : vector<1x80xf32>
      %slice3A_329 = vector.extract_strided_slice %select_n3A {offsets = [56, 0], sizes = [1, 128], strides = [1, 1]} : vector<64x128xf32> to vector<1x128xf32>
      %slice3A_330 = vector.extract_strided_slice %select_n3A_48 {offsets = [7168, 0], sizes = [128, 80], strides = [1, 1]} : vector<8192x80xf32> to vector<128x80xf32>
      %dot_general3A_331 = arith.constant dense<0.000000e+00> : vector<1x80xf32>
      %dot_general3A_332 = tpu.matmul %slice3A_329, %slice3A_330, %dot_general3A_331 {dimension_numbers = #tpu.dot_dimension_numbers<[1], [0], [0], [1], [0, 0, 1, 1], [], []>, transpose_lhs_hint = false} : vector<1x128xf32>, vector<128x80xf32>, vector<1x80xf32> -> vector<1x80xf32>
      %add3A_333 = arith.addf %add3A_328, %dot_general3A_332 : vector<1x80xf32>
      %slice3A_334 = vector.extract_strided_slice %select_n3A {offsets = [57, 0], sizes = [1, 128], strides = [1, 1]} : vector<64x128xf32> to vector<1x128xf32>
      %slice3A_335 = vector.extract_strided_slice %select_n3A_48 {offsets = [7296, 0], sizes = [128, 80], strides = [1, 1]} : vector<8192x80xf32> to vector<128x80xf32>
      %dot_general3A_336 = arith.constant dense<0.000000e+00> : vector<1x80xf32>
      %dot_general3A_337 = tpu.matmul %slice3A_334, %slice3A_335, %dot_general3A_336 {dimension_numbers = #tpu.dot_dimension_numbers<[1], [0], [0], [1], [0, 0, 1, 1], [], []>, transpose_lhs_hint = false} : vector<1x128xf32>, vector<128x80xf32>, vector<1x80xf32> -> vector<1x80xf32>
      %add3A_338 = arith.addf %add3A_333, %dot_general3A_337 : vector<1x80xf32>
      %slice3A_339 = vector.extract_strided_slice %select_n3A {offsets = [58, 0], sizes = [1, 128], strides = [1, 1]} : vector<64x128xf32> to vector<1x128xf32>
      %slice3A_340 = vector.extract_strided_slice %select_n3A_48 {offsets = [7424, 0], sizes = [128, 80], strides = [1, 1]} : vector<8192x80xf32> to vector<128x80xf32>
      %dot_general3A_341 = arith.constant dense<0.000000e+00> : vector<1x80xf32>
      %dot_general3A_342 = tpu.matmul %slice3A_339, %slice3A_340, %dot_general3A_341 {dimension_numbers = #tpu.dot_dimension_numbers<[1], [0], [0], [1], [0, 0, 1, 1], [], []>, transpose_lhs_hint = false} : vector<1x128xf32>, vector<128x80xf32>, vector<1x80xf32> -> vector<1x80xf32>
      %add3A_343 = arith.addf %add3A_338, %dot_general3A_342 : vector<1x80xf32>
      %slice3A_344 = vector.extract_strided_slice %select_n3A {offsets = [59, 0], sizes = [1, 128], strides = [1, 1]} : vector<64x128xf32> to vector<1x128xf32>
      %slice3A_345 = vector.extract_strided_slice %select_n3A_48 {offsets = [7552, 0], sizes = [128, 80], strides = [1, 1]} : vector<8192x80xf32> to vector<128x80xf32>
      %dot_general3A_346 = arith.constant dense<0.000000e+00> : vector<1x80xf32>
      %dot_general3A_347 = tpu.matmul %slice3A_344, %slice3A_345, %dot_general3A_346 {dimension_numbers = #tpu.dot_dimension_numbers<[1], [0], [0], [1], [0, 0, 1, 1], [], []>, transpose_lhs_hint = false} : vector<1x128xf32>, vector<128x80xf32>, vector<1x80xf32> -> vector<1x80xf32>
      %add3A_348 = arith.addf %add3A_343, %dot_general3A_347 : vector<1x80xf32>
      %slice3A_349 = vector.extract_strided_slice %select_n3A {offsets = [60, 0], sizes = [1, 128], strides = [1, 1]} : vector<64x128xf32> to vector<1x128xf32>
      %slice3A_350 = vector.extract_strided_slice %select_n3A_48 {offsets = [7680, 0], sizes = [128, 80], strides = [1, 1]} : vector<8192x80xf32> to vector<128x80xf32>
      %dot_general3A_351 = arith.constant dense<0.000000e+00> : vector<1x80xf32>
      %dot_general3A_352 = tpu.matmul %slice3A_349, %slice3A_350, %dot_general3A_351 {dimension_numbers = #tpu.dot_dimension_numbers<[1], [0], [0], [1], [0, 0, 1, 1], [], []>, transpose_lhs_hint = false} : vector<1x128xf32>, vector<128x80xf32>, vector<1x80xf32> -> vector<1x80xf32>
      %add3A_353 = arith.addf %add3A_348, %dot_general3A_352 : vector<1x80xf32>
      %slice3A_354 = vector.extract_strided_slice %select_n3A {offsets = [61, 0], sizes = [1, 128], strides = [1, 1]} : vector<64x128xf32> to vector<1x128xf32>
      %slice3A_355 = vector.extract_strided_slice %select_n3A_48 {offsets = [7808, 0], sizes = [128, 80], strides = [1, 1]} : vector<8192x80xf32> to vector<128x80xf32>
      %dot_general3A_356 = arith.constant dense<0.000000e+00> : vector<1x80xf32>
      %dot_general3A_357 = tpu.matmul %slice3A_354, %slice3A_355, %dot_general3A_356 {dimension_numbers = #tpu.dot_dimension_numbers<[1], [0], [0], [1], [0, 0, 1, 1], [], []>, transpose_lhs_hint = false} : vector<1x128xf32>, vector<128x80xf32>, vector<1x80xf32> -> vector<1x80xf32>
      %add3A_358 = arith.addf %add3A_353, %dot_general3A_357 : vector<1x80xf32>
      %slice3A_359 = vector.extract_strided_slice %select_n3A {offsets = [62, 0], sizes = [1, 128], strides = [1, 1]} : vector<64x128xf32> to vector<1x128xf32>
      %slice3A_360 = vector.extract_strided_slice %select_n3A_48 {offsets = [7936, 0], sizes = [128, 80], strides = [1, 1]} : vector<8192x80xf32> to vector<128x80xf32>
      %dot_general3A_361 = arith.constant dense<0.000000e+00> : vector<1x80xf32>
      %dot_general3A_362 = tpu.matmul %slice3A_359, %slice3A_360, %dot_general3A_361 {dimension_numbers = #tpu.dot_dimension_numbers<[1], [0], [0], [1], [0, 0, 1, 1], [], []>, transpose_lhs_hint = false} : vector<1x128xf32>, vector<128x80xf32>, vector<1x80xf32> -> vector<1x80xf32>
      %add3A_363 = arith.addf %add3A_358, %dot_general3A_362 : vector<1x80xf32>
      %slice3A_364 = vector.extract_strided_slice %select_n3A {offsets = [63, 0], sizes = [1, 128], strides = [1, 1]} : vector<64x128xf32> to vector<1x128xf32>
      %slice3A_365 = vector.extract_strided_slice %select_n3A_48 {offsets = [8064, 0], sizes = [128, 80], strides = [1, 1]} : vector<8192x80xf32> to vector<128x80xf32>
      %dot_general3A_366 = arith.constant dense<0.000000e+00> : vector<1x80xf32>
      %dot_general3A_367 = tpu.matmul %slice3A_364, %slice3A_365, %dot_general3A_366 {dimension_numbers = #tpu.dot_dimension_numbers<[1], [0], [0], [1], [0, 0, 1, 1], [], []>, transpose_lhs_hint = false} : vector<1x128xf32>, vector<128x80xf32>, vector<1x80xf32> -> vector<1x80xf32>
      %add3A_368 = arith.addf %add3A_363, %dot_general3A_367 : vector<1x80xf32>
      %broadcast_in_dim3A_369 = vector.shape_cast %add3A_368 : vector<1x80xf32> to vector<1x1x80xf32>
      %add3A_370 = arith.addf %get3A_24, %broadcast_in_dim3A_369 : vector<1x1x80xf32>
      %swap3A = arith.constant 0 : index
      %swap3A_371 = arith.constant 0 : index
      %swap3A_372 = arith.constant 0 : index
      %swap3A_373 = vector.load %arg4[%swap3A, %swap3A_371, %swap3A_372] : memref<1x1x80xf32, #tpu.memory_space<vmem>>, vector<1x1x80xf32>
      tpu.vector_store %arg4[%swap3A, %swap3A_371, %swap3A_372], %add3A_370 {strides = array<i32>} : memref<1x1x80xf32, #tpu.memory_space<vmem>>, vector<1x1x80xf32>,
    } else {
    }
    return
  }
  func.func @transform_0(%arg0: i32, %arg1: i32) -> (i32, i32, i32) {
    %c0_i32 = arith.constant 0 : i32
    %c0_i32_0 = arith.constant 0 : i32
    return %arg0, %arg1, %c0_i32 : i32, i32, i32
  }
  func.func @transform_1(%arg0: i32, %arg1: i32) -> (i32, i32, i32) {
    %c0_i32 = arith.constant 0 : i32
    %c0_i32_0 = arith.constant 0 : i32
    return %arg0, %arg1, %c0_i32 : i32, i32, i32
  }
  func.func @transform_2(%arg0: i32, %arg1: i32) -> (i32, i32, i32) {
    %c0_i32 = arith.constant 0 : i32
    %c0_i32_0 = arith.constant 0 : i32
    %c0_i32_1 = arith.constant 0 : i32
    return %arg0, %c0_i32, %c0_i32_0 : i32, i32, i32
  }
}

module attributes {stable_mosaic.version = 14 : i64} {
  func.func @_corr_body(%arg0: i32, %arg1: memref<1x384x128xf32, #tpu.memory_space<vmem>>, %arg2: memref<1x384x128xf32, #tpu.memory_space<vmem>>, %arg3: memref<1x1x128xf32, #tpu.memory_space<vmem>>) attributes {dimension_semantics = [#tpu.dimension_semantics<arbitrary>], iteration_bounds = array<i64: 8>, scalar_prefetch = 0 : i64, scratch_operands = 0 : i64, tpu.core_type = #tpu.core_type<tc>, window_params = [{transform_indices = @transform_0, window_bounds = array<i64: 1, 384, 128>}, {transform_indices = @transform_1, window_bounds = array<i64: 1, 384, 128>}, {transform_indices = @transform_2, window_bounds = array<i64: 1, 1, 128>}]} {
    %get3A = arith.constant 0 : index
    %get3A_0 = arith.constant 0 : index
    %get3A_1 = arith.constant 0 : index
    %get3A_2 = vector.load %arg1[%get3A, %get3A_0, %get3A_1] : memref<1x384x128xf32, #tpu.memory_space<vmem>>, vector<1x384x128xf32>
    %get3A_3 = vector.shape_cast %get3A_2 : vector<1x384x128xf32> to vector<384x128xf32>
    %jit3A = arith.constant 9.99999974E-5 : f32
    %jit3A_4 = arith.constant 0.999899983 : f32
    %max3A = vector.broadcast %jit3A : f32 to vector<384x128xf32>
    %max3A_5 = arith.maximumf %max3A, %get3A_3 : vector<384x128xf32>
    %min3A = vector.broadcast %jit3A_4 : f32 to vector<384x128xf32>
    %min3A_6 = arith.minimumf %min3A, %max3A_5 : vector<384x128xf32>
    %get3A_7 = arith.constant 0 : index
    %get3A_8 = arith.constant 0 : index
    %get3A_9 = arith.constant 0 : index
    %get3A_10 = vector.load %arg2[%get3A_7, %get3A_8, %get3A_9] : memref<1x384x128xf32, #tpu.memory_space<vmem>>, vector<1x384x128xf32>
    %get3A_11 = vector.shape_cast %get3A_10 : vector<1x384x128xf32> to vector<384x128xf32>
    %lt3A = arith.constant 1.000000e+02 : f32
    %lt3A_12 = vector.broadcast %lt3A : f32 to vector<384x128xf32>
    %lt3A_13 = arith.cmpf olt, %get3A_11, %lt3A_12 : vector<384x128xf32>
    %log3A = math.log %min3A_6 : vector<384x128xf32>
    %log3A_14 = arith.constant 2.000000e+00 : f32
    %log3A_15 = math.log %log3A_14 : f32
    %div3A = vector.broadcast %log3A_15 : f32 to vector<384x128xf32>
    %div3A_16 = arith.divf %log3A, %div3A : vector<384x128xf32>
    %sub3A = arith.constant 1.000000e+00 : f32
    %sub3A_17 = vector.broadcast %sub3A : f32 to vector<384x128xf32>
    %sub3A_18 = arith.subf %sub3A_17, %min3A_6 : vector<384x128xf32>
    %log3A_19 = math.log %sub3A_18 : vector<384x128xf32>
    %log3A_20 = arith.constant 2.000000e+00 : f32
    %log3A_21 = math.log %log3A_20 : f32
    %div3A_22 = vector.broadcast %log3A_21 : f32 to vector<384x128xf32>
    %div3A_23 = arith.divf %log3A_19, %div3A_22 : vector<384x128xf32>
    %sub3A_24 = arith.constant 1.000000e+00 : f32
    %sub3A_25 = vector.broadcast %sub3A_24 : f32 to vector<384x128xf32>
    %sub3A_26 = arith.subf %sub3A_25, %min3A_6 : vector<384x128xf32>
    %mul3A = arith.constant -0.519860387 : f32
    %mul3A_27 = vector.broadcast %mul3A : f32 to vector<384x128xf32>
    %mul3A_28 = arith.mulf %mul3A_27, %sub3A_26 : vector<384x128xf32>
    %sub3A_29 = arith.constant 1.000000e+00 : f32
    %sub3A_30 = vector.broadcast %sub3A_29 : f32 to vector<384x128xf32>
    %sub3A_31 = arith.subf %sub3A_30, %min3A_6 : vector<384x128xf32>
    %mul3A_32 = arith.mulf %mul3A_28, %sub3A_31 : vector<384x128xf32>
    %mul3A_33 = arith.mulf %mul3A_32, %div3A_16 : vector<384x128xf32>
    %mul3A_34 = arith.constant -0.173286796 : f32
    %mul3A_35 = vector.broadcast %mul3A_34 : f32 to vector<384x128xf32>
    %mul3A_36 = arith.mulf %mul3A_35, %min3A_6 : vector<384x128xf32>
    %mul3A_37 = arith.mulf %mul3A_36, %min3A_6 : vector<384x128xf32>
    %mul3A_38 = arith.mulf %mul3A_37, %div3A_23 : vector<384x128xf32>
    %sub3A_39 = arith.subf %mul3A_33, %mul3A_38 : vector<384x128xf32>
    %jit3A_40 = arith.constant 0.000000e+00 : f32
    %broadcast_in_dim3A = vector.broadcast %jit3A_40 : f32 to vector<384x128xf32>
    %select_n3A = arith.select %lt3A_13, %sub3A_39, %broadcast_in_dim3A : vector<384x128xi1>, vector<384x128xf32>
    %reduce_sum3A = arith.constant dense<0.000000e+00> : vector<128xf32>
    %reduce_sum3A_41 = vector.multi_reduction <add>, %select_n3A, %reduce_sum3A [0] : vector<384x128xf32> to vector<128xf32>
    %broadcast_in_dim3A_42 = vector.shape_cast %reduce_sum3A_41 : vector<128xf32> to vector<1x128xf32>
    %swap3A = arith.constant 0 : index
    %swap3A_43 = arith.constant 0 : index
    %swap3A_44 = arith.constant 0 : index
    %swap3A_45 = vector.load %arg3[%swap3A, %swap3A_43, %swap3A_44] : memref<1x1x128xf32, #tpu.memory_space<vmem>>, vector<1x1x128xf32>
    %swap3A_46 = vector.shape_cast %swap3A_45 : vector<1x1x128xf32> to vector<1x128xf32>
    %swap3A_47 = vector.shape_cast %broadcast_in_dim3A_42 : vector<1x128xf32> to vector<1x1x128xf32>
    tpu.vector_store %arg3[%swap3A, %swap3A_43, %swap3A_44], %swap3A_47 {strides = array<i32>} : memref<1x1x128xf32, #tpu.memory_space<vmem>>, vector<1x1x128xf32>,
    return
  }
  func.func @transform_0(%arg0: i32) -> (i32, i32, i32) {
    %c0_i32 = arith.constant 0 : i32
    %c0_i32_0 = arith.constant 0 : i32
    %c0_i32_1 = arith.constant 0 : i32
    return %arg0, %c0_i32, %c0_i32_0 : i32, i32, i32
  }
  func.func @transform_1(%arg0: i32) -> (i32, i32, i32) {
    %c0_i32 = arith.constant 0 : i32
    %c0_i32_0 = arith.constant 0 : i32
    %c0_i32_1 = arith.constant 0 : i32
    return %arg0, %c0_i32, %c0_i32_0 : i32, i32, i32
  }
  func.func @transform_2(%arg0: i32) -> (i32, i32, i32) {
    %c0_i32 = arith.constant 0 : i32
    %c0_i32_0 = arith.constant 0 : i32
    %c0_i32_1 = arith.constant 0 : i32
    return %arg0, %c0_i32, %c0_i32_0 : i32, i32, i32
  }
}

</mosaic_0001>

<sc_bundles>
// kernel: kernel.6.cloned.1.call-start
scs
__scs_entry_jumppad:
0x0: {  	(pc) =	sbr.rel $0x88, $3  }
0x1: {  	(tag) =	ssettag $0x0;
	lr =	simm.s32 $0x1  }
0x2: {  	[smem:$0x3F9D] =	sst lr;
	_ =	strace $0xD0000000  }
0x3: {  	_ = 	snop  }
0x4: {  	_ = 	snop  }
0x5: {  	_ = 	snop  }
0x6: {  	_ = 	snop  }
0x7: {  	_ = 	snop  }
__scs_overlays_trampoline_lowered:
0x8: {  	[smem:$0x3FAC] =	sst s0  }
0x9: {  	[smem:$0x3FAD] =	sst s1  }
0xa: {  	[smem:$0x3FAE] =	sst s2  }
0xb: {  	[smem:$0x3FAF] =	sst s3  }
0xc: {  	[smem:$0x3FB0] =	sst s4  }
0xd: {  	[smem:$0x3FB1] =	sst s5  }
0xe: {  	[smem:$0x3FB2] =	sst s6  }
0xf: {  	[smem:$0x3FB3] =	sst s7  }
0x10: {  	[smem:$0x3FB4] =	sst s8  }
0x11: {  	[smem:$0x3FB5] =	sst s9;
	s0 =	simm.s32 @!p0 $0x0  }
0x12: {  	s1 =	sld [smem:$0x3F9B];
	s0 =	simm.s32 @p0 $0x1  }
0x13: {  	[smem:$0x3FB6] =	sst s0;
	s0 =	simm.s32 @!p1 $0x0  }
0x14: {  	s2 =	sld [smem:$0x3F9A];
	s0 =	simm.s32 @p1 $0x1  }
0x15: {  	[smem:$0x3FB7] =	sst s0;
	s0 =	simm.s32 @!p2 $0x0  }
0x16: {  	s3 =	sld [smem:$0x3FDB];
	s0 =	simm.s32 @p2 $0x1  }
0x17: {  	s4 =	simm.s32 $0x1BF5;
	[smem:$0x3FB9] =	sst s0  }
0x18: {  	s0 =	sld [smem:$0x3F9C];
	_ =	swait.ge [sflag:s4], $0x0  }
0x19: {  	s7 =	sld [smem:$0x3F9D]  }
0x1a: {  	s8 =	sadd.s32 $0xFFFFE003, lr  }
0x1b: {  	s9 =	sadd.s32 $0xFFFFFEF7, lr;
	s5 =	simm.s32 $0xFFFFFFFF;
	p2 =	slt.u32 s8, $0xFFFFF086  }
0x1c: {  	p1 =	slt.u32 s9, $0xF7A;
	s5 =	simm.s32 @!p2 $0x0  }
0x1d: {  	s5 =	simm.s32 @p1 $0x1;
	p0 =	seq.s32 s7, s2  }
0x1e: {  	s7 =	smul.u32 @!p0 $0xF7A, s2;
	p2 =	seq.s32 @!p0 s5, $0x0  }
0x1f: {  	s9 =	smul.u32 $0xF7A, s1;
	s8 =	simm.s32 @!p0 $0x1BF5;
	p2 =	por !p2, p0  }
0x20: {  	[sflag:s8] =	ssyncset.s32 @!p0 $0xFFFFF086;
	s6 =	sadd.s32 @!p0 s3, s7;
	s7 =	simm.s32 @!p0 $0x108  }
0x21: {  	s3 =	sadd.s32 s3, s9;
	s6 =	sadd.s32 @!p0 $0x88, s6;
	s7 =	simm.s32 @p2 $0x1082  }
0x22: {  	[simem:s7], [sflag:s8] =	dma.local @!p0 [hbm:s6], $0xF7A  }
0x23: {  	s9 =	sor.u32 $0xD0000000, s2;
	s6 =	simm.s32 $0x108;
	_ =	swait.ge @!p0 [sflag:s8], $0x0  }
0x24: {  	s3 =	sadd.s32 $0x88, s3;
	s6 =	simm.s32 @!p1 $0x1082;
	[sflag:s4] =	ssyncset.s32 $0xFFFFF086  }
0x25: {  	[simem:s6], [sflag:s4] =	dma.local [hbm:s3], $0xF7A  }
0x26: {  	[smem:$0x3F9D] =	sst s1;
	(tag) =	ssettag s2;
	_ =	strace s9  }
0x27: {  	s1 =	sld [smem:$0x3FAD]  }
0x28: {  	s2 =	sld [smem:$0x3FAE]  }
0x29: {  	s4 =	sld [smem:$0x3FB0]  }
0x2a: {  	p0 =	seq.s32 s5, $0x0;
	s5 =	sld [smem:$0x3FB1]  }
0x2b: {  	s6 =	sld [smem:$0x3FB2]  }
0x2c: {  	s7 =	sld [smem:$0x3FB3]  }
0x2d: {  	s3 =	simm.s32 $0x108;
	s8 =	sld [smem:$0x3FB4]  }
0x2e: {  	s3 =	simm.s32 @!p0 $0x1082;
	s9 =	sld [smem:$0x3FB5]  }
0x2f: {  	lr =	sadd.s32 s0, s3;
	s0 =	sld [smem:$0x3FAC]  }
0x30: {  	s3 =	sld [smem:$0x3FAF]  }
0x31: {  	[smem:$0x3FB8] =	sst s10  }
0x32: {  	s10 =	sld [smem:$0x3FB6];
	_ =	sdelay $0x3  }
0x33: {  	p0 =	seq.s32 s10, $0x1;
	s10 =	sld [smem:$0x3FB8];
	_ =	sdelay $0x3  }
0x34: {  	[smem:$0x3FB8] =	sst s10  }
0x35: {  	s10 =	sld [smem:$0x3FB7];
	_ =	sdelay $0x3  }
0x36: {  	p1 =	seq.s32 s10, $0x1;
	s10 =	sld [smem:$0x3FB8];
	_ =	sdelay $0x3  }
0x37: {  	[smem:$0x3FB8] =	sst s10  }
0x38: {  	s10 =	sld [smem:$0x3FB9]  }
0x39: {  	_ = 	snop;
	(pc) =	sbr.ind lr, $3  }
0x3a: {  	_ = 	snop  }
0x3b: {  	_ = 	snop  }
0x3c: {  	p2 =	seq.s32 s10, $0x1;
	s10 =	sld [smem:$0x3FB8]  }
0x3d: {  	_ =	shalt  }
0x3e: {  	_ =	shalt  }
0x3f: {  	_ =	shalt  }
0x40: {  	_ =	shalt  }
0x41: {  	_ =	shalt  }
0x42: {  	_ =	shalt  }
0x43: {  	_ =	shalt  }
0x44: {  	_ =	shalt  }
0x45: {  	_ =	shalt  }
0x46: {  	_ =	shalt  }
0x47: {  	_ =	shalt  }
0x48: {  	_ =	shalt  }
0x49: {  	_ =	shalt  }
0x4a: {  	_ =	shalt  }
0x4b: {  	_ =	shalt  }
0x4c: {  	_ =	shalt  }
0x4d: {  	_ =	shalt  }
0x4e: {  	_ =	shalt  }
0x4f: {  	_ =	shalt  }
0x50: {  	_ =	shalt  }
0x51: {  	_ =	shalt  }
0x52: {  	_ =	shalt  }
0x53: {  	_ =	shalt  }
0x54: {  	_ =	shalt  }
0x55: {  	_ =	shalt  }
0x56: {  	_ =	shalt  }
0x57: {  	_ =	shalt  }
0x58: {  	_ =	shalt  }
0x59: {  	_ =	shalt  }
0x5a: {  	_ =	shalt  }
0x5b: {  	_ =	shalt  }
0x5c: {  	_ =	shalt  }
0x5d: {  	_ =	shalt  }
0x5e: {  	_ =	shalt  }
0x5f: {  	_ =	shalt  }
0x60: {  	_ =	shalt  }
0x61: {  	_ =	shalt  }
0x62: {  	_ =	shalt  }
0x63: {  	_ =	shalt  }
0x64: {  	_ =	shalt  }
0x65: {  	_ =	shalt  }
0x66: {  	_ =	shalt  }
0x67: {  	_ =	shalt  }
0x68: {  	_ =	shalt  }
0x69: {  	_ =	shalt  }
0x6a: {  	_ =	shalt  }
0x6b: {  	_ =	shalt  }
0x6c: {  	_ =	shalt  }
0x6d: {  	_ =	shalt  }
0x6e: {  	_ =	shalt  }
0x6f: {  	_ =	shalt  }
0x70: {  	_ =	shalt  }
0x71: {  	_ =	shalt  }
0x72: {  	_ =	shalt  }
0x73: {  	_ =	shalt  }
0x74: {  	_ =	shalt  }
0x75: {  	_ =	shalt  }
0x76: {  	_ =	shalt  }
0x77: {  	_ =	shalt  }
0x78: {  	_ =	shalt  }
0x79: {  	_ =	shalt  }
0x7a: {  	_ =	shalt  }
0x7b: {  	_ =	shalt  }
0x7c: {  	_ =	shalt  }
0x7d: {  	_ =	shalt  }
0x7e: {  	_ =	shalt  }
0x7f: {  	_ =	shalt  }
0x80: {  	_ =	shalt  }
0x81: {  	_ =	shalt  }
0x82: {  	_ =	shalt  }
0x83: {  	_ =	shalt  }
0x84: {  	_ =	shalt  }
0x85: {  	_ =	shalt  }
0x86: {  	_ =	shalt  }
0x87: {  	_ =	shalt  }
.Lfunc_end0:
.L_simem_size_0:
called_computation_lowered:
.L_overlay_start_0:
0x88: {  	s2 =	sld [smem:$0x3FD9]  }
0x89: {  	s3 =	sld [smem:$0x3FFE];
	_ =	sdelay $0x1  }
0x8a: {  	s1 =	srdreg.scid  }
0x8b: {  	s0 =	sand.u32 $0x1, s1  }
0x8c: {  	s16 =	sshll.u32 s0, $0xA;
	s2 =	sadd.s32 s3, s2  }
0x8d: {  	s2 =	sadd.s32 s2, s16  }
0x8e: {  	[smem:$0x3FC4] =	sst s2  }
0x8f: {  	_ = 	snop  }
0x90: {  	(tm) =	ssettm $0x1  }
0x91: {  	s17 =	sld [smem:$0x3FFB];
	_ =	sdelay $0x3  }
0x92: {  	_ =	strace s17  }
0x93: {  	s2 =	sld [smem:$0x3FFC];
	_ =	sdelay $0x3  }
0x94: {  	_ =	strace s2  }
0x95: {  	s2 =	sld [smem:$0x3FFD];
	_ =	sdelay $0x3  }
0x96: {  	_ =	strace s2  }
0x97: {  	_ =	strace $0x8FFFFFFF  }
0x98: {  	s18 =	sld [smem:$0x3FDB];
	_ =	sdelay $0x1  }
0x99: {  	s19 =	simm.s32 $_scs_section_size  }
0x9a: {  	s4 =	simm.s32 $_size__tile_overlayer_lowered;
	s5 =	simm.s32 $_tile_overlayer_lowered  }
0x9b: {  	s22 =	simm.s32 $0x1BFF;
	s21 =	sshll.u32 s5, $0x1;
	s2 =	sadd.s32 s19, s18  }
0x9c: {  	s6 =	simm.s32 $0x0;
	s20 =	sshll.u32 s4, $0x1;
	s4 =	sadd.s32 s21, s2  }
0x9d: {  	[timem:s6], [sflag:s22] =	dma.local [hbm:s4], s20  }
0x9e: {  	_ =	swait.ge [sflag:s22], s20  }
0x9f: {  	s3 =	ssub.s32 $0x0, s20;
	[sflag:s22] =	ssyncset.done $0x0  }
0xa0: {  	[sflag:s22] =	ssyncadd.s32 s3;
	_ =	sdelay $0x1  }
0xa1: {  	s23 =	simm.s32 $0x1B8B  }
0xa2: {  	_ =	swait.ge [sflag:s23], $0x1  }
0xa3: {  	[sflag:s23] =	ssyncset.done $0x0  }
0xa4: {  	s25 =	simm.s32 $0x1B8E;
	s24 =	sld [smem:$0x3FFE];
	[sflag:s23] =	ssyncadd.s32 $0xFFFFFFFF  }
0xa5: {  	s26 =	simm.s32 $execute0_lowered;
	[smem:$0x3FD2] =	sst s25  }
0xa6: {  	s4 =	sshll.u32 s26, $0x1;
	_ =	strace $0x80000046;
	[dreg:$0x1] =	wrdreg $0xFFFFFFFF  }
0xa7: {  	s28 =	simm.s32 $_size_execute0_lowered;
	s2 =	sadd.s32 s2, s4;
	[dreg:$0x0] =	wrdreg $0x0  }
0xa8: {  	s4 =	sshll.u32 s28, $0x1;
	[dreg:$0x2] =	wrdreg s2  }
0xa9: {  	[dreg:$0x3] =	wrdreg s4  }
0xaa: {  	[dreg:$0x4] =	wrdreg $0xC0  }
0xab: {  	_ =	task [dreg:s6], $0x5FFFF  }
0xac: {  	[dreg:$0x1] =	wrdreg $0xFFFFFFFF  }
0xad: {  	[dreg:$0x0] =	wrdreg $0x60  }
0xae: {  	[dreg:$0x2] =	wrdreg s24  }
0xaf: {  	[dreg:$0x3] =	wrdreg $0x9  }
0xb0: {  	_ =	task.clear_ibuf [dreg:s6], $0x4FFFF;
	_ =	strace $0x90000046  }
0xb1: {  	s29 =	simm.s32 $0x9;
	_ =	strace $0x80000048  }
0xb2: {  	_ =	swait.ge [sflag:s29], $0x1  }
0xb3: {  	[sflag:s29] =	ssyncadd.s32 $0xFFFFFFFF  }
0xb4: {  	_ =	strace $0x90000048  }
0xb5: {  	_ =	sfence  }
0xb6: {  	s30 =	sld [smem:$0x0];
	_ =	sdelay $0x2  }
0xb7: {  	s31 =	sshll.u32 s1, $0xD;
	s1 =	sshrl.u32 s1, $0x2  }
0xb8: {  	s3 =	sand.u32 $0x4000, s31;
	s1 =	sadd.s32 s1, s30  }
0xb9: {  	s0 =	sor.u32 s3, s0;
	s1 =	sshll.u32 s1, $0x11  }
0xba: {  	s0 =	sor.u32 s1, s0  }
0xbb: {  	s0 =	sadd.s32 $0x8F2B, s0  }
0xbc: {  	[sflag:s0] =	ssyncadd.remote.s32 $0x1  }
0xbd: {  	_ =	sfence.sel $0xFFFF  }
0xbe: {  	[dreg:$0x0] =	wrdreg $0xFFFFFFFF;
	(pc) =	sbr.abs _section_cstart, $3  }
0xbf: {  	[dreg:$0x1] =	wrdreg $0xFFFFFFFF  }
0xc0: {  	_ =	task.clear_ibuf [dreg:s6], $0x2FFFF;
	_ =	strace $0x9FFFFFFF  }
0xc1: {  	(tm) =	ssettm $0x7FFFFFFF  }
tec
execute0_lowered:
.L_overlay_start_1:
0x0: {  	(tag) =	ssettag $0x1  }
0x1: {  	s4 =	rddreg [dreg:$0x0]  }
0x2: {  	s0 =	rddreg [dreg:$0x1];
	s2 =	simm.s32 $0x0;
	s3 =	srdreg.scid  }
0x3: {  	s1 =	stileid.u32;
	s23 =	simm.s32 $0x1;
	s24 =	simm.s32 $0x600  }
0x4: {  	s25 =	simm.s32 $0x0;
	s5 =	sand.u32 $0x1, s3;
	s30 =	sshll.u32 s1, $0x1  }
0x5: {  	[smem:$0x7FF] =	sst s2;
	s3 =	sadd.s32 $0x616A00, s4;
	s6 =	sor.u32 s5, s30  }
0x6: {  	s18 =	sadd.s32 $0xC200, s4;
	s5 =	ssub.s32 $0x2, s5;
	s17 =	smul.u32 $0x600, s6  }
0x7: {  	s19 =	sadd.s32 $0x9D5C00, s4;
	_ =	strace $0x80000047;
	s31 =	sshrl.u32 s5, $0x1  }
0x8: {  	s20 =	ssub.s32 s5, s31;
	s4 =	sadd.s32 s18, s17;
	s7 =	sor.u32 $0x10, s17  }
0x9: {  	s5 =	sadd.s32 s19, s17;
	s9 =	sor.u32 $0x20, s17;
	s11 =	sor.u32 $0x30, s17  }
0xa: {  	s13 =	sor.u32 $0x40, s17;
	s15 =	sor.u32 $0x50, s17;
	s21 =	sor.u32 $0x60, s17  }
0xb: {  	s22 =	sor.u32 $0x70, s17;
	s20 =	smax.u32 s20, $0x1;
	s6 =	sadd.s32 s18, s7  }
0xc: {  	s7 =	sadd.s32 s19, s7;
	s8 =	sadd.s32 s18, s9;
	s9 =	sadd.s32 s19, s9  }
0xd: {  	s10 =	sadd.s32 s18, s11;
	s11 =	sadd.s32 s19, s11;
	s12 =	sadd.s32 s18, s13  }
0xe: {  	s13 =	sadd.s32 s19, s13;
	s14 =	sadd.s32 s18, s15;
	s15 =	sadd.s32 s19, s15  }
0xf: {  	s16 =	sadd.s32 s18, s21;
	s17 =	sadd.s32 s19, s21;
	s18 =	sadd.s32 s18, s22  }
0x10: {  	vm0 =	vmmov $0xffff;
	s19 =	sadd.s32 s19, s22;
	s21 =	simm.s32 $0x80;
	s22 =	simm.s32 $0x400  }
.LBB2_1:
0x11: {  	[tilespmem:s2], [sflag:$0x1] =	stream.strided.gather [hbm4b:s4+s21], $0x600, s22, s21, $0x38;
	[tilespmem:$0xC00] =	vst v63  }
0x12: {  	_ =	swait.ge [sflag:s23], $0x600  }
0x13: {  	[sflag:s23] =	ssyncset.done $0x0  }
0x14: {  	s26 =	simm.s32 $0x0;
	[sflag:s23] =	ssyncadd.s32 $0xFFFFFA00  }
0x15: {  	v0 =	vld [tilespmem:s26+$0x0];
	_ =	sdelay $0x4  }
0x16: {  	vm1 =	vgt.s32 v0, $0x0  }
0x17: {  	v0 =	vnsel vm1, $0x0, v0  }
0x18: {  	v1 =	vshrl.u32 v0, $0x7  }
0x19: {  	v1 =	vmul.u32 $0x50, v1  }
0x1a: {  	v0 =	vand.u32 $0x7F, v0  }
0x1b: {  	v0 =	vadd.s32 v0, v1;
	_ =	sdelay $0x3  }
0x1c: {  	s31 =	simm.s32 $0x600  }
0x1d: {  	[tilespmem:s31], [sflag:$0x1] =	stream.indirect_vreg.gather [hbm4b:s3+s2], $0x1, v0, vm0, $0xb8;
	[tilespmem:$0xC00] =	vst v63  }
0x1e: {  	_ =	swait.ge [sflag:s23], $0x10  }
0x1f: {  	s28 =	simm.s32 $0x80;
	s26 =	simm.s32 $0x40;
	[sflag:s23] =	ssyncset.done $0x0  }
.LBB2_2:
0x20: {  	s29 =	sshra.s32 s26, $0x2  }
0x21: {  	[sflag:s23] =	ssyncadd.s32 $0xFFFFFFF0;
	s26 =	smov.u32 s28;
	s30 =	sadd.s32 $0x40, s28  }
0x22: {  	p0 =	sne.s32 s28, $0x17C0;
	v0 =	vld [tilespmem:s29+$0x0];
	_ =	sdelay $0x4  }
0x23: {  	vm1 =	vgt.s32 v0, $0x0  }
0x24: {  	v0 =	vnsel vm1, $0x0, v0  }
0x25: {  	v1 =	vshrl.u32 v0, $0x7  }
0x26: {  	v1 =	vmul.u32 $0x50, v1  }
0x27: {  	v0 =	vand.u32 $0x7F, v0  }
0x28: {  	v0 =	vadd.s32 v0, v1;
	_ =	sdelay $0x2  }
.Ltmp0:
0x29: {  	(pc) =	sbr.rel @p0 .LBB2_2-.Ltmp0, $4  }
0x2a: {  	s28 =	sadd.s32 $0x600, s29  }
0x2b: {  	[tilespmem:s28], [sflag:$0x1] =	stream.indirect_vreg.gather [hbm4b:s3+s2], $0x1, v0, vm0, $0xb8;
	[tilespmem:$0xC00] =	vst v63  }
0x2c: {  	_ =	swait.ge [sflag:s23], $0x10  }
0x2d: {  	s28 =	smov.u32 s30;
	[sflag:s23] =	ssyncset.done $0x0  }
0x2e: {  	s26 =	sshra.s32 s26, $0x2;
	[sflag:s23] =	ssyncadd.s32 $0xFFFFFFF0  }
0x2f: {  	v0 =	vld [tilespmem:s26+$0x0];
	_ =	sdelay $0x4  }
0x30: {  	vm1 =	vgt.s32 v0, $0x0  }
0x31: {  	v0 =	vnsel vm1, $0x0, v0  }
0x32: {  	v1 =	vshrl.u32 v0, $0x7  }
0x33: {  	v1 =	vmul.u32 $0x50, v1  }
0x34: {  	v0 =	vand.u32 $0x7F, v0  }
0x35: {  	v0 =	vadd.s32 v0, v1;
	_ =	sdelay $0x3  }
0x36: {  	s26 =	sadd.s32 $0x600, s26  }
0x37: {  	[tilespmem:s26], [sflag:$0x1] =	stream.indirect_vreg.gather [hbm4b:s3+s2], $0x1, v0, vm0, $0xb8;
	[tilespmem:$0xC00] =	vst v63  }
0x38: {  	_ =	swait.ge [sflag:s23], $0x10  }
0x39: {  	[sflag:s23] =	ssyncset.done $0x0  }
0x3a: {  	[sflag:s23] =	ssyncadd.s32 $0xFFFFFFF0  }
0x3b: {  	[hbm4b:s5+s21] =	stream.strided.scatter [tilespmem:s24], [sflag:$0x1], $0x600, s22, s21, $0x38;
	[tilespmem:$0xC00] =	vst v63  }
0x3c: {  	_ =	swait.ge [sflag:s23], $0x600  }
0x3d: {  	[sflag:s23] =	ssyncset.done $0x0  }
0x3e: {  	s29 =	simm.s32 $0x0;
	[sflag:s23] =	ssyncadd.s32 $0xFFFFFA00  }
0x3f: {  	[tilespmem:s29], [sflag:$0x1] =	stream.strided.gather [hbm4b:s6+s21], $0x600, s22, s21, $0x38;
	[tilespmem:$0xC00] =	vst v63  }
0x40: {  	_ =	swait.ge [sflag:s23], $0x600  }
0x41: {  	[sflag:s23] =	ssyncset.done $0x0  }
0x42: {  	s30 =	simm.s32 $0x0;
	[sflag:s23] =	ssyncadd.s32 $0xFFFFFA00  }
0x43: {  	v62 =	vld [tilespmem:s30+$0x0];
	_ =	sdelay $0x4  }
0x44: {  	vm1 =	vgt.s32 v62, $0x0  }
0x45: {  	v0 =	vnsel vm1, $0x0, v62  }
0x46: {  	v63 =	vshrl.u32 v0, $0x7  }
0x47: {  	v1 =	vmul.u32 $0x50, v63  }
0x48: {  	v0 =	vand.u32 $0x7F, v0  }
0x49: {  	v0 =	vadd.s32 v0, v1  }
0x4a: {  	v0 =	vadd.s32 $0x3BF100, v0;
	_ =	sdelay $0x3  }
0x4b: {  	s31 =	simm.s32 $0x600  }
0x4c: {  	[tilespmem:s31], [sflag:$0x1] =	stream.indirect_vreg.gather [hbm4b:s3+s2], $0x1, v0, vm0, $0xb8;
	[tilespmem:$0xC00] =	vst v63  }
0x4d: {  	_ =	swait.ge [sflag:s23], $0x10  }
0x4e: {  	s28 =	simm.s32 $0x80;
	s26 =	simm.s32 $0x40;
	[sflag:s23] =	ssyncset.done $0x0  }
.LBB2_4:
0x4f: {  	s29 =	sshra.s32 s26, $0x2  }
0x50: {  	[sflag:s23] =	ssyncadd.s32 $0xFFFFFFF0;
	s26 =	smov.u32 s28;
	s30 =	sadd.s32 $0x40, s28  }
0x51: {  	p0 =	sne.s32 s28, $0x17C0;
	v0 =	vld [tilespmem:s29+$0x0];
	_ =	sdelay $0x4  }
0x52: {  	vm1 =	vgt.s32 v0, $0x0  }
0x53: {  	v0 =	vnsel vm1, $0x0, v0  }
0x54: {  	v1 =	vshrl.u32 v0, $0x7  }
0x55: {  	v1 =	vmul.u32 $0x50, v1  }
0x56: {  	v0 =	vand.u32 $0x7F, v0  }
0x57: {  	v0 =	vadd.s32 v0, v1  }
0x58: {  	v0 =	vadd.s32 $0x3BF100, v0;
	_ =	sdelay $0x2  }
.Ltmp1:
0x59: {  	(pc) =	sbr.rel @p0 .LBB2_4-.Ltmp1, $4  }
0x5a: {  	s28 =	sadd.s32 $0x600, s29  }
0x5b: {  	[tilespmem:s28], [sflag:$0x1] =	stream.indirect_vreg.gather [hbm4b:s3+s2], $0x1, v0, vm0, $0xb8;
	[tilespmem:$0xC00] =	vst v63  }
0x5c: {  	_ =	swait.ge [sflag:s23], $0x10  }
0x5d: {  	s28 =	smov.u32 s30;
	[sflag:s23] =	ssyncset.done $0x0  }
0x5e: {  	s26 =	sshra.s32 s26, $0x2;
	[sflag:s23] =	ssyncadd.s32 $0xFFFFFFF0  }
0x5f: {  	v0 =	vld [tilespmem:s26+$0x0];
	_ =	sdelay $0x4  }
0x60: {  	vm1 =	vgt.s32 v0, $0x0  }
0x61: {  	v0 =	vnsel vm1, $0x0, v0  }
0x62: {  	v1 =	vshrl.u32 v0, $0x7  }
0x63: {  	v1 =	vmul.u32 $0x50, v1  }
0x64: {  	v0 =	vand.u32 $0x7F, v0  }
0x65: {  	v0 =	vadd.s32 v0, v1  }
0x66: {  	v0 =	vadd.s32 $0x3BF100, v0;
	_ =	sdelay $0x3  }
0x67: {  	s26 =	sadd.s32 $0x600, s26  }
0x68: {  	[tilespmem:s26], [sflag:$0x1] =	stream.indirect_vreg.gather [hbm4b:s3+s2], $0x1, v0, vm0, $0xb8;
	[tilespmem:$0xC00] =	vst v63  }
0x69: {  	_ =	swait.ge [sflag:s23], $0x10  }
0x6a: {  	[sflag:s23] =	ssyncset.done $0x0  }
0x6b: {  	[sflag:s23] =	ssyncadd.s32 $0xFFFFFFF0  }
0x6c: {  	[hbm4b:s7+s21] =	stream.strided.scatter [tilespmem:s24], [sflag:$0x1], $0x600, s22, s21, $0x38;
	[tilespmem:$0xC00] =	vst v63  }
0x6d: {  	_ =	swait.ge [sflag:s23], $0x600  }
0x6e: {  	[sflag:s23] =	ssyncset.done $0x0  }
0x6f: {  	s29 =	simm.s32 $0x0;
	[sflag:s23] =	ssyncadd.s32 $0xFFFFFA00  }
0x70: {  	[tilespmem:s29], [sflag:$0x1] =	stream.strided.gather [hbm4b:s8+s21], $0x600, s22, s21, $0x38;
	[tilespmem:$0xC00] =	vst v63  }
0x71: {  	_ =	swait.ge [sflag:s23], $0x600  }
0x72: {  	[sflag:s23] =	ssyncset.done $0x0  }
0x73: {  	s30 =	simm.s32 $0x0;
	[sflag:s23] =	ssyncadd.s32 $0xFFFFFA00  }
0x74: {  	v62 =	vld [tilespmem:s30+$0x0];
	_ =	sdelay $0x4  }
0x75: {  	vm1 =	vgt.s32 v62, $0x0  }
0x76: {  	v0 =	vnsel vm1, $0x0, v62  }
0x77: {  	v63 =	vshrl.u32 v0, $0x7  }
0x78: {  	v1 =	vmul.u32 $0x50, v63  }
0x79: {  	v0 =	vand.u32 $0x7F, v0  }
0x7a: {  	v0 =	vadd.s32 v0, v1  }
0x7b: {  	v0 =	vadd.s32 $0x77E200, v0;
	_ =	sdelay $0x3  }
0x7c: {  	s31 =	simm.s32 $0x600  }
0x7d: {  	[tilespmem:s31], [sflag:$0x1] =	stream.indirect_vreg.gather [hbm4b:s3+s2], $0x1, v0, vm0, $0xb8;
	[tilespmem:$0xC00] =	vst v63  }
0x7e: {  	_ =	swait.ge [sflag:s23], $0x10  }
0x7f: {  	s28 =	simm.s32 $0x80;
	s26 =	simm.s32 $0x40;
	[sflag:s23] =	ssyncset.done $0x0  }
.LBB2_6:
0x80: {  	s29 =	sshra.s32 s26, $0x2  }
0x81: {  	[sflag:s23] =	ssyncadd.s32 $0xFFFFFFF0;
	s26 =	smov.u32 s28;
	s30 =	sadd.s32 $0x40, s28  }
0x82: {  	p0 =	sne.s32 s28, $0x17C0;
	v0 =	vld [tilespmem:s29+$0x0];
	_ =	sdelay $0x4  }
0x83: {  	vm1 =	vgt.s32 v0, $0x0  }
0x84: {  	v0 =	vnsel vm1, $0x0, v0  }
0x85: {  	v1 =	vshrl.u32 v0, $0x7  }
0x86: {  	v1 =	vmul.u32 $0x50, v1  }
0x87: {  	v0 =	vand.u32 $0x7F, v0  }
0x88: {  	v0 =	vadd.s32 v0, v1  }
0x89: {  	v0 =	vadd.s32 $0x77E200, v0;
	_ =	sdelay $0x2  }
.Ltmp2:
0x8a: {  	(pc) =	sbr.rel @p0 .LBB2_6-.Ltmp2, $4  }
0x8b: {  	s28 =	sadd.s32 $0x600, s29  }
0x8c: {  	[tilespmem:s28], [sflag:$0x1] =	stream.indirect_vreg.gather [hbm4b:s3+s2], $0x1, v0, vm0, $0xb8;
	[tilespmem:$0xC00] =	vst v63  }
0x8d: {  	_ =	swait.ge [sflag:s23], $0x10  }
0x8e: {  	s28 =	smov.u32 s30;
	[sflag:s23] =	ssyncset.done $0x0  }
0x8f: {  	s26 =	sshra.s32 s26, $0x2;
	[sflag:s23] =	ssyncadd.s32 $0xFFFFFFF0  }
0x90: {  	v0 =	vld [tilespmem:s26+$0x0];
	_ =	sdelay $0x4  }
0x91: {  	vm1 =	vgt.s32 v0, $0x0  }
0x92: {  	v0 =	vnsel vm1, $0x0, v0  }
0x93: {  	v1 =	vshrl.u32 v0, $0x7  }
0x94: {  	v1 =	vmul.u32 $0x50, v1  }
0x95: {  	v0 =	vand.u32 $0x7F, v0  }
0x96: {  	v0 =	vadd.s32 v0, v1  }
0x97: {  	v0 =	vadd.s32 $0x77E200, v0;
	_ =	sdelay $0x3  }
0x98: {  	s26 =	sadd.s32 $0x600, s26  }
0x99: {  	[tilespmem:s26], [sflag:$0x1] =	stream.indirect_vreg.gather [hbm4b:s3+s2], $0x1, v0, vm0, $0xb8;
	[tilespmem:$0xC00] =	vst v63  }
0x9a: {  	_ =	swait.ge [sflag:s23], $0x10  }
0x9b: {  	[sflag:s23] =	ssyncset.done $0x0  }
0x9c: {  	[sflag:s23] =	ssyncadd.s32 $0xFFFFFFF0  }
0x9d: {  	[hbm4b:s9+s21] =	stream.strided.scatter [tilespmem:s24], [sflag:$0x1], $0x600, s22, s21, $0x38;
	[tilespmem:$0xC00] =	vst v63  }
0x9e: {  	_ =	swait.ge [sflag:s23], $0x600  }
0x9f: {  	[sflag:s23] =	ssyncset.done $0x0  }
0xa0: {  	s29 =	simm.s32 $0x0;
	[sflag:s23] =	ssyncadd.s32 $0xFFFFFA00  }
0xa1: {  	[tilespmem:s29], [sflag:$0x1] =	stream.strided.gather [hbm4b:s10+s21], $0x600, s22, s21, $0x38;
	[tilespmem:$0xC00] =	vst v63  }
0xa2: {  	_ =	swait.ge [sflag:s23], $0x600  }
0xa3: {  	[sflag:s23] =	ssyncset.done $0x0  }
0xa4: {  	s30 =	simm.s32 $0x0;
	[sflag:s23] =	ssyncadd.s32 $0xFFFFFA00  }
0xa5: {  	v62 =	vld [tilespmem:s30+$0x0];
	_ =	sdelay $0x4  }
0xa6: {  	vm1 =	vgt.s32 v62, $0x0  }
0xa7: {  	v0 =	vnsel vm1, $0x0, v62  }
0xa8: {  	v63 =	vshrl.u32 v0, $0x7  }
0xa9: {  	v1 =	vmul.u32 $0x50, v63  }
0xaa: {  	v0 =	vand.u32 $0x7F, v0  }
0xab: {  	v0 =	vadd.s32 v0, v1  }
0xac: {  	v0 =	vadd.s32 $0xB3D300, v0;
	_ =	sdelay $0x3  }
0xad: {  	s31 =	simm.s32 $0x600  }
0xae: {  	[tilespmem:s31], [sflag:$0x1] =	stream.indirect_vreg.gather [hbm4b:s3+s2], $0x1, v0, vm0, $0xb8;
	[tilespmem:$0xC00] =	vst v63  }
0xaf: {  	_ =	swait.ge [sflag:s23], $0x10  }
0xb0: {  	s28 =	simm.s32 $0x80;
	s26 =	simm.s32 $0x40;
	[sflag:s23] =	ssyncset.done $0x0  }
.LBB2_8:
0xb1: {  	s29 =	sshra.s32 s26, $0x2  }
0xb2: {  	[sflag:s23] =	ssyncadd.s32 $0xFFFFFFF0;
	s26 =	smov.u32 s28;
	s30 =	sadd.s32 $0x40, s28  }
0xb3: {  	p0 =	sne.s32 s28, $0x17C0;
	v0 =	vld [tilespmem:s29+$0x0];
	_ =	sdelay $0x4  }
0xb4: {  	vm1 =	vgt.s32 v0, $0x0  }
0xb5: {  	v0 =	vnsel vm1, $0x0, v0  }
0xb6: {  	v1 =	vshrl.u32 v0, $0x7  }
0xb7: {  	v1 =	vmul.u32 $0x50, v1  }
0xb8: {  	v0 =	vand.u32 $0x7F, v0  }
0xb9: {  	v0 =	vadd.s32 v0, v1  }
0xba: {  	v0 =	vadd.s32 $0xB3D300, v0;
	_ =	sdelay $0x2  }
.Ltmp3:
0xbb: {  	(pc) =	sbr.rel @p0 .LBB2_8-.Ltmp3, $4  }
0xbc: {  	s28 =	sadd.s32 $0x600, s29  }
0xbd: {  	[tilespmem:s28], [sflag:$0x1] =	stream.indirect_vreg.gather [hbm4b:s3+s2], $0x1, v0, vm0, $0xb8;
	[tilespmem:$0xC00] =	vst v63  }
0xbe: {  	_ =	swait.ge [sflag:s23], $0x10  }
0xbf: {  	s28 =	smov.u32 s30;
	[sflag:s23] =	ssyncset.done $0x0  }
0xc0: {  	s26 =	sshra.s32 s26, $0x2;
	[sflag:s23] =	ssyncadd.s32 $0xFFFFFFF0  }
0xc1: {  	v0 =	vld [tilespmem:s26+$0x0];
	_ =	sdelay $0x4  }
0xc2: {  	vm1 =	vgt.s32 v0, $0x0  }
0xc3: {  	v0 =	vnsel vm1, $0x0, v0  }
0xc4: {  	v1 =	vshrl.u32 v0, $0x7  }
0xc5: {  	v1 =	vmul.u32 $0x50, v1  }
0xc6: {  	v0 =	vand.u32 $0x7F, v0  }
0xc7: {  	v0 =	vadd.s32 v0, v1  }
0xc8: {  	v0 =	vadd.s32 $0xB3D300, v0;
	_ =	sdelay $0x3  }
0xc9: {  	s26 =	sadd.s32 $0x600, s26  }
0xca: {  	[tilespmem:s26], [sflag:$0x1] =	stream.indirect_vreg.gather [hbm4b:s3+s2], $0x1, v0, vm0, $0xb8;
	[tilespmem:$0xC00] =	vst v63  }
0xcb: {  	_ =	swait.ge [sflag:s23], $0x10  }
0xcc: {  	[sflag:s23] =	ssyncset.done $0x0  }
0xcd: {  	[sflag:s23] =	ssyncadd.s32 $0xFFFFFFF0  }
0xce: {  	[hbm4b:s11+s21] =	stream.strided.scatter [tilespmem:s24], [sflag:$0x1], $0x600, s22, s21, $0x38;
	[tilespmem:$0xC00] =	vst v63  }
0xcf: {  	_ =	swait.ge [sflag:s23], $0x600  }
0xd0: {  	[sflag:s23] =	ssyncset.done $0x0  }
0xd1: {  	s29 =	simm.s32 $0x0;
	[sflag:s23] =	ssyncadd.s32 $0xFFFFFA00  }
0xd2: {  	[tilespmem:s29], [sflag:$0x1] =	stream.strided.gather [hbm4b:s12+s21], $0x600, s22, s21, $0x38;
	[tilespmem:$0xC00] =	vst v63  }
0xd3: {  	_ =	swait.ge [sflag:s23], $0x600  }
0xd4: {  	[sflag:s23] =	ssyncset.done $0x0  }
0xd5: {  	s30 =	simm.s32 $0x0;
	[sflag:s23] =	ssyncadd.s32 $0xFFFFFA00  }
0xd6: {  	v62 =	vld [tilespmem:s30+$0x0];
	_ =	sdelay $0x4  }
0xd7: {  	vm1 =	vgt.s32 v62, $0x0  }
0xd8: {  	v0 =	vnsel vm1, $0x0, v62  }
0xd9: {  	v63 =	vshrl.u32 v0, $0x7  }
0xda: {  	v1 =	vmul.u32 $0x50, v63  }
0xdb: {  	v0 =	vand.u32 $0x7F, v0  }
0xdc: {  	v0 =	vadd.s32 v0, v1  }
0xdd: {  	v0 =	vadd.s32 $0xEFC400, v0;
	_ =	sdelay $0x3  }
0xde: {  	s31 =	simm.s32 $0x600  }
0xdf: {  	[tilespmem:s31], [sflag:$0x1] =	stream.indirect_vreg.gather [hbm4b:s3+s2], $0x1, v0, vm0, $0xb8;
	[tilespmem:$0xC00] =	vst v63  }
0xe0: {  	_ =	swait.ge [sflag:s23], $0x10  }
0xe1: {  	s28 =	simm.s32 $0x80;
	s26 =	simm.s32 $0x40;
	[sflag:s23] =	ssyncset.done $0x0  }
.LBB2_10:
0xe2: {  	s29 =	sshra.s32 s26, $0x2  }
0xe3: {  	[sflag:s23] =	ssyncadd.s32 $0xFFFFFFF0;
	s26 =	smov.u32 s28;
	s30 =	sadd.s32 $0x40, s28  }
0xe4: {  	p0 =	sne.s32 s28, $0x17C0;
	v0 =	vld [tilespmem:s29+$0x0];
	_ =	sdelay $0x4  }
0xe5: {  	vm1 =	vgt.s32 v0, $0x0  }
0xe6: {  	v0 =	vnsel vm1, $0x0, v0  }
0xe7: {  	v1 =	vshrl.u32 v0, $0x7  }
0xe8: {  	v1 =	vmul.u32 $0x50, v1  }
0xe9: {  	v0 =	vand.u32 $0x7F, v0  }
0xea: {  	v0 =	vadd.s32 v0, v1  }
0xeb: {  	v0 =	vadd.s32 $0xEFC400, v0;
	_ =	sdelay $0x2  }
.Ltmp4:
0xec: {  	(pc) =	sbr.rel @p0 .LBB2_10-.Ltmp4, $4  }
0xed: {  	s28 =	sadd.s32 $0x600, s29  }
0xee: {  	[tilespmem:s28], [sflag:$0x1] =	stream.indirect_vreg.gather [hbm4b:s3+s2], $0x1, v0, vm0, $0xb8;
	[tilespmem:$0xC00] =	vst v63  }
0xef: {  	_ =	swait.ge [sflag:s23], $0x10  }
0xf0: {  	s28 =	smov.u32 s30;
	[sflag:s23] =	ssyncset.done $0x0  }
0xf1: {  	s26 =	sshra.s32 s26, $0x2;
	[sflag:s23] =	ssyncadd.s32 $0xFFFFFFF0  }
0xf2: {  	v0 =	vld [tilespmem:s26+$0x0];
	_ =	sdelay $0x4  }
0xf3: {  	vm1 =	vgt.s32 v0, $0x0  }
0xf4: {  	v0 =	vnsel vm1, $0x0, v0  }
0xf5: {  	v1 =	vshrl.u32 v0, $0x7  }
0xf6: {  	v1 =	vmul.u32 $0x50, v1  }
0xf7: {  	v0 =	vand.u32 $0x7F, v0  }
0xf8: {  	v0 =	vadd.s32 v0, v1  }
0xf9: {  	v0 =	vadd.s32 $0xEFC400, v0;
	_ =	sdelay $0x3  }
0xfa: {  	s26 =	sadd.s32 $0x600, s26  }
0xfb: {  	[tilespmem:s26], [sflag:$0x1] =	stream.indirect_vreg.gather [hbm4b:s3+s2], $0x1, v0, vm0, $0xb8;
	[tilespmem:$0xC00] =	vst v63  }
0xfc: {  	_ =	swait.ge [sflag:s23], $0x10  }
0xfd: {  	[sflag:s23] =	ssyncset.done $0x0  }
0xfe: {  	[sflag:s23] =	ssyncadd.s32 $0xFFFFFFF0  }
0xff: {  	[hbm4b:s13+s21] =	stream.strided.scatter [tilespmem:s24], [sflag:$0x1], $0x600, s22, s21, $0x38;
	[tilespmem:$0xC00] =	vst v63  }
0x100: {  	_ =	swait.ge [sflag:s23], $0x600  }
0x101: {  	[sflag:s23] =	ssyncset.done $0x0  }
0x102: {  	s29 =	simm.s32 $0x0;
	[sflag:s23] =	ssyncadd.s32 $0xFFFFFA00  }
0x103: {  	[tilespmem:s29], [sflag:$0x1] =	stream.strided.gather [hbm4b:s14+s21], $0x600, s22, s21, $0x38;
	[tilespmem:$0xC00] =	vst v63  }
0x104: {  	_ =	swait.ge [sflag:s23], $0x600  }
0x105: {  	[sflag:s23] =	ssyncset.done $0x0  }
0x106: {  	s30 =	simm.s32 $0x0;
	[sflag:s23] =	ssyncadd.s32 $0xFFFFFA00  }
0x107: {  	v62 =	vld [tilespmem:s30+$0x0];
	_ =	sdelay $0x4  }
0x108: {  	vm1 =	vgt.s32 v62, $0x0  }
0x109: {  	v0 =	vnsel vm1, $0x0, v62  }
0x10a: {  	v63 =	vshrl.u32 v0, $0x7  }
0x10b: {  	v1 =	vmul.u32 $0x50, v63  }
0x10c: {  	v0 =	vand.u32 $0x7F, v0  }
0x10d: {  	v0 =	vadd.s32 v0, v1  }
0x10e: {  	v0 =	vadd.s32 $0x12BB500, v0;
	_ =	sdelay $0x3  }
0x10f: {  	s31 =	simm.s32 $0x600  }
0x110: {  	[tilespmem:s31], [sflag:$0x1] =	stream.indirect_vreg.gather [hbm4b:s3+s2], $0x1, v0, vm0, $0xb8;
	[tilespmem:$0xC00] =	vst v63  }
0x111: {  	_ =	swait.ge [sflag:s23], $0x10  }
0x112: {  	s28 =	simm.s32 $0x80;
	s26 =	simm.s32 $0x40;
	[sflag:s23] =	ssyncset.done $0x0  }
.LBB2_12:
0x113: {  	s29 =	sshra.s32 s26, $0x2  }
0x114: {  	[sflag:s23] =	ssyncadd.s32 $0xFFFFFFF0;
	s26 =	smov.u32 s28;
	s30 =	sadd.s32 $0x40, s28  }
0x115: {  	p0 =	sne.s32 s28, $0x17C0;
	v0 =	vld [tilespmem:s29+$0x0];
	_ =	sdelay $0x4  }
0x116: {  	vm1 =	vgt.s32 v0, $0x0  }
0x117: {  	v0 =	vnsel vm1, $0x0, v0  }
0x118: {  	v1 =	vshrl.u32 v0, $0x7  }
0x119: {  	v1 =	vmul.u32 $0x50, v1  }
0x11a: {  	v0 =	vand.u32 $0x7F, v0  }
0x11b: {  	v0 =	vadd.s32 v0, v1  }
0x11c: {  	v0 =	vadd.s32 $0x12BB500, v0;
	_ =	sdelay $0x2  }
.Ltmp5:
0x11d: {  	(pc) =	sbr.rel @p0 .LBB2_12-.Ltmp5, $4  }
0x11e: {  	s28 =	sadd.s32 $0x600, s29  }
0x11f: {  	[tilespmem:s28], [sflag:$0x1] =	stream.indirect_vreg.gather [hbm4b:s3+s2], $0x1, v0, vm0, $0xb8;
	[tilespmem:$0xC00] =	vst v63  }
0x120: {  	_ =	swait.ge [sflag:s23], $0x10  }
0x121: {  	s28 =	smov.u32 s30;
	[sflag:s23] =	ssyncset.done $0x0  }
0x122: {  	s26 =	sshra.s32 s26, $0x2;
	[sflag:s23] =	ssyncadd.s32 $0xFFFFFFF0  }
0x123: {  	v0 =	vld [tilespmem:s26+$0x0];
	_ =	sdelay $0x4  }
0x124: {  	vm1 =	vgt.s32 v0, $0x0  }
0x125: {  	v0 =	vnsel vm1, $0x0, v0  }
0x126: {  	v1 =	vshrl.u32 v0, $0x7  }
0x127: {  	v1 =	vmul.u32 $0x50, v1  }
0x128: {  	v0 =	vand.u32 $0x7F, v0  }
0x129: {  	v0 =	vadd.s32 v0, v1  }
0x12a: {  	v0 =	vadd.s32 $0x12BB500, v0;
	_ =	sdelay $0x3  }
0x12b: {  	s26 =	sadd.s32 $0x600, s26  }
0x12c: {  	[tilespmem:s26], [sflag:$0x1] =	stream.indirect_vreg.gather [hbm4b:s3+s2], $0x1, v0, vm0, $0xb8;
	[tilespmem:$0xC00] =	vst v63  }
0x12d: {  	_ =	swait.ge [sflag:s23], $0x10  }
0x12e: {  	[sflag:s23] =	ssyncset.done $0x0  }
0x12f: {  	[sflag:s23] =	ssyncadd.s32 $0xFFFFFFF0  }
0x130: {  	[hbm4b:s15+s21] =	stream.strided.scatter [tilespmem:s24], [sflag:$0x1], $0x600, s22, s21, $0x38;
	[tilespmem:$0xC00] =	vst v63  }
0x131: {  	_ =	swait.ge [sflag:s23], $0x600  }
0x132: {  	[sflag:s23] =	ssyncset.done $0x0  }
0x133: {  	s29 =	simm.s32 $0x0;
	[sflag:s23] =	ssyncadd.s32 $0xFFFFFA00  }
0x134: {  	[tilespmem:s29], [sflag:$0x1] =	stream.strided.gather [hbm4b:s16+s21], $0x600, s22, s21, $0x38;
	[tilespmem:$0xC00] =	vst v63  }
0x135: {  	_ =	swait.ge [sflag:s23], $0x600  }
0x136: {  	[sflag:s23] =	ssyncset.done $0x0  }
0x137: {  	s30 =	simm.s32 $0x0;
	[sflag:s23] =	ssyncadd.s32 $0xFFFFFA00  }
0x138: {  	v62 =	vld [tilespmem:s30+$0x0];
	_ =	sdelay $0x4  }
0x139: {  	vm1 =	vgt.s32 v62, $0x0  }
0x13a: {  	v0 =	vnsel vm1, $0x0, v62  }
0x13b: {  	v63 =	vshrl.u32 v0, $0x7  }
0x13c: {  	v1 =	vmul.u32 $0x50, v63  }
0x13d: {  	v0 =	vand.u32 $0x7F, v0  }
0x13e: {  	v0 =	vadd.s32 v0, v1  }
0x13f: {  	v0 =	vadd.s32 $0x167A600, v0;
	_ =	sdelay $0x3  }
0x140: {  	s31 =	simm.s32 $0x600  }
0x141: {  	[tilespmem:s31], [sflag:$0x1] =	stream.indirect_vreg.gather [hbm4b:s3+s2], $0x1, v0, vm0, $0xb8;
	[tilespmem:$0xC00] =	vst v63  }
0x142: {  	_ =	swait.ge [sflag:s23], $0x10  }
0x143: {  	s28 =	simm.s32 $0x80;
	s26 =	simm.s32 $0x40;
	[sflag:s23] =	ssyncset.done $0x0  }
.LBB2_14:
0x144: {  	s29 =	sshra.s32 s26, $0x2  }
0x145: {  	[sflag:s23] =	ssyncadd.s32 $0xFFFFFFF0;
	s26 =	smov.u32 s28;
	s30 =	sadd.s32 $0x40, s28  }
0x146: {  	p0 =	sne.s32 s28, $0x17C0;
	v0 =	vld [tilespmem:s29+$0x0];
	_ =	sdelay $0x4  }
0x147: {  	vm1 =	vgt.s32 v0, $0x0  }
0x148: {  	v0 =	vnsel vm1, $0x0, v0  }
0x149: {  	v1 =	vshrl.u32 v0, $0x7  }
0x14a: {  	v1 =	vmul.u32 $0x50, v1  }
0x14b: {  	v0 =	vand.u32 $0x7F, v0  }
0x14c: {  	v0 =	vadd.s32 v0, v1  }
0x14d: {  	v0 =	vadd.s32 $0x167A600, v0;
	_ =	sdelay $0x2  }
.Ltmp6:
0x14e: {  	(pc) =	sbr.rel @p0 .LBB2_14-.Ltmp6, $4  }
0x14f: {  	s28 =	sadd.s32 $0x600, s29  }
0x150: {  	[tilespmem:s28], [sflag:$0x1] =	stream.indirect_vreg.gather [hbm4b:s3+s2], $0x1, v0, vm0, $0xb8;
	[tilespmem:$0xC00] =	vst v63  }
0x151: {  	_ =	swait.ge [sflag:s23], $0x10  }
0x152: {  	s28 =	smov.u32 s30;
	[sflag:s23] =	ssyncset.done $0x0  }
0x153: {  	s26 =	sshra.s32 s26, $0x2;
	[sflag:s23] =	ssyncadd.s32 $0xFFFFFFF0  }
0x154: {  	v0 =	vld [tilespmem:s26+$0x0];
	_ =	sdelay $0x4  }
0x155: {  	vm1 =	vgt.s32 v0, $0x0  }
0x156: {  	v0 =	vnsel vm1, $0x0, v0  }
0x157: {  	v1 =	vshrl.u32 v0, $0x7  }
0x158: {  	v1 =	vmul.u32 $0x50, v1  }
0x159: {  	v0 =	vand.u32 $0x7F, v0  }
0x15a: {  	v0 =	vadd.s32 v0, v1  }
0x15b: {  	v0 =	vadd.s32 $0x167A600, v0;
	_ =	sdelay $0x3  }
0x15c: {  	s26 =	sadd.s32 $0x600, s26  }
0x15d: {  	[tilespmem:s26], [sflag:$0x1] =	stream.indirect_vreg.gather [hbm4b:s3+s2], $0x1, v0, vm0, $0xb8;
	[tilespmem:$0xC00] =	vst v63  }
0x15e: {  	_ =	swait.ge [sflag:s23], $0x10  }
0x15f: {  	[sflag:s23] =	ssyncset.done $0x0  }
0x160: {  	[sflag:s23] =	ssyncadd.s32 $0xFFFFFFF0  }
0x161: {  	[hbm4b:s17+s21] =	stream.strided.scatter [tilespmem:s24], [sflag:$0x1], $0x600, s22, s21, $0x38;
	[tilespmem:$0xC00] =	vst v63  }
0x162: {  	_ =	swait.ge [sflag:s23], $0x600  }
0x163: {  	[sflag:s23] =	ssyncset.done $0x0  }
0x164: {  	s29 =	simm.s32 $0x0;
	[sflag:s23] =	ssyncadd.s32 $0xFFFFFA00  }
0x165: {  	[tilespmem:s29], [sflag:$0x1] =	stream.strided.gather [hbm4b:s18+s21], $0x600, s22, s21, $0x38;
	[tilespmem:$0xC00] =	vst v63  }
0x166: {  	_ =	swait.ge [sflag:s23], $0x600  }
0x167: {  	[sflag:s23] =	ssyncset.done $0x0  }
0x168: {  	s30 =	simm.s32 $0x0;
	[sflag:s23] =	ssyncadd.s32 $0xFFFFFA00  }
0x169: {  	v62 =	vld [tilespmem:s30+$0x0];
	_ =	sdelay $0x4  }
0x16a: {  	vm1 =	vgt.s32 v62, $0x0  }
0x16b: {  	v0 =	vnsel vm1, $0x0, v62  }
0x16c: {  	v63 =	vshrl.u32 v0, $0x7  }
0x16d: {  	v1 =	vmul.u32 $0x50, v63  }
0x16e: {  	v0 =	vand.u32 $0x7F, v0  }
0x16f: {  	v0 =	vadd.s32 v0, v1  }
0x170: {  	v0 =	vadd.s32 $0x1A39700, v0;
	_ =	sdelay $0x3  }
0x171: {  	s31 =	simm.s32 $0x600  }
0x172: {  	[tilespmem:s31], [sflag:$0x1] =	stream.indirect_vreg.gather [hbm4b:s3+s2], $0x1, v0, vm0, $0xb8;
	[tilespmem:$0xC00] =	vst v63  }
0x173: {  	_ =	swait.ge [sflag:s23], $0x10  }
0x174: {  	s28 =	simm.s32 $0x80;
	s26 =	simm.s32 $0x40;
	[sflag:s23] =	ssyncset.done $0x0  }
.LBB2_16:
0x175: {  	s29 =	sshra.s32 s26, $0x2  }
0x176: {  	[sflag:s23] =	ssyncadd.s32 $0xFFFFFFF0;
	s26 =	smov.u32 s28;
	s30 =	sadd.s32 $0x40, s28  }
0x177: {  	p0 =	sne.s32 s28, $0x17C0;
	v0 =	vld [tilespmem:s29+$0x0];
	_ =	sdelay $0x4  }
0x178: {  	vm1 =	vgt.s32 v0, $0x0  }
0x179: {  	v0 =	vnsel vm1, $0x0, v0  }
0x17a: {  	v1 =	vshrl.u32 v0, $0x7  }
0x17b: {  	v1 =	vmul.u32 $0x50, v1  }
0x17c: {  	v0 =	vand.u32 $0x7F, v0  }
0x17d: {  	v0 =	vadd.s32 v0, v1  }
0x17e: {  	v0 =	vadd.s32 $0x1A39700, v0;
	_ =	sdelay $0x2  }
.Ltmp7:
0x17f: {  	(pc) =	sbr.rel @p0 .LBB2_16-.Ltmp7, $4  }
0x180: {  	s28 =	sadd.s32 $0x600, s29  }
0x181: {  	[tilespmem:s28], [sflag:$0x1] =	stream.indirect_vreg.gather [hbm4b:s3+s2], $0x1, v0, vm0, $0xb8;
	[tilespmem:$0xC00] =	vst v63  }
0x182: {  	_ =	swait.ge [sflag:s23], $0x10  }
0x183: {  	s28 =	smov.u32 s30;
	[sflag:s23] =	ssyncset.done $0x0  }
0x184: {  	s26 =	sshra.s32 s26, $0x2;
	[sflag:s23] =	ssyncadd.s32 $0xFFFFFFF0  }
0x185: {  	v0 =	vld [tilespmem:s26+$0x0];
	_ =	sdelay $0x4  }
0x186: {  	vm1 =	vgt.s32 v0, $0x0  }
0x187: {  	v0 =	vnsel vm1, $0x0, v0  }
0x188: {  	v1 =	vshrl.u32 v0, $0x7  }
0x189: {  	v1 =	vmul.u32 $0x50, v1  }
0x18a: {  	v0 =	vand.u32 $0x7F, v0  }
0x18b: {  	v0 =	vadd.s32 v0, v1  }
0x18c: {  	v0 =	vadd.s32 $0x1A39700, v0;
	_ =	sdelay $0x3  }
0x18d: {  	s26 =	sadd.s32 $0x600, s26  }
0x18e: {  	[tilespmem:s26], [sflag:$0x1] =	stream.indirect_vreg.gather [hbm4b:s3+s2], $0x1, v0, vm0, $0xb8;
	[tilespmem:$0xC00] =	vst v63  }
0x18f: {  	s25 =	sadd.s32 $0x1, s25;
	_ =	swait.ge [sflag:s23], $0x10  }
0x190: {  	p0 =	sne.s32 s25, s20;
	[sflag:s23] =	ssyncset.done $0x0  }
.Ltmp8:
0x191: {  	[sflag:s23] =	ssyncadd.s32 $0xFFFFFFF0;
	(pc) =	sbr.rel @p0 .LBB2_1-.Ltmp8, $4  }
0x192: {  	[hbm4b:s19+s21] =	stream.strided.scatter [tilespmem:s24], [sflag:$0x1], $0x600, s22, s21, $0x38;
	[tilespmem:$0xC00] =	vst v63  }
0x193: {  	_ =	swait.ge [sflag:s23], $0x600  }
0x194: {  	[sflag:s23] =	ssyncset.done $0x0  }
0x195: {  	[sflag:s23] =	ssyncadd.s32 $0xFFFFFA00  }
0x196: {  	_ =	sfence.sel $0x180000  }
0x197: {  	[bflag:$0x0] =	sbarrier.arrive $0xFFFF  }
0x198: {  	p0 =	sne.s32 s1, $0x0;
	_ =	strace $0x90000047  }
0x199: {  	s0 =	sadd.s32 @!p0 $0x100000, s0;
	[bflag:$0x2] =	sbarrier.arrive $0xFFFF  }
0x19a: {  	[sflag:s0] =	ssyncadd.tile.s32 @!p0 $0x1;
	_ =	shalt  }
.Lfunc_end2:
_tile_overlayer_lowered:
.L_overlay_start_2:
0x19b: {  	(tag) =	ssettag $0x2  }
0x19c: {  	s0 =	rddreg [dreg:$0x0];
	s2 =	stileid.u32  }
0x19d: {  	s1 =	rddreg [dreg:$0x1];
	p0 =	sne.s32 s2, $0x0  }
0x19e: {  	s3 =	rddreg [dreg:$0x2];
	[bflag:$0x3] =	sbarrier.arrive $0xFFFF;
	s2 =	simm.s32 @!p0 $0x1C01  }
0x19f: {  	[timem:s3], [sflag:s2] =	dma.local @!p0 [hbm:s0], s1  }
0x1a0: {  	s0 =	simm.s32 @!p0 $0x1  }
0x1a1: {  	_ =	swait.ge @!p0 [sflag:s0], s1  }
0x1a2: {  	s1 =	ssub.s32 @!p0 $0x0, s1;
	[sflag:s0] =	ssyncset.done @!p0 $0x0  }
0x1a3: {  	[sflag:s0] =	ssyncadd.s32 @!p0 s1  }
0x1a4: {  	[bflag:$0x3] =	sbarrier.arrive $0xFFFF  }
0x1a5: {  	_ =	shalt  }

</sc_bundles>
